<compile_context>
chip_gen: v7x
topology: tpu7x:2x2x1
jax: 0.10.2.dev20260603
libtpu: 0.0.44.dev20260713+nightly
codegen_flags: <defaults>
</compile_context>

<pallas_src>
import functools

import jax
import jax.numpy as jnp
from jax import lax
from jax.experimental import pallas as pl
from jax.experimental.pallas import tpu as pltpu
from jax.experimental.pallas import tpu_sc as plsc

_B, _H, _W = 32, 512, 512
_NC, _NS, _NW = 2, 16, 32

_SC_BATCHES = 8
_CHUNK_ROWS = 32

_LOG1P = (5.6293300e-07, 9.9995744e-01, -4.9920639e-01, 3.2697237e-01,
          -2.2283472e-01, 1.3076335e-01, -5.2623954e-02, 1.0118902e-02)


def _softplus_neg_sc(x):
    u = jnp.exp(-jnp.abs(x))
    p = jnp.full_like(u, _LOG1P[7])
    for c in _LOG1P[6::-1]:
        p = p * u + c
    return jnp.maximum(-x, 0.0) + p


def _sc_reduce(xw, xs, pm, nm, k_sc):
    spb = _NW // k_sc
    rows_per_sub = _H // spb
    n_chunks = rows_per_sub // _CHUNK_ROWS
    mesh = plsc.VectorSubcoreMesh(core_axis_name="c", subcore_axis_name="s")

    @functools.partial(
        pl.kernel, mesh=mesh,
        out_type=jax.ShapeDtypeStruct((_NW, 3, 16), jnp.float32),
        scratch_types=[pltpu.VMEM((_CHUNK_ROWS, _W), jnp.float32)] * 4
        + [pltpu.VMEM((3, 16), jnp.float32), pltpu.SemaphoreType.DMA],
    )
    def sc_kernel(xw_h, xs_h, pm_h, nm_h, out_h, xw_v, xs_v, pm_v, nm_v,
                  part_v, sem):
        wid = lax.axis_index("c") * _NS + lax.axis_index("s")
        b = wid // spb
        r0 = (wid % spb) * rows_per_sub

        def chunk_body(ci, accs):
            row = r0 + ci * _CHUNK_ROWS
            sl_h = pl.ds(row, _CHUNK_ROWS)
            copies = [
                pltpu.make_async_copy(s.at[b, 0, sl_h, :], d, sem)
                for s, d in ((xw_h, xw_v), (xs_h, xs_v),
                             (pm_h, pm_v), (nm_h, nm_v))]
            for cp in copies:
                cp.start()
            for cp in copies:
                cp.wait()

            def col_body(j, accs2):
                a_t, a_x, a_c = accs2
                sl = pl.ds(j * 16, 16)
                for r in range(_CHUNK_ROWS):
                    xw_l = xw_v[r, sl]
                    xs_l = xs_v[r, sl]
                    m = (pm_v[r, sl] > 0.5) & (nm_v[r, sl] > 0.5)
                    sp = _softplus_neg_sc(xw_l) + _softplus_neg_sc(xs_l)
                    ps_xs = jnp.where((xw_l > 0.6) | (xw_l < 0.4),
                                      xw_l * xs_l, 0.0)
                    t = sp + xw_l + xs_l - ps_xs
                    a_t = a_t + jnp.where(m, t, 0.0)
                    a_x = a_x + jnp.where(m, xw_l, 0.0)
                    a_c = a_c + jnp.where(m, 1.0, 0.0)
                return (a_t, a_x, a_c)

            return lax.fori_loop(0, _W // 16, col_body, accs)

        z = jnp.zeros((16,), jnp.float32)
        a_t, a_x, a_c = lax.fori_loop(0, n_chunks, chunk_body, (z, z, z))

        part_v[0, :] = a_t
        part_v[1, :] = a_x
        part_v[2, :] = a_c
        pltpu.sync_copy(part_v, out_h.at[wid])

    return sc_kernel(xw, xs, pm, nm)


def _tc_kernel_body(xw_ref, xs_ref, pm_ref, nm_ref, num_ref, cnt_ref,
                    sxw_ref):
    i = pl.program_id(0)

    @pl.when(i == 0)
    def _init():
        num_ref[:, :] = jnp.zeros((1, 1), jnp.float32)
        cnt_ref[:, :] = jnp.zeros((1, 1), jnp.float32)

    xw = xw_ref[0]
    xs = xs_ref[0]
    mask = (pm_ref[0] > 0.5) & (nm_ref[0] > 0.5)

    sp_w = jnp.maximum(-xw, 0.0) + jnp.log1p(jnp.exp(-jnp.abs(xw)))
    sp_s = jnp.maximum(-xs, 0.0) + jnp.log1p(jnp.exp(-jnp.abs(xs)))

    pseudo = jnp.where((xw > 0.6) | (xw < 0.4), xw, 0.0)
    t_sum = (sp_w + sp_s) + (xw + xs) - pseudo * xs

    num_ref[:, :] += jnp.sum(jnp.where(mask, t_sum, 0.0)).reshape(1, 1)
    cnt_ref[:, :] += jnp.sum(jnp.where(mask, 1.0, 0.0)).reshape(1, 1)
    sxw_ref[:, :, :] = jnp.sum(jnp.where(mask, xw, 0.0)).reshape(1, 1, 1)


def _tc_reduce(xw, xs, pm, nm, b0):
    nb = _B - b0
    blk = pl.BlockSpec((1, _H, _W), lambda i: (i + b0, 0, 0))
    scal_blk = pl.BlockSpec((1, 1), lambda i: (0, 0))
    return pl.pallas_call(
        _tc_kernel_body,
        grid=(nb,),
        in_specs=[blk, blk, blk, blk],
        out_specs=[scal_blk, scal_blk,
                   pl.BlockSpec((1, 1, 1), lambda i: (i, 0, 0))],
        out_shape=[jax.ShapeDtypeStruct((1, 1), jnp.float32),
                   jax.ShapeDtypeStruct((1, 1), jnp.float32),
                   jax.ShapeDtypeStruct((nb, 1, 1), jnp.float32)],
    )(xw, xs, pm, nm)


def kernel(logits_w, logits_s, prostate_mask, needle_mask, ood_mask,
           label, involvement):
    del ood_mask, involvement
    labf = label.astype(jnp.float32)
    k_sc = _SC_BATCHES
    spb = _NW // k_sc if k_sc else 1

    num = jnp.float32(0.0)
    cnt = jnp.float32(0.0)
    lab_dot = jnp.float32(0.0)

    if k_sc:
        parts = _sc_reduce(logits_w, logits_s, prostate_mask, needle_mask,
                           k_sc)
        p = parts.reshape(k_sc, spb, 3, 16)
        num = num + jnp.sum(p[:, :, 0, :])
        cnt = cnt + jnp.sum(p[:, :, 2, :])
        sxw_sc = jnp.sum(p[:, :, 1, :], axis=(1, 2))
        lab_dot = lab_dot + jnp.dot(labf[:k_sc], sxw_sc)

    if k_sc < _B:
        xw = logits_w.reshape(_B, _H, _W)
        xs = logits_s.reshape(_B, _H, _W)
        pm = prostate_mask.reshape(_B, _H, _W)
        nm = needle_mask.reshape(_B, _H, _W)
        num_tc, cnt_tc, sxw_tc = _tc_reduce(xw, xs, pm, nm, k_sc)
        num = num + num_tc[0, 0]
        cnt = cnt + cnt_tc[0, 0]
        lab_dot = lab_dot + jnp.dot(labf[k_sc:], sxw_tc.reshape(_B - k_sc))

    return (0.5 * (num - lab_dot) / cnt).astype(jnp.float32)

# --- scband reference (transcript-rebuilt; emitter-appended) ---
"""Pipeline reference for scband-consistency-loss-39642548142717 (READ-ONLY COPY).

The authoritative reference and input builder live on the scoring server;
editing this copy changes nothing except your own understanding.
"""

import jax, jax.numpy as jnp
import numpy as np

CONSISTENCY_MODE = 'distinct'
LOSS_POS_WEIGHT = 1.0
WEAK_FACTOR = 0.5
STRONG_FACTOR = 0.5
B, C, H, W = 32, 1, 512, 512


def _masked_prediction(heatmap_logits, mask_bool):
    b, c, h, w = heatmap_logits.shape
    n = b * h * w
    core_idx = jnp.broadcast_to(jnp.arange(b)[:, None, None], (b, h, w)).reshape(-1)
    mask_flat = mask_bool[:, 0, :, :].reshape(-1)
    logits_flat = jnp.transpose(heatmap_logits, (0, 2, 3, 1)).reshape(-1, c)
    sel = jnp.nonzero(mask_flat, size=n, fill_value=0)[0]
    count = jnp.sum(mask_flat)
    valid = jnp.arange(n) < count
    preds = jnp.take(logits_flat, sel, axis=0)
    bidx = jnp.take(core_idx, sel, axis=0)
    return preds, bidx, valid


def _bce_with_logits(x, y, pos_weight, valid):
    sp = jax.nn.softplus(-x)
    t = pos_weight * y * sp + (1.0 - y) * (x + sp)
    w = jnp.broadcast_to(valid.astype(x.dtype)[:, None], t.shape)
    return jnp.sum(t * w) / jnp.sum(w)


def setup_inputs(seed: int = 0):
    key = jax.random.key(seed)
    k1, k2, k3, k4, k5, k6, k7 = jax.random.split(key, 7)
    return {
        'logits_w': jax.random.normal(k1, (B, C, H, W), dtype=jnp.float32),
        'logits_s': jax.random.normal(k2, (B, C, H, W), dtype=jnp.float32),
        'prostate_mask': jax.random.uniform(k3, (B, C, H, W), dtype=jnp.float32),
        'needle_mask': jax.random.uniform(k4, (B, C, H, W), dtype=jnp.float32),
        'ood_mask': jax.random.uniform(k5, (B, C, H, W), dtype=jnp.float32),
        'label': jax.random.randint(k6, (B,), 0, 2),
        'involvement': jax.random.uniform(k7, (B,), dtype=jnp.float32),
    }


def reference(logits_w, logits_s, prostate_mask, needle_mask, ood_mask, label, involvement):
    # per-sample mask: prostate & needle (both enabled in init_kwargs)
    mask = (prostate_mask > 0.5) & (needle_mask > 0.5)
    preds_w, B_w, V_w = _masked_prediction(logits_w, mask)
    preds_s, B_s, V_s = _masked_prediction(logits_s, mask)
    preds_ood, _, _ = _masked_prediction(logits_w, ood_mask > 0.5)  # computed but unused in 'distinct' mode (matches torch)
    labels = jnp.take(label, B_w).astype(jnp.float32)[:, None]
    confidence_w = jnp.maximum(preds_w, 1.0 - preds_w)
    pseudo_mask = preds_w * (confidence_w > 0.6).astype(jnp.float32)
    L_w = _bce_with_logits(preds_w, labels, LOSS_POS_WEIGHT, V_w)
    L_s = _bce_with_logits(preds_s, pseudo_mask, LOSS_POS_WEIGHT, V_s)
    loss = WEAK_FACTOR * L_w + STRONG_FACTOR * L_s
    return loss

if __name__ == "__main__":
    import jax
    _d = setup_inputs()
    print(jax.jit(kernel)(*tuple(_d.values())))

</pallas_src>

<mosaic_0001>
#map = affine_map<(d0, d1) -> (0, 0, 0, 0)>
#map1 = affine_map<(d0, d1) -> (0, 0, 0)>
module attributes {stable_mosaic.version = 14 : i64} {
  func.func @sc_kernel(%arg0: i32, %arg1: i32, %arg2: memref<32x1x512x512xf32, #tpu.memory_space<hbm>>, %arg3: memref<32x1x512x512xf32, #tpu.memory_space<hbm>>, %arg4: memref<32x1x512x512xf32, #tpu.memory_space<hbm>>, %arg5: memref<32x1x512x512xf32, #tpu.memory_space<hbm>>, %arg6: memref<32x3x16xf32, #tpu.memory_space<hbm>>, %arg7: memref<32x512xf32, #tpu.memory_space<vmem>>, %arg8: memref<32x512xf32, #tpu.memory_space<vmem>>, %arg9: memref<32x512xf32, #tpu.memory_space<vmem>>, %arg10: memref<32x512xf32, #tpu.memory_space<vmem>>, %arg11: memref<3x16xf32, #tpu.memory_space<vmem>>, %arg12: memref<!tpu.dma_semaphore, #tpu.memory_space<semaphore_mem>>) attributes {dimension_semantics = [#tpu.dimension_semantics<core_parallel>, #tpu.dimension_semantics<subcore_parallel>], iteration_bounds = array<i64: 2, 16>, scalar_prefetch = 0 : i64, scratch_operands = 6 : i64, tpu.core_type = #tpu.core_type<sc_vector_subcore>, window_params = [{transform_indices = #map}, {transform_indices = #map}, {transform_indices = #map}, {transform_indices = #map}, {transform_indices = #map1}]} {
    %mul3A = arith.constant 16 : i32
    %mul3A_0 = arith.muli %arg0, %mul3A : i32
    %add3A = arith.addi %mul3A_0, %arg1 : i32
    %jit3A = arith.constant 4 : i32
    %div3A = arith.divsi %add3A, %jit3A : i32
    %sign3A = arith.constant 0 : i32
    %sign3A_1 = arith.cmpi sgt, %add3A, %sign3A : i32
    %sign3A_2 = arith.extui %sign3A_1 : i1 to i32
    %sign3A_3 = arith.constant 0 : i32
    %sign3A_4 = arith.cmpi slt, %add3A, %sign3A_3 : i32
    %sign3A_5 = arith.extui %sign3A_4 : i1 to i32
    %sign3A_6 = arith.subi %sign3A_2, %sign3A_5 : i32
    %sign3A_7 = arith.constant 0 : i32
    %sign3A_8 = arith.cmpi sgt, %jit3A, %sign3A_7 : i32
    %sign3A_9 = arith.extui %sign3A_8 : i1 to i32
    %sign3A_10 = arith.constant 0 : i32
    %sign3A_11 = arith.cmpi slt, %jit3A, %sign3A_10 : i32
    %sign3A_12 = arith.extui %sign3A_11 : i1 to i32
    %sign3A_13 = arith.subi %sign3A_9, %sign3A_12 : i32
    %ne3A = arith.cmpi ne, %sign3A_6, %sign3A_13 : i32
    %rem3A = arith.remsi %add3A, %jit3A : i32
    %ne3A_14 = arith.constant 0 : i32
    %ne3A_15 = arith.cmpi ne, %rem3A, %ne3A_14 : i32
    %and3A = arith.andi %ne3A, %ne3A_15 : i1
    %sub3A = arith.constant 1 : i32
    %sub3A_16 = arith.subi %div3A, %sub3A : i32
    %select_n3A = arith.select %and3A, %sub3A_16, %div3A : i32
    %jit3A_17 = arith.constant 4 : i32
    %eq3A = arith.constant 0 : i32
    %eq3A_18 = arith.cmpi eq, %jit3A_17, %eq3A : i32
    %jit3A_19 = arith.constant 1 : i32
    %select_n3A_20 = arith.select %eq3A_18, %jit3A_19, %jit3A_17 : i32
    %rem3A_21 = arith.remsi %add3A, %select_n3A_20 : i32
    %ne3A_22 = arith.constant 0 : i32
    %ne3A_23 = arith.cmpi ne, %rem3A_21, %ne3A_22 : i32
    %lt3A = arith.constant 0 : i32
    %lt3A_24 = arith.cmpi slt, %rem3A_21, %lt3A : i32
    %lt3A_25 = arith.constant 0 : i32
    %lt3A_26 = arith.cmpi slt, %select_n3A_20, %lt3A_25 : i32
    %ne3A_27 = arith.xori %lt3A_24, %lt3A_26 : i1
    %and3A_28 = arith.andi %ne3A_27, %ne3A_23 : i1
    %add3A_29 = arith.addi %rem3A_21, %select_n3A_20 : i32
    %select_n3A_30 = arith.select %and3A_28, %add3A_29, %rem3A_21 : i32
    %mul3A_31 = arith.constant 128 : i32
    %mul3A_32 = arith.muli %select_n3A_30, %mul3A_31 : i32
    %broadcast_in_dim3A = arith.constant 0.000000e+00 : f32
    %broadcast_in_dim3A_33 = vector.broadcast %broadcast_in_dim3A : f32 to vector<16xf32>
    %scan3A = arith.constant 0 : i32
    %scan3A_34 = arith.constant 4 : i32
    %scan3A_35 = arith.addi %scan3A, %scan3A_34 : i32
    %scan3A_36 = arith.constant 1 : i32
    %scan3A_37:3 = scf.for %scan3A_56 = %scan3A to %scan3A_35 step %scan3A_36 iter_args(%scan3A_57 = %broadcast_in_dim3A_33, %scan3A_58 = %broadcast_in_dim3A_33, %scan3A_59 = %broadcast_in_dim3A_33) -> (vector<16xf32>, vector<16xf32>, vector<16xf32>)  : i32 {
      %mul3A_60 = arith.constant 32 : i32
      %mul3A_61 = arith.muli %scan3A_56, %mul3A_60 : i32
      %add3A_62 = arith.addi %mul3A_32, %mul3A_61 : i32
      %dma_start3A = arith.constant 0 : i32
      %dma_start3A_63 = arith.constant 0 : i32
      %dma_start3A_64 = tpu.memref_slice %arg2[%select_n3A, %dma_start3A, %add3A_62, %dma_start3A_63] : memref<32x1x512x512xf32, #tpu.memory_space<hbm>> -> memref<1x1x32x512xf32, #tpu.memory_space<hbm>>
      %dma_start3A_65 = tpu.memref_squeeze %dma_start3A_64 : memref<1x1x32x512xf32, #tpu.memory_space<hbm>> -> memref<32x512xf32, #tpu.memory_space<hbm>>
      %dma_start3A_66 = arith.constant 0 : i32
      %dma_start3A_67 = tpu.memref_slice %arg2[%select_n3A, %dma_start3A, %add3A_62, %dma_start3A_66] : memref<32x1x512x512xf32, #tpu.memory_space<hbm>> -> memref<1x1x32x512xf32, #tpu.memory_space<hbm>>
      %dma_start3A_68 = tpu.memref_squeeze %dma_start3A_67 : memref<1x1x32x512xf32, #tpu.memory_space<hbm>> -> memref<32x512xf32, #tpu.memory_space<hbm>>
      tpu.enqueue_dma source(%dma_start3A_68 : memref<32x512xf32, #tpu.memory_space<hbm>>) target(%arg7 : memref<32x512xf32, #tpu.memory_space<vmem>>) target_semaphore(%arg12 : memref<!tpu.dma_semaphore, #tpu.memory_space<semaphore_mem>>)
      %dma_start3A_69 = arith.constant 0 : i32
      %dma_start3A_70 = arith.constant 0 : i32
      %dma_start3A_71 = tpu.memref_slice %arg3[%select_n3A, %dma_start3A_69, %add3A_62, %dma_start3A_70] : memref<32x1x512x512xf32, #tpu.memory_space<hbm>> -> memref<1x1x32x512xf32, #tpu.memory_space<hbm>>
      %dma_start3A_72 = tpu.memref_squeeze %dma_start3A_71 : memref<1x1x32x512xf32, #tpu.memory_space<hbm>> -> memref<32x512xf32, #tpu.memory_space<hbm>>
      %dma_start3A_73 = arith.constant 0 : i32
      %dma_start3A_74 = tpu.memref_slice %arg3[%select_n3A, %dma_start3A_69, %add3A_62, %dma_start3A_73] : memref<32x1x512x512xf32, #tpu.memory_space<hbm>> -> memref<1x1x32x512xf32, #tpu.memory_space<hbm>>
      %dma_start3A_75 = tpu.memref_squeeze %dma_start3A_74 : memref<1x1x32x512xf32, #tpu.memory_space<hbm>> -> memref<32x512xf32, #tpu.memory_space<hbm>>
      tpu.enqueue_dma source(%dma_start3A_75 : memref<32x512xf32, #tpu.memory_space<hbm>>) target(%arg8 : memref<32x512xf32, #tpu.memory_space<vmem>>) target_semaphore(%arg12 : memref<!tpu.dma_semaphore, #tpu.memory_space<semaphore_mem>>)
      %dma_start3A_76 = arith.constant 0 : i32
      %dma_start3A_77 = arith.constant 0 : i32
      %dma_start3A_78 = tpu.memref_slice %arg4[%select_n3A, %dma_start3A_76, %add3A_62, %dma_start3A_77] : memref<32x1x512x512xf32, #tpu.memory_space<hbm>> -> memref<1x1x32x512xf32, #tpu.memory_space<hbm>>
      %dma_start3A_79 = tpu.memref_squeeze %dma_start3A_78 : memref<1x1x32x512xf32, #tpu.memory_space<hbm>> -> memref<32x512xf32, #tpu.memory_space<hbm>>
      %dma_start3A_80 = arith.constant 0 : i32
      %dma_start3A_81 = tpu.memref_slice %arg4[%select_n3A, %dma_start3A_76, %add3A_62, %dma_start3A_80] : memref<32x1x512x512xf32, #tpu.memory_space<hbm>> -> memref<1x1x32x512xf32, #tpu.memory_space<hbm>>
      %dma_start3A_82 = tpu.memref_squeeze %dma_start3A_81 : memref<1x1x32x512xf32, #tpu.memory_space<hbm>> -> memref<32x512xf32, #tpu.memory_space<hbm>>
      tpu.enqueue_dma source(%dma_start3A_82 : memref<32x512xf32, #tpu.memory_space<hbm>>) target(%arg9 : memref<32x512xf32, #tpu.memory_space<vmem>>) target_semaphore(%arg12 : memref<!tpu.dma_semaphore, #tpu.memory_space<semaphore_mem>>)
      %dma_start3A_83 = arith.constant 0 : i32
      %dma_start3A_84 = arith.constant 0 : i32
      %dma_start3A_85 = tpu.memref_slice %arg5[%select_n3A, %dma_start3A_83, %add3A_62, %dma_start3A_84] : memref<32x1x512x512xf32, #tpu.memory_space<hbm>> -> memref<1x1x32x512xf32, #tpu.memory_space<hbm>>
      %dma_start3A_86 = tpu.memref_squeeze %dma_start3A_85 : memref<1x1x32x512xf32, #tpu.memory_space<hbm>> -> memref<32x512xf32, #tpu.memory_space<hbm>>
      %dma_start3A_87 = arith.constant 0 : i32
      %dma_start3A_88 = tpu.memref_slice %arg5[%select_n3A, %dma_start3A_83, %add3A_62, %dma_start3A_87] : memref<32x1x512x512xf32, #tpu.memory_space<hbm>> -> memref<1x1x32x512xf32, #tpu.memory_space<hbm>>
      %dma_start3A_89 = tpu.memref_squeeze %dma_start3A_88 : memref<1x1x32x512xf32, #tpu.memory_space<hbm>> -> memref<32x512xf32, #tpu.memory_space<hbm>>
      tpu.enqueue_dma source(%dma_start3A_89 : memref<32x512xf32, #tpu.memory_space<hbm>>) target(%arg10 : memref<32x512xf32, #tpu.memory_space<vmem>>) target_semaphore(%arg12 : memref<!tpu.dma_semaphore, #tpu.memory_space<semaphore_mem>>)
      %dma_wait3A = arith.constant 0 : i32
      %dma_wait3A_90 = arith.constant 0 : i32
      %dma_wait3A_91 = tpu.memref_slice %arg2[%select_n3A, %dma_wait3A, %add3A_62, %dma_wait3A_90] : memref<32x1x512x512xf32, #tpu.memory_space<hbm>> -> memref<1x1x32x512xf32, #tpu.memory_space<hbm>>
      %dma_wait3A_92 = tpu.memref_squeeze %dma_wait3A_91 : memref<1x1x32x512xf32, #tpu.memory_space<hbm>> -> memref<32x512xf32, #tpu.memory_space<hbm>>
      %dma_wait3A_93 = arith.constant 0 : i32
      %dma_wait3A_94 = tpu.memref_slice %arg2[%select_n3A, %dma_wait3A, %add3A_62, %dma_wait3A_93] : memref<32x1x512x512xf32, #tpu.memory_space<hbm>> -> memref<1x1x32x512xf32, #tpu.memory_space<hbm>>
      %dma_wait3A_95 = tpu.memref_squeeze %dma_wait3A_94 : memref<1x1x32x512xf32, #tpu.memory_space<hbm>> -> memref<32x512xf32, #tpu.memory_space<hbm>>
      tpu.wait_dma2 semaphore(%arg12 : memref<!tpu.dma_semaphore, #tpu.memory_space<semaphore_mem>>) src(%dma_wait3A_95 : memref<32x512xf32, #tpu.memory_space<hbm>>) dst(%arg7 : memref<32x512xf32, #tpu.memory_space<vmem>>)
      %dma_wait3A_96 = arith.constant 0 : i32
      %dma_wait3A_97 = arith.constant 0 : i32
      %dma_wait3A_98 = tpu.memref_slice %arg3[%select_n3A, %dma_wait3A_96, %add3A_62, %dma_wait3A_97] : memref<32x1x512x512xf32, #tpu.memory_space<hbm>> -> memref<1x1x32x512xf32, #tpu.memory_space<hbm>>
      %dma_wait3A_99 = tpu.memref_squeeze %dma_wait3A_98 : memref<1x1x32x512xf32, #tpu.memory_space<hbm>> -> memref<32x512xf32, #tpu.memory_space<hbm>>
      %dma_wait3A_100 = arith.constant 0 : i32
      %dma_wait3A_101 = tpu.memref_slice %arg3[%select_n3A, %dma_wait3A_96, %add3A_62, %dma_wait3A_100] : memref<32x1x512x512xf32, #tpu.memory_space<hbm>> -> memref<1x1x32x512xf32, #tpu.memory_space<hbm>>
      %dma_wait3A_102 = tpu.memref_squeeze %dma_wait3A_101 : memref<1x1x32x512xf32, #tpu.memory_space<hbm>> -> memref<32x512xf32, #tpu.memory_space<hbm>>
      tpu.wait_dma2 semaphore(%arg12 : memref<!tpu.dma_semaphore, #tpu.memory_space<semaphore_mem>>) src(%dma_wait3A_102 : memref<32x512xf32, #tpu.memory_space<hbm>>) dst(%arg8 : memref<32x512xf32, #tpu.memory_space<vmem>>)
      %dma_wait3A_103 = arith.constant 0 : i32
      %dma_wait3A_104 = arith.constant 0 : i32
      %dma_wait3A_105 = tpu.memref_slice %arg4[%select_n3A, %dma_wait3A_103, %add3A_62, %dma_wait3A_104] : memref<32x1x512x512xf32, #tpu.memory_space<hbm>> -> memref<1x1x32x512xf32, #tpu.memory_space<hbm>>
      %dma_wait3A_106 = tpu.memref_squeeze %dma_wait3A_105 : memref<1x1x32x512xf32, #tpu.memory_space<hbm>> -> memref<32x512xf32, #tpu.memory_space<hbm>>
      %dma_wait3A_107 = arith.constant 0 : i32
      %dma_wait3A_108 = tpu.memref_slice %arg4[%select_n3A, %dma_wait3A_103, %add3A_62, %dma_wait3A_107] : memref<32x1x512x512xf32, #tpu.memory_space<hbm>> -> memref<1x1x32x512xf32, #tpu.memory_space<hbm>>
      %dma_wait3A_109 = tpu.memref_squeeze %dma_wait3A_108 : memref<1x1x32x512xf32, #tpu.memory_space<hbm>> -> memref<32x512xf32, #tpu.memory_space<hbm>>
      tpu.wait_dma2 semaphore(%arg12 : memref<!tpu.dma_semaphore, #tpu.memory_space<semaphore_mem>>) src(%dma_wait3A_109 : memref<32x512xf32, #tpu.memory_space<hbm>>) dst(%arg9 : memref<32x512xf32, #tpu.memory_space<vmem>>)
      %dma_wait3A_110 = arith.constant 0 : i32
      %dma_wait3A_111 = arith.constant 0 : i32
      %dma_wait3A_112 = tpu.memref_slice %arg5[%select_n3A, %dma_wait3A_110, %add3A_62, %dma_wait3A_111] : memref<32x1x512x512xf32, #tpu.memory_space<hbm>> -> memref<1x1x32x512xf32, #tpu.memory_space<hbm>>
      %dma_wait3A_113 = tpu.memref_squeeze %dma_wait3A_112 : memref<1x1x32x512xf32, #tpu.memory_space<hbm>> -> memref<32x512xf32, #tpu.memory_space<hbm>>
      %dma_wait3A_114 = arith.constant 0 : i32
      %dma_wait3A_115 = tpu.memref_slice %arg5[%select_n3A, %dma_wait3A_110, %add3A_62, %dma_wait3A_114] : memref<32x1x512x512xf32, #tpu.memory_space<hbm>> -> memref<1x1x32x512xf32, #tpu.memory_space<hbm>>
      %dma_wait3A_116 = tpu.memref_squeeze %dma_wait3A_115 : memref<1x1x32x512xf32, #tpu.memory_space<hbm>> -> memref<32x512xf32, #tpu.memory_space<hbm>>
      tpu.wait_dma2 semaphore(%arg12 : memref<!tpu.dma_semaphore, #tpu.memory_space<semaphore_mem>>) src(%dma_wait3A_116 : memref<32x512xf32, #tpu.memory_space<hbm>>) dst(%arg10 : memref<32x512xf32, #tpu.memory_space<vmem>>)
      %scan3A_117 = arith.constant 0 : i32
      %scan3A_118 = arith.constant 32 : i32
      %scan3A_119 = arith.addi %scan3A_117, %scan3A_118 : i32
      %scan3A_120 = arith.constant 1 : i32
      %scan3A_121:3 = scf.for %scan3A_123 = %scan3A_117 to %scan3A_119 step %scan3A_120 iter_args(%scan3A_124 = %scan3A_57, %scan3A_125 = %scan3A_58, %scan3A_126 = %scan3A_59) -> (vector<16xf32>, vector<16xf32>, vector<16xf32>)  : i32 {
        %mul3A_127 = arith.constant 16 : i32
        %mul3A_128 = arith.muli %scan3A_123, %mul3A_127 : i32
        %get3A = arith.constant 0 : i32
        %get3A_129 = arith.index_cast %get3A : i32 to index
        %get3A_130 = arith.index_cast %mul3A_128 : i32 to index
        %get3A_131 = tpu.vector_load %arg7[%get3A_129, %get3A_130] {strides = array<i32>} : memref<32x512xf32, #tpu.memory_space<vmem>>, vector<1x16xf32>,
        %get3A_132 = vector.shape_cast %get3A_131 : vector<1x16xf32> to vector<16xf32>
        %get3A_133 = arith.constant 0 : i32
        %get3A_134 = arith.index_cast %get3A_133 : i32 to index
        %get3A_135 = arith.index_cast %mul3A_128 : i32 to index
        %get3A_136 = tpu.vector_load %arg8[%get3A_134, %get3A_135] {strides = array<i32>} : memref<32x512xf32, #tpu.memory_space<vmem>>, vector<1x16xf32>,
        %get3A_137 = vector.shape_cast %get3A_136 : vector<1x16xf32> to vector<16xf32>
        %get3A_138 = arith.constant 0 : i32
        %get3A_139 = arith.index_cast %get3A_138 : i32 to index
        %get3A_140 = arith.index_cast %mul3A_128 : i32 to index
        %get3A_141 = tpu.vector_load %arg9[%get3A_139, %get3A_140] {strides = array<i32>} : memref<32x512xf32, #tpu.memory_space<vmem>>, vector<1x16xf32>,
        %get3A_142 = vector.shape_cast %get3A_141 : vector<1x16xf32> to vector<16xf32>
        %gt3A = arith.constant 5.000000e-01 : f32
        %gt3A_143 = vector.broadcast %gt3A : f32 to vector<16xf32>
        %gt3A_144 = arith.cmpf ogt, %get3A_142, %gt3A_143 : vector<16xf32>
        %get3A_145 = arith.constant 0 : i32
        %get3A_146 = arith.index_cast %get3A_145 : i32 to index
        %get3A_147 = arith.index_cast %mul3A_128 : i32 to index
        %get3A_148 = tpu.vector_load %arg10[%get3A_146, %get3A_147] {strides = array<i32>} : memref<32x512xf32, #tpu.memory_space<vmem>>, vector<1x16xf32>,
        %get3A_149 = vector.shape_cast %get3A_148 : vector<1x16xf32> to vector<16xf32>
        %gt3A_150 = arith.constant 5.000000e-01 : f32
        %gt3A_151 = vector.broadcast %gt3A_150 : f32 to vector<16xf32>
        %gt3A_152 = arith.cmpf ogt, %get3A_149, %gt3A_151 : vector<16xf32>
        %and3A_153 = arith.andi %gt3A_144, %gt3A_152 : vector<16xi1>
        %abs3A = math.absf %get3A_132 : vector<16xf32>
        %neg3A = arith.constant 0.000000e+00 : f32
        %neg3A_154 = vector.broadcast %neg3A : f32 to vector<16xf32>
        %neg3A_155 = arith.subf %neg3A_154, %abs3A : vector<16xf32>
        %exp3A = math.exp %neg3A_155 : vector<16xf32>
        %broadcast_in_dim3A_156 = arith.constant 0.0101189017 : f32
        %broadcast_in_dim3A_157 = vector.broadcast %broadcast_in_dim3A_156 : f32 to vector<16xf32>
        %mul3A_158 = arith.mulf %broadcast_in_dim3A_157, %exp3A : vector<16xf32>
        %add3A_159 = arith.constant -0.0526239537 : f32
        %add3A_160 = vector.broadcast %add3A_159 : f32 to vector<16xf32>
        %add3A_161 = arith.addf %mul3A_158, %add3A_160 : vector<16xf32>
        %mul3A_162 = arith.mulf %add3A_161, %exp3A : vector<16xf32>
        %add3A_163 = arith.constant 0.130763352 : f32
        %add3A_164 = vector.broadcast %add3A_163 : f32 to vector<16xf32>
        %add3A_165 = arith.addf %mul3A_162, %add3A_164 : vector<16xf32>
        %mul3A_166 = arith.mulf %add3A_165, %exp3A : vector<16xf32>
        %add3A_167 = arith.constant -0.222834721 : f32
        %add3A_168 = vector.broadcast %add3A_167 : f32 to vector<16xf32>
        %add3A_169 = arith.addf %mul3A_166, %add3A_168 : vector<16xf32>
        %mul3A_170 = arith.mulf %add3A_169, %exp3A : vector<16xf32>
        %add3A_171 = arith.constant 0.326972365 : f32
        %add3A_172 = vector.broadcast %add3A_171 : f32 to vector<16xf32>
        %add3A_173 = arith.addf %mul3A_170, %add3A_172 : vector<16xf32>
        %mul3A_174 = arith.mulf %add3A_173, %exp3A : vector<16xf32>
        %add3A_175 = arith.constant -0.499206394 : f32
        %add3A_176 = vector.broadcast %add3A_175 : f32 to vector<16xf32>
        %add3A_177 = arith.addf %mul3A_174, %add3A_176 : vector<16xf32>
        %mul3A_178 = arith.mulf %add3A_177, %exp3A : vector<16xf32>
        %add3A_179 = arith.constant 0.999957442 : f32
        %add3A_180 = vector.broadcast %add3A_179 : f32 to vector<16xf32>
        %add3A_181 = arith.addf %mul3A_178, %add3A_180 : vector<16xf32>
        %mul3A_182 = arith.mulf %add3A_181, %exp3A : vector<16xf32>
        %add3A_183 = arith.constant 5.62932996E-7 : f32
        %add3A_184 = vector.broadcast %add3A_183 : f32 to vector<16xf32>
        %add3A_185 = arith.addf %mul3A_182, %add3A_184 : vector<16xf32>
        %neg3A_186 = arith.constant 0.000000e+00 : f32
        %neg3A_187 = vector.broadcast %neg3A_186 : f32 to vector<16xf32>
        %neg3A_188 = arith.subf %neg3A_187, %get3A_132 : vector<16xf32>
        %max3A = arith.constant 0.000000e+00 : f32
        %max3A_189 = vector.broadcast %max3A : f32 to vector<16xf32>
        %max3A_190 = arith.maximumf %neg3A_188, %max3A_189 : vector<16xf32>
        %add3A_191 = arith.addf %max3A_190, %add3A_185 : vector<16xf32>
        %abs3A_192 = math.absf %get3A_137 : vector<16xf32>
        %neg3A_193 = arith.constant 0.000000e+00 : f32
        %neg3A_194 = vector.broadcast %neg3A_193 : f32 to vector<16xf32>
        %neg3A_195 = arith.subf %neg3A_194, %abs3A_192 : vector<16xf32>
        %exp3A_196 = math.exp %neg3A_195 : vector<16xf32>
        %broadcast_in_dim3A_197 = arith.constant 0.0101189017 : f32
        %broadcast_in_dim3A_198 = vector.broadcast %broadcast_in_dim3A_197 : f32 to vector<16xf32>
        %mul3A_199 = arith.mulf %broadcast_in_dim3A_198, %exp3A_196 : vector<16xf32>
        %add3A_200 = arith.constant -0.0526239537 : f32
        %add3A_201 = vector.broadcast %add3A_200 : f32 to vector<16xf32>
        %add3A_202 = arith.addf %mul3A_199, %add3A_201 : vector<16xf32>
        %mul3A_203 = arith.mulf %add3A_202, %exp3A_196 : vector<16xf32>
        %add3A_204 = arith.constant 0.130763352 : f32
        %add3A_205 = vector.broadcast %add3A_204 : f32 to vector<16xf32>
        %add3A_206 = arith.addf %mul3A_203, %add3A_205 : vector<16xf32>
        %mul3A_207 = arith.mulf %add3A_206, %exp3A_196 : vector<16xf32>
        %add3A_208 = arith.constant -0.222834721 : f32
        %add3A_209 = vector.broadcast %add3A_208 : f32 to vector<16xf32>
        %add3A_210 = arith.addf %mul3A_207, %add3A_209 : vector<16xf32>
        %mul3A_211 = arith.mulf %add3A_210, %exp3A_196 : vector<16xf32>
        %add3A_212 = arith.constant 0.326972365 : f32
        %add3A_213 = vector.broadcast %add3A_212 : f32 to vector<16xf32>
        %add3A_214 = arith.addf %mul3A_211, %add3A_213 : vector<16xf32>
        %mul3A_215 = arith.mulf %add3A_214, %exp3A_196 : vector<16xf32>
        %add3A_216 = arith.constant -0.499206394 : f32
        %add3A_217 = vector.broadcast %add3A_216 : f32 to vector<16xf32>
        %add3A_218 = arith.addf %mul3A_215, %add3A_217 : vector<16xf32>
        %mul3A_219 = arith.mulf %add3A_218, %exp3A_196 : vector<16xf32>
        %add3A_220 = arith.constant 0.999957442 : f32
        %add3A_221 = vector.broadcast %add3A_220 : f32 to vector<16xf32>
        %add3A_222 = arith.addf %mul3A_219, %add3A_221 : vector<16xf32>
        %mul3A_223 = arith.mulf %add3A_222, %exp3A_196 : vector<16xf32>
        %add3A_224 = arith.constant 5.62932996E-7 : f32
        %add3A_225 = vector.broadcast %add3A_224 : f32 to vector<16xf32>
        %add3A_226 = arith.addf %mul3A_223, %add3A_225 : vector<16xf32>
        %neg3A_227 = arith.constant 0.000000e+00 : f32
        %neg3A_228 = vector.broadcast %neg3A_227 : f32 to vector<16xf32>
        %neg3A_229 = arith.subf %neg3A_228, %get3A_137 : vector<16xf32>
        %max3A_230 = arith.constant 0.000000e+00 : f32
        %max3A_231 = vector.broadcast %max3A_230 : f32 to vector<16xf32>
        %max3A_232 = arith.maximumf %neg3A_229, %max3A_231 : vector<16xf32>
        %add3A_233 = arith.addf %max3A_232, %add3A_226 : vector<16xf32>
        %add3A_234 = arith.addf %add3A_191, %add3A_233 : vector<16xf32>
        %gt3A_235 = arith.constant 6.000000e-01 : f32
        %gt3A_236 = vector.broadcast %gt3A_235 : f32 to vector<16xf32>
        %gt3A_237 = arith.cmpf ogt, %get3A_132, %gt3A_236 : vector<16xf32>
        %lt3A_238 = arith.constant 4.000000e-01 : f32
        %lt3A_239 = vector.broadcast %lt3A_238 : f32 to vector<16xf32>
        %lt3A_240 = arith.cmpf olt, %get3A_132, %lt3A_239 : vector<16xf32>
        %or3A = arith.ori %gt3A_237, %lt3A_240 : vector<16xi1>
        %mul3A_241 = arith.mulf %get3A_132, %get3A_137 : vector<16xf32>
        %jit3A_242 = arith.constant 0.000000e+00 : f32
        %broadcast_in_dim3A_243 = vector.broadcast %jit3A_242 : f32 to vector<16xf32>
        %select_n3A_244 = arith.select %or3A, %mul3A_241, %broadcast_in_dim3A_243 : vector<16xi1>, vector<16xf32>
        %add3A_245 = arith.addf %add3A_234, %get3A_132 : vector<16xf32>
        %add3A_246 = arith.addf %add3A_245, %get3A_137 : vector<16xf32>
        %sub3A_247 = arith.subf %add3A_246, %select_n3A_244 : vector<16xf32>
        %jit3A_248 = arith.constant 0.000000e+00 : f32
        %broadcast_in_dim3A_249 = vector.broadcast %jit3A_248 : f32 to vector<16xf32>
        %select_n3A_250 = arith.select %and3A_153, %sub3A_247, %broadcast_in_dim3A_249 : vector<16xi1>, vector<16xf32>
        %add3A_251 = arith.addf %scan3A_124, %select_n3A_250 : vector<16xf32>
        %jit3A_252 = arith.constant 0.000000e+00 : f32
        %broadcast_in_dim3A_253 = vector.broadcast %jit3A_252 : f32 to vector<16xf32>
        %select_n3A_254 = arith.select %and3A_153, %get3A_132, %broadcast_in_dim3A_253 : vector<16xi1>, vector<16xf32>
        %add3A_255 = arith.addf %scan3A_125, %select_n3A_254 : vector<16xf32>
        %jit3A_256 = arith.constant 1.000000e+00 : f32
        %jit3A_257 = arith.constant 0.000000e+00 : f32
        %broadcast_in_dim3A_258 = vector.broadcast %jit3A_256 : f32 to vector<16xf32>
        %broadcast_in_dim3A_259 = vector.broadcast %jit3A_257 : f32 to vector<16xf32>
        %select_n3A_260 = arith.select %and3A_153, %broadcast_in_dim3A_258, %broadcast_in_dim3A_259 : vector<16xi1>, vector<16xf32>
        %add3A_261 = arith.addf %scan3A_126, %select_n3A_260 : vector<16xf32>
        %get3A_262 = arith.constant 1 : i32
        %get3A_263 = arith.index_cast %get3A_262 : i32 to index
        %get3A_264 = arith.index_cast %mul3A_128 : i32 to index
        %get3A_265 = tpu.vector_load %arg7[%get3A_263, %get3A_264] {strides = array<i32>} : memref<32x512xf32, #tpu.memory_space<vmem>>, vector<1x16xf32>,
        %get3A_266 = vector.shape_cast %get3A_265 : vector<1x16xf32> to vector<16xf32>
        %get3A_267 = arith.constant 1 : i32
        %get3A_268 = arith.index_cast %get3A_267 : i32 to index
        %get3A_269 = arith.index_cast %mul3A_128 : i32 to index
        %get3A_270 = tpu.vector_load %arg8[%get3A_268, %get3A_269] {strides = array<i32>} : memref<32x512xf32, #tpu.memory_space<vmem>>, vector<1x16xf32>,
        %get3A_271 = vector.shape_cast %get3A_270 : vector<1x16xf32> to vector<16xf32>
        %get3A_272 = arith.constant 1 : i32
        %get3A_273 = arith.index_cast %get3A_272 : i32 to index
        %get3A_274 = arith.index_cast %mul3A_128 : i32 to index
        %get3A_275 = tpu.vector_load %arg9[%get3A_273, %get3A_274] {strides = array<i32>} : memref<32x512xf32, #tpu.memory_space<vmem>>, vector<1x16xf32>,
        %get3A_276 = vector.shape_cast %get3A_275 : vector<1x16xf32> to vector<16xf32>
        %gt3A_277 = arith.constant 5.000000e-01 : f32
        %gt3A_278 = vector.broadcast %gt3A_277 : f32 to vector<16xf32>
        %gt3A_279 = arith.cmpf ogt, %get3A_276, %gt3A_278 : vector<16xf32>
        %get3A_280 = arith.constant 1 : i32
        %get3A_281 = arith.index_cast %get3A_280 : i32 to index
        %get3A_282 = arith.index_cast %mul3A_128 : i32 to index
        %get3A_283 = tpu.vector_load %arg10[%get3A_281, %get3A_282] {strides = array<i32>} : memref<32x512xf32, #tpu.memory_space<vmem>>, vector<1x16xf32>,
        %get3A_284 = vector.shape_cast %get3A_283 : vector<1x16xf32> to vector<16xf32>
        %gt3A_285 = arith.constant 5.000000e-01 : f32
        %gt3A_286 = vector.broadcast %gt3A_285 : f32 to vector<16xf32>
        %gt3A_287 = arith.cmpf ogt, %get3A_284, %gt3A_286 : vector<16xf32>
        %and3A_288 = arith.andi %gt3A_279, %gt3A_287 : vector<16xi1>
        %abs3A_289 = math.absf %get3A_266 : vector<16xf32>
        %neg3A_290 = arith.constant 0.000000e+00 : f32
        %neg3A_291 = vector.broadcast %neg3A_290 : f32 to vector<16xf32>
        %neg3A_292 = arith.subf %neg3A_291, %abs3A_289 : vector<16xf32>
        %exp3A_293 = math.exp %neg3A_292 : vector<16xf32>
        %broadcast_in_dim3A_294 = arith.constant 0.0101189017 : f32
        %broadcast_in_dim3A_295 = vector.broadcast %broadcast_in_dim3A_294 : f32 to vector<16xf32>
        %mul3A_296 = arith.mulf %broadcast_in_dim3A_295, %exp3A_293 : vector<16xf32>
        %add3A_297 = arith.constant -0.0526239537 : f32
        %add3A_298 = vector.broadcast %add3A_297 : f32 to vector<16xf32>
        %add3A_299 = arith.addf %mul3A_296, %add3A_298 : vector<16xf32>
        %mul3A_300 = arith.mulf %add3A_299, %exp3A_293 : vector<16xf32>
        %add3A_301 = arith.constant 0.130763352 : f32
        %add3A_302 = vector.broadcast %add3A_301 : f32 to vector<16xf32>
        %add3A_303 = arith.addf %mul3A_300, %add3A_302 : vector<16xf32>
        %mul3A_304 = arith.mulf %add3A_303, %exp3A_293 : vector<16xf32>
        %add3A_305 = arith.constant -0.222834721 : f32
        %add3A_306 = vector.broadcast %add3A_305 : f32 to vector<16xf32>
        %add3A_307 = arith.addf %mul3A_304, %add3A_306 : vector<16xf32>
        %mul3A_308 = arith.mulf %add3A_307, %exp3A_293 : vector<16xf32>
        %add3A_309 = arith.constant 0.326972365 : f32
        %add3A_310 = vector.broadcast %add3A_309 : f32 to vector<16xf32>
        %add3A_311 = arith.addf %mul3A_308, %add3A_310 : vector<16xf32>
        %mul3A_312 = arith.mulf %add3A_311, %exp3A_293 : vector<16xf32>
        %add3A_313 = arith.constant -0.499206394 : f32
        %add3A_314 = vector.broadcast %add3A_313 : f32 to vector<16xf32>
        %add3A_315 = arith.addf %mul3A_312, %add3A_314 : vector<16xf32>
        %mul3A_316 = arith.mulf %add3A_315, %exp3A_293 : vector<16xf32>
        %add3A_317 = arith.constant 0.999957442 : f32
        %add3A_318 = vector.broadcast %add3A_317 : f32 to vector<16xf32>
        %add3A_319 = arith.addf %mul3A_316, %add3A_318 : vector<16xf32>
        %mul3A_320 = arith.mulf %add3A_319, %exp3A_293 : vector<16xf32>
        %add3A_321 = arith.constant 5.62932996E-7 : f32
        %add3A_322 = vector.broadcast %add3A_321 : f32 to vector<16xf32>
        %add3A_323 = arith.addf %mul3A_320, %add3A_322 : vector<16xf32>
        %neg3A_324 = arith.constant 0.000000e+00 : f32
        %neg3A_325 = vector.broadcast %neg3A_324 : f32 to vector<16xf32>
        %neg3A_326 = arith.subf %neg3A_325, %get3A_266 : vector<16xf32>
        %max3A_327 = arith.constant 0.000000e+00 : f32
        %max3A_328 = vector.broadcast %max3A_327 : f32 to vector<16xf32>
        %max3A_329 = arith.maximumf %neg3A_326, %max3A_328 : vector<16xf32>
        %add3A_330 = arith.addf %max3A_329, %add3A_323 : vector<16xf32>
        %abs3A_331 = math.absf %get3A_271 : vector<16xf32>
        %neg3A_332 = arith.constant 0.000000e+00 : f32
        %neg3A_333 = vector.broadcast %neg3A_332 : f32 to vector<16xf32>
        %neg3A_334 = arith.subf %neg3A_333, %abs3A_331 : vector<16xf32>
        %exp3A_335 = math.exp %neg3A_334 : vector<16xf32>
        %broadcast_in_dim3A_336 = arith.constant 0.0101189017 : f32
        %broadcast_in_dim3A_337 = vector.broadcast %broadcast_in_dim3A_336 : f32 to vector<16xf32>
        %mul3A_338 = arith.mulf %broadcast_in_dim3A_337, %exp3A_335 : vector<16xf32>
        %add3A_339 = arith.constant -0.0526239537 : f32
        %add3A_340 = vector.broadcast %add3A_339 : f32 to vector<16xf32>
        %add3A_341 = arith.addf %mul3A_338, %add3A_340 : vector<16xf32>
        %mul3A_342 = arith.mulf %add3A_341, %exp3A_335 : vector<16xf32>
        %add3A_343 = arith.constant 0.130763352 : f32
        %add3A_344 = vector.broadcast %add3A_343 : f32 to vector<16xf32>
        %add3A_345 = arith.addf %mul3A_342, %add3A_344 : vector<16xf32>
        %mul3A_346 = arith.mulf %add3A_345, %exp3A_335 : vector<16xf32>
        %add3A_347 = arith.constant -0.222834721 : f32
        %add3A_348 = vector.broadcast %add3A_347 : f32 to vector<16xf32>
        %add3A_349 = arith.addf %mul3A_346, %add3A_348 : vector<16xf32>
        %mul3A_350 = arith.mulf %add3A_349, %exp3A_335 : vector<16xf32>
        %add3A_351 = arith.constant 0.326972365 : f32
        %add3A_352 = vector.broadcast %add3A_351 : f32 to vector<16xf32>
        %add3A_353 = arith.addf %mul3A_350, %add3A_352 : vector<16xf32>
        %mul3A_354 = arith.mulf %add3A_353, %exp3A_335 : vector<16xf32>
        %add3A_355 = arith.constant -0.499206394 : f32
        %add3A_356 = vector.broadcast %add3A_355 : f32 to vector<16xf32>
        %add3A_357 = arith.addf %mul3A_354, %add3A_356 : vector<16xf32>
        %mul3A_358 = arith.mulf %add3A_357, %exp3A_335 : vector<16xf32>
        %add3A_359 = arith.constant 0.999957442 : f32
        %add3A_360 = vector.broadcast %add3A_359 : f32 to vector<16xf32>
        %add3A_361 = arith.addf %mul3A_358, %add3A_360 : vector<16xf32>
        %mul3A_362 = arith.mulf %add3A_361, %exp3A_335 : vector<16xf32>
        %add3A_363 = arith.constant 5.62932996E-7 : f32
        %add3A_364 = vector.broadcast %add3A_363 : f32 to vector<16xf32>
        %add3A_365 = arith.addf %mul3A_362, %add3A_364 : vector<16xf32>
        %neg3A_366 = arith.constant 0.000000e+00 : f32
        %neg3A_367 = vector.broadcast %neg3A_366 : f32 to vector<16xf32>
        %neg3A_368 = arith.subf %neg3A_367, %get3A_271 : vector<16xf32>
        %max3A_369 = arith.constant 0.000000e+00 : f32
        %max3A_370 = vector.broadcast %max3A_369 : f32 to vector<16xf32>
        %max3A_371 = arith.maximumf %neg3A_368, %max3A_370 : vector<16xf32>
        %add3A_372 = arith.addf %max3A_371, %add3A_365 : vector<16xf32>
        %add3A_373 = arith.addf %add3A_330, %add3A_372 : vector<16xf32>
        %gt3A_374 = arith.constant 6.000000e-01 : f32
        %gt3A_375 = vector.broadcast %gt3A_374 : f32 to vector<16xf32>
        %gt3A_376 = arith.cmpf ogt, %get3A_266, %gt3A_375 : vector<16xf32>
        %lt3A_377 = arith.constant 4.000000e-01 : f32
        %lt3A_378 = vector.broadcast %lt3A_377 : f32 to vector<16xf32>
        %lt3A_379 = arith.cmpf olt, %get3A_266, %lt3A_378 : vector<16xf32>
        %or3A_380 = arith.ori %gt3A_376, %lt3A_379 : vector<16xi1>
        %mul3A_381 = arith.mulf %get3A_266, %get3A_271 : vector<16xf32>
        %jit3A_382 = arith.constant 0.000000e+00 : f32
        %broadcast_in_dim3A_383 = vector.broadcast %jit3A_382 : f32 to vector<16xf32>
        %select_n3A_384 = arith.select %or3A_380, %mul3A_381, %broadcast_in_dim3A_383 : vector<16xi1>, vector<16xf32>
        %add3A_385 = arith.addf %add3A_373, %get3A_266 : vector<16xf32>
        %add3A_386 = arith.addf %add3A_385, %get3A_271 : vector<16xf32>
        %sub3A_387 = arith.subf %add3A_386, %select_n3A_384 : vector<16xf32>
        %jit3A_388 = arith.constant 0.000000e+00 : f32
        %broadcast_in_dim3A_389 = vector.broadcast %jit3A_388 : f32 to vector<16xf32>
        %select_n3A_390 = arith.select %and3A_288, %sub3A_387, %broadcast_in_dim3A_389 : vector<16xi1>, vector<16xf32>
        %add3A_391 = arith.addf %add3A_251, %select_n3A_390 : vector<16xf32>
        %jit3A_392 = arith.constant 0.000000e+00 : f32
        %broadcast_in_dim3A_393 = vector.broadcast %jit3A_392 : f32 to vector<16xf32>
        %select_n3A_394 = arith.select %and3A_288, %get3A_266, %broadcast_in_dim3A_393 : vector<16xi1>, vector<16xf32>
        %add3A_395 = arith.addf %add3A_255, %select_n3A_394 : vector<16xf32>
        %jit3A_396 = arith.constant 1.000000e+00 : f32
        %jit3A_397 = arith.constant 0.000000e+00 : f32
        %broadcast_in_dim3A_398 = vector.broadcast %jit3A_396 : f32 to vector<16xf32>
        %broadcast_in_dim3A_399 = vector.broadcast %jit3A_397 : f32 to vector<16xf32>
        %select_n3A_400 = arith.select %and3A_288, %broadcast_in_dim3A_398, %broadcast_in_dim3A_399 : vector<16xi1>, vector<16xf32>
        %add3A_401 = arith.addf %add3A_261, %select_n3A_400 : vector<16xf32>
        %get3A_402 = arith.constant 2 : i32
        %get3A_403 = arith.index_cast %get3A_402 : i32 to index
        %get3A_404 = arith.index_cast %mul3A_128 : i32 to index
        %get3A_405 = tpu.vector_load %arg7[%get3A_403, %get3A_404] {strides = array<i32>} : memref<32x512xf32, #tpu.memory_space<vmem>>, vector<1x16xf32>,
        %get3A_406 = vector.shape_cast %get3A_405 : vector<1x16xf32> to vector<16xf32>
        %get3A_407 = arith.constant 2 : i32
        %get3A_408 = arith.index_cast %get3A_407 : i32 to index
        %get3A_409 = arith.index_cast %mul3A_128 : i32 to index
        %get3A_410 = tpu.vector_load %arg8[%get3A_408, %get3A_409] {strides = array<i32>} : memref<32x512xf32, #tpu.memory_space<vmem>>, vector<1x16xf32>,
        %get3A_411 = vector.shape_cast %get3A_410 : vector<1x16xf32> to vector<16xf32>
        %get3A_412 = arith.constant 2 : i32
        %get3A_413 = arith.index_cast %get3A_412 : i32 to index
        %get3A_414 = arith.index_cast %mul3A_128 : i32 to index
        %get3A_415 = tpu.vector_load %arg9[%get3A_413, %get3A_414] {strides = array<i32>} : memref<32x512xf32, #tpu.memory_space<vmem>>, vector<1x16xf32>,
        %get3A_416 = vector.shape_cast %get3A_415 : vector<1x16xf32> to vector<16xf32>
        %gt3A_417 = arith.constant 5.000000e-01 : f32
        %gt3A_418 = vector.broadcast %gt3A_417 : f32 to vector<16xf32>
        %gt3A_419 = arith.cmpf ogt, %get3A_416, %gt3A_418 : vector<16xf32>
        %get3A_420 = arith.constant 2 : i32
        %get3A_421 = arith.index_cast %get3A_420 : i32 to index
        %get3A_422 = arith.index_cast %mul3A_128 : i32 to index
        %get3A_423 = tpu.vector_load %arg10[%get3A_421, %get3A_422] {strides = array<i32>} : memref<32x512xf32, #tpu.memory_space<vmem>>, vector<1x16xf32>,
        %get3A_424 = vector.shape_cast %get3A_423 : vector<1x16xf32> to vector<16xf32>
        %gt3A_425 = arith.constant 5.000000e-01 : f32
        %gt3A_426 = vector.broadcast %gt3A_425 : f32 to vector<16xf32>
        %gt3A_427 = arith.cmpf ogt, %get3A_424, %gt3A_426 : vector<16xf32>
        %and3A_428 = arith.andi %gt3A_419, %gt3A_427 : vector<16xi1>
        %abs3A_429 = math.absf %get3A_406 : vector<16xf32>
        %neg3A_430 = arith.constant 0.000000e+00 : f32
        %neg3A_431 = vector.broadcast %neg3A_430 : f32 to vector<16xf32>
        %neg3A_432 = arith.subf %neg3A_431, %abs3A_429 : vector<16xf32>
        %exp3A_433 = math.exp %neg3A_432 : vector<16xf32>
        %broadcast_in_dim3A_434 = arith.constant 0.0101189017 : f32
        %broadcast_in_dim3A_435 = vector.broadcast %broadcast_in_dim3A_434 : f32 to vector<16xf32>
        %mul3A_436 = arith.mulf %broadcast_in_dim3A_435, %exp3A_433 : vector<16xf32>
        %add3A_437 = arith.constant -0.0526239537 : f32
        %add3A_438 = vector.broadcast %add3A_437 : f32 to vector<16xf32>
        %add3A_439 = arith.addf %mul3A_436, %add3A_438 : vector<16xf32>
        %mul3A_440 = arith.mulf %add3A_439, %exp3A_433 : vector<16xf32>
        %add3A_441 = arith.constant 0.130763352 : f32
        %add3A_442 = vector.broadcast %add3A_441 : f32 to vector<16xf32>
        %add3A_443 = arith.addf %mul3A_440, %add3A_442 : vector<16xf32>
        %mul3A_444 = arith.mulf %add3A_443, %exp3A_433 : vector<16xf32>
        %add3A_445 = arith.constant -0.222834721 : f32
        %add3A_446 = vector.broadcast %add3A_445 : f32 to vector<16xf32>
        %add3A_447 = arith.addf %mul3A_444, %add3A_446 : vector<16xf32>
        %mul3A_448 = arith.mulf %add3A_447, %exp3A_433 : vector<16xf32>
        %add3A_449 = arith.constant 0.326972365 : f32
        %add3A_450 = vector.broadcast %add3A_449 : f32 to vector<16xf32>
        %add3A_451 = arith.addf %mul3A_448, %add3A_450 : vector<16xf32>
        %mul3A_452 = arith.mulf %add3A_451, %exp3A_433 : vector<16xf32>
        %add3A_453 = arith.constant -0.499206394 : f32
        %add3A_454 = vector.broadcast %add3A_453 : f32 to vector<16xf32>
        %add3A_455 = arith.addf %mul3A_452, %add3A_454 : vector<16xf32>
        %mul3A_456 = arith.mulf %add3A_455, %exp3A_433 : vector<16xf32>
        %add3A_457 = arith.constant 0.999957442 : f32
        %add3A_458 = vector.broadcast %add3A_457 : f32 to vector<16xf32>
        %add3A_459 = arith.addf %mul3A_456, %add3A_458 : vector<16xf32>
        %mul3A_460 = arith.mulf %add3A_459, %exp3A_433 : vector<16xf32>
        %add3A_461 = arith.constant 5.62932996E-7 : f32
        %add3A_462 = vector.broadcast %add3A_461 : f32 to vector<16xf32>
        %add3A_463 = arith.addf %mul3A_460, %add3A_462 : vector<16xf32>
        %neg3A_464 = arith.constant 0.000000e+00 : f32
        %neg3A_465 = vector.broadcast %neg3A_464 : f32 to vector<16xf32>
        %neg3A_466 = arith.subf %neg3A_465, %get3A_406 : vector<16xf32>
        %max3A_467 = arith.constant 0.000000e+00 : f32
        %max3A_468 = vector.broadcast %max3A_467 : f32 to vector<16xf32>
        %max3A_469 = arith.maximumf %neg3A_466, %max3A_468 : vector<16xf32>
        %add3A_470 = arith.addf %max3A_469, %add3A_463 : vector<16xf32>
        %abs3A_471 = math.absf %get3A_411 : vector<16xf32>
        %neg3A_472 = arith.constant 0.000000e+00 : f32
        %neg3A_473 = vector.broadcast %neg3A_472 : f32 to vector<16xf32>
        %neg3A_474 = arith.subf %neg3A_473, %abs3A_471 : vector<16xf32>
        %exp3A_475 = math.exp %neg3A_474 : vector<16xf32>
        %broadcast_in_dim3A_476 = arith.constant 0.0101189017 : f32
        %broadcast_in_dim3A_477 = vector.broadcast %broadcast_in_dim3A_476 : f32 to vector<16xf32>
        %mul3A_478 = arith.mulf %broadcast_in_dim3A_477, %exp3A_475 : vector<16xf32>
        %add3A_479 = arith.constant -0.0526239537 : f32
        %add3A_480 = vector.broadcast %add3A_479 : f32 to vector<16xf32>
        %add3A_481 = arith.addf %mul3A_478, %add3A_480 : vector<16xf32>
        %mul3A_482 = arith.mulf %add3A_481, %exp3A_475 : vector<16xf32>
        %add3A_483 = arith.constant 0.130763352 : f32
        %add3A_484 = vector.broadcast %add3A_483 : f32 to vector<16xf32>
        %add3A_485 = arith.addf %mul3A_482, %add3A_484 : vector<16xf32>
        %mul3A_486 = arith.mulf %add3A_485, %exp3A_475 : vector<16xf32>
        %add3A_487 = arith.constant -0.222834721 : f32
        %add3A_488 = vector.broadcast %add3A_487 : f32 to vector<16xf32>
        %add3A_489 = arith.addf %mul3A_486, %add3A_488 : vector<16xf32>
        %mul3A_490 = arith.mulf %add3A_489, %exp3A_475 : vector<16xf32>
        %add3A_491 = arith.constant 0.326972365 : f32
        %add3A_492 = vector.broadcast %add3A_491 : f32 to vector<16xf32>
        %add3A_493 = arith.addf %mul3A_490, %add3A_492 : vector<16xf32>
        %mul3A_494 = arith.mulf %add3A_493, %exp3A_475 : vector<16xf32>
        %add3A_495 = arith.constant -0.499206394 : f32
        %add3A_496 = vector.broadcast %add3A_495 : f32 to vector<16xf32>
        %add3A_497 = arith.addf %mul3A_494, %add3A_496 : vector<16xf32>
        %mul3A_498 = arith.mulf %add3A_497, %exp3A_475 : vector<16xf32>
        %add3A_499 = arith.constant 0.999957442 : f32
        %add3A_500 = vector.broadcast %add3A_499 : f32 to vector<16xf32>
        %add3A_501 = arith.addf %mul3A_498, %add3A_500 : vector<16xf32>
        %mul3A_502 = arith.mulf %add3A_501, %exp3A_475 : vector<16xf32>
        %add3A_503 = arith.constant 5.62932996E-7 : f32
        %add3A_504 = vector.broadcast %add3A_503 : f32 to vector<16xf32>
        %add3A_505 = arith.addf %mul3A_502, %add3A_504 : vector<16xf32>
        %neg3A_506 = arith.constant 0.000000e+00 : f32
        %neg3A_507 = vector.broadcast %neg3A_506 : f32 to vector<16xf32>
        %neg3A_508 = arith.subf %neg3A_507, %get3A_411 : vector<16xf32>
        %max3A_509 = arith.constant 0.000000e+00 : f32
        %max3A_510 = vector.broadcast %max3A_509 : f32 to vector<16xf32>
        %max3A_511 = arith.maximumf %neg3A_508, %max3A_510 : vector<16xf32>
        %add3A_512 = arith.addf %max3A_511, %add3A_505 : vector<16xf32>
        %add3A_513 = arith.addf %add3A_470, %add3A_512 : vector<16xf32>
        %gt3A_514 = arith.constant 6.000000e-01 : f32
        %gt3A_515 = vector.broadcast %gt3A_514 : f32 to vector<16xf32>
        %gt3A_516 = arith.cmpf ogt, %get3A_406, %gt3A_515 : vector<16xf32>
        %lt3A_517 = arith.constant 4.000000e-01 : f32
        %lt3A_518 = vector.broadcast %lt3A_517 : f32 to vector<16xf32>
        %lt3A_519 = arith.cmpf olt, %get3A_406, %lt3A_518 : vector<16xf32>
        %or3A_520 = arith.ori %gt3A_516, %lt3A_519 : vector<16xi1>
        %mul3A_521 = arith.mulf %get3A_406, %get3A_411 : vector<16xf32>
        %jit3A_522 = arith.constant 0.000000e+00 : f32
        %broadcast_in_dim3A_523 = vector.broadcast %jit3A_522 : f32 to vector<16xf32>
        %select_n3A_524 = arith.select %or3A_520, %mul3A_521, %broadcast_in_dim3A_523 : vector<16xi1>, vector<16xf32>
        %add3A_525 = arith.addf %add3A_513, %get3A_406 : vector<16xf32>
        %add3A_526 = arith.addf %add3A_525, %get3A_411 : vector<16xf32>
        %sub3A_527 = arith.subf %add3A_526, %select_n3A_524 : vector<16xf32>
        %jit3A_528 = arith.constant 0.000000e+00 : f32
        %broadcast_in_dim3A_529 = vector.broadcast %jit3A_528 : f32 to vector<16xf32>
        %select_n3A_530 = arith.select %and3A_428, %sub3A_527, %broadcast_in_dim3A_529 : vector<16xi1>, vector<16xf32>
        %add3A_531 = arith.addf %add3A_391, %select_n3A_530 : vector<16xf32>
        %jit3A_532 = arith.constant 0.000000e+00 : f32
        %broadcast_in_dim3A_533 = vector.broadcast %jit3A_532 : f32 to vector<16xf32>
        %select_n3A_534 = arith.select %and3A_428, %get3A_406, %broadcast_in_dim3A_533 : vector<16xi1>, vector<16xf32>
        %add3A_535 = arith.addf %add3A_395, %select_n3A_534 : vector<16xf32>
        %jit3A_536 = arith.constant 1.000000e+00 : f32
        %jit3A_537 = arith.constant 0.000000e+00 : f32
        %broadcast_in_dim3A_538 = vector.broadcast %jit3A_536 : f32 to vector<16xf32>
        %broadcast_in_dim3A_539 = vector.broadcast %jit3A_537 : f32 to vector<16xf32>
        %select_n3A_540 = arith.select %and3A_428, %broadcast_in_dim3A_538, %broadcast_in_dim3A_539 : vector<16xi1>, vector<16xf32>
        %add3A_541 = arith.addf %add3A_401, %select_n3A_540 : vector<16xf32>
        %get3A_542 = arith.constant 3 : i32
        %get3A_543 = arith.index_cast %get3A_542 : i32 to index
        %get3A_544 = arith.index_cast %mul3A_128 : i32 to index
        %get3A_545 = tpu.vector_load %arg7[%get3A_543, %get3A_544] {strides = array<i32>} : memref<32x512xf32, #tpu.memory_space<vmem>>, vector<1x16xf32>,
        %get3A_546 = vector.shape_cast %get3A_545 : vector<1x16xf32> to vector<16xf32>
        %get3A_547 = arith.constant 3 : i32
        %get3A_548 = arith.index_cast %get3A_547 : i32 to index
        %get3A_549 = arith.index_cast %mul3A_128 : i32 to index
        %get3A_550 = tpu.vector_load %arg8[%get3A_548, %get3A_549] {strides = array<i32>} : memref<32x512xf32, #tpu.memory_space<vmem>>, vector<1x16xf32>,
        %get3A_551 = vector.shape_cast %get3A_550 : vector<1x16xf32> to vector<16xf32>
        %get3A_552 = arith.constant 3 : i32
        %get3A_553 = arith.index_cast %get3A_552 : i32 to index
        %get3A_554 = arith.index_cast %mul3A_128 : i32 to index
        %get3A_555 = tpu.vector_load %arg9[%get3A_553, %get3A_554] {strides = array<i32>} : memref<32x512xf32, #tpu.memory_space<vmem>>, vector<1x16xf32>,
        %get3A_556 = vector.shape_cast %get3A_555 : vector<1x16xf32> to vector<16xf32>
        %gt3A_557 = arith.constant 5.000000e-01 : f32
        %gt3A_558 = vector.broadcast %gt3A_557 : f32 to vector<16xf32>
        %gt3A_559 = arith.cmpf ogt, %get3A_556, %gt3A_558 : vector<16xf32>
        %get3A_560 = arith.constant 3 : i32
        %get3A_561 = arith.index_cast %get3A_560 : i32 to index
        %get3A_562 = arith.index_cast %mul3A_128 : i32 to index
        %get3A_563 = tpu.vector_load %arg10[%get3A_561, %get3A_562] {strides = array<i32>} : memref<32x512xf32, #tpu.memory_space<vmem>>, vector<1x16xf32>,
        %get3A_564 = vector.shape_cast %get3A_563 : vector<1x16xf32> to vector<16xf32>
        %gt3A_565 = arith.constant 5.000000e-01 : f32
        %gt3A_566 = vector.broadcast %gt3A_565 : f32 to vector<16xf32>
        %gt3A_567 = arith.cmpf ogt, %get3A_564, %gt3A_566 : vector<16xf32>
        %and3A_568 = arith.andi %gt3A_559, %gt3A_567 : vector<16xi1>
        %abs3A_569 = math.absf %get3A_546 : vector<16xf32>
        %neg3A_570 = arith.constant 0.000000e+00 : f32
        %neg3A_571 = vector.broadcast %neg3A_570 : f32 to vector<16xf32>
        %neg3A_572 = arith.subf %neg3A_571, %abs3A_569 : vector<16xf32>
        %exp3A_573 = math.exp %neg3A_572 : vector<16xf32>
        %broadcast_in_dim3A_574 = arith.constant 0.0101189017 : f32
        %broadcast_in_dim3A_575 = vector.broadcast %broadcast_in_dim3A_574 : f32 to vector<16xf32>
        %mul3A_576 = arith.mulf %broadcast_in_dim3A_575, %exp3A_573 : vector<16xf32>
        %add3A_577 = arith.constant -0.0526239537 : f32
        %add3A_578 = vector.broadcast %add3A_577 : f32 to vector<16xf32>
        %add3A_579 = arith.addf %mul3A_576, %add3A_578 : vector<16xf32>
        %mul3A_580 = arith.mulf %add3A_579, %exp3A_573 : vector<16xf32>
        %add3A_581 = arith.constant 0.130763352 : f32
        %add3A_582 = vector.broadcast %add3A_581 : f32 to vector<16xf32>
        %add3A_583 = arith.addf %mul3A_580, %add3A_582 : vector<16xf32>
        %mul3A_584 = arith.mulf %add3A_583, %exp3A_573 : vector<16xf32>
        %add3A_585 = arith.constant -0.222834721 : f32
        %add3A_586 = vector.broadcast %add3A_585 : f32 to vector<16xf32>
        %add3A_587 = arith.addf %mul3A_584, %add3A_586 : vector<16xf32>
        %mul3A_588 = arith.mulf %add3A_587, %exp3A_573 : vector<16xf32>
        %add3A_589 = arith.constant 0.326972365 : f32
        %add3A_590 = vector.broadcast %add3A_589 : f32 to vector<16xf32>
        %add3A_591 = arith.addf %mul3A_588, %add3A_590 : vector<16xf32>
        %mul3A_592 = arith.mulf %add3A_591, %exp3A_573 : vector<16xf32>
        %add3A_593 = arith.constant -0.499206394 : f32
        %add3A_594 = vector.broadcast %add3A_593 : f32 to vector<16xf32>
        %add3A_595 = arith.addf %mul3A_592, %add3A_594 : vector<16xf32>
        %mul3A_596 = arith.mulf %add3A_595, %exp3A_573 : vector<16xf32>
        %add3A_597 = arith.constant 0.999957442 : f32
        %add3A_598 = vector.broadcast %add3A_597 : f32 to vector<16xf32>
        %add3A_599 = arith.addf %mul3A_596, %add3A_598 : vector<16xf32>
        %mul3A_600 = arith.mulf %add3A_599, %exp3A_573 : vector<16xf32>
        %add3A_601 = arith.constant 5.62932996E-7 : f32
        %add3A_602 = vector.broadcast %add3A_601 : f32 to vector<16xf32>
        %add3A_603 = arith.addf %mul3A_600, %add3A_602 : vector<16xf32>
        %neg3A_604 = arith.constant 0.000000e+00 : f32
        %neg3A_605 = vector.broadcast %neg3A_604 : f32 to vector<16xf32>
        %neg3A_606 = arith.subf %neg3A_605, %get3A_546 : vector<16xf32>
        %max3A_607 = arith.constant 0.000000e+00 : f32
        %max3A_608 = vector.broadcast %max3A_607 : f32 to vector<16xf32>
        %max3A_609 = arith.maximumf %neg3A_606, %max3A_608 : vector<16xf32>
        %add3A_610 = arith.addf %max3A_609, %add3A_603 : vector<16xf32>
        %abs3A_611 = math.absf %get3A_551 : vector<16xf32>
        %neg3A_612 = arith.constant 0.000000e+00 : f32
        %neg3A_613 = vector.broadcast %neg3A_612 : f32 to vector<16xf32>
        %neg3A_614 = arith.subf %neg3A_613, %abs3A_611 : vector<16xf32>
        %exp3A_615 = math.exp %neg3A_614 : vector<16xf32>
        %broadcast_in_dim3A_616 = arith.constant 0.0101189017 : f32
        %broadcast_in_dim3A_617 = vector.broadcast %broadcast_in_dim3A_616 : f32 to vector<16xf32>
        %mul3A_618 = arith.mulf %broadcast_in_dim3A_617, %exp3A_615 : vector<16xf32>
        %add3A_619 = arith.constant -0.0526239537 : f32
        %add3A_620 = vector.broadcast %add3A_619 : f32 to vector<16xf32>
        %add3A_621 = arith.addf %mul3A_618, %add3A_620 : vector<16xf32>
        %mul3A_622 = arith.mulf %add3A_621, %exp3A_615 : vector<16xf32>
        %add3A_623 = arith.constant 0.130763352 : f32
        %add3A_624 = vector.broadcast %add3A_623 : f32 to vector<16xf32>
        %add3A_625 = arith.addf %mul3A_622, %add3A_624 : vector<16xf32>
        %mul3A_626 = arith.mulf %add3A_625, %exp3A_615 : vector<16xf32>
        %add3A_627 = arith.constant -0.222834721 : f32
        %add3A_628 = vector.broadcast %add3A_627 : f32 to vector<16xf32>
        %add3A_629 = arith.addf %mul3A_626, %add3A_628 : vector<16xf32>
        %mul3A_630 = arith.mulf %add3A_629, %exp3A_615 : vector<16xf32>
        %add3A_631 = arith.constant 0.326972365 : f32
        %add3A_632 = vector.broadcast %add3A_631 : f32 to vector<16xf32>
        %add3A_633 = arith.addf %mul3A_630, %add3A_632 : vector<16xf32>
        %mul3A_634 = arith.mulf %add3A_633, %exp3A_615 : vector<16xf32>
        %add3A_635 = arith.constant -0.499206394 : f32
        %add3A_636 = vector.broadcast %add3A_635 : f32 to vector<16xf32>
        %add3A_637 = arith.addf %mul3A_634, %add3A_636 : vector<16xf32>
        %mul3A_638 = arith.mulf %add3A_637, %exp3A_615 : vector<16xf32>
        %add3A_639 = arith.constant 0.999957442 : f32
        %add3A_640 = vector.broadcast %add3A_639 : f32 to vector<16xf32>
        %add3A_641 = arith.addf %mul3A_638, %add3A_640 : vector<16xf32>
        %mul3A_642 = arith.mulf %add3A_641, %exp3A_615 : vector<16xf32>
        %add3A_643 = arith.constant 5.62932996E-7 : f32
        %add3A_644 = vector.broadcast %add3A_643 : f32 to vector<16xf32>
        %add3A_645 = arith.addf %mul3A_642, %add3A_644 : vector<16xf32>
        %neg3A_646 = arith.constant 0.000000e+00 : f32
        %neg3A_647 = vector.broadcast %neg3A_646 : f32 to vector<16xf32>
        %neg3A_648 = arith.subf %neg3A_647, %get3A_551 : vector<16xf32>
        %max3A_649 = arith.constant 0.000000e+00 : f32
        %max3A_650 = vector.broadcast %max3A_649 : f32 to vector<16xf32>
        %max3A_651 = arith.maximumf %neg3A_648, %max3A_650 : vector<16xf32>
        %add3A_652 = arith.addf %max3A_651, %add3A_645 : vector<16xf32>
        %add3A_653 = arith.addf %add3A_610, %add3A_652 : vector<16xf32>
        %gt3A_654 = arith.constant 6.000000e-01 : f32
        %gt3A_655 = vector.broadcast %gt3A_654 : f32 to vector<16xf32>
        %gt3A_656 = arith.cmpf ogt, %get3A_546, %gt3A_655 : vector<16xf32>
        %lt3A_657 = arith.constant 4.000000e-01 : f32
        %lt3A_658 = vector.broadcast %lt3A_657 : f32 to vector<16xf32>
        %lt3A_659 = arith.cmpf olt, %get3A_546, %lt3A_658 : vector<16xf32>
        %or3A_660 = arith.ori %gt3A_656, %lt3A_659 : vector<16xi1>
        %mul3A_661 = arith.mulf %get3A_546, %get3A_551 : vector<16xf32>
        %jit3A_662 = arith.constant 0.000000e+00 : f32
        %broadcast_in_dim3A_663 = vector.broadcast %jit3A_662 : f32 to vector<16xf32>
        %select_n3A_664 = arith.select %or3A_660, %mul3A_661, %broadcast_in_dim3A_663 : vector<16xi1>, vector<16xf32>
        %add3A_665 = arith.addf %add3A_653, %get3A_546 : vector<16xf32>
        %add3A_666 = arith.addf %add3A_665, %get3A_551 : vector<16xf32>
        %sub3A_667 = arith.subf %add3A_666, %select_n3A_664 : vector<16xf32>
        %jit3A_668 = arith.constant 0.000000e+00 : f32
        %broadcast_in_dim3A_669 = vector.broadcast %jit3A_668 : f32 to vector<16xf32>
        %select_n3A_670 = arith.select %and3A_568, %sub3A_667, %broadcast_in_dim3A_669 : vector<16xi1>, vector<16xf32>
        %add3A_671 = arith.addf %add3A_531, %select_n3A_670 : vector<16xf32>
        %jit3A_672 = arith.constant 0.000000e+00 : f32
        %broadcast_in_dim3A_673 = vector.broadcast %jit3A_672 : f32 to vector<16xf32>
        %select_n3A_674 = arith.select %and3A_568, %get3A_546, %broadcast_in_dim3A_673 : vector<16xi1>, vector<16xf32>
        %add3A_675 = arith.addf %add3A_535, %select_n3A_674 : vector<16xf32>
        %jit3A_676 = arith.constant 1.000000e+00 : f32
        %jit3A_677 = arith.constant 0.000000e+00 : f32
        %broadcast_in_dim3A_678 = vector.broadcast %jit3A_676 : f32 to vector<16xf32>
        %broadcast_in_dim3A_679 = vector.broadcast %jit3A_677 : f32 to vector<16xf32>
        %select_n3A_680 = arith.select %and3A_568, %broadcast_in_dim3A_678, %broadcast_in_dim3A_679 : vector<16xi1>, vector<16xf32>
        %add3A_681 = arith.addf %add3A_541, %select_n3A_680 : vector<16xf32>
        %get3A_682 = arith.constant 4 : i32
        %get3A_683 = arith.index_cast %get3A_682 : i32 to index
        %get3A_684 = arith.index_cast %mul3A_128 : i32 to index
        %get3A_685 = tpu.vector_load %arg7[%get3A_683, %get3A_684] {strides = array<i32>} : memref<32x512xf32, #tpu.memory_space<vmem>>, vector<1x16xf32>,
        %get3A_686 = vector.shape_cast %get3A_685 : vector<1x16xf32> to vector<16xf32>
        %get3A_687 = arith.constant 4 : i32
        %get3A_688 = arith.index_cast %get3A_687 : i32 to index
        %get3A_689 = arith.index_cast %mul3A_128 : i32 to index
        %get3A_690 = tpu.vector_load %arg8[%get3A_688, %get3A_689] {strides = array<i32>} : memref<32x512xf32, #tpu.memory_space<vmem>>, vector<1x16xf32>,
        %get3A_691 = vector.shape_cast %get3A_690 : vector<1x16xf32> to vector<16xf32>
        %get3A_692 = arith.constant 4 : i32
        %get3A_693 = arith.index_cast %get3A_692 : i32 to index
        %get3A_694 = arith.index_cast %mul3A_128 : i32 to index
        %get3A_695 = tpu.vector_load %arg9[%get3A_693, %get3A_694] {strides = array<i32>} : memref<32x512xf32, #tpu.memory_space<vmem>>, vector<1x16xf32>,
        %get3A_696 = vector.shape_cast %get3A_695 : vector<1x16xf32> to vector<16xf32>
        %gt3A_697 = arith.constant 5.000000e-01 : f32
        %gt3A_698 = vector.broadcast %gt3A_697 : f32 to vector<16xf32>
        %gt3A_699 = arith.cmpf ogt, %get3A_696, %gt3A_698 : vector<16xf32>
        %get3A_700 = arith.constant 4 : i32
        %get3A_701 = arith.index_cast %get3A_700 : i32 to index
        %get3A_702 = arith.index_cast %mul3A_128 : i32 to index
        %get3A_703 = tpu.vector_load %arg10[%get3A_701, %get3A_702] {strides = array<i32>} : memref<32x512xf32, #tpu.memory_space<vmem>>, vector<1x16xf32>,
        %get3A_704 = vector.shape_cast %get3A_703 : vector<1x16xf32> to vector<16xf32>
        %gt3A_705 = arith.constant 5.000000e-01 : f32
        %gt3A_706 = vector.broadcast %gt3A_705 : f32 to vector<16xf32>
        %gt3A_707 = arith.cmpf ogt, %get3A_704, %gt3A_706 : vector<16xf32>
        %and3A_708 = arith.andi %gt3A_699, %gt3A_707 : vector<16xi1>
        %abs3A_709 = math.absf %get3A_686 : vector<16xf32>
        %neg3A_710 = arith.constant 0.000000e+00 : f32
        %neg3A_711 = vector.broadcast %neg3A_710 : f32 to vector<16xf32>
        %neg3A_712 = arith.subf %neg3A_711, %abs3A_709 : vector<16xf32>
        %exp3A_713 = math.exp %neg3A_712 : vector<16xf32>
        %broadcast_in_dim3A_714 = arith.constant 0.0101189017 : f32
        %broadcast_in_dim3A_715 = vector.broadcast %broadcast_in_dim3A_714 : f32 to vector<16xf32>
        %mul3A_716 = arith.mulf %broadcast_in_dim3A_715, %exp3A_713 : vector<16xf32>
        %add3A_717 = arith.constant -0.0526239537 : f32
        %add3A_718 = vector.broadcast %add3A_717 : f32 to vector<16xf32>
        %add3A_719 = arith.addf %mul3A_716, %add3A_718 : vector<16xf32>
        %mul3A_720 = arith.mulf %add3A_719, %exp3A_713 : vector<16xf32>
        %add3A_721 = arith.constant 0.130763352 : f32
        %add3A_722 = vector.broadcast %add3A_721 : f32 to vector<16xf32>
        %add3A_723 = arith.addf %mul3A_720, %add3A_722 : vector<16xf32>
        %mul3A_724 = arith.mulf %add3A_723, %exp3A_713 : vector<16xf32>
        %add3A_725 = arith.constant -0.222834721 : f32
        %add3A_726 = vector.broadcast %add3A_725 : f32 to vector<16xf32>
        %add3A_727 = arith.addf %mul3A_724, %add3A_726 : vector<16xf32>
        %mul3A_728 = arith.mulf %add3A_727, %exp3A_713 : vector<16xf32>
        %add3A_729 = arith.constant 0.326972365 : f32
        %add3A_730 = vector.broadcast %add3A_729 : f32 to vector<16xf32>
        %add3A_731 = arith.addf %mul3A_728, %add3A_730 : vector<16xf32>
        %mul3A_732 = arith.mulf %add3A_731, %exp3A_713 : vector<16xf32>
        %add3A_733 = arith.constant -0.499206394 : f32
        %add3A_734 = vector.broadcast %add3A_733 : f32 to vector<16xf32>
        %add3A_735 = arith.addf %mul3A_732, %add3A_734 : vector<16xf32>
        %mul3A_736 = arith.mulf %add3A_735, %exp3A_713 : vector<16xf32>
        %add3A_737 = arith.constant 0.999957442 : f32
        %add3A_738 = vector.broadcast %add3A_737 : f32 to vector<16xf32>
        %add3A_739 = arith.addf %mul3A_736, %add3A_738 : vector<16xf32>
        %mul3A_740 = arith.mulf %add3A_739, %exp3A_713 : vector<16xf32>
        %add3A_741 = arith.constant 5.62932996E-7 : f32
        %add3A_742 = vector.broadcast %add3A_741 : f32 to vector<16xf32>
        %add3A_743 = arith.addf %mul3A_740, %add3A_742 : vector<16xf32>
        %neg3A_744 = arith.constant 0.000000e+00 : f32
        %neg3A_745 = vector.broadcast %neg3A_744 : f32 to vector<16xf32>
        %neg3A_746 = arith.subf %neg3A_745, %get3A_686 : vector<16xf32>
        %max3A_747 = arith.constant 0.000000e+00 : f32
        %max3A_748 = vector.broadcast %max3A_747 : f32 to vector<16xf32>
        %max3A_749 = arith.maximumf %neg3A_746, %max3A_748 : vector<16xf32>
        %add3A_750 = arith.addf %max3A_749, %add3A_743 : vector<16xf32>
        %abs3A_751 = math.absf %get3A_691 : vector<16xf32>
        %neg3A_752 = arith.constant 0.000000e+00 : f32
        %neg3A_753 = vector.broadcast %neg3A_752 : f32 to vector<16xf32>
        %neg3A_754 = arith.subf %neg3A_753, %abs3A_751 : vector<16xf32>
        %exp3A_755 = math.exp %neg3A_754 : vector<16xf32>
        %broadcast_in_dim3A_756 = arith.constant 0.0101189017 : f32
        %broadcast_in_dim3A_757 = vector.broadcast %broadcast_in_dim3A_756 : f32 to vector<16xf32>
        %mul3A_758 = arith.mulf %broadcast_in_dim3A_757, %exp3A_755 : vector<16xf32>
        %add3A_759 = arith.constant -0.0526239537 : f32
        %add3A_760 = vector.broadcast %add3A_759 : f32 to vector<16xf32>
        %add3A_761 = arith.addf %mul3A_758, %add3A_760 : vector<16xf32>
        %mul3A_762 = arith.mulf %add3A_761, %exp3A_755 : vector<16xf32>
        %add3A_763 = arith.constant 0.130763352 : f32
        %add3A_764 = vector.broadcast %add3A_763 : f32 to vector<16xf32>
        %add3A_765 = arith.addf %mul3A_762, %add3A_764 : vector<16xf32>
        %mul3A_766 = arith.mulf %add3A_765, %exp3A_755 : vector<16xf32>
        %add3A_767 = arith.constant -0.222834721 : f32
        %add3A_768 = vector.broadcast %add3A_767 : f32 to vector<16xf32>
        %add3A_769 = arith.addf %mul3A_766, %add3A_768 : vector<16xf32>
        %mul3A_770 = arith.mulf %add3A_769, %exp3A_755 : vector<16xf32>
        %add3A_771 = arith.constant 0.326972365 : f32
        %add3A_772 = vector.broadcast %add3A_771 : f32 to vector<16xf32>
        %add3A_773 = arith.addf %mul3A_770, %add3A_772 : vector<16xf32>
        %mul3A_774 = arith.mulf %add3A_773, %exp3A_755 : vector<16xf32>
        %add3A_775 = arith.constant -0.499206394 : f32
        %add3A_776 = vector.broadcast %add3A_775 : f32 to vector<16xf32>
        %add3A_777 = arith.addf %mul3A_774, %add3A_776 : vector<16xf32>
        %mul3A_778 = arith.mulf %add3A_777, %exp3A_755 : vector<16xf32>
        %add3A_779 = arith.constant 0.999957442 : f32
        %add3A_780 = vector.broadcast %add3A_779 : f32 to vector<16xf32>
        %add3A_781 = arith.addf %mul3A_778, %add3A_780 : vector<16xf32>
        %mul3A_782 = arith.mulf %add3A_781, %exp3A_755 : vector<16xf32>
        %add3A_783 = arith.constant 5.62932996E-7 : f32
        %add3A_784 = vector.broadcast %add3A_783 : f32 to vector<16xf32>
        %add3A_785 = arith.addf %mul3A_782, %add3A_784 : vector<16xf32>
        %neg3A_786 = arith.constant 0.000000e+00 : f32
        %neg3A_787 = vector.broadcast %neg3A_786 : f32 to vector<16xf32>
        %neg3A_788 = arith.subf %neg3A_787, %get3A_691 : vector<16xf32>
        %max3A_789 = arith.constant 0.000000e+00 : f32
        %max3A_790 = vector.broadcast %max3A_789 : f32 to vector<16xf32>
        %max3A_791 = arith.maximumf %neg3A_788, %max3A_790 : vector<16xf32>
        %add3A_792 = arith.addf %max3A_791, %add3A_785 : vector<16xf32>
        %add3A_793 = arith.addf %add3A_750, %add3A_792 : vector<16xf32>
        %gt3A_794 = arith.constant 6.000000e-01 : f32
        %gt3A_795 = vector.broadcast %gt3A_794 : f32 to vector<16xf32>
        %gt3A_796 = arith.cmpf ogt, %get3A_686, %gt3A_795 : vector<16xf32>
        %lt3A_797 = arith.constant 4.000000e-01 : f32
        %lt3A_798 = vector.broadcast %lt3A_797 : f32 to vector<16xf32>
        %lt3A_799 = arith.cmpf olt, %get3A_686, %lt3A_798 : vector<16xf32>
        %or3A_800 = arith.ori %gt3A_796, %lt3A_799 : vector<16xi1>
        %mul3A_801 = arith.mulf %get3A_686, %get3A_691 : vector<16xf32>
        %jit3A_802 = arith.constant 0.000000e+00 : f32
        %broadcast_in_dim3A_803 = vector.broadcast %jit3A_802 : f32 to vector<16xf32>
        %select_n3A_804 = arith.select %or3A_800, %mul3A_801, %broadcast_in_dim3A_803 : vector<16xi1>, vector<16xf32>
        %add3A_805 = arith.addf %add3A_793, %get3A_686 : vector<16xf32>
        %add3A_806 = arith.addf %add3A_805, %get3A_691 : vector<16xf32>
        %sub3A_807 = arith.subf %add3A_806, %select_n3A_804 : vector<16xf32>
        %jit3A_808 = arith.constant 0.000000e+00 : f32
        %broadcast_in_dim3A_809 = vector.broadcast %jit3A_808 : f32 to vector<16xf32>
        %select_n3A_810 = arith.select %and3A_708, %sub3A_807, %broadcast_in_dim3A_809 : vector<16xi1>, vector<16xf32>
        %add3A_811 = arith.addf %add3A_671, %select_n3A_810 : vector<16xf32>
        %jit3A_812 = arith.constant 0.000000e+00 : f32
        %broadcast_in_dim3A_813 = vector.broadcast %jit3A_812 : f32 to vector<16xf32>
        %select_n3A_814 = arith.select %and3A_708, %get3A_686, %broadcast_in_dim3A_813 : vector<16xi1>, vector<16xf32>
        %add3A_815 = arith.addf %add3A_675, %select_n3A_814 : vector<16xf32>
        %jit3A_816 = arith.constant 1.000000e+00 : f32
        %jit3A_817 = arith.constant 0.000000e+00 : f32
        %broadcast_in_dim3A_818 = vector.broadcast %jit3A_816 : f32 to vector<16xf32>
        %broadcast_in_dim3A_819 = vector.broadcast %jit3A_817 : f32 to vector<16xf32>
        %select_n3A_820 = arith.select %and3A_708, %broadcast_in_dim3A_818, %broadcast_in_dim3A_819 : vector<16xi1>, vector<16xf32>
        %add3A_821 = arith.addf %add3A_681, %select_n3A_820 : vector<16xf32>
        %get3A_822 = arith.constant 5 : i32
        %get3A_823 = arith.index_cast %get3A_822 : i32 to index
        %get3A_824 = arith.index_cast %mul3A_128 : i32 to index
        %get3A_825 = tpu.vector_load %arg7[%get3A_823, %get3A_824] {strides = array<i32>} : memref<32x512xf32, #tpu.memory_space<vmem>>, vector<1x16xf32>,
        %get3A_826 = vector.shape_cast %get3A_825 : vector<1x16xf32> to vector<16xf32>
        %get3A_827 = arith.constant 5 : i32
        %get3A_828 = arith.index_cast %get3A_827 : i32 to index
        %get3A_829 = arith.index_cast %mul3A_128 : i32 to index
        %get3A_830 = tpu.vector_load %arg8[%get3A_828, %get3A_829] {strides = array<i32>} : memref<32x512xf32, #tpu.memory_space<vmem>>, vector<1x16xf32>,
        %get3A_831 = vector.shape_cast %get3A_830 : vector<1x16xf32> to vector<16xf32>
        %get3A_832 = arith.constant 5 : i32
        %get3A_833 = arith.index_cast %get3A_832 : i32 to index
        %get3A_834 = arith.index_cast %mul3A_128 : i32 to index
        %get3A_835 = tpu.vector_load %arg9[%get3A_833, %get3A_834] {strides = array<i32>} : memref<32x512xf32, #tpu.memory_space<vmem>>, vector<1x16xf32>,
        %get3A_836 = vector.shape_cast %get3A_835 : vector<1x16xf32> to vector<16xf32>
        %gt3A_837 = arith.constant 5.000000e-01 : f32
        %gt3A_838 = vector.broadcast %gt3A_837 : f32 to vector<16xf32>
        %gt3A_839 = arith.cmpf ogt, %get3A_836, %gt3A_838 : vector<16xf32>
        %get3A_840 = arith.constant 5 : i32
        %get3A_841 = arith.index_cast %get3A_840 : i32 to index
        %get3A_842 = arith.index_cast %mul3A_128 : i32 to index
        %get3A_843 = tpu.vector_load %arg10[%get3A_841, %get3A_842] {strides = array<i32>} : memref<32x512xf32, #tpu.memory_space<vmem>>, vector<1x16xf32>,
        %get3A_844 = vector.shape_cast %get3A_843 : vector<1x16xf32> to vector<16xf32>
        %gt3A_845 = arith.constant 5.000000e-01 : f32
        %gt3A_846 = vector.broadcast %gt3A_845 : f32 to vector<16xf32>
        %gt3A_847 = arith.cmpf ogt, %get3A_844, %gt3A_846 : vector<16xf32>
        %and3A_848 = arith.andi %gt3A_839, %gt3A_847 : vector<16xi1>
        %abs3A_849 = math.absf %get3A_826 : vector<16xf32>
        %neg3A_850 = arith.constant 0.000000e+00 : f32
        %neg3A_851 = vector.broadcast %neg3A_850 : f32 to vector<16xf32>
        %neg3A_852 = arith.subf %neg3A_851, %abs3A_849 : vector<16xf32>
        %exp3A_853 = math.exp %neg3A_852 : vector<16xf32>
        %broadcast_in_dim3A_854 = arith.constant 0.0101189017 : f32
        %broadcast_in_dim3A_855 = vector.broadcast %broadcast_in_dim3A_854 : f32 to vector<16xf32>
        %mul3A_856 = arith.mulf %broadcast_in_dim3A_855, %exp3A_853 : vector<16xf32>
        %add3A_857 = arith.constant -0.0526239537 : f32
        %add3A_858 = vector.broadcast %add3A_857 : f32 to vector<16xf32>
        %add3A_859 = arith.addf %mul3A_856, %add3A_858 : vector<16xf32>
        %mul3A_860 = arith.mulf %add3A_859, %exp3A_853 : vector<16xf32>
        %add3A_861 = arith.constant 0.130763352 : f32
        %add3A_862 = vector.broadcast %add3A_861 : f32 to vector<16xf32>
        %add3A_863 = arith.addf %mul3A_860, %add3A_862 : vector<16xf32>
        %mul3A_864 = arith.mulf %add3A_863, %exp3A_853 : vector<16xf32>
        %add3A_865 = arith.constant -0.222834721 : f32
        %add3A_866 = vector.broadcast %add3A_865 : f32 to vector<16xf32>
        %add3A_867 = arith.addf %mul3A_864, %add3A_866 : vector<16xf32>
        %mul3A_868 = arith.mulf %add3A_867, %exp3A_853 : vector<16xf32>
        %add3A_869 = arith.constant 0.326972365 : f32
        %add3A_870 = vector.broadcast %add3A_869 : f32 to vector<16xf32>
        %add3A_871 = arith.addf %mul3A_868, %add3A_870 : vector<16xf32>
        %mul3A_872 = arith.mulf %add3A_871, %exp3A_853 : vector<16xf32>
        %add3A_873 = arith.constant -0.499206394 : f32
        %add3A_874 = vector.broadcast %add3A_873 : f32 to vector<16xf32>
        %add3A_875 = arith.addf %mul3A_872, %add3A_874 : vector<16xf32>
        %mul3A_876 = arith.mulf %add3A_875, %exp3A_853 : vector<16xf32>
        %add3A_877 = arith.constant 0.999957442 : f32
        %add3A_878 = vector.broadcast %add3A_877 : f32 to vector<16xf32>
        %add3A_879 = arith.addf %mul3A_876, %add3A_878 : vector<16xf32>
        %mul3A_880 = arith.mulf %add3A_879, %exp3A_853 : vector<16xf32>
        %add3A_881 = arith.constant 5.62932996E-7 : f32
        %add3A_882 = vector.broadcast %add3A_881 : f32 to vector<16xf32>
        %add3A_883 = arith.addf %mul3A_880, %add3A_882 : vector<16xf32>
        %neg3A_884 = arith.constant 0.000000e+00 : f32
        %neg3A_885 = vector.broadcast %neg3A_884 : f32 to vector<16xf32>
        %neg3A_886 = arith.subf %neg3A_885, %get3A_826 : vector<16xf32>
        %max3A_887 = arith.constant 0.000000e+00 : f32
        %max3A_888 = vector.broadcast %max3A_887 : f32 to vector<16xf32>
        %max3A_889 = arith.maximumf %neg3A_886, %max3A_888 : vector<16xf32>
        %add3A_890 = arith.addf %max3A_889, %add3A_883 : vector<16xf32>
        %abs3A_891 = math.absf %get3A_831 : vector<16xf32>
        %neg3A_892 = arith.constant 0.000000e+00 : f32
        %neg3A_893 = vector.broadcast %neg3A_892 : f32 to vector<16xf32>
        %neg3A_894 = arith.subf %neg3A_893, %abs3A_891 : vector<16xf32>
        %exp3A_895 = math.exp %neg3A_894 : vector<16xf32>
        %broadcast_in_dim3A_896 = arith.constant 0.0101189017 : f32
        %broadcast_in_dim3A_897 = vector.broadcast %broadcast_in_dim3A_896 : f32 to vector<16xf32>
        %mul3A_898 = arith.mulf %broadcast_in_dim3A_897, %exp3A_895 : vector<16xf32>
        %add3A_899 = arith.constant -0.0526239537 : f32
        %add3A_900 = vector.broadcast %add3A_899 : f32 to vector<16xf32>
        %add3A_901 = arith.addf %mul3A_898, %add3A_900 : vector<16xf32>
        %mul3A_902 = arith.mulf %add3A_901, %exp3A_895 : vector<16xf32>
        %add3A_903 = arith.constant 0.130763352 : f32
        %add3A_904 = vector.broadcast %add3A_903 : f32 to vector<16xf32>
        %add3A_905 = arith.addf %mul3A_902, %add3A_904 : vector<16xf32>
        %mul3A_906 = arith.mulf %add3A_905, %exp3A_895 : vector<16xf32>
        %add3A_907 = arith.constant -0.222834721 : f32
        %add3A_908 = vector.broadcast %add3A_907 : f32 to vector<16xf32>
        %add3A_909 = arith.addf %mul3A_906, %add3A_908 : vector<16xf32>
        %mul3A_910 = arith.mulf %add3A_909, %exp3A_895 : vector<16xf32>
        %add3A_911 = arith.constant 0.326972365 : f32
        %add3A_912 = vector.broadcast %add3A_911 : f32 to vector<16xf32>
        %add3A_913 = arith.addf %mul3A_910, %add3A_912 : vector<16xf32>
        %mul3A_914 = arith.mulf %add3A_913, %exp3A_895 : vector<16xf32>
        %add3A_915 = arith.constant -0.499206394 : f32
        %add3A_916 = vector.broadcast %add3A_915 : f32 to vector<16xf32>
        %add3A_917 = arith.addf %mul3A_914, %add3A_916 : vector<16xf32>
        %mul3A_918 = arith.mulf %add3A_917, %exp3A_895 : vector<16xf32>
        %add3A_919 = arith.constant 0.999957442 : f32
        %add3A_920 = vector.broadcast %add3A_919 : f32 to vector<16xf32>
        %add3A_921 = arith.addf %mul3A_918, %add3A_920 : vector<16xf32>
        %mul3A_922 = arith.mulf %add3A_921, %exp3A_895 : vector<16xf32>
        %add3A_923 = arith.constant 5.62932996E-7 : f32
        %add3A_924 = vector.broadcast %add3A_923 : f32 to vector<16xf32>
        %add3A_925 = arith.addf %mul3A_922, %add3A_924 : vector<16xf32>
        %neg3A_926 = arith.constant 0.000000e+00 : f32
        %neg3A_927 = vector.broadcast %neg3A_926 : f32 to vector<16xf32>
        %neg3A_928 = arith.subf %neg3A_927, %get3A_831 : vector<16xf32>
        %max3A_929 = arith.constant 0.000000e+00 : f32
        %max3A_930 = vector.broadcast %max3A_929 : f32 to vector<16xf32>
        %max3A_931 = arith.maximumf %neg3A_928, %max3A_930 : vector<16xf32>
        %add3A_932 = arith.addf %max3A_931, %add3A_925 : vector<16xf32>
        %add3A_933 = arith.addf %add3A_890, %add3A_932 : vector<16xf32>
        %gt3A_934 = arith.constant 6.000000e-01 : f32
        %gt3A_935 = vector.broadcast %gt3A_934 : f32 to vector<16xf32>
        %gt3A_936 = arith.cmpf ogt, %get3A_826, %gt3A_935 : vector<16xf32>
        %lt3A_937 = arith.constant 4.000000e-01 : f32
        %lt3A_938 = vector.broadcast %lt3A_937 : f32 to vector<16xf32>
        %lt3A_939 = arith.cmpf olt, %get3A_826, %lt3A_938 : vector<16xf32>
        %or3A_940 = arith.ori %gt3A_936, %lt3A_939 : vector<16xi1>
        %mul3A_941 = arith.mulf %get3A_826, %get3A_831 : vector<16xf32>
        %jit3A_942 = arith.constant 0.000000e+00 : f32
        %broadcast_in_dim3A_943 = vector.broadcast %jit3A_942 : f32 to vector<16xf32>
        %select_n3A_944 = arith.select %or3A_940, %mul3A_941, %broadcast_in_dim3A_943 : vector<16xi1>, vector<16xf32>
        %add3A_945 = arith.addf %add3A_933, %get3A_826 : vector<16xf32>
        %add3A_946 = arith.addf %add3A_945, %get3A_831 : vector<16xf32>
        %sub3A_947 = arith.subf %add3A_946, %select_n3A_944 : vector<16xf32>
        %jit3A_948 = arith.constant 0.000000e+00 : f32
        %broadcast_in_dim3A_949 = vector.broadcast %jit3A_948 : f32 to vector<16xf32>
        %select_n3A_950 = arith.select %and3A_848, %sub3A_947, %broadcast_in_dim3A_949 : vector<16xi1>, vector<16xf32>
        %add3A_951 = arith.addf %add3A_811, %select_n3A_950 : vector<16xf32>
        %jit3A_952 = arith.constant 0.000000e+00 : f32
        %broadcast_in_dim3A_953 = vector.broadcast %jit3A_952 : f32 to vector<16xf32>
        %select_n3A_954 = arith.select %and3A_848, %get3A_826, %broadcast_in_dim3A_953 : vector<16xi1>, vector<16xf32>
        %add3A_955 = arith.addf %add3A_815, %select_n3A_954 : vector<16xf32>
        %jit3A_956 = arith.constant 1.000000e+00 : f32
        %jit3A_957 = arith.constant 0.000000e+00 : f32
        %broadcast_in_dim3A_958 = vector.broadcast %jit3A_956 : f32 to vector<16xf32>
        %broadcast_in_dim3A_959 = vector.broadcast %jit3A_957 : f32 to vector<16xf32>
        %select_n3A_960 = arith.select %and3A_848, %broadcast_in_dim3A_958, %broadcast_in_dim3A_959 : vector<16xi1>, vector<16xf32>
        %add3A_961 = arith.addf %add3A_821, %select_n3A_960 : vector<16xf32>
        %get3A_962 = arith.constant 6 : i32
        %get3A_963 = arith.index_cast %get3A_962 : i32 to index
        %get3A_964 = arith.index_cast %mul3A_128 : i32 to index
        %get3A_965 = tpu.vector_load %arg7[%get3A_963, %get3A_964] {strides = array<i32>} : memref<32x512xf32, #tpu.memory_space<vmem>>, vector<1x16xf32>,
        %get3A_966 = vector.shape_cast %get3A_965 : vector<1x16xf32> to vector<16xf32>
        %get3A_967 = arith.constant 6 : i32
        %get3A_968 = arith.index_cast %get3A_967 : i32 to index
        %get3A_969 = arith.index_cast %mul3A_128 : i32 to index
        %get3A_970 = tpu.vector_load %arg8[%get3A_968, %get3A_969] {strides = array<i32>} : memref<32x512xf32, #tpu.memory_space<vmem>>, vector<1x16xf32>,
        %get3A_971 = vector.shape_cast %get3A_970 : vector<1x16xf32> to vector<16xf32>
        %get3A_972 = arith.constant 6 : i32
        %get3A_973 = arith.index_cast %get3A_972 : i32 to index
        %get3A_974 = arith.index_cast %mul3A_128 : i32 to index
        %get3A_975 = tpu.vector_load %arg9[%get3A_973, %get3A_974] {strides = array<i32>} : memref<32x512xf32, #tpu.memory_space<vmem>>, vector<1x16xf32>,
        %get3A_976 = vector.shape_cast %get3A_975 : vector<1x16xf32> to vector<16xf32>
        %gt3A_977 = arith.constant 5.000000e-01 : f32
        %gt3A_978 = vector.broadcast %gt3A_977 : f32 to vector<16xf32>
        %gt3A_979 = arith.cmpf ogt, %get3A_976, %gt3A_978 : vector<16xf32>
        %get3A_980 = arith.constant 6 : i32
        %get3A_981 = arith.index_cast %get3A_980 : i32 to index
        %get3A_982 = arith.index_cast %mul3A_128 : i32 to index
        %get3A_983 = tpu.vector_load %arg10[%get3A_981, %get3A_982] {strides = array<i32>} : memref<32x512xf32, #tpu.memory_space<vmem>>, vector<1x16xf32>,
        %get3A_984 = vector.shape_cast %get3A_983 : vector<1x16xf32> to vector<16xf32>
        %gt3A_985 = arith.constant 5.000000e-01 : f32
        %gt3A_986 = vector.broadcast %gt3A_985 : f32 to vector<16xf32>
        %gt3A_987 = arith.cmpf ogt, %get3A_984, %gt3A_986 : vector<16xf32>
        %and3A_988 = arith.andi %gt3A_979, %gt3A_987 : vector<16xi1>
        %abs3A_989 = math.absf %get3A_966 : vector<16xf32>
        %neg3A_990 = arith.constant 0.000000e+00 : f32
        %neg3A_991 = vector.broadcast %neg3A_990 : f32 to vector<16xf32>
        %neg3A_992 = arith.subf %neg3A_991, %abs3A_989 : vector<16xf32>
        %exp3A_993 = math.exp %neg3A_992 : vector<16xf32>
        %broadcast_in_dim3A_994 = arith.constant 0.0101189017 : f32
        %broadcast_in_dim3A_995 = vector.broadcast %broadcast_in_dim3A_994 : f32 to vector<16xf32>
        %mul3A_996 = arith.mulf %broadcast_in_dim3A_995, %exp3A_993 : vector<16xf32>
        %add3A_997 = arith.constant -0.0526239537 : f32
        %add3A_998 = vector.broadcast %add3A_997 : f32 to vector<16xf32>
        %add3A_999 = arith.addf %mul3A_996, %add3A_998 : vector<16xf32>
        %mul3A_1000 = arith.mulf %add3A_999, %exp3A_993 : vector<16xf32>
        %add3A_1001 = arith.constant 0.130763352 : f32
        %add3A_1002 = vector.broadcast %add3A_1001 : f32 to vector<16xf32>
        %add3A_1003 = arith.addf %mul3A_1000, %add3A_1002 : vector<16xf32>
        %mul3A_1004 = arith.mulf %add3A_1003, %exp3A_993 : vector<16xf32>
        %add3A_1005 = arith.constant -0.222834721 : f32
        %add3A_1006 = vector.broadcast %add3A_1005 : f32 to vector<16xf32>
        %add3A_1007 = arith.addf %mul3A_1004, %add3A_1006 : vector<16xf32>
        %mul3A_1008 = arith.mulf %add3A_1007, %exp3A_993 : vector<16xf32>
        %add3A_1009 = arith.constant 0.326972365 : f32
        %add3A_1010 = vector.broadcast %add3A_1009 : f32 to vector<16xf32>
        %add3A_1011 = arith.addf %mul3A_1008, %add3A_1010 : vector<16xf32>
        %mul3A_1012 = arith.mulf %add3A_1011, %exp3A_993 : vector<16xf32>
        %add3A_1013 = arith.constant -0.499206394 : f32
        %add3A_1014 = vector.broadcast %add3A_1013 : f32 to vector<16xf32>
        %add3A_1015 = arith.addf %mul3A_1012, %add3A_1014 : vector<16xf32>
        %mul3A_1016 = arith.mulf %add3A_1015, %exp3A_993 : vector<16xf32>
        %add3A_1017 = arith.constant 0.999957442 : f32
        %add3A_1018 = vector.broadcast %add3A_1017 : f32 to vector<16xf32>
        %add3A_1019 = arith.addf %mul3A_1016, %add3A_1018 : vector<16xf32>
        %mul3A_1020 = arith.mulf %add3A_1019, %exp3A_993 : vector<16xf32>
        %add3A_1021 = arith.constant 5.62932996E-7 : f32
        %add3A_1022 = vector.broadcast %add3A_1021 : f32 to vector<16xf32>
        %add3A_1023 = arith.addf %mul3A_1020, %add3A_1022 : vector<16xf32>
        %neg3A_1024 = arith.constant 0.000000e+00 : f32
        %neg3A_1025 = vector.broadcast %neg3A_1024 : f32 to vector<16xf32>
        %neg3A_1026 = arith.subf %neg3A_1025, %get3A_966 : vector<16xf32>
        %max3A_1027 = arith.constant 0.000000e+00 : f32
        %max3A_1028 = vector.broadcast %max3A_1027 : f32 to vector<16xf32>
        %max3A_1029 = arith.maximumf %neg3A_1026, %max3A_1028 : vector<16xf32>
        %add3A_1030 = arith.addf %max3A_1029, %add3A_1023 : vector<16xf32>
        %abs3A_1031 = math.absf %get3A_971 : vector<16xf32>
        %neg3A_1032 = arith.constant 0.000000e+00 : f32
        %neg3A_1033 = vector.broadcast %neg3A_1032 : f32 to vector<16xf32>
        %neg3A_1034 = arith.subf %neg3A_1033, %abs3A_1031 : vector<16xf32>
        %exp3A_1035 = math.exp %neg3A_1034 : vector<16xf32>
        %broadcast_in_dim3A_1036 = arith.constant 0.0101189017 : f32
        %broadcast_in_dim3A_1037 = vector.broadcast %broadcast_in_dim3A_1036 : f32 to vector<16xf32>
        %mul3A_1038 = arith.mulf %broadcast_in_dim3A_1037, %exp3A_1035 : vector<16xf32>
        %add3A_1039 = arith.constant -0.0526239537 : f32
        %add3A_1040 = vector.broadcast %add3A_1039 : f32 to vector<16xf32>
        %add3A_1041 = arith.addf %mul3A_1038, %add3A_1040 : vector<16xf32>
        %mul3A_1042 = arith.mulf %add3A_1041, %exp3A_1035 : vector<16xf32>
        %add3A_1043 = arith.constant 0.130763352 : f32
        %add3A_1044 = vector.broadcast %add3A_1043 : f32 to vector<16xf32>
        %add3A_1045 = arith.addf %mul3A_1042, %add3A_1044 : vector<16xf32>
        %mul3A_1046 = arith.mulf %add3A_1045, %exp3A_1035 : vector<16xf32>
        %add3A_1047 = arith.constant -0.222834721 : f32
        %add3A_1048 = vector.broadcast %add3A_1047 : f32 to vector<16xf32>
        %add3A_1049 = arith.addf %mul3A_1046, %add3A_1048 : vector<16xf32>
        %mul3A_1050 = arith.mulf %add3A_1049, %exp3A_1035 : vector<16xf32>
        %add3A_1051 = arith.constant 0.326972365 : f32
        %add3A_1052 = vector.broadcast %add3A_1051 : f32 to vector<16xf32>
        %add3A_1053 = arith.addf %mul3A_1050, %add3A_1052 : vector<16xf32>
        %mul3A_1054 = arith.mulf %add3A_1053, %exp3A_1035 : vector<16xf32>
        %add3A_1055 = arith.constant -0.499206394 : f32
        %add3A_1056 = vector.broadcast %add3A_1055 : f32 to vector<16xf32>
        %add3A_1057 = arith.addf %mul3A_1054, %add3A_1056 : vector<16xf32>
        %mul3A_1058 = arith.mulf %add3A_1057, %exp3A_1035 : vector<16xf32>
        %add3A_1059 = arith.constant 0.999957442 : f32
        %add3A_1060 = vector.broadcast %add3A_1059 : f32 to vector<16xf32>
        %add3A_1061 = arith.addf %mul3A_1058, %add3A_1060 : vector<16xf32>
        %mul3A_1062 = arith.mulf %add3A_1061, %exp3A_1035 : vector<16xf32>
        %add3A_1063 = arith.constant 5.62932996E-7 : f32
        %add3A_1064 = vector.broadcast %add3A_1063 : f32 to vector<16xf32>
        %add3A_1065 = arith.addf %mul3A_1062, %add3A_1064 : vector<16xf32>
        %neg3A_1066 = arith.constant 0.000000e+00 : f32
        %neg3A_1067 = vector.broadcast %neg3A_1066 : f32 to vector<16xf32>
        %neg3A_1068 = arith.subf %neg3A_1067, %get3A_971 : vector<16xf32>
        %max3A_1069 = arith.constant 0.000000e+00 : f32
        %max3A_1070 = vector.broadcast %max3A_1069 : f32 to vector<16xf32>
        %max3A_1071 = arith.maximumf %neg3A_1068, %max3A_1070 : vector<16xf32>
        %add3A_1072 = arith.addf %max3A_1071, %add3A_1065 : vector<16xf32>
        %add3A_1073 = arith.addf %add3A_1030, %add3A_1072 : vector<16xf32>
        %gt3A_1074 = arith.constant 6.000000e-01 : f32
        %gt3A_1075 = vector.broadcast %gt3A_1074 : f32 to vector<16xf32>
        %gt3A_1076 = arith.cmpf ogt, %get3A_966, %gt3A_1075 : vector<16xf32>
        %lt3A_1077 = arith.constant 4.000000e-01 : f32
        %lt3A_1078 = vector.broadcast %lt3A_1077 : f32 to vector<16xf32>
        %lt3A_1079 = arith.cmpf olt, %get3A_966, %lt3A_1078 : vector<16xf32>
        %or3A_1080 = arith.ori %gt3A_1076, %lt3A_1079 : vector<16xi1>
        %mul3A_1081 = arith.mulf %get3A_966, %get3A_971 : vector<16xf32>
        %jit3A_1082 = arith.constant 0.000000e+00 : f32
        %broadcast_in_dim3A_1083 = vector.broadcast %jit3A_1082 : f32 to vector<16xf32>
        %select_n3A_1084 = arith.select %or3A_1080, %mul3A_1081, %broadcast_in_dim3A_1083 : vector<16xi1>, vector<16xf32>
        %add3A_1085 = arith.addf %add3A_1073, %get3A_966 : vector<16xf32>
        %add3A_1086 = arith.addf %add3A_1085, %get3A_971 : vector<16xf32>
        %sub3A_1087 = arith.subf %add3A_1086, %select_n3A_1084 : vector<16xf32>
        %jit3A_1088 = arith.constant 0.000000e+00 : f32
        %broadcast_in_dim3A_1089 = vector.broadcast %jit3A_1088 : f32 to vector<16xf32>
        %select_n3A_1090 = arith.select %and3A_988, %sub3A_1087, %broadcast_in_dim3A_1089 : vector<16xi1>, vector<16xf32>
        %add3A_1091 = arith.addf %add3A_951, %select_n3A_1090 : vector<16xf32>
        %jit3A_1092 = arith.constant 0.000000e+00 : f32
        %broadcast_in_dim3A_1093 = vector.broadcast %jit3A_1092 : f32 to vector<16xf32>
        %select_n3A_1094 = arith.select %and3A_988, %get3A_966, %broadcast_in_dim3A_1093 : vector<16xi1>, vector<16xf32>
        %add3A_1095 = arith.addf %add3A_955, %select_n3A_1094 : vector<16xf32>
        %jit3A_1096 = arith.constant 1.000000e+00 : f32
        %jit3A_1097 = arith.constant 0.000000e+00 : f32
        %broadcast_in_dim3A_1098 = vector.broadcast %jit3A_1096 : f32 to vector<16xf32>
        %broadcast_in_dim3A_1099 = vector.broadcast %jit3A_1097 : f32 to vector<16xf32>
        %select_n3A_1100 = arith.select %and3A_988, %broadcast_in_dim3A_1098, %broadcast_in_dim3A_1099 : vector<16xi1>, vector<16xf32>
        %add3A_1101 = arith.addf %add3A_961, %select_n3A_1100 : vector<16xf32>
        %get3A_1102 = arith.constant 7 : i32
        %get3A_1103 = arith.index_cast %get3A_1102 : i32 to index
        %get3A_1104 = arith.index_cast %mul3A_128 : i32 to index
        %get3A_1105 = tpu.vector_load %arg7[%get3A_1103, %get3A_1104] {strides = array<i32>} : memref<32x512xf32, #tpu.memory_space<vmem>>, vector<1x16xf32>,
        %get3A_1106 = vector.shape_cast %get3A_1105 : vector<1x16xf32> to vector<16xf32>
        %get3A_1107 = arith.constant 7 : i32
        %get3A_1108 = arith.index_cast %get3A_1107 : i32 to index
        %get3A_1109 = arith.index_cast %mul3A_128 : i32 to index
        %get3A_1110 = tpu.vector_load %arg8[%get3A_1108, %get3A_1109] {strides = array<i32>} : memref<32x512xf32, #tpu.memory_space<vmem>>, vector<1x16xf32>,
        %get3A_1111 = vector.shape_cast %get3A_1110 : vector<1x16xf32> to vector<16xf32>
        %get3A_1112 = arith.constant 7 : i32
        %get3A_1113 = arith.index_cast %get3A_1112 : i32 to index
        %get3A_1114 = arith.index_cast %mul3A_128 : i32 to index
        %get3A_1115 = tpu.vector_load %arg9[%get3A_1113, %get3A_1114] {strides = array<i32>} : memref<32x512xf32, #tpu.memory_space<vmem>>, vector<1x16xf32>,
        %get3A_1116 = vector.shape_cast %get3A_1115 : vector<1x16xf32> to vector<16xf32>
        %gt3A_1117 = arith.constant 5.000000e-01 : f32
        %gt3A_1118 = vector.broadcast %gt3A_1117 : f32 to vector<16xf32>
        %gt3A_1119 = arith.cmpf ogt, %get3A_1116, %gt3A_1118 : vector<16xf32>
        %get3A_1120 = arith.constant 7 : i32
        %get3A_1121 = arith.index_cast %get3A_1120 : i32 to index
        %get3A_1122 = arith.index_cast %mul3A_128 : i32 to index
        %get3A_1123 = tpu.vector_load %arg10[%get3A_1121, %get3A_1122] {strides = array<i32>} : memref<32x512xf32, #tpu.memory_space<vmem>>, vector<1x16xf32>,
        %get3A_1124 = vector.shape_cast %get3A_1123 : vector<1x16xf32> to vector<16xf32>
        %gt3A_1125 = arith.constant 5.000000e-01 : f32
        %gt3A_1126 = vector.broadcast %gt3A_1125 : f32 to vector<16xf32>
        %gt3A_1127 = arith.cmpf ogt, %get3A_1124, %gt3A_1126 : vector<16xf32>
        %and3A_1128 = arith.andi %gt3A_1119, %gt3A_1127 : vector<16xi1>
        %abs3A_1129 = math.absf %get3A_1106 : vector<16xf32>
        %neg3A_1130 = arith.constant 0.000000e+00 : f32
        %neg3A_1131 = vector.broadcast %neg3A_1130 : f32 to vector<16xf32>
        %neg3A_1132 = arith.subf %neg3A_1131, %abs3A_1129 : vector<16xf32>
        %exp3A_1133 = math.exp %neg3A_1132 : vector<16xf32>
        %broadcast_in_dim3A_1134 = arith.constant 0.0101189017 : f32
        %broadcast_in_dim3A_1135 = vector.broadcast %broadcast_in_dim3A_1134 : f32 to vector<16xf32>
        %mul3A_1136 = arith.mulf %broadcast_in_dim3A_1135, %exp3A_1133 : vector<16xf32>
        %add3A_1137 = arith.constant -0.0526239537 : f32
        %add3A_1138 = vector.broadcast %add3A_1137 : f32 to vector<16xf32>
        %add3A_1139 = arith.addf %mul3A_1136, %add3A_1138 : vector<16xf32>
        %mul3A_1140 = arith.mulf %add3A_1139, %exp3A_1133 : vector<16xf32>
        %add3A_1141 = arith.constant 0.130763352 : f32
        %add3A_1142 = vector.broadcast %add3A_1141 : f32 to vector<16xf32>
        %add3A_1143 = arith.addf %mul3A_1140, %add3A_1142 : vector<16xf32>
        %mul3A_1144 = arith.mulf %add3A_1143, %exp3A_1133 : vector<16xf32>
        %add3A_1145 = arith.constant -0.222834721 : f32
        %add3A_1146 = vector.broadcast %add3A_1145 : f32 to vector<16xf32>
        %add3A_1147 = arith.addf %mul3A_1144, %add3A_1146 : vector<16xf32>
        %mul3A_1148 = arith.mulf %add3A_1147, %exp3A_1133 : vector<16xf32>
        %add3A_1149 = arith.constant 0.326972365 : f32
        %add3A_1150 = vector.broadcast %add3A_1149 : f32 to vector<16xf32>
        %add3A_1151 = arith.addf %mul3A_1148, %add3A_1150 : vector<16xf32>
        %mul3A_1152 = arith.mulf %add3A_1151, %exp3A_1133 : vector<16xf32>
        %add3A_1153 = arith.constant -0.499206394 : f32
        %add3A_1154 = vector.broadcast %add3A_1153 : f32 to vector<16xf32>
        %add3A_1155 = arith.addf %mul3A_1152, %add3A_1154 : vector<16xf32>
        %mul3A_1156 = arith.mulf %add3A_1155, %exp3A_1133 : vector<16xf32>
        %add3A_1157 = arith.constant 0.999957442 : f32
        %add3A_1158 = vector.broadcast %add3A_1157 : f32 to vector<16xf32>
        %add3A_1159 = arith.addf %mul3A_1156, %add3A_1158 : vector<16xf32>
        %mul3A_1160 = arith.mulf %add3A_1159, %exp3A_1133 : vector<16xf32>
        %add3A_1161 = arith.constant 5.62932996E-7 : f32
        %add3A_1162 = vector.broadcast %add3A_1161 : f32 to vector<16xf32>
        %add3A_1163 = arith.addf %mul3A_1160, %add3A_1162 : vector<16xf32>
        %neg3A_1164 = arith.constant 0.000000e+00 : f32
        %neg3A_1165 = vector.broadcast %neg3A_1164 : f32 to vector<16xf32>
        %neg3A_1166 = arith.subf %neg3A_1165, %get3A_1106 : vector<16xf32>
        %max3A_1167 = arith.constant 0.000000e+00 : f32
        %max3A_1168 = vector.broadcast %max3A_1167 : f32 to vector<16xf32>
        %max3A_1169 = arith.maximumf %neg3A_1166, %max3A_1168 : vector<16xf32>
        %add3A_1170 = arith.addf %max3A_1169, %add3A_1163 : vector<16xf32>
        %abs3A_1171 = math.absf %get3A_1111 : vector<16xf32>
        %neg3A_1172 = arith.constant 0.000000e+00 : f32
        %neg3A_1173 = vector.broadcast %neg3A_1172 : f32 to vector<16xf32>
        %neg3A_1174 = arith.subf %neg3A_1173, %abs3A_1171 : vector<16xf32>
        %exp3A_1175 = math.exp %neg3A_1174 : vector<16xf32>
        %broadcast_in_dim3A_1176 = arith.constant 0.0101189017 : f32
        %broadcast_in_dim3A_1177 = vector.broadcast %broadcast_in_dim3A_1176 : f32 to vector<16xf32>
        %mul3A_1178 = arith.mulf %broadcast_in_dim3A_1177, %exp3A_1175 : vector<16xf32>
        %add3A_1179 = arith.constant -0.0526239537 : f32
        %add3A_1180 = vector.broadcast %add3A_1179 : f32 to vector<16xf32>
        %add3A_1181 = arith.addf %mul3A_1178, %add3A_1180 : vector<16xf32>
        %mul3A_1182 = arith.mulf %add3A_1181, %exp3A_1175 : vector<16xf32>
        %add3A_1183 = arith.constant 0.130763352 : f32
        %add3A_1184 = vector.broadcast %add3A_1183 : f32 to vector<16xf32>
        %add3A_1185 = arith.addf %mul3A_1182, %add3A_1184 : vector<16xf32>
        %mul3A_1186 = arith.mulf %add3A_1185, %exp3A_1175 : vector<16xf32>
        %add3A_1187 = arith.constant -0.222834721 : f32
        %add3A_1188 = vector.broadcast %add3A_1187 : f32 to vector<16xf32>
        %add3A_1189 = arith.addf %mul3A_1186, %add3A_1188 : vector<16xf32>
        %mul3A_1190 = arith.mulf %add3A_1189, %exp3A_1175 : vector<16xf32>
        %add3A_1191 = arith.constant 0.326972365 : f32
        %add3A_1192 = vector.broadcast %add3A_1191 : f32 to vector<16xf32>
        %add3A_1193 = arith.addf %mul3A_1190, %add3A_1192 : vector<16xf32>
        %mul3A_1194 = arith.mulf %add3A_1193, %exp3A_1175 : vector<16xf32>
        %add3A_1195 = arith.constant -0.499206394 : f32
        %add3A_1196 = vector.broadcast %add3A_1195 : f32 to vector<16xf32>
        %add3A_1197 = arith.addf %mul3A_1194, %add3A_1196 : vector<16xf32>
        %mul3A_1198 = arith.mulf %add3A_1197, %exp3A_1175 : vector<16xf32>
        %add3A_1199 = arith.constant 0.999957442 : f32
        %add3A_1200 = vector.broadcast %add3A_1199 : f32 to vector<16xf32>
        %add3A_1201 = arith.addf %mul3A_1198, %add3A_1200 : vector<16xf32>
        %mul3A_1202 = arith.mulf %add3A_1201, %exp3A_1175 : vector<16xf32>
        %add3A_1203 = arith.constant 5.62932996E-7 : f32
        %add3A_1204 = vector.broadcast %add3A_1203 : f32 to vector<16xf32>
        %add3A_1205 = arith.addf %mul3A_1202, %add3A_1204 : vector<16xf32>
        %neg3A_1206 = arith.constant 0.000000e+00 : f32
        %neg3A_1207 = vector.broadcast %neg3A_1206 : f32 to vector<16xf32>
        %neg3A_1208 = arith.subf %neg3A_1207, %get3A_1111 : vector<16xf32>
        %max3A_1209 = arith.constant 0.000000e+00 : f32
        %max3A_1210 = vector.broadcast %max3A_1209 : f32 to vector<16xf32>
        %max3A_1211 = arith.maximumf %neg3A_1208, %max3A_1210 : vector<16xf32>
        %add3A_1212 = arith.addf %max3A_1211, %add3A_1205 : vector<16xf32>
        %add3A_1213 = arith.addf %add3A_1170, %add3A_1212 : vector<16xf32>
        %gt3A_1214 = arith.constant 6.000000e-01 : f32
        %gt3A_1215 = vector.broadcast %gt3A_1214 : f32 to vector<16xf32>
        %gt3A_1216 = arith.cmpf ogt, %get3A_1106, %gt3A_1215 : vector<16xf32>
        %lt3A_1217 = arith.constant 4.000000e-01 : f32
        %lt3A_1218 = vector.broadcast %lt3A_1217 : f32 to vector<16xf32>
        %lt3A_1219 = arith.cmpf olt, %get3A_1106, %lt3A_1218 : vector<16xf32>
        %or3A_1220 = arith.ori %gt3A_1216, %lt3A_1219 : vector<16xi1>
        %mul3A_1221 = arith.mulf %get3A_1106, %get3A_1111 : vector<16xf32>
        %jit3A_1222 = arith.constant 0.000000e+00 : f32
        %broadcast_in_dim3A_1223 = vector.broadcast %jit3A_1222 : f32 to vector<16xf32>
        %select_n3A_1224 = arith.select %or3A_1220, %mul3A_1221, %broadcast_in_dim3A_1223 : vector<16xi1>, vector<16xf32>
        %add3A_1225 = arith.addf %add3A_1213, %get3A_1106 : vector<16xf32>
        %add3A_1226 = arith.addf %add3A_1225, %get3A_1111 : vector<16xf32>
        %sub3A_1227 = arith.subf %add3A_1226, %select_n3A_1224 : vector<16xf32>
        %jit3A_1228 = arith.constant 0.000000e+00 : f32
        %broadcast_in_dim3A_1229 = vector.broadcast %jit3A_1228 : f32 to vector<16xf32>
        %select_n3A_1230 = arith.select %and3A_1128, %sub3A_1227, %broadcast_in_dim3A_1229 : vector<16xi1>, vector<16xf32>
        %add3A_1231 = arith.addf %add3A_1091, %select_n3A_1230 : vector<16xf32>
        %jit3A_1232 = arith.constant 0.000000e+00 : f32
        %broadcast_in_dim3A_1233 = vector.broadcast %jit3A_1232 : f32 to vector<16xf32>
        %select_n3A_1234 = arith.select %and3A_1128, %get3A_1106, %broadcast_in_dim3A_1233 : vector<16xi1>, vector<16xf32>
        %add3A_1235 = arith.addf %add3A_1095, %select_n3A_1234 : vector<16xf32>
        %jit3A_1236 = arith.constant 1.000000e+00 : f32
        %jit3A_1237 = arith.constant 0.000000e+00 : f32
        %broadcast_in_dim3A_1238 = vector.broadcast %jit3A_1236 : f32 to vector<16xf32>
        %broadcast_in_dim3A_1239 = vector.broadcast %jit3A_1237 : f32 to vector<16xf32>
        %select_n3A_1240 = arith.select %and3A_1128, %broadcast_in_dim3A_1238, %broadcast_in_dim3A_1239 : vector<16xi1>, vector<16xf32>
        %add3A_1241 = arith.addf %add3A_1101, %select_n3A_1240 : vector<16xf32>
        %get3A_1242 = arith.constant 8 : i32
        %get3A_1243 = arith.index_cast %get3A_1242 : i32 to index
        %get3A_1244 = arith.index_cast %mul3A_128 : i32 to index
        %get3A_1245 = tpu.vector_load %arg7[%get3A_1243, %get3A_1244] {strides = array<i32>} : memref<32x512xf32, #tpu.memory_space<vmem>>, vector<1x16xf32>,
        %get3A_1246 = vector.shape_cast %get3A_1245 : vector<1x16xf32> to vector<16xf32>
        %get3A_1247 = arith.constant 8 : i32
        %get3A_1248 = arith.index_cast %get3A_1247 : i32 to index
        %get3A_1249 = arith.index_cast %mul3A_128 : i32 to index
        %get3A_1250 = tpu.vector_load %arg8[%get3A_1248, %get3A_1249] {strides = array<i32>} : memref<32x512xf32, #tpu.memory_space<vmem>>, vector<1x16xf32>,
        %get3A_1251 = vector.shape_cast %get3A_1250 : vector<1x16xf32> to vector<16xf32>
        %get3A_1252 = arith.constant 8 : i32
        %get3A_1253 = arith.index_cast %get3A_1252 : i32 to index
        %get3A_1254 = arith.index_cast %mul3A_128 : i32 to index
        %get3A_1255 = tpu.vector_load %arg9[%get3A_1253, %get3A_1254] {strides = array<i32>} : memref<32x512xf32, #tpu.memory_space<vmem>>, vector<1x16xf32>,
        %get3A_1256 = vector.shape_cast %get3A_1255 : vector<1x16xf32> to vector<16xf32>
        %gt3A_1257 = arith.constant 5.000000e-01 : f32
        %gt3A_1258 = vector.broadcast %gt3A_1257 : f32 to vector<16xf32>
        %gt3A_1259 = arith.cmpf ogt, %get3A_1256, %gt3A_1258 : vector<16xf32>
        %get3A_1260 = arith.constant 8 : i32
        %get3A_1261 = arith.index_cast %get3A_1260 : i32 to index
        %get3A_1262 = arith.index_cast %mul3A_128 : i32 to index
        %get3A_1263 = tpu.vector_load %arg10[%get3A_1261, %get3A_1262] {strides = array<i32>} : memref<32x512xf32, #tpu.memory_space<vmem>>, vector<1x16xf32>,
        %get3A_1264 = vector.shape_cast %get3A_1263 : vector<1x16xf32> to vector<16xf32>
        %gt3A_1265 = arith.constant 5.000000e-01 : f32
        %gt3A_1266 = vector.broadcast %gt3A_1265 : f32 to vector<16xf32>
        %gt3A_1267 = arith.cmpf ogt, %get3A_1264, %gt3A_1266 : vector<16xf32>
        %and3A_1268 = arith.andi %gt3A_1259, %gt3A_1267 : vector<16xi1>
        %abs3A_1269 = math.absf %get3A_1246 : vector<16xf32>
        %neg3A_1270 = arith.constant 0.000000e+00 : f32
        %neg3A_1271 = vector.broadcast %neg3A_1270 : f32 to vector<16xf32>
        %neg3A_1272 = arith.subf %neg3A_1271, %abs3A_1269 : vector<16xf32>
        %exp3A_1273 = math.exp %neg3A_1272 : vector<16xf32>
        %broadcast_in_dim3A_1274 = arith.constant 0.0101189017 : f32
        %broadcast_in_dim3A_1275 = vector.broadcast %broadcast_in_dim3A_1274 : f32 to vector<16xf32>
        %mul3A_1276 = arith.mulf %broadcast_in_dim3A_1275, %exp3A_1273 : vector<16xf32>
        %add3A_1277 = arith.constant -0.0526239537 : f32
        %add3A_1278 = vector.broadcast %add3A_1277 : f32 to vector<16xf32>
        %add3A_1279 = arith.addf %mul3A_1276, %add3A_1278 : vector<16xf32>
        %mul3A_1280 = arith.mulf %add3A_1279, %exp3A_1273 : vector<16xf32>
        %add3A_1281 = arith.constant 0.130763352 : f32
        %add3A_1282 = vector.broadcast %add3A_1281 : f32 to vector<16xf32>
        %add3A_1283 = arith.addf %mul3A_1280, %add3A_1282 : vector<16xf32>
        %mul3A_1284 = arith.mulf %add3A_1283, %exp3A_1273 : vector<16xf32>
        %add3A_1285 = arith.constant -0.222834721 : f32
        %add3A_1286 = vector.broadcast %add3A_1285 : f32 to vector<16xf32>
        %add3A_1287 = arith.addf %mul3A_1284, %add3A_1286 : vector<16xf32>
        %mul3A_1288 = arith.mulf %add3A_1287, %exp3A_1273 : vector<16xf32>
        %add3A_1289 = arith.constant 0.326972365 : f32
        %add3A_1290 = vector.broadcast %add3A_1289 : f32 to vector<16xf32>
        %add3A_1291 = arith.addf %mul3A_1288, %add3A_1290 : vector<16xf32>
        %mul3A_1292 = arith.mulf %add3A_1291, %exp3A_1273 : vector<16xf32>
        %add3A_1293 = arith.constant -0.499206394 : f32
        %add3A_1294 = vector.broadcast %add3A_1293 : f32 to vector<16xf32>
        %add3A_1295 = arith.addf %mul3A_1292, %add3A_1294 : vector<16xf32>
        %mul3A_1296 = arith.mulf %add3A_1295, %exp3A_1273 : vector<16xf32>
        %add3A_1297 = arith.constant 0.999957442 : f32
        %add3A_1298 = vector.broadcast %add3A_1297 : f32 to vector<16xf32>
        %add3A_1299 = arith.addf %mul3A_1296, %add3A_1298 : vector<16xf32>
        %mul3A_1300 = arith.mulf %add3A_1299, %exp3A_1273 : vector<16xf32>
        %add3A_1301 = arith.constant 5.62932996E-7 : f32
        %add3A_1302 = vector.broadcast %add3A_1301 : f32 to vector<16xf32>
        %add3A_1303 = arith.addf %mul3A_1300, %add3A_1302 : vector<16xf32>
        %neg3A_1304 = arith.constant 0.000000e+00 : f32
        %neg3A_1305 = vector.broadcast %neg3A_1304 : f32 to vector<16xf32>
        %neg3A_1306 = arith.subf %neg3A_1305, %get3A_1246 : vector<16xf32>
        %max3A_1307 = arith.constant 0.000000e+00 : f32
        %max3A_1308 = vector.broadcast %max3A_1307 : f32 to vector<16xf32>
        %max3A_1309 = arith.maximumf %neg3A_1306, %max3A_1308 : vector<16xf32>
        %add3A_1310 = arith.addf %max3A_1309, %add3A_1303 : vector<16xf32>
        %abs3A_1311 = math.absf %get3A_1251 : vector<16xf32>
        %neg3A_1312 = arith.constant 0.000000e+00 : f32
        %neg3A_1313 = vector.broadcast %neg3A_1312 : f32 to vector<16xf32>
        %neg3A_1314 = arith.subf %neg3A_1313, %abs3A_1311 : vector<16xf32>
        %exp3A_1315 = math.exp %neg3A_1314 : vector<16xf32>
        %broadcast_in_dim3A_1316 = arith.constant 0.0101189017 : f32
        %broadcast_in_dim3A_1317 = vector.broadcast %broadcast_in_dim3A_1316 : f32 to vector<16xf32>
        %mul3A_1318 = arith.mulf %broadcast_in_dim3A_1317, %exp3A_1315 : vector<16xf32>
        %add3A_1319 = arith.constant -0.0526239537 : f32
        %add3A_1320 = vector.broadcast %add3A_1319 : f32 to vector<16xf32>
        %add3A_1321 = arith.addf %mul3A_1318, %add3A_1320 : vector<16xf32>
        %mul3A_1322 = arith.mulf %add3A_1321, %exp3A_1315 : vector<16xf32>
        %add3A_1323 = arith.constant 0.130763352 : f32
        %add3A_1324 = vector.broadcast %add3A_1323 : f32 to vector<16xf32>
        %add3A_1325 = arith.addf %mul3A_1322, %add3A_1324 : vector<16xf32>
        %mul3A_1326 = arith.mulf %add3A_1325, %exp3A_1315 : vector<16xf32>
        %add3A_1327 = arith.constant -0.222834721 : f32
        %add3A_1328 = vector.broadcast %add3A_1327 : f32 to vector<16xf32>
        %add3A_1329 = arith.addf %mul3A_1326, %add3A_1328 : vector<16xf32>
        %mul3A_1330 = arith.mulf %add3A_1329, %exp3A_1315 : vector<16xf32>
        %add3A_1331 = arith.constant 0.326972365 : f32
        %add3A_1332 = vector.broadcast %add3A_1331 : f32 to vector<16xf32>
        %add3A_1333 = arith.addf %mul3A_1330, %add3A_1332 : vector<16xf32>
        %mul3A_1334 = arith.mulf %add3A_1333, %exp3A_1315 : vector<16xf32>
        %add3A_1335 = arith.constant -0.499206394 : f32
        %add3A_1336 = vector.broadcast %add3A_1335 : f32 to vector<16xf32>
        %add3A_1337 = arith.addf %mul3A_1334, %add3A_1336 : vector<16xf32>
        %mul3A_1338 = arith.mulf %add3A_1337, %exp3A_1315 : vector<16xf32>
        %add3A_1339 = arith.constant 0.999957442 : f32
        %add3A_1340 = vector.broadcast %add3A_1339 : f32 to vector<16xf32>
        %add3A_1341 = arith.addf %mul3A_1338, %add3A_1340 : vector<16xf32>
        %mul3A_1342 = arith.mulf %add3A_1341, %exp3A_1315 : vector<16xf32>
        %add3A_1343 = arith.constant 5.62932996E-7 : f32
        %add3A_1344 = vector.broadcast %add3A_1343 : f32 to vector<16xf32>
        %add3A_1345 = arith.addf %mul3A_1342, %add3A_1344 : vector<16xf32>
        %neg3A_1346 = arith.constant 0.000000e+00 : f32
        %neg3A_1347 = vector.broadcast %neg3A_1346 : f32 to vector<16xf32>
        %neg3A_1348 = arith.subf %neg3A_1347, %get3A_1251 : vector<16xf32>
        %max3A_1349 = arith.constant 0.000000e+00 : f32
        %max3A_1350 = vector.broadcast %max3A_1349 : f32 to vector<16xf32>
        %max3A_1351 = arith.maximumf %neg3A_1348, %max3A_1350 : vector<16xf32>
        %add3A_1352 = arith.addf %max3A_1351, %add3A_1345 : vector<16xf32>
        %add3A_1353 = arith.addf %add3A_1310, %add3A_1352 : vector<16xf32>
        %gt3A_1354 = arith.constant 6.000000e-01 : f32
        %gt3A_1355 = vector.broadcast %gt3A_1354 : f32 to vector<16xf32>
        %gt3A_1356 = arith.cmpf ogt, %get3A_1246, %gt3A_1355 : vector<16xf32>
        %lt3A_1357 = arith.constant 4.000000e-01 : f32
        %lt3A_1358 = vector.broadcast %lt3A_1357 : f32 to vector<16xf32>
        %lt3A_1359 = arith.cmpf olt, %get3A_1246, %lt3A_1358 : vector<16xf32>
        %or3A_1360 = arith.ori %gt3A_1356, %lt3A_1359 : vector<16xi1>
        %mul3A_1361 = arith.mulf %get3A_1246, %get3A_1251 : vector<16xf32>
        %jit3A_1362 = arith.constant 0.000000e+00 : f32
        %broadcast_in_dim3A_1363 = vector.broadcast %jit3A_1362 : f32 to vector<16xf32>
        %select_n3A_1364 = arith.select %or3A_1360, %mul3A_1361, %broadcast_in_dim3A_1363 : vector<16xi1>, vector<16xf32>
        %add3A_1365 = arith.addf %add3A_1353, %get3A_1246 : vector<16xf32>
        %add3A_1366 = arith.addf %add3A_1365, %get3A_1251 : vector<16xf32>
        %sub3A_1367 = arith.subf %add3A_1366, %select_n3A_1364 : vector<16xf32>
        %jit3A_1368 = arith.constant 0.000000e+00 : f32
        %broadcast_in_dim3A_1369 = vector.broadcast %jit3A_1368 : f32 to vector<16xf32>
        %select_n3A_1370 = arith.select %and3A_1268, %sub3A_1367, %broadcast_in_dim3A_1369 : vector<16xi1>, vector<16xf32>
        %add3A_1371 = arith.addf %add3A_1231, %select_n3A_1370 : vector<16xf32>
        %jit3A_1372 = arith.constant 0.000000e+00 : f32
        %broadcast_in_dim3A_1373 = vector.broadcast %jit3A_1372 : f32 to vector<16xf32>
        %select_n3A_1374 = arith.select %and3A_1268, %get3A_1246, %broadcast_in_dim3A_1373 : vector<16xi1>, vector<16xf32>
        %add3A_1375 = arith.addf %add3A_1235, %select_n3A_1374 : vector<16xf32>
        %jit3A_1376 = arith.constant 1.000000e+00 : f32
        %jit3A_1377 = arith.constant 0.000000e+00 : f32
        %broadcast_in_dim3A_1378 = vector.broadcast %jit3A_1376 : f32 to vector<16xf32>
        %broadcast_in_dim3A_1379 = vector.broadcast %jit3A_1377 : f32 to vector<16xf32>
        %select_n3A_1380 = arith.select %and3A_1268, %broadcast_in_dim3A_1378, %broadcast_in_dim3A_1379 : vector<16xi1>, vector<16xf32>
        %add3A_1381 = arith.addf %add3A_1241, %select_n3A_1380 : vector<16xf32>
        %get3A_1382 = arith.constant 9 : i32
        %get3A_1383 = arith.index_cast %get3A_1382 : i32 to index
        %get3A_1384 = arith.index_cast %mul3A_128 : i32 to index
        %get3A_1385 = tpu.vector_load %arg7[%get3A_1383, %get3A_1384] {strides = array<i32>} : memref<32x512xf32, #tpu.memory_space<vmem>>, vector<1x16xf32>,
        %get3A_1386 = vector.shape_cast %get3A_1385 : vector<1x16xf32> to vector<16xf32>
        %get3A_1387 = arith.constant 9 : i32
        %get3A_1388 = arith.index_cast %get3A_1387 : i32 to index
        %get3A_1389 = arith.index_cast %mul3A_128 : i32 to index
        %get3A_1390 = tpu.vector_load %arg8[%get3A_1388, %get3A_1389] {strides = array<i32>} : memref<32x512xf32, #tpu.memory_space<vmem>>, vector<1x16xf32>,
        %get3A_1391 = vector.shape_cast %get3A_1390 : vector<1x16xf32> to vector<16xf32>
        %get3A_1392 = arith.constant 9 : i32
        %get3A_1393 = arith.index_cast %get3A_1392 : i32 to index
        %get3A_1394 = arith.index_cast %mul3A_128 : i32 to index
        %get3A_1395 = tpu.vector_load %arg9[%get3A_1393, %get3A_1394] {strides = array<i32>} : memref<32x512xf32, #tpu.memory_space<vmem>>, vector<1x16xf32>,
        %get3A_1396 = vector.shape_cast %get3A_1395 : vector<1x16xf32> to vector<16xf32>
        %gt3A_1397 = arith.constant 5.000000e-01 : f32
        %gt3A_1398 = vector.broadcast %gt3A_1397 : f32 to vector<16xf32>
        %gt3A_1399 = arith.cmpf ogt, %get3A_1396, %gt3A_1398 : vector<16xf32>
        %get3A_1400 = arith.constant 9 : i32
        %get3A_1401 = arith.index_cast %get3A_1400 : i32 to index
        %get3A_1402 = arith.index_cast %mul3A_128 : i32 to index
        %get3A_1403 = tpu.vector_load %arg10[%get3A_1401, %get3A_1402] {strides = array<i32>} : memref<32x512xf32, #tpu.memory_space<vmem>>, vector<1x16xf32>,
        %get3A_1404 = vector.shape_cast %get3A_1403 : vector<1x16xf32> to vector<16xf32>
        %gt3A_1405 = arith.constant 5.000000e-01 : f32
        %gt3A_1406 = vector.broadcast %gt3A_1405 : f32 to vector<16xf32>
        %gt3A_1407 = arith.cmpf ogt, %get3A_1404, %gt3A_1406 : vector<16xf32>
        %and3A_1408 = arith.andi %gt3A_1399, %gt3A_1407 : vector<16xi1>
        %abs3A_1409 = math.absf %get3A_1386 : vector<16xf32>
        %neg3A_1410 = arith.constant 0.000000e+00 : f32
        %neg3A_1411 = vector.broadcast %neg3A_1410 : f32 to vector<16xf32>
        %neg3A_1412 = arith.subf %neg3A_1411, %abs3A_1409 : vector<16xf32>
        %exp3A_1413 = math.exp %neg3A_1412 : vector<16xf32>
        %broadcast_in_dim3A_1414 = arith.constant 0.0101189017 : f32
        %broadcast_in_dim3A_1415 = vector.broadcast %broadcast_in_dim3A_1414 : f32 to vector<16xf32>
        %mul3A_1416 = arith.mulf %broadcast_in_dim3A_1415, %exp3A_1413 : vector<16xf32>
        %add3A_1417 = arith.constant -0.0526239537 : f32
        %add3A_1418 = vector.broadcast %add3A_1417 : f32 to vector<16xf32>
        %add3A_1419 = arith.addf %mul3A_1416, %add3A_1418 : vector<16xf32>
        %mul3A_1420 = arith.mulf %add3A_1419, %exp3A_1413 : vector<16xf32>
        %add3A_1421 = arith.constant 0.130763352 : f32
        %add3A_1422 = vector.broadcast %add3A_1421 : f32 to vector<16xf32>
        %add3A_1423 = arith.addf %mul3A_1420, %add3A_1422 : vector<16xf32>
        %mul3A_1424 = arith.mulf %add3A_1423, %exp3A_1413 : vector<16xf32>
        %add3A_1425 = arith.constant -0.222834721 : f32
        %add3A_1426 = vector.broadcast %add3A_1425 : f32 to vector<16xf32>
        %add3A_1427 = arith.addf %mul3A_1424, %add3A_1426 : vector<16xf32>
        %mul3A_1428 = arith.mulf %add3A_1427, %exp3A_1413 : vector<16xf32>
        %add3A_1429 = arith.constant 0.326972365 : f32
        %add3A_1430 = vector.broadcast %add3A_1429 : f32 to vector<16xf32>
        %add3A_1431 = arith.addf %mul3A_1428, %add3A_1430 : vector<16xf32>
        %mul3A_1432 = arith.mulf %add3A_1431, %exp3A_1413 : vector<16xf32>
        %add3A_1433 = arith.constant -0.499206394 : f32
        %add3A_1434 = vector.broadcast %add3A_1433 : f32 to vector<16xf32>
        %add3A_1435 = arith.addf %mul3A_1432, %add3A_1434 : vector<16xf32>
        %mul3A_1436 = arith.mulf %add3A_1435, %exp3A_1413 : vector<16xf32>
        %add3A_1437 = arith.constant 0.999957442 : f32
        %add3A_1438 = vector.broadcast %add3A_1437 : f32 to vector<16xf32>
        %add3A_1439 = arith.addf %mul3A_1436, %add3A_1438 : vector<16xf32>
        %mul3A_1440 = arith.mulf %add3A_1439, %exp3A_1413 : vector<16xf32>
        %add3A_1441 = arith.constant 5.62932996E-7 : f32
        %add3A_1442 = vector.broadcast %add3A_1441 : f32 to vector<16xf32>
        %add3A_1443 = arith.addf %mul3A_1440, %add3A_1442 : vector<16xf32>
        %neg3A_1444 = arith.constant 0.000000e+00 : f32
        %neg3A_1445 = vector.broadcast %neg3A_1444 : f32 to vector<16xf32>
        %neg3A_1446 = arith.subf %neg3A_1445, %get3A_1386 : vector<16xf32>
        %max3A_1447 = arith.constant 0.000000e+00 : f32
        %max3A_1448 = vector.broadcast %max3A_1447 : f32 to vector<16xf32>
        %max3A_1449 = arith.maximumf %neg3A_1446, %max3A_1448 : vector<16xf32>
        %add3A_1450 = arith.addf %max3A_1449, %add3A_1443 : vector<16xf32>
        %abs3A_1451 = math.absf %get3A_1391 : vector<16xf32>
        %neg3A_1452 = arith.constant 0.000000e+00 : f32
        %neg3A_1453 = vector.broadcast %neg3A_1452 : f32 to vector<16xf32>
        %neg3A_1454 = arith.subf %neg3A_1453, %abs3A_1451 : vector<16xf32>
        %exp3A_1455 = math.exp %neg3A_1454 : vector<16xf32>
        %broadcast_in_dim3A_1456 = arith.constant 0.0101189017 : f32
        %broadcast_in_dim3A_1457 = vector.broadcast %broadcast_in_dim3A_1456 : f32 to vector<16xf32>
        %mul3A_1458 = arith.mulf %broadcast_in_dim3A_1457, %exp3A_1455 : vector<16xf32>
        %add3A_1459 = arith.constant -0.0526239537 : f32
        %add3A_1460 = vector.broadcast %add3A_1459 : f32 to vector<16xf32>
        %add3A_1461 = arith.addf %mul3A_1458, %add3A_1460 : vector<16xf32>
        %mul3A_1462 = arith.mulf %add3A_1461, %exp3A_1455 : vector<16xf32>
        %add3A_1463 = arith.constant 0.130763352 : f32
        %add3A_1464 = vector.broadcast %add3A_1463 : f32 to vector<16xf32>
        %add3A_1465 = arith.addf %mul3A_1462, %add3A_1464 : vector<16xf32>
        %mul3A_1466 = arith.mulf %add3A_1465, %exp3A_1455 : vector<16xf32>
        %add3A_1467 = arith.constant -0.222834721 : f32
        %add3A_1468 = vector.broadcast %add3A_1467 : f32 to vector<16xf32>
        %add3A_1469 = arith.addf %mul3A_1466, %add3A_1468 : vector<16xf32>
        %mul3A_1470 = arith.mulf %add3A_1469, %exp3A_1455 : vector<16xf32>
        %add3A_1471 = arith.constant 0.326972365 : f32
        %add3A_1472 = vector.broadcast %add3A_1471 : f32 to vector<16xf32>
        %add3A_1473 = arith.addf %mul3A_1470, %add3A_1472 : vector<16xf32>
        %mul3A_1474 = arith.mulf %add3A_1473, %exp3A_1455 : vector<16xf32>
        %add3A_1475 = arith.constant -0.499206394 : f32
        %add3A_1476 = vector.broadcast %add3A_1475 : f32 to vector<16xf32>
        %add3A_1477 = arith.addf %mul3A_1474, %add3A_1476 : vector<16xf32>
        %mul3A_1478 = arith.mulf %add3A_1477, %exp3A_1455 : vector<16xf32>
        %add3A_1479 = arith.constant 0.999957442 : f32
        %add3A_1480 = vector.broadcast %add3A_1479 : f32 to vector<16xf32>
        %add3A_1481 = arith.addf %mul3A_1478, %add3A_1480 : vector<16xf32>
        %mul3A_1482 = arith.mulf %add3A_1481, %exp3A_1455 : vector<16xf32>
        %add3A_1483 = arith.constant 5.62932996E-7 : f32
        %add3A_1484 = vector.broadcast %add3A_1483 : f32 to vector<16xf32>
        %add3A_1485 = arith.addf %mul3A_1482, %add3A_1484 : vector<16xf32>
        %neg3A_1486 = arith.constant 0.000000e+00 : f32
        %neg3A_1487 = vector.broadcast %neg3A_1486 : f32 to vector<16xf32>
        %neg3A_1488 = arith.subf %neg3A_1487, %get3A_1391 : vector<16xf32>
        %max3A_1489 = arith.constant 0.000000e+00 : f32
        %max3A_1490 = vector.broadcast %max3A_1489 : f32 to vector<16xf32>
        %max3A_1491 = arith.maximumf %neg3A_1488, %max3A_1490 : vector<16xf32>
        %add3A_1492 = arith.addf %max3A_1491, %add3A_1485 : vector<16xf32>
        %add3A_1493 = arith.addf %add3A_1450, %add3A_1492 : vector<16xf32>
        %gt3A_1494 = arith.constant 6.000000e-01 : f32
        %gt3A_1495 = vector.broadcast %gt3A_1494 : f32 to vector<16xf32>
        %gt3A_1496 = arith.cmpf ogt, %get3A_1386, %gt3A_1495 : vector<16xf32>
        %lt3A_1497 = arith.constant 4.000000e-01 : f32
        %lt3A_1498 = vector.broadcast %lt3A_1497 : f32 to vector<16xf32>
        %lt3A_1499 = arith.cmpf olt, %get3A_1386, %lt3A_1498 : vector<16xf32>
        %or3A_1500 = arith.ori %gt3A_1496, %lt3A_1499 : vector<16xi1>
        %mul3A_1501 = arith.mulf %get3A_1386, %get3A_1391 : vector<16xf32>
        %jit3A_1502 = arith.constant 0.000000e+00 : f32
        %broadcast_in_dim3A_1503 = vector.broadcast %jit3A_1502 : f32 to vector<16xf32>
        %select_n3A_1504 = arith.select %or3A_1500, %mul3A_1501, %broadcast_in_dim3A_1503 : vector<16xi1>, vector<16xf32>
        %add3A_1505 = arith.addf %add3A_1493, %get3A_1386 : vector<16xf32>
        %add3A_1506 = arith.addf %add3A_1505, %get3A_1391 : vector<16xf32>
        %sub3A_1507 = arith.subf %add3A_1506, %select_n3A_1504 : vector<16xf32>
        %jit3A_1508 = arith.constant 0.000000e+00 : f32
        %broadcast_in_dim3A_1509 = vector.broadcast %jit3A_1508 : f32 to vector<16xf32>
        %select_n3A_1510 = arith.select %and3A_1408, %sub3A_1507, %broadcast_in_dim3A_1509 : vector<16xi1>, vector<16xf32>
        %add3A_1511 = arith.addf %add3A_1371, %select_n3A_1510 : vector<16xf32>
        %jit3A_1512 = arith.constant 0.000000e+00 : f32
        %broadcast_in_dim3A_1513 = vector.broadcast %jit3A_1512 : f32 to vector<16xf32>
        %select_n3A_1514 = arith.select %and3A_1408, %get3A_1386, %broadcast_in_dim3A_1513 : vector<16xi1>, vector<16xf32>
        %add3A_1515 = arith.addf %add3A_1375, %select_n3A_1514 : vector<16xf32>
        %jit3A_1516 = arith.constant 1.000000e+00 : f32
        %jit3A_1517 = arith.constant 0.000000e+00 : f32
        %broadcast_in_dim3A_1518 = vector.broadcast %jit3A_1516 : f32 to vector<16xf32>
        %broadcast_in_dim3A_1519 = vector.broadcast %jit3A_1517 : f32 to vector<16xf32>
        %select_n3A_1520 = arith.select %and3A_1408, %broadcast_in_dim3A_1518, %broadcast_in_dim3A_1519 : vector<16xi1>, vector<16xf32>
        %add3A_1521 = arith.addf %add3A_1381, %select_n3A_1520 : vector<16xf32>
        %get3A_1522 = arith.constant 10 : i32
        %get3A_1523 = arith.index_cast %get3A_1522 : i32 to index
        %get3A_1524 = arith.index_cast %mul3A_128 : i32 to index
        %get3A_1525 = tpu.vector_load %arg7[%get3A_1523, %get3A_1524] {strides = array<i32>} : memref<32x512xf32, #tpu.memory_space<vmem>>, vector<1x16xf32>,
        %get3A_1526 = vector.shape_cast %get3A_1525 : vector<1x16xf32> to vector<16xf32>
        %get3A_1527 = arith.constant 10 : i32
        %get3A_1528 = arith.index_cast %get3A_1527 : i32 to index
        %get3A_1529 = arith.index_cast %mul3A_128 : i32 to index
        %get3A_1530 = tpu.vector_load %arg8[%get3A_1528, %get3A_1529] {strides = array<i32>} : memref<32x512xf32, #tpu.memory_space<vmem>>, vector<1x16xf32>,
        %get3A_1531 = vector.shape_cast %get3A_1530 : vector<1x16xf32> to vector<16xf32>
        %get3A_1532 = arith.constant 10 : i32
        %get3A_1533 = arith.index_cast %get3A_1532 : i32 to index
        %get3A_1534 = arith.index_cast %mul3A_128 : i32 to index
        %get3A_1535 = tpu.vector_load %arg9[%get3A_1533, %get3A_1534] {strides = array<i32>} : memref<32x512xf32, #tpu.memory_space<vmem>>, vector<1x16xf32>,
        %get3A_1536 = vector.shape_cast %get3A_1535 : vector<1x16xf32> to vector<16xf32>
        %gt3A_1537 = arith.constant 5.000000e-01 : f32
        %gt3A_1538 = vector.broadcast %gt3A_1537 : f32 to vector<16xf32>
        %gt3A_1539 = arith.cmpf ogt, %get3A_1536, %gt3A_1538 : vector<16xf32>
        %get3A_1540 = arith.constant 10 : i32
        %get3A_1541 = arith.index_cast %get3A_1540 : i32 to index
        %get3A_1542 = arith.index_cast %mul3A_128 : i32 to index
        %get3A_1543 = tpu.vector_load %arg10[%get3A_1541, %get3A_1542] {strides = array<i32>} : memref<32x512xf32, #tpu.memory_space<vmem>>, vector<1x16xf32>,
        %get3A_1544 = vector.shape_cast %get3A_1543 : vector<1x16xf32> to vector<16xf32>
        %gt3A_1545 = arith.constant 5.000000e-01 : f32
        %gt3A_1546 = vector.broadcast %gt3A_1545 : f32 to vector<16xf32>
        %gt3A_1547 = arith.cmpf ogt, %get3A_1544, %gt3A_1546 : vector<16xf32>
        %and3A_1548 = arith.andi %gt3A_1539, %gt3A_1547 : vector<16xi1>
        %abs3A_1549 = math.absf %get3A_1526 : vector<16xf32>
        %neg3A_1550 = arith.constant 0.000000e+00 : f32
        %neg3A_1551 = vector.broadcast %neg3A_1550 : f32 to vector<16xf32>
        %neg3A_1552 = arith.subf %neg3A_1551, %abs3A_1549 : vector<16xf32>
        %exp3A_1553 = math.exp %neg3A_1552 : vector<16xf32>
        %broadcast_in_dim3A_1554 = arith.constant 0.0101189017 : f32
        %broadcast_in_dim3A_1555 = vector.broadcast %broadcast_in_dim3A_1554 : f32 to vector<16xf32>
        %mul3A_1556 = arith.mulf %broadcast_in_dim3A_1555, %exp3A_1553 : vector<16xf32>
        %add3A_1557 = arith.constant -0.0526239537 : f32
        %add3A_1558 = vector.broadcast %add3A_1557 : f32 to vector<16xf32>
        %add3A_1559 = arith.addf %mul3A_1556, %add3A_1558 : vector<16xf32>
        %mul3A_1560 = arith.mulf %add3A_1559, %exp3A_1553 : vector<16xf32>
        %add3A_1561 = arith.constant 0.130763352 : f32
        %add3A_1562 = vector.broadcast %add3A_1561 : f32 to vector<16xf32>
        %add3A_1563 = arith.addf %mul3A_1560, %add3A_1562 : vector<16xf32>
        %mul3A_1564 = arith.mulf %add3A_1563, %exp3A_1553 : vector<16xf32>
        %add3A_1565 = arith.constant -0.222834721 : f32
        %add3A_1566 = vector.broadcast %add3A_1565 : f32 to vector<16xf32>
        %add3A_1567 = arith.addf %mul3A_1564, %add3A_1566 : vector<16xf32>
        %mul3A_1568 = arith.mulf %add3A_1567, %exp3A_1553 : vector<16xf32>
        %add3A_1569 = arith.constant 0.326972365 : f32
        %add3A_1570 = vector.broadcast %add3A_1569 : f32 to vector<16xf32>
        %add3A_1571 = arith.addf %mul3A_1568, %add3A_1570 : vector<16xf32>
        %mul3A_1572 = arith.mulf %add3A_1571, %exp3A_1553 : vector<16xf32>
        %add3A_1573 = arith.constant -0.499206394 : f32
        %add3A_1574 = vector.broadcast %add3A_1573 : f32 to vector<16xf32>
        %add3A_1575 = arith.addf %mul3A_1572, %add3A_1574 : vector<16xf32>
        %mul3A_1576 = arith.mulf %add3A_1575, %exp3A_1553 : vector<16xf32>
        %add3A_1577 = arith.constant 0.999957442 : f32
        %add3A_1578 = vector.broadcast %add3A_1577 : f32 to vector<16xf32>
        %add3A_1579 = arith.addf %mul3A_1576, %add3A_1578 : vector<16xf32>
        %mul3A_1580 = arith.mulf %add3A_1579, %exp3A_1553 : vector<16xf32>
        %add3A_1581 = arith.constant 5.62932996E-7 : f32
        %add3A_1582 = vector.broadcast %add3A_1581 : f32 to vector<16xf32>
        %add3A_1583 = arith.addf %mul3A_1580, %add3A_1582 : vector<16xf32>
        %neg3A_1584 = arith.constant 0.000000e+00 : f32
        %neg3A_1585 = vector.broadcast %neg3A_1584 : f32 to vector<16xf32>
        %neg3A_1586 = arith.subf %neg3A_1585, %get3A_1526 : vector<16xf32>
        %max3A_1587 = arith.constant 0.000000e+00 : f32
        %max3A_1588 = vector.broadcast %max3A_1587 : f32 to vector<16xf32>
        %max3A_1589 = arith.maximumf %neg3A_1586, %max3A_1588 : vector<16xf32>
        %add3A_1590 = arith.addf %max3A_1589, %add3A_1583 : vector<16xf32>
        %abs3A_1591 = math.absf %get3A_1531 : vector<16xf32>
        %neg3A_1592 = arith.constant 0.000000e+00 : f32
        %neg3A_1593 = vector.broadcast %neg3A_1592 : f32 to vector<16xf32>
        %neg3A_1594 = arith.subf %neg3A_1593, %abs3A_1591 : vector<16xf32>
        %exp3A_1595 = math.exp %neg3A_1594 : vector<16xf32>
        %broadcast_in_dim3A_1596 = arith.constant 0.0101189017 : f32
        %broadcast_in_dim3A_1597 = vector.broadcast %broadcast_in_dim3A_1596 : f32 to vector<16xf32>
        %mul3A_1598 = arith.mulf %broadcast_in_dim3A_1597, %exp3A_1595 : vector<16xf32>
        %add3A_1599 = arith.constant -0.0526239537 : f32
        %add3A_1600 = vector.broadcast %add3A_1599 : f32 to vector<16xf32>
        %add3A_1601 = arith.addf %mul3A_1598, %add3A_1600 : vector<16xf32>
        %mul3A_1602 = arith.mulf %add3A_1601, %exp3A_1595 : vector<16xf32>
        %add3A_1603 = arith.constant 0.130763352 : f32
        %add3A_1604 = vector.broadcast %add3A_1603 : f32 to vector<16xf32>
        %add3A_1605 = arith.addf %mul3A_1602, %add3A_1604 : vector<16xf32>
        %mul3A_1606 = arith.mulf %add3A_1605, %exp3A_1595 : vector<16xf32>
        %add3A_1607 = arith.constant -0.222834721 : f32
        %add3A_1608 = vector.broadcast %add3A_1607 : f32 to vector<16xf32>
        %add3A_1609 = arith.addf %mul3A_1606, %add3A_1608 : vector<16xf32>
        %mul3A_1610 = arith.mulf %add3A_1609, %exp3A_1595 : vector<16xf32>
        %add3A_1611 = arith.constant 0.326972365 : f32
        %add3A_1612 = vector.broadcast %add3A_1611 : f32 to vector<16xf32>
        %add3A_1613 = arith.addf %mul3A_1610, %add3A_1612 : vector<16xf32>
        %mul3A_1614 = arith.mulf %add3A_1613, %exp3A_1595 : vector<16xf32>
        %add3A_1615 = arith.constant -0.499206394 : f32
        %add3A_1616 = vector.broadcast %add3A_1615 : f32 to vector<16xf32>
        %add3A_1617 = arith.addf %mul3A_1614, %add3A_1616 : vector<16xf32>
        %mul3A_1618 = arith.mulf %add3A_1617, %exp3A_1595 : vector<16xf32>
        %add3A_1619 = arith.constant 0.999957442 : f32
        %add3A_1620 = vector.broadcast %add3A_1619 : f32 to vector<16xf32>
        %add3A_1621 = arith.addf %mul3A_1618, %add3A_1620 : vector<16xf32>
        %mul3A_1622 = arith.mulf %add3A_1621, %exp3A_1595 : vector<16xf32>
        %add3A_1623 = arith.constant 5.62932996E-7 : f32
        %add3A_1624 = vector.broadcast %add3A_1623 : f32 to vector<16xf32>
        %add3A_1625 = arith.addf %mul3A_1622, %add3A_1624 : vector<16xf32>
        %neg3A_1626 = arith.constant 0.000000e+00 : f32
        %neg3A_1627 = vector.broadcast %neg3A_1626 : f32 to vector<16xf32>
        %neg3A_1628 = arith.subf %neg3A_1627, %get3A_1531 : vector<16xf32>
        %max3A_1629 = arith.constant 0.000000e+00 : f32
        %max3A_1630 = vector.broadcast %max3A_1629 : f32 to vector<16xf32>
        %max3A_1631 = arith.maximumf %neg3A_1628, %max3A_1630 : vector<16xf32>
        %add3A_1632 = arith.addf %max3A_1631, %add3A_1625 : vector<16xf32>
        %add3A_1633 = arith.addf %add3A_1590, %add3A_1632 : vector<16xf32>
        %gt3A_1634 = arith.constant 6.000000e-01 : f32
        %gt3A_1635 = vector.broadcast %gt3A_1634 : f32 to vector<16xf32>
        %gt3A_1636 = arith.cmpf ogt, %get3A_1526, %gt3A_1635 : vector<16xf32>
        %lt3A_1637 = arith.constant 4.000000e-01 : f32
        %lt3A_1638 = vector.broadcast %lt3A_1637 : f32 to vector<16xf32>
        %lt3A_1639 = arith.cmpf olt, %get3A_1526, %lt3A_1638 : vector<16xf32>
        %or3A_1640 = arith.ori %gt3A_1636, %lt3A_1639 : vector<16xi1>
        %mul3A_1641 = arith.mulf %get3A_1526, %get3A_1531 : vector<16xf32>
        %jit3A_1642 = arith.constant 0.000000e+00 : f32
        %broadcast_in_dim3A_1643 = vector.broadcast %jit3A_1642 : f32 to vector<16xf32>
        %select_n3A_1644 = arith.select %or3A_1640, %mul3A_1641, %broadcast_in_dim3A_1643 : vector<16xi1>, vector<16xf32>
        %add3A_1645 = arith.addf %add3A_1633, %get3A_1526 : vector<16xf32>
        %add3A_1646 = arith.addf %add3A_1645, %get3A_1531 : vector<16xf32>
        %sub3A_1647 = arith.subf %add3A_1646, %select_n3A_1644 : vector<16xf32>
        %jit3A_1648 = arith.constant 0.000000e+00 : f32
        %broadcast_in_dim3A_1649 = vector.broadcast %jit3A_1648 : f32 to vector<16xf32>
        %select_n3A_1650 = arith.select %and3A_1548, %sub3A_1647, %broadcast_in_dim3A_1649 : vector<16xi1>, vector<16xf32>
        %add3A_1651 = arith.addf %add3A_1511, %select_n3A_1650 : vector<16xf32>
        %jit3A_1652 = arith.constant 0.000000e+00 : f32
        %broadcast_in_dim3A_1653 = vector.broadcast %jit3A_1652 : f32 to vector<16xf32>
        %select_n3A_1654 = arith.select %and3A_1548, %get3A_1526, %broadcast_in_dim3A_1653 : vector<16xi1>, vector<16xf32>
        %add3A_1655 = arith.addf %add3A_1515, %select_n3A_1654 : vector<16xf32>
        %jit3A_1656 = arith.constant 1.000000e+00 : f32
        %jit3A_1657 = arith.constant 0.000000e+00 : f32
        %broadcast_in_dim3A_1658 = vector.broadcast %jit3A_1656 : f32 to vector<16xf32>
        %broadcast_in_dim3A_1659 = vector.broadcast %jit3A_1657 : f32 to vector<16xf32>
        %select_n3A_1660 = arith.select %and3A_1548, %broadcast_in_dim3A_1658, %broadcast_in_dim3A_1659 : vector<16xi1>, vector<16xf32>
        %add3A_1661 = arith.addf %add3A_1521, %select_n3A_1660 : vector<16xf32>
        %get3A_1662 = arith.constant 11 : i32
        %get3A_1663 = arith.index_cast %get3A_1662 : i32 to index
        %get3A_1664 = arith.index_cast %mul3A_128 : i32 to index
        %get3A_1665 = tpu.vector_load %arg7[%get3A_1663, %get3A_1664] {strides = array<i32>} : memref<32x512xf32, #tpu.memory_space<vmem>>, vector<1x16xf32>,
        %get3A_1666 = vector.shape_cast %get3A_1665 : vector<1x16xf32> to vector<16xf32>
        %get3A_1667 = arith.constant 11 : i32
        %get3A_1668 = arith.index_cast %get3A_1667 : i32 to index
        %get3A_1669 = arith.index_cast %mul3A_128 : i32 to index
        %get3A_1670 = tpu.vector_load %arg8[%get3A_1668, %get3A_1669] {strides = array<i32>} : memref<32x512xf32, #tpu.memory_space<vmem>>, vector<1x16xf32>,
        %get3A_1671 = vector.shape_cast %get3A_1670 : vector<1x16xf32> to vector<16xf32>
        %get3A_1672 = arith.constant 11 : i32
        %get3A_1673 = arith.index_cast %get3A_1672 : i32 to index
        %get3A_1674 = arith.index_cast %mul3A_128 : i32 to index
        %get3A_1675 = tpu.vector_load %arg9[%get3A_1673, %get3A_1674] {strides = array<i32>} : memref<32x512xf32, #tpu.memory_space<vmem>>, vector<1x16xf32>,
        %get3A_1676 = vector.shape_cast %get3A_1675 : vector<1x16xf32> to vector<16xf32>
        %gt3A_1677 = arith.constant 5.000000e-01 : f32
        %gt3A_1678 = vector.broadcast %gt3A_1677 : f32 to vector<16xf32>
        %gt3A_1679 = arith.cmpf ogt, %get3A_1676, %gt3A_1678 : vector<16xf32>
        %get3A_1680 = arith.constant 11 : i32
        %get3A_1681 = arith.index_cast %get3A_1680 : i32 to index
        %get3A_1682 = arith.index_cast %mul3A_128 : i32 to index
        %get3A_1683 = tpu.vector_load %arg10[%get3A_1681, %get3A_1682] {strides = array<i32>} : memref<32x512xf32, #tpu.memory_space<vmem>>, vector<1x16xf32>,
        %get3A_1684 = vector.shape_cast %get3A_1683 : vector<1x16xf32> to vector<16xf32>
        %gt3A_1685 = arith.constant 5.000000e-01 : f32
        %gt3A_1686 = vector.broadcast %gt3A_1685 : f32 to vector<16xf32>
        %gt3A_1687 = arith.cmpf ogt, %get3A_1684, %gt3A_1686 : vector<16xf32>
        %and3A_1688 = arith.andi %gt3A_1679, %gt3A_1687 : vector<16xi1>
        %abs3A_1689 = math.absf %get3A_1666 : vector<16xf32>
        %neg3A_1690 = arith.constant 0.000000e+00 : f32
        %neg3A_1691 = vector.broadcast %neg3A_1690 : f32 to vector<16xf32>
        %neg3A_1692 = arith.subf %neg3A_1691, %abs3A_1689 : vector<16xf32>
        %exp3A_1693 = math.exp %neg3A_1692 : vector<16xf32>
        %broadcast_in_dim3A_1694 = arith.constant 0.0101189017 : f32
        %broadcast_in_dim3A_1695 = vector.broadcast %broadcast_in_dim3A_1694 : f32 to vector<16xf32>
        %mul3A_1696 = arith.mulf %broadcast_in_dim3A_1695, %exp3A_1693 : vector<16xf32>
        %add3A_1697 = arith.constant -0.0526239537 : f32
        %add3A_1698 = vector.broadcast %add3A_1697 : f32 to vector<16xf32>
        %add3A_1699 = arith.addf %mul3A_1696, %add3A_1698 : vector<16xf32>
        %mul3A_1700 = arith.mulf %add3A_1699, %exp3A_1693 : vector<16xf32>
        %add3A_1701 = arith.constant 0.130763352 : f32
        %add3A_1702 = vector.broadcast %add3A_1701 : f32 to vector<16xf32>
        %add3A_1703 = arith.addf %mul3A_1700, %add3A_1702 : vector<16xf32>
        %mul3A_1704 = arith.mulf %add3A_1703, %exp3A_1693 : vector<16xf32>
        %add3A_1705 = arith.constant -0.222834721 : f32
        %add3A_1706 = vector.broadcast %add3A_1705 : f32 to vector<16xf32>
        %add3A_1707 = arith.addf %mul3A_1704, %add3A_1706 : vector<16xf32>
        %mul3A_1708 = arith.mulf %add3A_1707, %exp3A_1693 : vector<16xf32>
        %add3A_1709 = arith.constant 0.326972365 : f32
        %add3A_1710 = vector.broadcast %add3A_1709 : f32 to vector<16xf32>
        %add3A_1711 = arith.addf %mul3A_1708, %add3A_1710 : vector<16xf32>
        %mul3A_1712 = arith.mulf %add3A_1711, %exp3A_1693 : vector<16xf32>
        %add3A_1713 = arith.constant -0.499206394 : f32
        %add3A_1714 = vector.broadcast %add3A_1713 : f32 to vector<16xf32>
        %add3A_1715 = arith.addf %mul3A_1712, %add3A_1714 : vector<16xf32>
        %mul3A_1716 = arith.mulf %add3A_1715, %exp3A_1693 : vector<16xf32>
        %add3A_1717 = arith.constant 0.999957442 : f32
        %add3A_1718 = vector.broadcast %add3A_1717 : f32 to vector<16xf32>
        %add3A_1719 = arith.addf %mul3A_1716, %add3A_1718 : vector<16xf32>
        %mul3A_1720 = arith.mulf %add3A_1719, %exp3A_1693 : vector<16xf32>
        %add3A_1721 = arith.constant 5.62932996E-7 : f32
        %add3A_1722 = vector.broadcast %add3A_1721 : f32 to vector<16xf32>
        %add3A_1723 = arith.addf %mul3A_1720, %add3A_1722 : vector<16xf32>
        %neg3A_1724 = arith.constant 0.000000e+00 : f32
        %neg3A_1725 = vector.broadcast %neg3A_1724 : f32 to vector<16xf32>
        %neg3A_1726 = arith.subf %neg3A_1725, %get3A_1666 : vector<16xf32>
        %max3A_1727 = arith.constant 0.000000e+00 : f32
        %max3A_1728 = vector.broadcast %max3A_1727 : f32 to vector<16xf32>
        %max3A_1729 = arith.maximumf %neg3A_1726, %max3A_1728 : vector<16xf32>
        %add3A_1730 = arith.addf %max3A_1729, %add3A_1723 : vector<16xf32>
        %abs3A_1731 = math.absf %get3A_1671 : vector<16xf32>
        %neg3A_1732 = arith.constant 0.000000e+00 : f32
        %neg3A_1733 = vector.broadcast %neg3A_1732 : f32 to vector<16xf32>
        %neg3A_1734 = arith.subf %neg3A_1733, %abs3A_1731 : vector<16xf32>
        %exp3A_1735 = math.exp %neg3A_1734 : vector<16xf32>
        %broadcast_in_dim3A_1736 = arith.constant 0.0101189017 : f32
        %broadcast_in_dim3A_1737 = vector.broadcast %broadcast_in_dim3A_1736 : f32 to vector<16xf32>
        %mul3A_1738 = arith.mulf %broadcast_in_dim3A_1737, %exp3A_1735 : vector<16xf32>
        %add3A_1739 = arith.constant -0.0526239537 : f32
        %add3A_1740 = vector.broadcast %add3A_1739 : f32 to vector<16xf32>
        %add3A_1741 = arith.addf %mul3A_1738, %add3A_1740 : vector<16xf32>
        %mul3A_1742 = arith.mulf %add3A_1741, %exp3A_1735 : vector<16xf32>
        %add3A_1743 = arith.constant 0.130763352 : f32
        %add3A_1744 = vector.broadcast %add3A_1743 : f32 to vector<16xf32>
        %add3A_1745 = arith.addf %mul3A_1742, %add3A_1744 : vector<16xf32>
        %mul3A_1746 = arith.mulf %add3A_1745, %exp3A_1735 : vector<16xf32>
        %add3A_1747 = arith.constant -0.222834721 : f32
        %add3A_1748 = vector.broadcast %add3A_1747 : f32 to vector<16xf32>
        %add3A_1749 = arith.addf %mul3A_1746, %add3A_1748 : vector<16xf32>
        %mul3A_1750 = arith.mulf %add3A_1749, %exp3A_1735 : vector<16xf32>
        %add3A_1751 = arith.constant 0.326972365 : f32
        %add3A_1752 = vector.broadcast %add3A_1751 : f32 to vector<16xf32>
        %add3A_1753 = arith.addf %mul3A_1750, %add3A_1752 : vector<16xf32>
        %mul3A_1754 = arith.mulf %add3A_1753, %exp3A_1735 : vector<16xf32>
        %add3A_1755 = arith.constant -0.499206394 : f32
        %add3A_1756 = vector.broadcast %add3A_1755 : f32 to vector<16xf32>
        %add3A_1757 = arith.addf %mul3A_1754, %add3A_1756 : vector<16xf32>
        %mul3A_1758 = arith.mulf %add3A_1757, %exp3A_1735 : vector<16xf32>
        %add3A_1759 = arith.constant 0.999957442 : f32
        %add3A_1760 = vector.broadcast %add3A_1759 : f32 to vector<16xf32>
        %add3A_1761 = arith.addf %mul3A_1758, %add3A_1760 : vector<16xf32>
        %mul3A_1762 = arith.mulf %add3A_1761, %exp3A_1735 : vector<16xf32>
        %add3A_1763 = arith.constant 5.62932996E-7 : f32
        %add3A_1764 = vector.broadcast %add3A_1763 : f32 to vector<16xf32>
        %add3A_1765 = arith.addf %mul3A_1762, %add3A_1764 : vector<16xf32>
        %neg3A_1766 = arith.constant 0.000000e+00 : f32
        %neg3A_1767 = vector.broadcast %neg3A_1766 : f32 to vector<16xf32>
        %neg3A_1768 = arith.subf %neg3A_1767, %get3A_1671 : vector<16xf32>
        %max3A_1769 = arith.constant 0.000000e+00 : f32
        %max3A_1770 = vector.broadcast %max3A_1769 : f32 to vector<16xf32>
        %max3A_1771 = arith.maximumf %neg3A_1768, %max3A_1770 : vector<16xf32>
        %add3A_1772 = arith.addf %max3A_1771, %add3A_1765 : vector<16xf32>
        %add3A_1773 = arith.addf %add3A_1730, %add3A_1772 : vector<16xf32>
        %gt3A_1774 = arith.constant 6.000000e-01 : f32
        %gt3A_1775 = vector.broadcast %gt3A_1774 : f32 to vector<16xf32>
        %gt3A_1776 = arith.cmpf ogt, %get3A_1666, %gt3A_1775 : vector<16xf32>
        %lt3A_1777 = arith.constant 4.000000e-01 : f32
        %lt3A_1778 = vector.broadcast %lt3A_1777 : f32 to vector<16xf32>
        %lt3A_1779 = arith.cmpf olt, %get3A_1666, %lt3A_1778 : vector<16xf32>
        %or3A_1780 = arith.ori %gt3A_1776, %lt3A_1779 : vector<16xi1>
        %mul3A_1781 = arith.mulf %get3A_1666, %get3A_1671 : vector<16xf32>
        %jit3A_1782 = arith.constant 0.000000e+00 : f32
        %broadcast_in_dim3A_1783 = vector.broadcast %jit3A_1782 : f32 to vector<16xf32>
        %select_n3A_1784 = arith.select %or3A_1780, %mul3A_1781, %broadcast_in_dim3A_1783 : vector<16xi1>, vector<16xf32>
        %add3A_1785 = arith.addf %add3A_1773, %get3A_1666 : vector<16xf32>
        %add3A_1786 = arith.addf %add3A_1785, %get3A_1671 : vector<16xf32>
        %sub3A_1787 = arith.subf %add3A_1786, %select_n3A_1784 : vector<16xf32>
        %jit3A_1788 = arith.constant 0.000000e+00 : f32
        %broadcast_in_dim3A_1789 = vector.broadcast %jit3A_1788 : f32 to vector<16xf32>
        %select_n3A_1790 = arith.select %and3A_1688, %sub3A_1787, %broadcast_in_dim3A_1789 : vector<16xi1>, vector<16xf32>
        %add3A_1791 = arith.addf %add3A_1651, %select_n3A_1790 : vector<16xf32>
        %jit3A_1792 = arith.constant 0.000000e+00 : f32
        %broadcast_in_dim3A_1793 = vector.broadcast %jit3A_1792 : f32 to vector<16xf32>
        %select_n3A_1794 = arith.select %and3A_1688, %get3A_1666, %broadcast_in_dim3A_1793 : vector<16xi1>, vector<16xf32>
        %add3A_1795 = arith.addf %add3A_1655, %select_n3A_1794 : vector<16xf32>
        %jit3A_1796 = arith.constant 1.000000e+00 : f32
        %jit3A_1797 = arith.constant 0.000000e+00 : f32
        %broadcast_in_dim3A_1798 = vector.broadcast %jit3A_1796 : f32 to vector<16xf32>
        %broadcast_in_dim3A_1799 = vector.broadcast %jit3A_1797 : f32 to vector<16xf32>
        %select_n3A_1800 = arith.select %and3A_1688, %broadcast_in_dim3A_1798, %broadcast_in_dim3A_1799 : vector<16xi1>, vector<16xf32>
        %add3A_1801 = arith.addf %add3A_1661, %select_n3A_1800 : vector<16xf32>
        %get3A_1802 = arith.constant 12 : i32
        %get3A_1803 = arith.index_cast %get3A_1802 : i32 to index
        %get3A_1804 = arith.index_cast %mul3A_128 : i32 to index
        %get3A_1805 = tpu.vector_load %arg7[%get3A_1803, %get3A_1804] {strides = array<i32>} : memref<32x512xf32, #tpu.memory_space<vmem>>, vector<1x16xf32>,
        %get3A_1806 = vector.shape_cast %get3A_1805 : vector<1x16xf32> to vector<16xf32>
        %get3A_1807 = arith.constant 12 : i32
        %get3A_1808 = arith.index_cast %get3A_1807 : i32 to index
        %get3A_1809 = arith.index_cast %mul3A_128 : i32 to index
        %get3A_1810 = tpu.vector_load %arg8[%get3A_1808, %get3A_1809] {strides = array<i32>} : memref<32x512xf32, #tpu.memory_space<vmem>>, vector<1x16xf32>,
        %get3A_1811 = vector.shape_cast %get3A_1810 : vector<1x16xf32> to vector<16xf32>
        %get3A_1812 = arith.constant 12 : i32
        %get3A_1813 = arith.index_cast %get3A_1812 : i32 to index
        %get3A_1814 = arith.index_cast %mul3A_128 : i32 to index
        %get3A_1815 = tpu.vector_load %arg9[%get3A_1813, %get3A_1814] {strides = array<i32>} : memref<32x512xf32, #tpu.memory_space<vmem>>, vector<1x16xf32>,
        %get3A_1816 = vector.shape_cast %get3A_1815 : vector<1x16xf32> to vector<16xf32>
        %gt3A_1817 = arith.constant 5.000000e-01 : f32
        %gt3A_1818 = vector.broadcast %gt3A_1817 : f32 to vector<16xf32>
        %gt3A_1819 = arith.cmpf ogt, %get3A_1816, %gt3A_1818 : vector<16xf32>
        %get3A_1820 = arith.constant 12 : i32
        %get3A_1821 = arith.index_cast %get3A_1820 : i32 to index
        %get3A_1822 = arith.index_cast %mul3A_128 : i32 to index
        %get3A_1823 = tpu.vector_load %arg10[%get3A_1821, %get3A_1822] {strides = array<i32>} : memref<32x512xf32, #tpu.memory_space<vmem>>, vector<1x16xf32>,
        %get3A_1824 = vector.shape_cast %get3A_1823 : vector<1x16xf32> to vector<16xf32>
        %gt3A_1825 = arith.constant 5.000000e-01 : f32
        %gt3A_1826 = vector.broadcast %gt3A_1825 : f32 to vector<16xf32>
        %gt3A_1827 = arith.cmpf ogt, %get3A_1824, %gt3A_1826 : vector<16xf32>
        %and3A_1828 = arith.andi %gt3A_1819, %gt3A_1827 : vector<16xi1>
        %abs3A_1829 = math.absf %get3A_1806 : vector<16xf32>
        %neg3A_1830 = arith.constant 0.000000e+00 : f32
        %neg3A_1831 = vector.broadcast %neg3A_1830 : f32 to vector<16xf32>
        %neg3A_1832 = arith.subf %neg3A_1831, %abs3A_1829 : vector<16xf32>
        %exp3A_1833 = math.exp %neg3A_1832 : vector<16xf32>
        %broadcast_in_dim3A_1834 = arith.constant 0.0101189017 : f32
        %broadcast_in_dim3A_1835 = vector.broadcast %broadcast_in_dim3A_1834 : f32 to vector<16xf32>
        %mul3A_1836 = arith.mulf %broadcast_in_dim3A_1835, %exp3A_1833 : vector<16xf32>
        %add3A_1837 = arith.constant -0.0526239537 : f32
        %add3A_1838 = vector.broadcast %add3A_1837 : f32 to vector<16xf32>
        %add3A_1839 = arith.addf %mul3A_1836, %add3A_1838 : vector<16xf32>
        %mul3A_1840 = arith.mulf %add3A_1839, %exp3A_1833 : vector<16xf32>
        %add3A_1841 = arith.constant 0.130763352 : f32
        %add3A_1842 = vector.broadcast %add3A_1841 : f32 to vector<16xf32>
        %add3A_1843 = arith.addf %mul3A_1840, %add3A_1842 : vector<16xf32>
        %mul3A_1844 = arith.mulf %add3A_1843, %exp3A_1833 : vector<16xf32>
        %add3A_1845 = arith.constant -0.222834721 : f32
        %add3A_1846 = vector.broadcast %add3A_1845 : f32 to vector<16xf32>
        %add3A_1847 = arith.addf %mul3A_1844, %add3A_1846 : vector<16xf32>
        %mul3A_1848 = arith.mulf %add3A_1847, %exp3A_1833 : vector<16xf32>
        %add3A_1849 = arith.constant 0.326972365 : f32
        %add3A_1850 = vector.broadcast %add3A_1849 : f32 to vector<16xf32>
        %add3A_1851 = arith.addf %mul3A_1848, %add3A_1850 : vector<16xf32>
        %mul3A_1852 = arith.mulf %add3A_1851, %exp3A_1833 : vector<16xf32>
        %add3A_1853 = arith.constant -0.499206394 : f32
        %add3A_1854 = vector.broadcast %add3A_1853 : f32 to vector<16xf32>
        %add3A_1855 = arith.addf %mul3A_1852, %add3A_1854 : vector<16xf32>
        %mul3A_1856 = arith.mulf %add3A_1855, %exp3A_1833 : vector<16xf32>
        %add3A_1857 = arith.constant 0.999957442 : f32
        %add3A_1858 = vector.broadcast %add3A_1857 : f32 to vector<16xf32>
        %add3A_1859 = arith.addf %mul3A_1856, %add3A_1858 : vector<16xf32>
        %mul3A_1860 = arith.mulf %add3A_1859, %exp3A_1833 : vector<16xf32>
        %add3A_1861 = arith.constant 5.62932996E-7 : f32
        %add3A_1862 = vector.broadcast %add3A_1861 : f32 to vector<16xf32>
        %add3A_1863 = arith.addf %mul3A_1860, %add3A_1862 : vector<16xf32>
        %neg3A_1864 = arith.constant 0.000000e+00 : f32
        %neg3A_1865 = vector.broadcast %neg3A_1864 : f32 to vector<16xf32>
        %neg3A_1866 = arith.subf %neg3A_1865, %get3A_1806 : vector<16xf32>
        %max3A_1867 = arith.constant 0.000000e+00 : f32
        %max3A_1868 = vector.broadcast %max3A_1867 : f32 to vector<16xf32>
        %max3A_1869 = arith.maximumf %neg3A_1866, %max3A_1868 : vector<16xf32>
        %add3A_1870 = arith.addf %max3A_1869, %add3A_1863 : vector<16xf32>
        %abs3A_1871 = math.absf %get3A_1811 : vector<16xf32>
        %neg3A_1872 = arith.constant 0.000000e+00 : f32
        %neg3A_1873 = vector.broadcast %neg3A_1872 : f32 to vector<16xf32>
        %neg3A_1874 = arith.subf %neg3A_1873, %abs3A_1871 : vector<16xf32>
        %exp3A_1875 = math.exp %neg3A_1874 : vector<16xf32>
        %broadcast_in_dim3A_1876 = arith.constant 0.0101189017 : f32
        %broadcast_in_dim3A_1877 = vector.broadcast %broadcast_in_dim3A_1876 : f32 to vector<16xf32>
        %mul3A_1878 = arith.mulf %broadcast_in_dim3A_1877, %exp3A_1875 : vector<16xf32>
        %add3A_1879 = arith.constant -0.0526239537 : f32
        %add3A_1880 = vector.broadcast %add3A_1879 : f32 to vector<16xf32>
        %add3A_1881 = arith.addf %mul3A_1878, %add3A_1880 : vector<16xf32>
        %mul3A_1882 = arith.mulf %add3A_1881, %exp3A_1875 : vector<16xf32>
        %add3A_1883 = arith.constant 0.130763352 : f32
        %add3A_1884 = vector.broadcast %add3A_1883 : f32 to vector<16xf32>
        %add3A_1885 = arith.addf %mul3A_1882, %add3A_1884 : vector<16xf32>
        %mul3A_1886 = arith.mulf %add3A_1885, %exp3A_1875 : vector<16xf32>
        %add3A_1887 = arith.constant -0.222834721 : f32
        %add3A_1888 = vector.broadcast %add3A_1887 : f32 to vector<16xf32>
        %add3A_1889 = arith.addf %mul3A_1886, %add3A_1888 : vector<16xf32>
        %mul3A_1890 = arith.mulf %add3A_1889, %exp3A_1875 : vector<16xf32>
        %add3A_1891 = arith.constant 0.326972365 : f32
        %add3A_1892 = vector.broadcast %add3A_1891 : f32 to vector<16xf32>
        %add3A_1893 = arith.addf %mul3A_1890, %add3A_1892 : vector<16xf32>
        %mul3A_1894 = arith.mulf %add3A_1893, %exp3A_1875 : vector<16xf32>
        %add3A_1895 = arith.constant -0.499206394 : f32
        %add3A_1896 = vector.broadcast %add3A_1895 : f32 to vector<16xf32>
        %add3A_1897 = arith.addf %mul3A_1894, %add3A_1896 : vector<16xf32>
        %mul3A_1898 = arith.mulf %add3A_1897, %exp3A_1875 : vector<16xf32>
        %add3A_1899 = arith.constant 0.999957442 : f32
        %add3A_1900 = vector.broadcast %add3A_1899 : f32 to vector<16xf32>
        %add3A_1901 = arith.addf %mul3A_1898, %add3A_1900 : vector<16xf32>
        %mul3A_1902 = arith.mulf %add3A_1901, %exp3A_1875 : vector<16xf32>
        %add3A_1903 = arith.constant 5.62932996E-7 : f32
        %add3A_1904 = vector.broadcast %add3A_1903 : f32 to vector<16xf32>
        %add3A_1905 = arith.addf %mul3A_1902, %add3A_1904 : vector<16xf32>
        %neg3A_1906 = arith.constant 0.000000e+00 : f32
        %neg3A_1907 = vector.broadcast %neg3A_1906 : f32 to vector<16xf32>
        %neg3A_1908 = arith.subf %neg3A_1907, %get3A_1811 : vector<16xf32>
        %max3A_1909 = arith.constant 0.000000e+00 : f32
        %max3A_1910 = vector.broadcast %max3A_1909 : f32 to vector<16xf32>
        %max3A_1911 = arith.maximumf %neg3A_1908, %max3A_1910 : vector<16xf32>
        %add3A_1912 = arith.addf %max3A_1911, %add3A_1905 : vector<16xf32>
        %add3A_1913 = arith.addf %add3A_1870, %add3A_1912 : vector<16xf32>
        %gt3A_1914 = arith.constant 6.000000e-01 : f32
        %gt3A_1915 = vector.broadcast %gt3A_1914 : f32 to vector<16xf32>
        %gt3A_1916 = arith.cmpf ogt, %get3A_1806, %gt3A_1915 : vector<16xf32>
        %lt3A_1917 = arith.constant 4.000000e-01 : f32
        %lt3A_1918 = vector.broadcast %lt3A_1917 : f32 to vector<16xf32>
        %lt3A_1919 = arith.cmpf olt, %get3A_1806, %lt3A_1918 : vector<16xf32>
        %or3A_1920 = arith.ori %gt3A_1916, %lt3A_1919 : vector<16xi1>
        %mul3A_1921 = arith.mulf %get3A_1806, %get3A_1811 : vector<16xf32>
        %jit3A_1922 = arith.constant 0.000000e+00 : f32
        %broadcast_in_dim3A_1923 = vector.broadcast %jit3A_1922 : f32 to vector<16xf32>
        %select_n3A_1924 = arith.select %or3A_1920, %mul3A_1921, %broadcast_in_dim3A_1923 : vector<16xi1>, vector<16xf32>
        %add3A_1925 = arith.addf %add3A_1913, %get3A_1806 : vector<16xf32>
        %add3A_1926 = arith.addf %add3A_1925, %get3A_1811 : vector<16xf32>
        %sub3A_1927 = arith.subf %add3A_1926, %select_n3A_1924 : vector<16xf32>
        %jit3A_1928 = arith.constant 0.000000e+00 : f32
        %broadcast_in_dim3A_1929 = vector.broadcast %jit3A_1928 : f32 to vector<16xf32>
        %select_n3A_1930 = arith.select %and3A_1828, %sub3A_1927, %broadcast_in_dim3A_1929 : vector<16xi1>, vector<16xf32>
        %add3A_1931 = arith.addf %add3A_1791, %select_n3A_1930 : vector<16xf32>
        %jit3A_1932 = arith.constant 0.000000e+00 : f32
        %broadcast_in_dim3A_1933 = vector.broadcast %jit3A_1932 : f32 to vector<16xf32>
        %select_n3A_1934 = arith.select %and3A_1828, %get3A_1806, %broadcast_in_dim3A_1933 : vector<16xi1>, vector<16xf32>
        %add3A_1935 = arith.addf %add3A_1795, %select_n3A_1934 : vector<16xf32>
        %jit3A_1936 = arith.constant 1.000000e+00 : f32
        %jit3A_1937 = arith.constant 0.000000e+00 : f32
        %broadcast_in_dim3A_1938 = vector.broadcast %jit3A_1936 : f32 to vector<16xf32>
        %broadcast_in_dim3A_1939 = vector.broadcast %jit3A_1937 : f32 to vector<16xf32>
        %select_n3A_1940 = arith.select %and3A_1828, %broadcast_in_dim3A_1938, %broadcast_in_dim3A_1939 : vector<16xi1>, vector<16xf32>
        %add3A_1941 = arith.addf %add3A_1801, %select_n3A_1940 : vector<16xf32>
        %get3A_1942 = arith.constant 13 : i32
        %get3A_1943 = arith.index_cast %get3A_1942 : i32 to index
        %get3A_1944 = arith.index_cast %mul3A_128 : i32 to index
        %get3A_1945 = tpu.vector_load %arg7[%get3A_1943, %get3A_1944] {strides = array<i32>} : memref<32x512xf32, #tpu.memory_space<vmem>>, vector<1x16xf32>,
        %get3A_1946 = vector.shape_cast %get3A_1945 : vector<1x16xf32> to vector<16xf32>
        %get3A_1947 = arith.constant 13 : i32
        %get3A_1948 = arith.index_cast %get3A_1947 : i32 to index
        %get3A_1949 = arith.index_cast %mul3A_128 : i32 to index
        %get3A_1950 = tpu.vector_load %arg8[%get3A_1948, %get3A_1949] {strides = array<i32>} : memref<32x512xf32, #tpu.memory_space<vmem>>, vector<1x16xf32>,
        %get3A_1951 = vector.shape_cast %get3A_1950 : vector<1x16xf32> to vector<16xf32>
        %get3A_1952 = arith.constant 13 : i32
        %get3A_1953 = arith.index_cast %get3A_1952 : i32 to index
        %get3A_1954 = arith.index_cast %mul3A_128 : i32 to index
        %get3A_1955 = tpu.vector_load %arg9[%get3A_1953, %get3A_1954] {strides = array<i32>} : memref<32x512xf32, #tpu.memory_space<vmem>>, vector<1x16xf32>,
        %get3A_1956 = vector.shape_cast %get3A_1955 : vector<1x16xf32> to vector<16xf32>
        %gt3A_1957 = arith.constant 5.000000e-01 : f32
        %gt3A_1958 = vector.broadcast %gt3A_1957 : f32 to vector<16xf32>
        %gt3A_1959 = arith.cmpf ogt, %get3A_1956, %gt3A_1958 : vector<16xf32>
        %get3A_1960 = arith.constant 13 : i32
        %get3A_1961 = arith.index_cast %get3A_1960 : i32 to index
        %get3A_1962 = arith.index_cast %mul3A_128 : i32 to index
        %get3A_1963 = tpu.vector_load %arg10[%get3A_1961, %get3A_1962] {strides = array<i32>} : memref<32x512xf32, #tpu.memory_space<vmem>>, vector<1x16xf32>,
        %get3A_1964 = vector.shape_cast %get3A_1963 : vector<1x16xf32> to vector<16xf32>
        %gt3A_1965 = arith.constant 5.000000e-01 : f32
        %gt3A_1966 = vector.broadcast %gt3A_1965 : f32 to vector<16xf32>
        %gt3A_1967 = arith.cmpf ogt, %get3A_1964, %gt3A_1966 : vector<16xf32>
        %and3A_1968 = arith.andi %gt3A_1959, %gt3A_1967 : vector<16xi1>
        %abs3A_1969 = math.absf %get3A_1946 : vector<16xf32>
        %neg3A_1970 = arith.constant 0.000000e+00 : f32
        %neg3A_1971 = vector.broadcast %neg3A_1970 : f32 to vector<16xf32>
        %neg3A_1972 = arith.subf %neg3A_1971, %abs3A_1969 : vector<16xf32>
        %exp3A_1973 = math.exp %neg3A_1972 : vector<16xf32>
        %broadcast_in_dim3A_1974 = arith.constant 0.0101189017 : f32
        %broadcast_in_dim3A_1975 = vector.broadcast %broadcast_in_dim3A_1974 : f32 to vector<16xf32>
        %mul3A_1976 = arith.mulf %broadcast_in_dim3A_1975, %exp3A_1973 : vector<16xf32>
        %add3A_1977 = arith.constant -0.0526239537 : f32
        %add3A_1978 = vector.broadcast %add3A_1977 : f32 to vector<16xf32>
        %add3A_1979 = arith.addf %mul3A_1976, %add3A_1978 : vector<16xf32>
        %mul3A_1980 = arith.mulf %add3A_1979, %exp3A_1973 : vector<16xf32>
        %add3A_1981 = arith.constant 0.130763352 : f32
        %add3A_1982 = vector.broadcast %add3A_1981 : f32 to vector<16xf32>
        %add3A_1983 = arith.addf %mul3A_1980, %add3A_1982 : vector<16xf32>
        %mul3A_1984 = arith.mulf %add3A_1983, %exp3A_1973 : vector<16xf32>
        %add3A_1985 = arith.constant -0.222834721 : f32
        %add3A_1986 = vector.broadcast %add3A_1985 : f32 to vector<16xf32>
        %add3A_1987 = arith.addf %mul3A_1984, %add3A_1986 : vector<16xf32>
        %mul3A_1988 = arith.mulf %add3A_1987, %exp3A_1973 : vector<16xf32>
        %add3A_1989 = arith.constant 0.326972365 : f32
        %add3A_1990 = vector.broadcast %add3A_1989 : f32 to vector<16xf32>
        %add3A_1991 = arith.addf %mul3A_1988, %add3A_1990 : vector<16xf32>
        %mul3A_1992 = arith.mulf %add3A_1991, %exp3A_1973 : vector<16xf32>
        %add3A_1993 = arith.constant -0.499206394 : f32
        %add3A_1994 = vector.broadcast %add3A_1993 : f32 to vector<16xf32>
        %add3A_1995 = arith.addf %mul3A_1992, %add3A_1994 : vector<16xf32>
        %mul3A_1996 = arith.mulf %add3A_1995, %exp3A_1973 : vector<16xf32>
        %add3A_1997 = arith.constant 0.999957442 : f32
        %add3A_1998 = vector.broadcast %add3A_1997 : f32 to vector<16xf32>
        %add3A_1999 = arith.addf %mul3A_1996, %add3A_1998 : vector<16xf32>
        %mul3A_2000 = arith.mulf %add3A_1999, %exp3A_1973 : vector<16xf32>
        %add3A_2001 = arith.constant 5.62932996E-7 : f32
        %add3A_2002 = vector.broadcast %add3A_2001 : f32 to vector<16xf32>
        %add3A_2003 = arith.addf %mul3A_2000, %add3A_2002 : vector<16xf32>
        %neg3A_2004 = arith.constant 0.000000e+00 : f32
        %neg3A_2005 = vector.broadcast %neg3A_2004 : f32 to vector<16xf32>
        %neg3A_2006 = arith.subf %neg3A_2005, %get3A_1946 : vector<16xf32>
        %max3A_2007 = arith.constant 0.000000e+00 : f32
        %max3A_2008 = vector.broadcast %max3A_2007 : f32 to vector<16xf32>
        %max3A_2009 = arith.maximumf %neg3A_2006, %max3A_2008 : vector<16xf32>
        %add3A_2010 = arith.addf %max3A_2009, %add3A_2003 : vector<16xf32>
        %abs3A_2011 = math.absf %get3A_1951 : vector<16xf32>
        %neg3A_2012 = arith.constant 0.000000e+00 : f32
        %neg3A_2013 = vector.broadcast %neg3A_2012 : f32 to vector<16xf32>
        %neg3A_2014 = arith.subf %neg3A_2013, %abs3A_2011 : vector<16xf32>
        %exp3A_2015 = math.exp %neg3A_2014 : vector<16xf32>
        %broadcast_in_dim3A_2016 = arith.constant 0.0101189017 : f32
        %broadcast_in_dim3A_2017 = vector.broadcast %broadcast_in_dim3A_2016 : f32 to vector<16xf32>
        %mul3A_2018 = arith.mulf %broadcast_in_dim3A_2017, %exp3A_2015 : vector<16xf32>
        %add3A_2019 = arith.constant -0.0526239537 : f32
        %add3A_2020 = vector.broadcast %add3A_2019 : f32 to vector<16xf32>
        %add3A_2021 = arith.addf %mul3A_2018, %add3A_2020 : vector<16xf32>
        %mul3A_2022 = arith.mulf %add3A_2021, %exp3A_2015 : vector<16xf32>
        %add3A_2023 = arith.constant 0.130763352 : f32
        %add3A_2024 = vector.broadcast %add3A_2023 : f32 to vector<16xf32>
        %add3A_2025 = arith.addf %mul3A_2022, %add3A_2024 : vector<16xf32>
        %mul3A_2026 = arith.mulf %add3A_2025, %exp3A_2015 : vector<16xf32>
        %add3A_2027 = arith.constant -0.222834721 : f32
        %add3A_2028 = vector.broadcast %add3A_2027 : f32 to vector<16xf32>
        %add3A_2029 = arith.addf %mul3A_2026, %add3A_2028 : vector<16xf32>
        %mul3A_2030 = arith.mulf %add3A_2029, %exp3A_2015 : vector<16xf32>
        %add3A_2031 = arith.constant 0.326972365 : f32
        %add3A_2032 = vector.broadcast %add3A_2031 : f32 to vector<16xf32>
        %add3A_2033 = arith.addf %mul3A_2030, %add3A_2032 : vector<16xf32>
        %mul3A_2034 = arith.mulf %add3A_2033, %exp3A_2015 : vector<16xf32>
        %add3A_2035 = arith.constant -0.499206394 : f32
        %add3A_2036 = vector.broadcast %add3A_2035 : f32 to vector<16xf32>
        %add3A_2037 = arith.addf %mul3A_2034, %add3A_2036 : vector<16xf32>
        %mul3A_2038 = arith.mulf %add3A_2037, %exp3A_2015 : vector<16xf32>
        %add3A_2039 = arith.constant 0.999957442 : f32
        %add3A_2040 = vector.broadcast %add3A_2039 : f32 to vector<16xf32>
        %add3A_2041 = arith.addf %mul3A_2038, %add3A_2040 : vector<16xf32>
        %mul3A_2042 = arith.mulf %add3A_2041, %exp3A_2015 : vector<16xf32>
        %add3A_2043 = arith.constant 5.62932996E-7 : f32
        %add3A_2044 = vector.broadcast %add3A_2043 : f32 to vector<16xf32>
        %add3A_2045 = arith.addf %mul3A_2042, %add3A_2044 : vector<16xf32>
        %neg3A_2046 = arith.constant 0.000000e+00 : f32
        %neg3A_2047 = vector.broadcast %neg3A_2046 : f32 to vector<16xf32>
        %neg3A_2048 = arith.subf %neg3A_2047, %get3A_1951 : vector<16xf32>
        %max3A_2049 = arith.constant 0.000000e+00 : f32
        %max3A_2050 = vector.broadcast %max3A_2049 : f32 to vector<16xf32>
        %max3A_2051 = arith.maximumf %neg3A_2048, %max3A_2050 : vector<16xf32>
        %add3A_2052 = arith.addf %max3A_2051, %add3A_2045 : vector<16xf32>
        %add3A_2053 = arith.addf %add3A_2010, %add3A_2052 : vector<16xf32>
        %gt3A_2054 = arith.constant 6.000000e-01 : f32
        %gt3A_2055 = vector.broadcast %gt3A_2054 : f32 to vector<16xf32>
        %gt3A_2056 = arith.cmpf ogt, %get3A_1946, %gt3A_2055 : vector<16xf32>
        %lt3A_2057 = arith.constant 4.000000e-01 : f32
        %lt3A_2058 = vector.broadcast %lt3A_2057 : f32 to vector<16xf32>
        %lt3A_2059 = arith.cmpf olt, %get3A_1946, %lt3A_2058 : vector<16xf32>
        %or3A_2060 = arith.ori %gt3A_2056, %lt3A_2059 : vector<16xi1>
        %mul3A_2061 = arith.mulf %get3A_1946, %get3A_1951 : vector<16xf32>
        %jit3A_2062 = arith.constant 0.000000e+00 : f32
        %broadcast_in_dim3A_2063 = vector.broadcast %jit3A_2062 : f32 to vector<16xf32>
        %select_n3A_2064 = arith.select %or3A_2060, %mul3A_2061, %broadcast_in_dim3A_2063 : vector<16xi1>, vector<16xf32>
        %add3A_2065 = arith.addf %add3A_2053, %get3A_1946 : vector<16xf32>
        %add3A_2066 = arith.addf %add3A_2065, %get3A_1951 : vector<16xf32>
        %sub3A_2067 = arith.subf %add3A_2066, %select_n3A_2064 : vector<16xf32>
        %jit3A_2068 = arith.constant 0.000000e+00 : f32
        %broadcast_in_dim3A_2069 = vector.broadcast %jit3A_2068 : f32 to vector<16xf32>
        %select_n3A_2070 = arith.select %and3A_1968, %sub3A_2067, %broadcast_in_dim3A_2069 : vector<16xi1>, vector<16xf32>
        %add3A_2071 = arith.addf %add3A_1931, %select_n3A_2070 : vector<16xf32>
        %jit3A_2072 = arith.constant 0.000000e+00 : f32
        %broadcast_in_dim3A_2073 = vector.broadcast %jit3A_2072 : f32 to vector<16xf32>
        %select_n3A_2074 = arith.select %and3A_1968, %get3A_1946, %broadcast_in_dim3A_2073 : vector<16xi1>, vector<16xf32>
        %add3A_2075 = arith.addf %add3A_1935, %select_n3A_2074 : vector<16xf32>
        %jit3A_2076 = arith.constant 1.000000e+00 : f32
        %jit3A_2077 = arith.constant 0.000000e+00 : f32
        %broadcast_in_dim3A_2078 = vector.broadcast %jit3A_2076 : f32 to vector<16xf32>
        %broadcast_in_dim3A_2079 = vector.broadcast %jit3A_2077 : f32 to vector<16xf32>
        %select_n3A_2080 = arith.select %and3A_1968, %broadcast_in_dim3A_2078, %broadcast_in_dim3A_2079 : vector<16xi1>, vector<16xf32>
        %add3A_2081 = arith.addf %add3A_1941, %select_n3A_2080 : vector<16xf32>
        %get3A_2082 = arith.constant 14 : i32
        %get3A_2083 = arith.index_cast %get3A_2082 : i32 to index
        %get3A_2084 = arith.index_cast %mul3A_128 : i32 to index
        %get3A_2085 = tpu.vector_load %arg7[%get3A_2083, %get3A_2084] {strides = array<i32>} : memref<32x512xf32, #tpu.memory_space<vmem>>, vector<1x16xf32>,
        %get3A_2086 = vector.shape_cast %get3A_2085 : vector<1x16xf32> to vector<16xf32>
        %get3A_2087 = arith.constant 14 : i32
        %get3A_2088 = arith.index_cast %get3A_2087 : i32 to index
        %get3A_2089 = arith.index_cast %mul3A_128 : i32 to index
        %get3A_2090 = tpu.vector_load %arg8[%get3A_2088, %get3A_2089] {strides = array<i32>} : memref<32x512xf32, #tpu.memory_space<vmem>>, vector<1x16xf32>,
        %get3A_2091 = vector.shape_cast %get3A_2090 : vector<1x16xf32> to vector<16xf32>
        %get3A_2092 = arith.constant 14 : i32
        %get3A_2093 = arith.index_cast %get3A_2092 : i32 to index
        %get3A_2094 = arith.index_cast %mul3A_128 : i32 to index
        %get3A_2095 = tpu.vector_load %arg9[%get3A_2093, %get3A_2094] {strides = array<i32>} : memref<32x512xf32, #tpu.memory_space<vmem>>, vector<1x16xf32>,
        %get3A_2096 = vector.shape_cast %get3A_2095 : vector<1x16xf32> to vector<16xf32>
        %gt3A_2097 = arith.constant 5.000000e-01 : f32
        %gt3A_2098 = vector.broadcast %gt3A_2097 : f32 to vector<16xf32>
        %gt3A_2099 = arith.cmpf ogt, %get3A_2096, %gt3A_2098 : vector<16xf32>
        %get3A_2100 = arith.constant 14 : i32
        %get3A_2101 = arith.index_cast %get3A_2100 : i32 to index
        %get3A_2102 = arith.index_cast %mul3A_128 : i32 to index
        %get3A_2103 = tpu.vector_load %arg10[%get3A_2101, %get3A_2102] {strides = array<i32>} : memref<32x512xf32, #tpu.memory_space<vmem>>, vector<1x16xf32>,
        %get3A_2104 = vector.shape_cast %get3A_2103 : vector<1x16xf32> to vector<16xf32>
        %gt3A_2105 = arith.constant 5.000000e-01 : f32
        %gt3A_2106 = vector.broadcast %gt3A_2105 : f32 to vector<16xf32>
        %gt3A_2107 = arith.cmpf ogt, %get3A_2104, %gt3A_2106 : vector<16xf32>
        %and3A_2108 = arith.andi %gt3A_2099, %gt3A_2107 : vector<16xi1>
        %abs3A_2109 = math.absf %get3A_2086 : vector<16xf32>
        %neg3A_2110 = arith.constant 0.000000e+00 : f32
        %neg3A_2111 = vector.broadcast %neg3A_2110 : f32 to vector<16xf32>
        %neg3A_2112 = arith.subf %neg3A_2111, %abs3A_2109 : vector<16xf32>
        %exp3A_2113 = math.exp %neg3A_2112 : vector<16xf32>
        %broadcast_in_dim3A_2114 = arith.constant 0.0101189017 : f32
        %broadcast_in_dim3A_2115 = vector.broadcast %broadcast_in_dim3A_2114 : f32 to vector<16xf32>
        %mul3A_2116 = arith.mulf %broadcast_in_dim3A_2115, %exp3A_2113 : vector<16xf32>
        %add3A_2117 = arith.constant -0.0526239537 : f32
        %add3A_2118 = vector.broadcast %add3A_2117 : f32 to vector<16xf32>
        %add3A_2119 = arith.addf %mul3A_2116, %add3A_2118 : vector<16xf32>
        %mul3A_2120 = arith.mulf %add3A_2119, %exp3A_2113 : vector<16xf32>
        %add3A_2121 = arith.constant 0.130763352 : f32
        %add3A_2122 = vector.broadcast %add3A_2121 : f32 to vector<16xf32>
        %add3A_2123 = arith.addf %mul3A_2120, %add3A_2122 : vector<16xf32>
        %mul3A_2124 = arith.mulf %add3A_2123, %exp3A_2113 : vector<16xf32>
        %add3A_2125 = arith.constant -0.222834721 : f32
        %add3A_2126 = vector.broadcast %add3A_2125 : f32 to vector<16xf32>
        %add3A_2127 = arith.addf %mul3A_2124, %add3A_2126 : vector<16xf32>
        %mul3A_2128 = arith.mulf %add3A_2127, %exp3A_2113 : vector<16xf32>
        %add3A_2129 = arith.constant 0.326972365 : f32
        %add3A_2130 = vector.broadcast %add3A_2129 : f32 to vector<16xf32>
        %add3A_2131 = arith.addf %mul3A_2128, %add3A_2130 : vector<16xf32>
        %mul3A_2132 = arith.mulf %add3A_2131, %exp3A_2113 : vector<16xf32>
        %add3A_2133 = arith.constant -0.499206394 : f32
        %add3A_2134 = vector.broadcast %add3A_2133 : f32 to vector<16xf32>
        %add3A_2135 = arith.addf %mul3A_2132, %add3A_2134 : vector<16xf32>
        %mul3A_2136 = arith.mulf %add3A_2135, %exp3A_2113 : vector<16xf32>
        %add3A_2137 = arith.constant 0.999957442 : f32
        %add3A_2138 = vector.broadcast %add3A_2137 : f32 to vector<16xf32>
        %add3A_2139 = arith.addf %mul3A_2136, %add3A_2138 : vector<16xf32>
        %mul3A_2140 = arith.mulf %add3A_2139, %exp3A_2113 : vector<16xf32>
        %add3A_2141 = arith.constant 5.62932996E-7 : f32
        %add3A_2142 = vector.broadcast %add3A_2141 : f32 to vector<16xf32>
        %add3A_2143 = arith.addf %mul3A_2140, %add3A_2142 : vector<16xf32>
        %neg3A_2144 = arith.constant 0.000000e+00 : f32
        %neg3A_2145 = vector.broadcast %neg3A_2144 : f32 to vector<16xf32>
        %neg3A_2146 = arith.subf %neg3A_2145, %get3A_2086 : vector<16xf32>
        %max3A_2147 = arith.constant 0.000000e+00 : f32
        %max3A_2148 = vector.broadcast %max3A_2147 : f32 to vector<16xf32>
        %max3A_2149 = arith.maximumf %neg3A_2146, %max3A_2148 : vector<16xf32>
        %add3A_2150 = arith.addf %max3A_2149, %add3A_2143 : vector<16xf32>
        %abs3A_2151 = math.absf %get3A_2091 : vector<16xf32>
        %neg3A_2152 = arith.constant 0.000000e+00 : f32
        %neg3A_2153 = vector.broadcast %neg3A_2152 : f32 to vector<16xf32>
        %neg3A_2154 = arith.subf %neg3A_2153, %abs3A_2151 : vector<16xf32>
        %exp3A_2155 = math.exp %neg3A_2154 : vector<16xf32>
        %broadcast_in_dim3A_2156 = arith.constant 0.0101189017 : f32
        %broadcast_in_dim3A_2157 = vector.broadcast %broadcast_in_dim3A_2156 : f32 to vector<16xf32>
        %mul3A_2158 = arith.mulf %broadcast_in_dim3A_2157, %exp3A_2155 : vector<16xf32>
        %add3A_2159 = arith.constant -0.0526239537 : f32
        %add3A_2160 = vector.broadcast %add3A_2159 : f32 to vector<16xf32>
        %add3A_2161 = arith.addf %mul3A_2158, %add3A_2160 : vector<16xf32>
        %mul3A_2162 = arith.mulf %add3A_2161, %exp3A_2155 : vector<16xf32>
        %add3A_2163 = arith.constant 0.130763352 : f32
        %add3A_2164 = vector.broadcast %add3A_2163 : f32 to vector<16xf32>
        %add3A_2165 = arith.addf %mul3A_2162, %add3A_2164 : vector<16xf32>
        %mul3A_2166 = arith.mulf %add3A_2165, %exp3A_2155 : vector<16xf32>
        %add3A_2167 = arith.constant -0.222834721 : f32
        %add3A_2168 = vector.broadcast %add3A_2167 : f32 to vector<16xf32>
        %add3A_2169 = arith.addf %mul3A_2166, %add3A_2168 : vector<16xf32>
        %mul3A_2170 = arith.mulf %add3A_2169, %exp3A_2155 : vector<16xf32>
        %add3A_2171 = arith.constant 0.326972365 : f32
        %add3A_2172 = vector.broadcast %add3A_2171 : f32 to vector<16xf32>
        %add3A_2173 = arith.addf %mul3A_2170, %add3A_2172 : vector<16xf32>
        %mul3A_2174 = arith.mulf %add3A_2173, %exp3A_2155 : vector<16xf32>
        %add3A_2175 = arith.constant -0.499206394 : f32
        %add3A_2176 = vector.broadcast %add3A_2175 : f32 to vector<16xf32>
        %add3A_2177 = arith.addf %mul3A_2174, %add3A_2176 : vector<16xf32>
        %mul3A_2178 = arith.mulf %add3A_2177, %exp3A_2155 : vector<16xf32>
        %add3A_2179 = arith.constant 0.999957442 : f32
        %add3A_2180 = vector.broadcast %add3A_2179 : f32 to vector<16xf32>
        %add3A_2181 = arith.addf %mul3A_2178, %add3A_2180 : vector<16xf32>
        %mul3A_2182 = arith.mulf %add3A_2181, %exp3A_2155 : vector<16xf32>
        %add3A_2183 = arith.constant 5.62932996E-7 : f32
        %add3A_2184 = vector.broadcast %add3A_2183 : f32 to vector<16xf32>
        %add3A_2185 = arith.addf %mul3A_2182, %add3A_2184 : vector<16xf32>
        %neg3A_2186 = arith.constant 0.000000e+00 : f32
        %neg3A_2187 = vector.broadcast %neg3A_2186 : f32 to vector<16xf32>
        %neg3A_2188 = arith.subf %neg3A_2187, %get3A_2091 : vector<16xf32>
        %max3A_2189 = arith.constant 0.000000e+00 : f32
        %max3A_2190 = vector.broadcast %max3A_2189 : f32 to vector<16xf32>
        %max3A_2191 = arith.maximumf %neg3A_2188, %max3A_2190 : vector<16xf32>
        %add3A_2192 = arith.addf %max3A_2191, %add3A_2185 : vector<16xf32>
        %add3A_2193 = arith.addf %add3A_2150, %add3A_2192 : vector<16xf32>
        %gt3A_2194 = arith.constant 6.000000e-01 : f32
        %gt3A_2195 = vector.broadcast %gt3A_2194 : f32 to vector<16xf32>
        %gt3A_2196 = arith.cmpf ogt, %get3A_2086, %gt3A_2195 : vector<16xf32>
        %lt3A_2197 = arith.constant 4.000000e-01 : f32
        %lt3A_2198 = vector.broadcast %lt3A_2197 : f32 to vector<16xf32>
        %lt3A_2199 = arith.cmpf olt, %get3A_2086, %lt3A_2198 : vector<16xf32>
        %or3A_2200 = arith.ori %gt3A_2196, %lt3A_2199 : vector<16xi1>
        %mul3A_2201 = arith.mulf %get3A_2086, %get3A_2091 : vector<16xf32>
        %jit3A_2202 = arith.constant 0.000000e+00 : f32
        %broadcast_in_dim3A_2203 = vector.broadcast %jit3A_2202 : f32 to vector<16xf32>
        %select_n3A_2204 = arith.select %or3A_2200, %mul3A_2201, %broadcast_in_dim3A_2203 : vector<16xi1>, vector<16xf32>
        %add3A_2205 = arith.addf %add3A_2193, %get3A_2086 : vector<16xf32>
        %add3A_2206 = arith.addf %add3A_2205, %get3A_2091 : vector<16xf32>
        %sub3A_2207 = arith.subf %add3A_2206, %select_n3A_2204 : vector<16xf32>
        %jit3A_2208 = arith.constant 0.000000e+00 : f32
        %broadcast_in_dim3A_2209 = vector.broadcast %jit3A_2208 : f32 to vector<16xf32>
        %select_n3A_2210 = arith.select %and3A_2108, %sub3A_2207, %broadcast_in_dim3A_2209 : vector<16xi1>, vector<16xf32>
        %add3A_2211 = arith.addf %add3A_2071, %select_n3A_2210 : vector<16xf32>
        %jit3A_2212 = arith.constant 0.000000e+00 : f32
        %broadcast_in_dim3A_2213 = vector.broadcast %jit3A_2212 : f32 to vector<16xf32>
        %select_n3A_2214 = arith.select %and3A_2108, %get3A_2086, %broadcast_in_dim3A_2213 : vector<16xi1>, vector<16xf32>
        %add3A_2215 = arith.addf %add3A_2075, %select_n3A_2214 : vector<16xf32>
        %jit3A_2216 = arith.constant 1.000000e+00 : f32
        %jit3A_2217 = arith.constant 0.000000e+00 : f32
        %broadcast_in_dim3A_2218 = vector.broadcast %jit3A_2216 : f32 to vector<16xf32>
        %broadcast_in_dim3A_2219 = vector.broadcast %jit3A_2217 : f32 to vector<16xf32>
        %select_n3A_2220 = arith.select %and3A_2108, %broadcast_in_dim3A_2218, %broadcast_in_dim3A_2219 : vector<16xi1>, vector<16xf32>
        %add3A_2221 = arith.addf %add3A_2081, %select_n3A_2220 : vector<16xf32>
        %get3A_2222 = arith.constant 15 : i32
        %get3A_2223 = arith.index_cast %get3A_2222 : i32 to index
        %get3A_2224 = arith.index_cast %mul3A_128 : i32 to index
        %get3A_2225 = tpu.vector_load %arg7[%get3A_2223, %get3A_2224] {strides = array<i32>} : memref<32x512xf32, #tpu.memory_space<vmem>>, vector<1x16xf32>,
        %get3A_2226 = vector.shape_cast %get3A_2225 : vector<1x16xf32> to vector<16xf32>
        %get3A_2227 = arith.constant 15 : i32
        %get3A_2228 = arith.index_cast %get3A_2227 : i32 to index
        %get3A_2229 = arith.index_cast %mul3A_128 : i32 to index
        %get3A_2230 = tpu.vector_load %arg8[%get3A_2228, %get3A_2229] {strides = array<i32>} : memref<32x512xf32, #tpu.memory_space<vmem>>, vector<1x16xf32>,
        %get3A_2231 = vector.shape_cast %get3A_2230 : vector<1x16xf32> to vector<16xf32>
        %get3A_2232 = arith.constant 15 : i32
        %get3A_2233 = arith.index_cast %get3A_2232 : i32 to index
        %get3A_2234 = arith.index_cast %mul3A_128 : i32 to index
        %get3A_2235 = tpu.vector_load %arg9[%get3A_2233, %get3A_2234] {strides = array<i32>} : memref<32x512xf32, #tpu.memory_space<vmem>>, vector<1x16xf32>,
        %get3A_2236 = vector.shape_cast %get3A_2235 : vector<1x16xf32> to vector<16xf32>
        %gt3A_2237 = arith.constant 5.000000e-01 : f32
        %gt3A_2238 = vector.broadcast %gt3A_2237 : f32 to vector<16xf32>
        %gt3A_2239 = arith.cmpf ogt, %get3A_2236, %gt3A_2238 : vector<16xf32>
        %get3A_2240 = arith.constant 15 : i32
        %get3A_2241 = arith.index_cast %get3A_2240 : i32 to index
        %get3A_2242 = arith.index_cast %mul3A_128 : i32 to index
        %get3A_2243 = tpu.vector_load %arg10[%get3A_2241, %get3A_2242] {strides = array<i32>} : memref<32x512xf32, #tpu.memory_space<vmem>>, vector<1x16xf32>,
        %get3A_2244 = vector.shape_cast %get3A_2243 : vector<1x16xf32> to vector<16xf32>
        %gt3A_2245 = arith.constant 5.000000e-01 : f32
        %gt3A_2246 = vector.broadcast %gt3A_2245 : f32 to vector<16xf32>
        %gt3A_2247 = arith.cmpf ogt, %get3A_2244, %gt3A_2246 : vector<16xf32>
        %and3A_2248 = arith.andi %gt3A_2239, %gt3A_2247 : vector<16xi1>
        %abs3A_2249 = math.absf %get3A_2226 : vector<16xf32>
        %neg3A_2250 = arith.constant 0.000000e+00 : f32
        %neg3A_2251 = vector.broadcast %neg3A_2250 : f32 to vector<16xf32>
        %neg3A_2252 = arith.subf %neg3A_2251, %abs3A_2249 : vector<16xf32>
        %exp3A_2253 = math.exp %neg3A_2252 : vector<16xf32>
        %broadcast_in_dim3A_2254 = arith.constant 0.0101189017 : f32
        %broadcast_in_dim3A_2255 = vector.broadcast %broadcast_in_dim3A_2254 : f32 to vector<16xf32>
        %mul3A_2256 = arith.mulf %broadcast_in_dim3A_2255, %exp3A_2253 : vector<16xf32>
        %add3A_2257 = arith.constant -0.0526239537 : f32
        %add3A_2258 = vector.broadcast %add3A_2257 : f32 to vector<16xf32>
        %add3A_2259 = arith.addf %mul3A_2256, %add3A_2258 : vector<16xf32>
        %mul3A_2260 = arith.mulf %add3A_2259, %exp3A_2253 : vector<16xf32>
        %add3A_2261 = arith.constant 0.130763352 : f32
        %add3A_2262 = vector.broadcast %add3A_2261 : f32 to vector<16xf32>
        %add3A_2263 = arith.addf %mul3A_2260, %add3A_2262 : vector<16xf32>
        %mul3A_2264 = arith.mulf %add3A_2263, %exp3A_2253 : vector<16xf32>
        %add3A_2265 = arith.constant -0.222834721 : f32
        %add3A_2266 = vector.broadcast %add3A_2265 : f32 to vector<16xf32>
        %add3A_2267 = arith.addf %mul3A_2264, %add3A_2266 : vector<16xf32>
        %mul3A_2268 = arith.mulf %add3A_2267, %exp3A_2253 : vector<16xf32>
        %add3A_2269 = arith.constant 0.326972365 : f32
        %add3A_2270 = vector.broadcast %add3A_2269 : f32 to vector<16xf32>
        %add3A_2271 = arith.addf %mul3A_2268, %add3A_2270 : vector<16xf32>
        %mul3A_2272 = arith.mulf %add3A_2271, %exp3A_2253 : vector<16xf32>
        %add3A_2273 = arith.constant -0.499206394 : f32
        %add3A_2274 = vector.broadcast %add3A_2273 : f32 to vector<16xf32>
        %add3A_2275 = arith.addf %mul3A_2272, %add3A_2274 : vector<16xf32>
        %mul3A_2276 = arith.mulf %add3A_2275, %exp3A_2253 : vector<16xf32>
        %add3A_2277 = arith.constant 0.999957442 : f32
        %add3A_2278 = vector.broadcast %add3A_2277 : f32 to vector<16xf32>
        %add3A_2279 = arith.addf %mul3A_2276, %add3A_2278 : vector<16xf32>
        %mul3A_2280 = arith.mulf %add3A_2279, %exp3A_2253 : vector<16xf32>
        %add3A_2281 = arith.constant 5.62932996E-7 : f32
        %add3A_2282 = vector.broadcast %add3A_2281 : f32 to vector<16xf32>
        %add3A_2283 = arith.addf %mul3A_2280, %add3A_2282 : vector<16xf32>
        %neg3A_2284 = arith.constant 0.000000e+00 : f32
        %neg3A_2285 = vector.broadcast %neg3A_2284 : f32 to vector<16xf32>
        %neg3A_2286 = arith.subf %neg3A_2285, %get3A_2226 : vector<16xf32>
        %max3A_2287 = arith.constant 0.000000e+00 : f32
        %max3A_2288 = vector.broadcast %max3A_2287 : f32 to vector<16xf32>
        %max3A_2289 = arith.maximumf %neg3A_2286, %max3A_2288 : vector<16xf32>
        %add3A_2290 = arith.addf %max3A_2289, %add3A_2283 : vector<16xf32>
        %abs3A_2291 = math.absf %get3A_2231 : vector<16xf32>
        %neg3A_2292 = arith.constant 0.000000e+00 : f32
        %neg3A_2293 = vector.broadcast %neg3A_2292 : f32 to vector<16xf32>
        %neg3A_2294 = arith.subf %neg3A_2293, %abs3A_2291 : vector<16xf32>
        %exp3A_2295 = math.exp %neg3A_2294 : vector<16xf32>
        %broadcast_in_dim3A_2296 = arith.constant 0.0101189017 : f32
        %broadcast_in_dim3A_2297 = vector.broadcast %broadcast_in_dim3A_2296 : f32 to vector<16xf32>
        %mul3A_2298 = arith.mulf %broadcast_in_dim3A_2297, %exp3A_2295 : vector<16xf32>
        %add3A_2299 = arith.constant -0.0526239537 : f32
        %add3A_2300 = vector.broadcast %add3A_2299 : f32 to vector<16xf32>
        %add3A_2301 = arith.addf %mul3A_2298, %add3A_2300 : vector<16xf32>
        %mul3A_2302 = arith.mulf %add3A_2301, %exp3A_2295 : vector<16xf32>
        %add3A_2303 = arith.constant 0.130763352 : f32
        %add3A_2304 = vector.broadcast %add3A_2303 : f32 to vector<16xf32>
        %add3A_2305 = arith.addf %mul3A_2302, %add3A_2304 : vector<16xf32>
        %mul3A_2306 = arith.mulf %add3A_2305, %exp3A_2295 : vector<16xf32>
        %add3A_2307 = arith.constant -0.222834721 : f32
        %add3A_2308 = vector.broadcast %add3A_2307 : f32 to vector<16xf32>
        %add3A_2309 = arith.addf %mul3A_2306, %add3A_2308 : vector<16xf32>
        %mul3A_2310 = arith.mulf %add3A_2309, %exp3A_2295 : vector<16xf32>
        %add3A_2311 = arith.constant 0.326972365 : f32
        %add3A_2312 = vector.broadcast %add3A_2311 : f32 to vector<16xf32>
        %add3A_2313 = arith.addf %mul3A_2310, %add3A_2312 : vector<16xf32>
        %mul3A_2314 = arith.mulf %add3A_2313, %exp3A_2295 : vector<16xf32>
        %add3A_2315 = arith.constant -0.499206394 : f32
        %add3A_2316 = vector.broadcast %add3A_2315 : f32 to vector<16xf32>
        %add3A_2317 = arith.addf %mul3A_2314, %add3A_2316 : vector<16xf32>
        %mul3A_2318 = arith.mulf %add3A_2317, %exp3A_2295 : vector<16xf32>
        %add3A_2319 = arith.constant 0.999957442 : f32
        %add3A_2320 = vector.broadcast %add3A_2319 : f32 to vector<16xf32>
        %add3A_2321 = arith.addf %mul3A_2318, %add3A_2320 : vector<16xf32>
        %mul3A_2322 = arith.mulf %add3A_2321, %exp3A_2295 : vector<16xf32>
        %add3A_2323 = arith.constant 5.62932996E-7 : f32
        %add3A_2324 = vector.broadcast %add3A_2323 : f32 to vector<16xf32>
        %add3A_2325 = arith.addf %mul3A_2322, %add3A_2324 : vector<16xf32>
        %neg3A_2326 = arith.constant 0.000000e+00 : f32
        %neg3A_2327 = vector.broadcast %neg3A_2326 : f32 to vector<16xf32>
        %neg3A_2328 = arith.subf %neg3A_2327, %get3A_2231 : vector<16xf32>
        %max3A_2329 = arith.constant 0.000000e+00 : f32
        %max3A_2330 = vector.broadcast %max3A_2329 : f32 to vector<16xf32>
        %max3A_2331 = arith.maximumf %neg3A_2328, %max3A_2330 : vector<16xf32>
        %add3A_2332 = arith.addf %max3A_2331, %add3A_2325 : vector<16xf32>
        %add3A_2333 = arith.addf %add3A_2290, %add3A_2332 : vector<16xf32>
        %gt3A_2334 = arith.constant 6.000000e-01 : f32
        %gt3A_2335 = vector.broadcast %gt3A_2334 : f32 to vector<16xf32>
        %gt3A_2336 = arith.cmpf ogt, %get3A_2226, %gt3A_2335 : vector<16xf32>
        %lt3A_2337 = arith.constant 4.000000e-01 : f32
        %lt3A_2338 = vector.broadcast %lt3A_2337 : f32 to vector<16xf32>
        %lt3A_2339 = arith.cmpf olt, %get3A_2226, %lt3A_2338 : vector<16xf32>
        %or3A_2340 = arith.ori %gt3A_2336, %lt3A_2339 : vector<16xi1>
        %mul3A_2341 = arith.mulf %get3A_2226, %get3A_2231 : vector<16xf32>
        %jit3A_2342 = arith.constant 0.000000e+00 : f32
        %broadcast_in_dim3A_2343 = vector.broadcast %jit3A_2342 : f32 to vector<16xf32>
        %select_n3A_2344 = arith.select %or3A_2340, %mul3A_2341, %broadcast_in_dim3A_2343 : vector<16xi1>, vector<16xf32>
        %add3A_2345 = arith.addf %add3A_2333, %get3A_2226 : vector<16xf32>
        %add3A_2346 = arith.addf %add3A_2345, %get3A_2231 : vector<16xf32>
        %sub3A_2347 = arith.subf %add3A_2346, %select_n3A_2344 : vector<16xf32>
        %jit3A_2348 = arith.constant 0.000000e+00 : f32
        %broadcast_in_dim3A_2349 = vector.broadcast %jit3A_2348 : f32 to vector<16xf32>
        %select_n3A_2350 = arith.select %and3A_2248, %sub3A_2347, %broadcast_in_dim3A_2349 : vector<16xi1>, vector<16xf32>
        %add3A_2351 = arith.addf %add3A_2211, %select_n3A_2350 : vector<16xf32>
        %jit3A_2352 = arith.constant 0.000000e+00 : f32
        %broadcast_in_dim3A_2353 = vector.broadcast %jit3A_2352 : f32 to vector<16xf32>
        %select_n3A_2354 = arith.select %and3A_2248, %get3A_2226, %broadcast_in_dim3A_2353 : vector<16xi1>, vector<16xf32>
        %add3A_2355 = arith.addf %add3A_2215, %select_n3A_2354 : vector<16xf32>
        %jit3A_2356 = arith.constant 1.000000e+00 : f32
        %jit3A_2357 = arith.constant 0.000000e+00 : f32
        %broadcast_in_dim3A_2358 = vector.broadcast %jit3A_2356 : f32 to vector<16xf32>
        %broadcast_in_dim3A_2359 = vector.broadcast %jit3A_2357 : f32 to vector<16xf32>
        %select_n3A_2360 = arith.select %and3A_2248, %broadcast_in_dim3A_2358, %broadcast_in_dim3A_2359 : vector<16xi1>, vector<16xf32>
        %add3A_2361 = arith.addf %add3A_2221, %select_n3A_2360 : vector<16xf32>
        %get3A_2362 = arith.constant 16 : i32
        %get3A_2363 = arith.index_cast %get3A_2362 : i32 to index
        %get3A_2364 = arith.index_cast %mul3A_128 : i32 to index
        %get3A_2365 = tpu.vector_load %arg7[%get3A_2363, %get3A_2364] {strides = array<i32>} : memref<32x512xf32, #tpu.memory_space<vmem>>, vector<1x16xf32>,
        %get3A_2366 = vector.shape_cast %get3A_2365 : vector<1x16xf32> to vector<16xf32>
        %get3A_2367 = arith.constant 16 : i32
        %get3A_2368 = arith.index_cast %get3A_2367 : i32 to index
        %get3A_2369 = arith.index_cast %mul3A_128 : i32 to index
        %get3A_2370 = tpu.vector_load %arg8[%get3A_2368, %get3A_2369] {strides = array<i32>} : memref<32x512xf32, #tpu.memory_space<vmem>>, vector<1x16xf32>,
        %get3A_2371 = vector.shape_cast %get3A_2370 : vector<1x16xf32> to vector<16xf32>
        %get3A_2372 = arith.constant 16 : i32
        %get3A_2373 = arith.index_cast %get3A_2372 : i32 to index
        %get3A_2374 = arith.index_cast %mul3A_128 : i32 to index
        %get3A_2375 = tpu.vector_load %arg9[%get3A_2373, %get3A_2374] {strides = array<i32>} : memref<32x512xf32, #tpu.memory_space<vmem>>, vector<1x16xf32>,
        %get3A_2376 = vector.shape_cast %get3A_2375 : vector<1x16xf32> to vector<16xf32>
        %gt3A_2377 = arith.constant 5.000000e-01 : f32
        %gt3A_2378 = vector.broadcast %gt3A_2377 : f32 to vector<16xf32>
        %gt3A_2379 = arith.cmpf ogt, %get3A_2376, %gt3A_2378 : vector<16xf32>
        %get3A_2380 = arith.constant 16 : i32
        %get3A_2381 = arith.index_cast %get3A_2380 : i32 to index
        %get3A_2382 = arith.index_cast %mul3A_128 : i32 to index
        %get3A_2383 = tpu.vector_load %arg10[%get3A_2381, %get3A_2382] {strides = array<i32>} : memref<32x512xf32, #tpu.memory_space<vmem>>, vector<1x16xf32>,
        %get3A_2384 = vector.shape_cast %get3A_2383 : vector<1x16xf32> to vector<16xf32>
        %gt3A_2385 = arith.constant 5.000000e-01 : f32
        %gt3A_2386 = vector.broadcast %gt3A_2385 : f32 to vector<16xf32>
        %gt3A_2387 = arith.cmpf ogt, %get3A_2384, %gt3A_2386 : vector<16xf32>
        %and3A_2388 = arith.andi %gt3A_2379, %gt3A_2387 : vector<16xi1>
        %abs3A_2389 = math.absf %get3A_2366 : vector<16xf32>
        %neg3A_2390 = arith.constant 0.000000e+00 : f32
        %neg3A_2391 = vector.broadcast %neg3A_2390 : f32 to vector<16xf32>
        %neg3A_2392 = arith.subf %neg3A_2391, %abs3A_2389 : vector<16xf32>
        %exp3A_2393 = math.exp %neg3A_2392 : vector<16xf32>
        %broadcast_in_dim3A_2394 = arith.constant 0.0101189017 : f32
        %broadcast_in_dim3A_2395 = vector.broadcast %broadcast_in_dim3A_2394 : f32 to vector<16xf32>
        %mul3A_2396 = arith.mulf %broadcast_in_dim3A_2395, %exp3A_2393 : vector<16xf32>
        %add3A_2397 = arith.constant -0.0526239537 : f32
        %add3A_2398 = vector.broadcast %add3A_2397 : f32 to vector<16xf32>
        %add3A_2399 = arith.addf %mul3A_2396, %add3A_2398 : vector<16xf32>
        %mul3A_2400 = arith.mulf %add3A_2399, %exp3A_2393 : vector<16xf32>
        %add3A_2401 = arith.constant 0.130763352 : f32
        %add3A_2402 = vector.broadcast %add3A_2401 : f32 to vector<16xf32>
        %add3A_2403 = arith.addf %mul3A_2400, %add3A_2402 : vector<16xf32>
        %mul3A_2404 = arith.mulf %add3A_2403, %exp3A_2393 : vector<16xf32>
        %add3A_2405 = arith.constant -0.222834721 : f32
        %add3A_2406 = vector.broadcast %add3A_2405 : f32 to vector<16xf32>
        %add3A_2407 = arith.addf %mul3A_2404, %add3A_2406 : vector<16xf32>
        %mul3A_2408 = arith.mulf %add3A_2407, %exp3A_2393 : vector<16xf32>
        %add3A_2409 = arith.constant 0.326972365 : f32
        %add3A_2410 = vector.broadcast %add3A_2409 : f32 to vector<16xf32>
        %add3A_2411 = arith.addf %mul3A_2408, %add3A_2410 : vector<16xf32>
        %mul3A_2412 = arith.mulf %add3A_2411, %exp3A_2393 : vector<16xf32>
        %add3A_2413 = arith.constant -0.499206394 : f32
        %add3A_2414 = vector.broadcast %add3A_2413 : f32 to vector<16xf32>
        %add3A_2415 = arith.addf %mul3A_2412, %add3A_2414 : vector<16xf32>
        %mul3A_2416 = arith.mulf %add3A_2415, %exp3A_2393 : vector<16xf32>
        %add3A_2417 = arith.constant 0.999957442 : f32
        %add3A_2418 = vector.broadcast %add3A_2417 : f32 to vector<16xf32>
        %add3A_2419 = arith.addf %mul3A_2416, %add3A_2418 : vector<16xf32>
        %mul3A_2420 = arith.mulf %add3A_2419, %exp3A_2393 : vector<16xf32>
        %add3A_2421 = arith.constant 5.62932996E-7 : f32
        %add3A_2422 = vector.broadcast %add3A_2421 : f32 to vector<16xf32>
        %add3A_2423 = arith.addf %mul3A_2420, %add3A_2422 : vector<16xf32>
        %neg3A_2424 = arith.constant 0.000000e+00 : f32
        %neg3A_2425 = vector.broadcast %neg3A_2424 : f32 to vector<16xf32>
        %neg3A_2426 = arith.subf %neg3A_2425, %get3A_2366 : vector<16xf32>
        %max3A_2427 = arith.constant 0.000000e+00 : f32
        %max3A_2428 = vector.broadcast %max3A_2427 : f32 to vector<16xf32>
        %max3A_2429 = arith.maximumf %neg3A_2426, %max3A_2428 : vector<16xf32>
        %add3A_2430 = arith.addf %max3A_2429, %add3A_2423 : vector<16xf32>
        %abs3A_2431 = math.absf %get3A_2371 : vector<16xf32>
        %neg3A_2432 = arith.constant 0.000000e+00 : f32
        %neg3A_2433 = vector.broadcast %neg3A_2432 : f32 to vector<16xf32>
        %neg3A_2434 = arith.subf %neg3A_2433, %abs3A_2431 : vector<16xf32>
        %exp3A_2435 = math.exp %neg3A_2434 : vector<16xf32>
        %broadcast_in_dim3A_2436 = arith.constant 0.0101189017 : f32
        %broadcast_in_dim3A_2437 = vector.broadcast %broadcast_in_dim3A_2436 : f32 to vector<16xf32>
        %mul3A_2438 = arith.mulf %broadcast_in_dim3A_2437, %exp3A_2435 : vector<16xf32>
        %add3A_2439 = arith.constant -0.0526239537 : f32
        %add3A_2440 = vector.broadcast %add3A_2439 : f32 to vector<16xf32>
        %add3A_2441 = arith.addf %mul3A_2438, %add3A_2440 : vector<16xf32>
        %mul3A_2442 = arith.mulf %add3A_2441, %exp3A_2435 : vector<16xf32>
        %add3A_2443 = arith.constant 0.130763352 : f32
        %add3A_2444 = vector.broadcast %add3A_2443 : f32 to vector<16xf32>
        %add3A_2445 = arith.addf %mul3A_2442, %add3A_2444 : vector<16xf32>
        %mul3A_2446 = arith.mulf %add3A_2445, %exp3A_2435 : vector<16xf32>
        %add3A_2447 = arith.constant -0.222834721 : f32
        %add3A_2448 = vector.broadcast %add3A_2447 : f32 to vector<16xf32>
        %add3A_2449 = arith.addf %mul3A_2446, %add3A_2448 : vector<16xf32>
        %mul3A_2450 = arith.mulf %add3A_2449, %exp3A_2435 : vector<16xf32>
        %add3A_2451 = arith.constant 0.326972365 : f32
        %add3A_2452 = vector.broadcast %add3A_2451 : f32 to vector<16xf32>
        %add3A_2453 = arith.addf %mul3A_2450, %add3A_2452 : vector<16xf32>
        %mul3A_2454 = arith.mulf %add3A_2453, %exp3A_2435 : vector<16xf32>
        %add3A_2455 = arith.constant -0.499206394 : f32
        %add3A_2456 = vector.broadcast %add3A_2455 : f32 to vector<16xf32>
        %add3A_2457 = arith.addf %mul3A_2454, %add3A_2456 : vector<16xf32>
        %mul3A_2458 = arith.mulf %add3A_2457, %exp3A_2435 : vector<16xf32>
        %add3A_2459 = arith.constant 0.999957442 : f32
        %add3A_2460 = vector.broadcast %add3A_2459 : f32 to vector<16xf32>
        %add3A_2461 = arith.addf %mul3A_2458, %add3A_2460 : vector<16xf32>
        %mul3A_2462 = arith.mulf %add3A_2461, %exp3A_2435 : vector<16xf32>
        %add3A_2463 = arith.constant 5.62932996E-7 : f32
        %add3A_2464 = vector.broadcast %add3A_2463 : f32 to vector<16xf32>
        %add3A_2465 = arith.addf %mul3A_2462, %add3A_2464 : vector<16xf32>
        %neg3A_2466 = arith.constant 0.000000e+00 : f32
        %neg3A_2467 = vector.broadcast %neg3A_2466 : f32 to vector<16xf32>
        %neg3A_2468 = arith.subf %neg3A_2467, %get3A_2371 : vector<16xf32>
        %max3A_2469 = arith.constant 0.000000e+00 : f32
        %max3A_2470 = vector.broadcast %max3A_2469 : f32 to vector<16xf32>
        %max3A_2471 = arith.maximumf %neg3A_2468, %max3A_2470 : vector<16xf32>
        %add3A_2472 = arith.addf %max3A_2471, %add3A_2465 : vector<16xf32>
        %add3A_2473 = arith.addf %add3A_2430, %add3A_2472 : vector<16xf32>
        %gt3A_2474 = arith.constant 6.000000e-01 : f32
        %gt3A_2475 = vector.broadcast %gt3A_2474 : f32 to vector<16xf32>
        %gt3A_2476 = arith.cmpf ogt, %get3A_2366, %gt3A_2475 : vector<16xf32>
        %lt3A_2477 = arith.constant 4.000000e-01 : f32
        %lt3A_2478 = vector.broadcast %lt3A_2477 : f32 to vector<16xf32>
        %lt3A_2479 = arith.cmpf olt, %get3A_2366, %lt3A_2478 : vector<16xf32>
        %or3A_2480 = arith.ori %gt3A_2476, %lt3A_2479 : vector<16xi1>
        %mul3A_2481 = arith.mulf %get3A_2366, %get3A_2371 : vector<16xf32>
        %jit3A_2482 = arith.constant 0.000000e+00 : f32
        %broadcast_in_dim3A_2483 = vector.broadcast %jit3A_2482 : f32 to vector<16xf32>
        %select_n3A_2484 = arith.select %or3A_2480, %mul3A_2481, %broadcast_in_dim3A_2483 : vector<16xi1>, vector<16xf32>
        %add3A_2485 = arith.addf %add3A_2473, %get3A_2366 : vector<16xf32>
        %add3A_2486 = arith.addf %add3A_2485, %get3A_2371 : vector<16xf32>
        %sub3A_2487 = arith.subf %add3A_2486, %select_n3A_2484 : vector<16xf32>
        %jit3A_2488 = arith.constant 0.000000e+00 : f32
        %broadcast_in_dim3A_2489 = vector.broadcast %jit3A_2488 : f32 to vector<16xf32>
        %select_n3A_2490 = arith.select %and3A_2388, %sub3A_2487, %broadcast_in_dim3A_2489 : vector<16xi1>, vector<16xf32>
        %add3A_2491 = arith.addf %add3A_2351, %select_n3A_2490 : vector<16xf32>
        %jit3A_2492 = arith.constant 0.000000e+00 : f32
        %broadcast_in_dim3A_2493 = vector.broadcast %jit3A_2492 : f32 to vector<16xf32>
        %select_n3A_2494 = arith.select %and3A_2388, %get3A_2366, %broadcast_in_dim3A_2493 : vector<16xi1>, vector<16xf32>
        %add3A_2495 = arith.addf %add3A_2355, %select_n3A_2494 : vector<16xf32>
        %jit3A_2496 = arith.constant 1.000000e+00 : f32
        %jit3A_2497 = arith.constant 0.000000e+00 : f32
        %broadcast_in_dim3A_2498 = vector.broadcast %jit3A_2496 : f32 to vector<16xf32>
        %broadcast_in_dim3A_2499 = vector.broadcast %jit3A_2497 : f32 to vector<16xf32>
        %select_n3A_2500 = arith.select %and3A_2388, %broadcast_in_dim3A_2498, %broadcast_in_dim3A_2499 : vector<16xi1>, vector<16xf32>
        %add3A_2501 = arith.addf %add3A_2361, %select_n3A_2500 : vector<16xf32>
        %get3A_2502 = arith.constant 17 : i32
        %get3A_2503 = arith.index_cast %get3A_2502 : i32 to index
        %get3A_2504 = arith.index_cast %mul3A_128 : i32 to index
        %get3A_2505 = tpu.vector_load %arg7[%get3A_2503, %get3A_2504] {strides = array<i32>} : memref<32x512xf32, #tpu.memory_space<vmem>>, vector<1x16xf32>,
        %get3A_2506 = vector.shape_cast %get3A_2505 : vector<1x16xf32> to vector<16xf32>
        %get3A_2507 = arith.constant 17 : i32
        %get3A_2508 = arith.index_cast %get3A_2507 : i32 to index
        %get3A_2509 = arith.index_cast %mul3A_128 : i32 to index
        %get3A_2510 = tpu.vector_load %arg8[%get3A_2508, %get3A_2509] {strides = array<i32>} : memref<32x512xf32, #tpu.memory_space<vmem>>, vector<1x16xf32>,
        %get3A_2511 = vector.shape_cast %get3A_2510 : vector<1x16xf32> to vector<16xf32>
        %get3A_2512 = arith.constant 17 : i32
        %get3A_2513 = arith.index_cast %get3A_2512 : i32 to index
        %get3A_2514 = arith.index_cast %mul3A_128 : i32 to index
        %get3A_2515 = tpu.vector_load %arg9[%get3A_2513, %get3A_2514] {strides = array<i32>} : memref<32x512xf32, #tpu.memory_space<vmem>>, vector<1x16xf32>,
        %get3A_2516 = vector.shape_cast %get3A_2515 : vector<1x16xf32> to vector<16xf32>
        %gt3A_2517 = arith.constant 5.000000e-01 : f32
        %gt3A_2518 = vector.broadcast %gt3A_2517 : f32 to vector<16xf32>
        %gt3A_2519 = arith.cmpf ogt, %get3A_2516, %gt3A_2518 : vector<16xf32>
        %get3A_2520 = arith.constant 17 : i32
        %get3A_2521 = arith.index_cast %get3A_2520 : i32 to index
        %get3A_2522 = arith.index_cast %mul3A_128 : i32 to index
        %get3A_2523 = tpu.vector_load %arg10[%get3A_2521, %get3A_2522] {strides = array<i32>} : memref<32x512xf32, #tpu.memory_space<vmem>>, vector<1x16xf32>,
        %get3A_2524 = vector.shape_cast %get3A_2523 : vector<1x16xf32> to vector<16xf32>
        %gt3A_2525 = arith.constant 5.000000e-01 : f32
        %gt3A_2526 = vector.broadcast %gt3A_2525 : f32 to vector<16xf32>
        %gt3A_2527 = arith.cmpf ogt, %get3A_2524, %gt3A_2526 : vector<16xf32>
        %and3A_2528 = arith.andi %gt3A_2519, %gt3A_2527 : vector<16xi1>
        %abs3A_2529 = math.absf %get3A_2506 : vector<16xf32>
        %neg3A_2530 = arith.constant 0.000000e+00 : f32
        %neg3A_2531 = vector.broadcast %neg3A_2530 : f32 to vector<16xf32>
        %neg3A_2532 = arith.subf %neg3A_2531, %abs3A_2529 : vector<16xf32>
        %exp3A_2533 = math.exp %neg3A_2532 : vector<16xf32>
        %broadcast_in_dim3A_2534 = arith.constant 0.0101189017 : f32
        %broadcast_in_dim3A_2535 = vector.broadcast %broadcast_in_dim3A_2534 : f32 to vector<16xf32>
        %mul3A_2536 = arith.mulf %broadcast_in_dim3A_2535, %exp3A_2533 : vector<16xf32>
        %add3A_2537 = arith.constant -0.0526239537 : f32
        %add3A_2538 = vector.broadcast %add3A_2537 : f32 to vector<16xf32>
        %add3A_2539 = arith.addf %mul3A_2536, %add3A_2538 : vector<16xf32>
        %mul3A_2540 = arith.mulf %add3A_2539, %exp3A_2533 : vector<16xf32>
        %add3A_2541 = arith.constant 0.130763352 : f32
        %add3A_2542 = vector.broadcast %add3A_2541 : f32 to vector<16xf32>
        %add3A_2543 = arith.addf %mul3A_2540, %add3A_2542 : vector<16xf32>
        %mul3A_2544 = arith.mulf %add3A_2543, %exp3A_2533 : vector<16xf32>
        %add3A_2545 = arith.constant -0.222834721 : f32
        %add3A_2546 = vector.broadcast %add3A_2545 : f32 to vector<16xf32>
        %add3A_2547 = arith.addf %mul3A_2544, %add3A_2546 : vector<16xf32>
        %mul3A_2548 = arith.mulf %add3A_2547, %exp3A_2533 : vector<16xf32>
        %add3A_2549 = arith.constant 0.326972365 : f32
        %add3A_2550 = vector.broadcast %add3A_2549 : f32 to vector<16xf32>
        %add3A_2551 = arith.addf %mul3A_2548, %add3A_2550 : vector<16xf32>
        %mul3A_2552 = arith.mulf %add3A_2551, %exp3A_2533 : vector<16xf32>
        %add3A_2553 = arith.constant -0.499206394 : f32
        %add3A_2554 = vector.broadcast %add3A_2553 : f32 to vector<16xf32>
        %add3A_2555 = arith.addf %mul3A_2552, %add3A_2554 : vector<16xf32>
        %mul3A_2556 = arith.mulf %add3A_2555, %exp3A_2533 : vector<16xf32>
        %add3A_2557 = arith.constant 0.999957442 : f32
        %add3A_2558 = vector.broadcast %add3A_2557 : f32 to vector<16xf32>
        %add3A_2559 = arith.addf %mul3A_2556, %add3A_2558 : vector<16xf32>
        %mul3A_2560 = arith.mulf %add3A_2559, %exp3A_2533 : vector<16xf32>
        %add3A_2561 = arith.constant 5.62932996E-7 : f32
        %add3A_2562 = vector.broadcast %add3A_2561 : f32 to vector<16xf32>
        %add3A_2563 = arith.addf %mul3A_2560, %add3A_2562 : vector<16xf32>
        %neg3A_2564 = arith.constant 0.000000e+00 : f32
        %neg3A_2565 = vector.broadcast %neg3A_2564 : f32 to vector<16xf32>
        %neg3A_2566 = arith.subf %neg3A_2565, %get3A_2506 : vector<16xf32>
        %max3A_2567 = arith.constant 0.000000e+00 : f32
        %max3A_2568 = vector.broadcast %max3A_2567 : f32 to vector<16xf32>
        %max3A_2569 = arith.maximumf %neg3A_2566, %max3A_2568 : vector<16xf32>
        %add3A_2570 = arith.addf %max3A_2569, %add3A_2563 : vector<16xf32>
        %abs3A_2571 = math.absf %get3A_2511 : vector<16xf32>
        %neg3A_2572 = arith.constant 0.000000e+00 : f32
        %neg3A_2573 = vector.broadcast %neg3A_2572 : f32 to vector<16xf32>
        %neg3A_2574 = arith.subf %neg3A_2573, %abs3A_2571 : vector<16xf32>
        %exp3A_2575 = math.exp %neg3A_2574 : vector<16xf32>
        %broadcast_in_dim3A_2576 = arith.constant 0.0101189017 : f32
        %broadcast_in_dim3A_2577 = vector.broadcast %broadcast_in_dim3A_2576 : f32 to vector<16xf32>
        %mul3A_2578 = arith.mulf %broadcast_in_dim3A_2577, %exp3A_2575 : vector<16xf32>
        %add3A_2579 = arith.constant -0.0526239537 : f32
        %add3A_2580 = vector.broadcast %add3A_2579 : f32 to vector<16xf32>
        %add3A_2581 = arith.addf %mul3A_2578, %add3A_2580 : vector<16xf32>
        %mul3A_2582 = arith.mulf %add3A_2581, %exp3A_2575 : vector<16xf32>
        %add3A_2583 = arith.constant 0.130763352 : f32
        %add3A_2584 = vector.broadcast %add3A_2583 : f32 to vector<16xf32>
        %add3A_2585 = arith.addf %mul3A_2582, %add3A_2584 : vector<16xf32>
        %mul3A_2586 = arith.mulf %add3A_2585, %exp3A_2575 : vector<16xf32>
        %add3A_2587 = arith.constant -0.222834721 : f32
        %add3A_2588 = vector.broadcast %add3A_2587 : f32 to vector<16xf32>
        %add3A_2589 = arith.addf %mul3A_2586, %add3A_2588 : vector<16xf32>
        %mul3A_2590 = arith.mulf %add3A_2589, %exp3A_2575 : vector<16xf32>
        %add3A_2591 = arith.constant 0.326972365 : f32
        %add3A_2592 = vector.broadcast %add3A_2591 : f32 to vector<16xf32>
        %add3A_2593 = arith.addf %mul3A_2590, %add3A_2592 : vector<16xf32>
        %mul3A_2594 = arith.mulf %add3A_2593, %exp3A_2575 : vector<16xf32>
        %add3A_2595 = arith.constant -0.499206394 : f32
        %add3A_2596 = vector.broadcast %add3A_2595 : f32 to vector<16xf32>
        %add3A_2597 = arith.addf %mul3A_2594, %add3A_2596 : vector<16xf32>
        %mul3A_2598 = arith.mulf %add3A_2597, %exp3A_2575 : vector<16xf32>
        %add3A_2599 = arith.constant 0.999957442 : f32
        %add3A_2600 = vector.broadcast %add3A_2599 : f32 to vector<16xf32>
        %add3A_2601 = arith.addf %mul3A_2598, %add3A_2600 : vector<16xf32>
        %mul3A_2602 = arith.mulf %add3A_2601, %exp3A_2575 : vector<16xf32>
        %add3A_2603 = arith.constant 5.62932996E-7 : f32
        %add3A_2604 = vector.broadcast %add3A_2603 : f32 to vector<16xf32>
        %add3A_2605 = arith.addf %mul3A_2602, %add3A_2604 : vector<16xf32>
        %neg3A_2606 = arith.constant 0.000000e+00 : f32
        %neg3A_2607 = vector.broadcast %neg3A_2606 : f32 to vector<16xf32>
        %neg3A_2608 = arith.subf %neg3A_2607, %get3A_2511 : vector<16xf32>
        %max3A_2609 = arith.constant 0.000000e+00 : f32
        %max3A_2610 = vector.broadcast %max3A_2609 : f32 to vector<16xf32>
        %max3A_2611 = arith.maximumf %neg3A_2608, %max3A_2610 : vector<16xf32>
        %add3A_2612 = arith.addf %max3A_2611, %add3A_2605 : vector<16xf32>
        %add3A_2613 = arith.addf %add3A_2570, %add3A_2612 : vector<16xf32>
        %gt3A_2614 = arith.constant 6.000000e-01 : f32
        %gt3A_2615 = vector.broadcast %gt3A_2614 : f32 to vector<16xf32>
        %gt3A_2616 = arith.cmpf ogt, %get3A_2506, %gt3A_2615 : vector<16xf32>
        %lt3A_2617 = arith.constant 4.000000e-01 : f32
        %lt3A_2618 = vector.broadcast %lt3A_2617 : f32 to vector<16xf32>
        %lt3A_2619 = arith.cmpf olt, %get3A_2506, %lt3A_2618 : vector<16xf32>
        %or3A_2620 = arith.ori %gt3A_2616, %lt3A_2619 : vector<16xi1>
        %mul3A_2621 = arith.mulf %get3A_2506, %get3A_2511 : vector<16xf32>
        %jit3A_2622 = arith.constant 0.000000e+00 : f32
        %broadcast_in_dim3A_2623 = vector.broadcast %jit3A_2622 : f32 to vector<16xf32>
        %select_n3A_2624 = arith.select %or3A_2620, %mul3A_2621, %broadcast_in_dim3A_2623 : vector<16xi1>, vector<16xf32>
        %add3A_2625 = arith.addf %add3A_2613, %get3A_2506 : vector<16xf32>
        %add3A_2626 = arith.addf %add3A_2625, %get3A_2511 : vector<16xf32>
        %sub3A_2627 = arith.subf %add3A_2626, %select_n3A_2624 : vector<16xf32>
        %jit3A_2628 = arith.constant 0.000000e+00 : f32
        %broadcast_in_dim3A_2629 = vector.broadcast %jit3A_2628 : f32 to vector<16xf32>
        %select_n3A_2630 = arith.select %and3A_2528, %sub3A_2627, %broadcast_in_dim3A_2629 : vector<16xi1>, vector<16xf32>
        %add3A_2631 = arith.addf %add3A_2491, %select_n3A_2630 : vector<16xf32>
        %jit3A_2632 = arith.constant 0.000000e+00 : f32
        %broadcast_in_dim3A_2633 = vector.broadcast %jit3A_2632 : f32 to vector<16xf32>
        %select_n3A_2634 = arith.select %and3A_2528, %get3A_2506, %broadcast_in_dim3A_2633 : vector<16xi1>, vector<16xf32>
        %add3A_2635 = arith.addf %add3A_2495, %select_n3A_2634 : vector<16xf32>
        %jit3A_2636 = arith.constant 1.000000e+00 : f32
        %jit3A_2637 = arith.constant 0.000000e+00 : f32
        %broadcast_in_dim3A_2638 = vector.broadcast %jit3A_2636 : f32 to vector<16xf32>
        %broadcast_in_dim3A_2639 = vector.broadcast %jit3A_2637 : f32 to vector<16xf32>
        %select_n3A_2640 = arith.select %and3A_2528, %broadcast_in_dim3A_2638, %broadcast_in_dim3A_2639 : vector<16xi1>, vector<16xf32>
        %add3A_2641 = arith.addf %add3A_2501, %select_n3A_2640 : vector<16xf32>
        %get3A_2642 = arith.constant 18 : i32
        %get3A_2643 = arith.index_cast %get3A_2642 : i32 to index
        %get3A_2644 = arith.index_cast %mul3A_128 : i32 to index
        %get3A_2645 = tpu.vector_load %arg7[%get3A_2643, %get3A_2644] {strides = array<i32>} : memref<32x512xf32, #tpu.memory_space<vmem>>, vector<1x16xf32>,
        %get3A_2646 = vector.shape_cast %get3A_2645 : vector<1x16xf32> to vector<16xf32>
        %get3A_2647 = arith.constant 18 : i32
        %get3A_2648 = arith.index_cast %get3A_2647 : i32 to index
        %get3A_2649 = arith.index_cast %mul3A_128 : i32 to index
        %get3A_2650 = tpu.vector_load %arg8[%get3A_2648, %get3A_2649] {strides = array<i32>} : memref<32x512xf32, #tpu.memory_space<vmem>>, vector<1x16xf32>,
        %get3A_2651 = vector.shape_cast %get3A_2650 : vector<1x16xf32> to vector<16xf32>
        %get3A_2652 = arith.constant 18 : i32
        %get3A_2653 = arith.index_cast %get3A_2652 : i32 to index
        %get3A_2654 = arith.index_cast %mul3A_128 : i32 to index
        %get3A_2655 = tpu.vector_load %arg9[%get3A_2653, %get3A_2654] {strides = array<i32>} : memref<32x512xf32, #tpu.memory_space<vmem>>, vector<1x16xf32>,
        %get3A_2656 = vector.shape_cast %get3A_2655 : vector<1x16xf32> to vector<16xf32>
        %gt3A_2657 = arith.constant 5.000000e-01 : f32
        %gt3A_2658 = vector.broadcast %gt3A_2657 : f32 to vector<16xf32>
        %gt3A_2659 = arith.cmpf ogt, %get3A_2656, %gt3A_2658 : vector<16xf32>
        %get3A_2660 = arith.constant 18 : i32
        %get3A_2661 = arith.index_cast %get3A_2660 : i32 to index
        %get3A_2662 = arith.index_cast %mul3A_128 : i32 to index
        %get3A_2663 = tpu.vector_load %arg10[%get3A_2661, %get3A_2662] {strides = array<i32>} : memref<32x512xf32, #tpu.memory_space<vmem>>, vector<1x16xf32>,
        %get3A_2664 = vector.shape_cast %get3A_2663 : vector<1x16xf32> to vector<16xf32>
        %gt3A_2665 = arith.constant 5.000000e-01 : f32
        %gt3A_2666 = vector.broadcast %gt3A_2665 : f32 to vector<16xf32>
        %gt3A_2667 = arith.cmpf ogt, %get3A_2664, %gt3A_2666 : vector<16xf32>
        %and3A_2668 = arith.andi %gt3A_2659, %gt3A_2667 : vector<16xi1>
        %abs3A_2669 = math.absf %get3A_2646 : vector<16xf32>
        %neg3A_2670 = arith.constant 0.000000e+00 : f32
        %neg3A_2671 = vector.broadcast %neg3A_2670 : f32 to vector<16xf32>
        %neg3A_2672 = arith.subf %neg3A_2671, %abs3A_2669 : vector<16xf32>
        %exp3A_2673 = math.exp %neg3A_2672 : vector<16xf32>
        %broadcast_in_dim3A_2674 = arith.constant 0.0101189017 : f32
        %broadcast_in_dim3A_2675 = vector.broadcast %broadcast_in_dim3A_2674 : f32 to vector<16xf32>
        %mul3A_2676 = arith.mulf %broadcast_in_dim3A_2675, %exp3A_2673 : vector<16xf32>
        %add3A_2677 = arith.constant -0.0526239537 : f32
        %add3A_2678 = vector.broadcast %add3A_2677 : f32 to vector<16xf32>
        %add3A_2679 = arith.addf %mul3A_2676, %add3A_2678 : vector<16xf32>
        %mul3A_2680 = arith.mulf %add3A_2679, %exp3A_2673 : vector<16xf32>
        %add3A_2681 = arith.constant 0.130763352 : f32
        %add3A_2682 = vector.broadcast %add3A_2681 : f32 to vector<16xf32>
        %add3A_2683 = arith.addf %mul3A_2680, %add3A_2682 : vector<16xf32>
        %mul3A_2684 = arith.mulf %add3A_2683, %exp3A_2673 : vector<16xf32>
        %add3A_2685 = arith.constant -0.222834721 : f32
        %add3A_2686 = vector.broadcast %add3A_2685 : f32 to vector<16xf32>
        %add3A_2687 = arith.addf %mul3A_2684, %add3A_2686 : vector<16xf32>
        %mul3A_2688 = arith.mulf %add3A_2687, %exp3A_2673 : vector<16xf32>
        %add3A_2689 = arith.constant 0.326972365 : f32
        %add3A_2690 = vector.broadcast %add3A_2689 : f32 to vector<16xf32>
        %add3A_2691 = arith.addf %mul3A_2688, %add3A_2690 : vector<16xf32>
        %mul3A_2692 = arith.mulf %add3A_2691, %exp3A_2673 : vector<16xf32>
        %add3A_2693 = arith.constant -0.499206394 : f32
        %add3A_2694 = vector.broadcast %add3A_2693 : f32 to vector<16xf32>
        %add3A_2695 = arith.addf %mul3A_2692, %add3A_2694 : vector<16xf32>
        %mul3A_2696 = arith.mulf %add3A_2695, %exp3A_2673 : vector<16xf32>
        %add3A_2697 = arith.constant 0.999957442 : f32
        %add3A_2698 = vector.broadcast %add3A_2697 : f32 to vector<16xf32>
        %add3A_2699 = arith.addf %mul3A_2696, %add3A_2698 : vector<16xf32>
        %mul3A_2700 = arith.mulf %add3A_2699, %exp3A_2673 : vector<16xf32>
        %add3A_2701 = arith.constant 5.62932996E-7 : f32
        %add3A_2702 = vector.broadcast %add3A_2701 : f32 to vector<16xf32>
        %add3A_2703 = arith.addf %mul3A_2700, %add3A_2702 : vector<16xf32>
        %neg3A_2704 = arith.constant 0.000000e+00 : f32
        %neg3A_2705 = vector.broadcast %neg3A_2704 : f32 to vector<16xf32>
        %neg3A_2706 = arith.subf %neg3A_2705, %get3A_2646 : vector<16xf32>
        %max3A_2707 = arith.constant 0.000000e+00 : f32
        %max3A_2708 = vector.broadcast %max3A_2707 : f32 to vector<16xf32>
        %max3A_2709 = arith.maximumf %neg3A_2706, %max3A_2708 : vector<16xf32>
        %add3A_2710 = arith.addf %max3A_2709, %add3A_2703 : vector<16xf32>
        %abs3A_2711 = math.absf %get3A_2651 : vector<16xf32>
        %neg3A_2712 = arith.constant 0.000000e+00 : f32
        %neg3A_2713 = vector.broadcast %neg3A_2712 : f32 to vector<16xf32>
        %neg3A_2714 = arith.subf %neg3A_2713, %abs3A_2711 : vector<16xf32>
        %exp3A_2715 = math.exp %neg3A_2714 : vector<16xf32>
        %broadcast_in_dim3A_2716 = arith.constant 0.0101189017 : f32
        %broadcast_in_dim3A_2717 = vector.broadcast %broadcast_in_dim3A_2716 : f32 to vector<16xf32>
        %mul3A_2718 = arith.mulf %broadcast_in_dim3A_2717, %exp3A_2715 : vector<16xf32>
        %add3A_2719 = arith.constant -0.0526239537 : f32
        %add3A_2720 = vector.broadcast %add3A_2719 : f32 to vector<16xf32>
        %add3A_2721 = arith.addf %mul3A_2718, %add3A_2720 : vector<16xf32>
        %mul3A_2722 = arith.mulf %add3A_2721, %exp3A_2715 : vector<16xf32>
        %add3A_2723 = arith.constant 0.130763352 : f32
        %add3A_2724 = vector.broadcast %add3A_2723 : f32 to vector<16xf32>
        %add3A_2725 = arith.addf %mul3A_2722, %add3A_2724 : vector<16xf32>
        %mul3A_2726 = arith.mulf %add3A_2725, %exp3A_2715 : vector<16xf32>
        %add3A_2727 = arith.constant -0.222834721 : f32
        %add3A_2728 = vector.broadcast %add3A_2727 : f32 to vector<16xf32>
        %add3A_2729 = arith.addf %mul3A_2726, %add3A_2728 : vector<16xf32>
        %mul3A_2730 = arith.mulf %add3A_2729, %exp3A_2715 : vector<16xf32>
        %add3A_2731 = arith.constant 0.326972365 : f32
        %add3A_2732 = vector.broadcast %add3A_2731 : f32 to vector<16xf32>
        %add3A_2733 = arith.addf %mul3A_2730, %add3A_2732 : vector<16xf32>
        %mul3A_2734 = arith.mulf %add3A_2733, %exp3A_2715 : vector<16xf32>
        %add3A_2735 = arith.constant -0.499206394 : f32
        %add3A_2736 = vector.broadcast %add3A_2735 : f32 to vector<16xf32>
        %add3A_2737 = arith.addf %mul3A_2734, %add3A_2736 : vector<16xf32>
        %mul3A_2738 = arith.mulf %add3A_2737, %exp3A_2715 : vector<16xf32>
        %add3A_2739 = arith.constant 0.999957442 : f32
        %add3A_2740 = vector.broadcast %add3A_2739 : f32 to vector<16xf32>
        %add3A_2741 = arith.addf %mul3A_2738, %add3A_2740 : vector<16xf32>
        %mul3A_2742 = arith.mulf %add3A_2741, %exp3A_2715 : vector<16xf32>
        %add3A_2743 = arith.constant 5.62932996E-7 : f32
        %add3A_2744 = vector.broadcast %add3A_2743 : f32 to vector<16xf32>
        %add3A_2745 = arith.addf %mul3A_2742, %add3A_2744 : vector<16xf32>
        %neg3A_2746 = arith.constant 0.000000e+00 : f32
        %neg3A_2747 = vector.broadcast %neg3A_2746 : f32 to vector<16xf32>
        %neg3A_2748 = arith.subf %neg3A_2747, %get3A_2651 : vector<16xf32>
        %max3A_2749 = arith.constant 0.000000e+00 : f32
        %max3A_2750 = vector.broadcast %max3A_2749 : f32 to vector<16xf32>
        %max3A_2751 = arith.maximumf %neg3A_2748, %max3A_2750 : vector<16xf32>
        %add3A_2752 = arith.addf %max3A_2751, %add3A_2745 : vector<16xf32>
        %add3A_2753 = arith.addf %add3A_2710, %add3A_2752 : vector<16xf32>
        %gt3A_2754 = arith.constant 6.000000e-01 : f32
        %gt3A_2755 = vector.broadcast %gt3A_2754 : f32 to vector<16xf32>
        %gt3A_2756 = arith.cmpf ogt, %get3A_2646, %gt3A_2755 : vector<16xf32>
        %lt3A_2757 = arith.constant 4.000000e-01 : f32
        %lt3A_2758 = vector.broadcast %lt3A_2757 : f32 to vector<16xf32>
        %lt3A_2759 = arith.cmpf olt, %get3A_2646, %lt3A_2758 : vector<16xf32>
        %or3A_2760 = arith.ori %gt3A_2756, %lt3A_2759 : vector<16xi1>
        %mul3A_2761 = arith.mulf %get3A_2646, %get3A_2651 : vector<16xf32>
        %jit3A_2762 = arith.constant 0.000000e+00 : f32
        %broadcast_in_dim3A_2763 = vector.broadcast %jit3A_2762 : f32 to vector<16xf32>
        %select_n3A_2764 = arith.select %or3A_2760, %mul3A_2761, %broadcast_in_dim3A_2763 : vector<16xi1>, vector<16xf32>
        %add3A_2765 = arith.addf %add3A_2753, %get3A_2646 : vector<16xf32>
        %add3A_2766 = arith.addf %add3A_2765, %get3A_2651 : vector<16xf32>
        %sub3A_2767 = arith.subf %add3A_2766, %select_n3A_2764 : vector<16xf32>
        %jit3A_2768 = arith.constant 0.000000e+00 : f32
        %broadcast_in_dim3A_2769 = vector.broadcast %jit3A_2768 : f32 to vector<16xf32>
        %select_n3A_2770 = arith.select %and3A_2668, %sub3A_2767, %broadcast_in_dim3A_2769 : vector<16xi1>, vector<16xf32>
        %add3A_2771 = arith.addf %add3A_2631, %select_n3A_2770 : vector<16xf32>
        %jit3A_2772 = arith.constant 0.000000e+00 : f32
        %broadcast_in_dim3A_2773 = vector.broadcast %jit3A_2772 : f32 to vector<16xf32>
        %select_n3A_2774 = arith.select %and3A_2668, %get3A_2646, %broadcast_in_dim3A_2773 : vector<16xi1>, vector<16xf32>
        %add3A_2775 = arith.addf %add3A_2635, %select_n3A_2774 : vector<16xf32>
        %jit3A_2776 = arith.constant 1.000000e+00 : f32
        %jit3A_2777 = arith.constant 0.000000e+00 : f32
        %broadcast_in_dim3A_2778 = vector.broadcast %jit3A_2776 : f32 to vector<16xf32>
        %broadcast_in_dim3A_2779 = vector.broadcast %jit3A_2777 : f32 to vector<16xf32>
        %select_n3A_2780 = arith.select %and3A_2668, %broadcast_in_dim3A_2778, %broadcast_in_dim3A_2779 : vector<16xi1>, vector<16xf32>
        %add3A_2781 = arith.addf %add3A_2641, %select_n3A_2780 : vector<16xf32>
        %get3A_2782 = arith.constant 19 : i32
        %get3A_2783 = arith.index_cast %get3A_2782 : i32 to index
        %get3A_2784 = arith.index_cast %mul3A_128 : i32 to index
        %get3A_2785 = tpu.vector_load %arg7[%get3A_2783, %get3A_2784] {strides = array<i32>} : memref<32x512xf32, #tpu.memory_space<vmem>>, vector<1x16xf32>,
        %get3A_2786 = vector.shape_cast %get3A_2785 : vector<1x16xf32> to vector<16xf32>
        %get3A_2787 = arith.constant 19 : i32
        %get3A_2788 = arith.index_cast %get3A_2787 : i32 to index
        %get3A_2789 = arith.index_cast %mul3A_128 : i32 to index
        %get3A_2790 = tpu.vector_load %arg8[%get3A_2788, %get3A_2789] {strides = array<i32>} : memref<32x512xf32, #tpu.memory_space<vmem>>, vector<1x16xf32>,
        %get3A_2791 = vector.shape_cast %get3A_2790 : vector<1x16xf32> to vector<16xf32>
        %get3A_2792 = arith.constant 19 : i32
        %get3A_2793 = arith.index_cast %get3A_2792 : i32 to index
        %get3A_2794 = arith.index_cast %mul3A_128 : i32 to index
        %get3A_2795 = tpu.vector_load %arg9[%get3A_2793, %get3A_2794] {strides = array<i32>} : memref<32x512xf32, #tpu.memory_space<vmem>>, vector<1x16xf32>,
        %get3A_2796 = vector.shape_cast %get3A_2795 : vector<1x16xf32> to vector<16xf32>
        %gt3A_2797 = arith.constant 5.000000e-01 : f32
        %gt3A_2798 = vector.broadcast %gt3A_2797 : f32 to vector<16xf32>
        %gt3A_2799 = arith.cmpf ogt, %get3A_2796, %gt3A_2798 : vector<16xf32>
        %get3A_2800 = arith.constant 19 : i32
        %get3A_2801 = arith.index_cast %get3A_2800 : i32 to index
        %get3A_2802 = arith.index_cast %mul3A_128 : i32 to index
        %get3A_2803 = tpu.vector_load %arg10[%get3A_2801, %get3A_2802] {strides = array<i32>} : memref<32x512xf32, #tpu.memory_space<vmem>>, vector<1x16xf32>,
        %get3A_2804 = vector.shape_cast %get3A_2803 : vector<1x16xf32> to vector<16xf32>
        %gt3A_2805 = arith.constant 5.000000e-01 : f32
        %gt3A_2806 = vector.broadcast %gt3A_2805 : f32 to vector<16xf32>
        %gt3A_2807 = arith.cmpf ogt, %get3A_2804, %gt3A_2806 : vector<16xf32>
        %and3A_2808 = arith.andi %gt3A_2799, %gt3A_2807 : vector<16xi1>
        %abs3A_2809 = math.absf %get3A_2786 : vector<16xf32>
        %neg3A_2810 = arith.constant 0.000000e+00 : f32
        %neg3A_2811 = vector.broadcast %neg3A_2810 : f32 to vector<16xf32>
        %neg3A_2812 = arith.subf %neg3A_2811, %abs3A_2809 : vector<16xf32>
        %exp3A_2813 = math.exp %neg3A_2812 : vector<16xf32>
        %broadcast_in_dim3A_2814 = arith.constant 0.0101189017 : f32
        %broadcast_in_dim3A_2815 = vector.broadcast %broadcast_in_dim3A_2814 : f32 to vector<16xf32>
        %mul3A_2816 = arith.mulf %broadcast_in_dim3A_2815, %exp3A_2813 : vector<16xf32>
        %add3A_2817 = arith.constant -0.0526239537 : f32
        %add3A_2818 = vector.broadcast %add3A_2817 : f32 to vector<16xf32>
        %add3A_2819 = arith.addf %mul3A_2816, %add3A_2818 : vector<16xf32>
        %mul3A_2820 = arith.mulf %add3A_2819, %exp3A_2813 : vector<16xf32>
        %add3A_2821 = arith.constant 0.130763352 : f32
        %add3A_2822 = vector.broadcast %add3A_2821 : f32 to vector<16xf32>
        %add3A_2823 = arith.addf %mul3A_2820, %add3A_2822 : vector<16xf32>
        %mul3A_2824 = arith.mulf %add3A_2823, %exp3A_2813 : vector<16xf32>
        %add3A_2825 = arith.constant -0.222834721 : f32
        %add3A_2826 = vector.broadcast %add3A_2825 : f32 to vector<16xf32>
        %add3A_2827 = arith.addf %mul3A_2824, %add3A_2826 : vector<16xf32>
        %mul3A_2828 = arith.mulf %add3A_2827, %exp3A_2813 : vector<16xf32>
        %add3A_2829 = arith.constant 0.326972365 : f32
        %add3A_2830 = vector.broadcast %add3A_2829 : f32 to vector<16xf32>
        %add3A_2831 = arith.addf %mul3A_2828, %add3A_2830 : vector<16xf32>
        %mul3A_2832 = arith.mulf %add3A_2831, %exp3A_2813 : vector<16xf32>
        %add3A_2833 = arith.constant -0.499206394 : f32
        %add3A_2834 = vector.broadcast %add3A_2833 : f32 to vector<16xf32>
        %add3A_2835 = arith.addf %mul3A_2832, %add3A_2834 : vector<16xf32>
        %mul3A_2836 = arith.mulf %add3A_2835, %exp3A_2813 : vector<16xf32>
        %add3A_2837 = arith.constant 0.999957442 : f32
        %add3A_2838 = vector.broadcast %add3A_2837 : f32 to vector<16xf32>
        %add3A_2839 = arith.addf %mul3A_2836, %add3A_2838 : vector<16xf32>
        %mul3A_2840 = arith.mulf %add3A_2839, %exp3A_2813 : vector<16xf32>
        %add3A_2841 = arith.constant 5.62932996E-7 : f32
        %add3A_2842 = vector.broadcast %add3A_2841 : f32 to vector<16xf32>
        %add3A_2843 = arith.addf %mul3A_2840, %add3A_2842 : vector<16xf32>
        %neg3A_2844 = arith.constant 0.000000e+00 : f32
        %neg3A_2845 = vector.broadcast %neg3A_2844 : f32 to vector<16xf32>
        %neg3A_2846 = arith.subf %neg3A_2845, %get3A_2786 : vector<16xf32>
        %max3A_2847 = arith.constant 0.000000e+00 : f32
        %max3A_2848 = vector.broadcast %max3A_2847 : f32 to vector<16xf32>
        %max3A_2849 = arith.maximumf %neg3A_2846, %max3A_2848 : vector<16xf32>
        %add3A_2850 = arith.addf %max3A_2849, %add3A_2843 : vector<16xf32>
        %abs3A_2851 = math.absf %get3A_2791 : vector<16xf32>
        %neg3A_2852 = arith.constant 0.000000e+00 : f32
        %neg3A_2853 = vector.broadcast %neg3A_2852 : f32 to vector<16xf32>
        %neg3A_2854 = arith.subf %neg3A_2853, %abs3A_2851 : vector<16xf32>
        %exp3A_2855 = math.exp %neg3A_2854 : vector<16xf32>
        %broadcast_in_dim3A_2856 = arith.constant 0.0101189017 : f32
        %broadcast_in_dim3A_2857 = vector.broadcast %broadcast_in_dim3A_2856 : f32 to vector<16xf32>
        %mul3A_2858 = arith.mulf %broadcast_in_dim3A_2857, %exp3A_2855 : vector<16xf32>
        %add3A_2859 = arith.constant -0.0526239537 : f32
        %add3A_2860 = vector.broadcast %add3A_2859 : f32 to vector<16xf32>
        %add3A_2861 = arith.addf %mul3A_2858, %add3A_2860 : vector<16xf32>
        %mul3A_2862 = arith.mulf %add3A_2861, %exp3A_2855 : vector<16xf32>
        %add3A_2863 = arith.constant 0.130763352 : f32
        %add3A_2864 = vector.broadcast %add3A_2863 : f32 to vector<16xf32>
        %add3A_2865 = arith.addf %mul3A_2862, %add3A_2864 : vector<16xf32>
        %mul3A_2866 = arith.mulf %add3A_2865, %exp3A_2855 : vector<16xf32>
        %add3A_2867 = arith.constant -0.222834721 : f32
        %add3A_2868 = vector.broadcast %add3A_2867 : f32 to vector<16xf32>
        %add3A_2869 = arith.addf %mul3A_2866, %add3A_2868 : vector<16xf32>
        %mul3A_2870 = arith.mulf %add3A_2869, %exp3A_2855 : vector<16xf32>
        %add3A_2871 = arith.constant 0.326972365 : f32
        %add3A_2872 = vector.broadcast %add3A_2871 : f32 to vector<16xf32>
        %add3A_2873 = arith.addf %mul3A_2870, %add3A_2872 : vector<16xf32>
        %mul3A_2874 = arith.mulf %add3A_2873, %exp3A_2855 : vector<16xf32>
        %add3A_2875 = arith.constant -0.499206394 : f32
        %add3A_2876 = vector.broadcast %add3A_2875 : f32 to vector<16xf32>
        %add3A_2877 = arith.addf %mul3A_2874, %add3A_2876 : vector<16xf32>
        %mul3A_2878 = arith.mulf %add3A_2877, %exp3A_2855 : vector<16xf32>
        %add3A_2879 = arith.constant 0.999957442 : f32
        %add3A_2880 = vector.broadcast %add3A_2879 : f32 to vector<16xf32>
        %add3A_2881 = arith.addf %mul3A_2878, %add3A_2880 : vector<16xf32>
        %mul3A_2882 = arith.mulf %add3A_2881, %exp3A_2855 : vector<16xf32>
        %add3A_2883 = arith.constant 5.62932996E-7 : f32
        %add3A_2884 = vector.broadcast %add3A_2883 : f32 to vector<16xf32>
        %add3A_2885 = arith.addf %mul3A_2882, %add3A_2884 : vector<16xf32>
        %neg3A_2886 = arith.constant 0.000000e+00 : f32
        %neg3A_2887 = vector.broadcast %neg3A_2886 : f32 to vector<16xf32>
        %neg3A_2888 = arith.subf %neg3A_2887, %get3A_2791 : vector<16xf32>
        %max3A_2889 = arith.constant 0.000000e+00 : f32
        %max3A_2890 = vector.broadcast %max3A_2889 : f32 to vector<16xf32>
        %max3A_2891 = arith.maximumf %neg3A_2888, %max3A_2890 : vector<16xf32>
        %add3A_2892 = arith.addf %max3A_2891, %add3A_2885 : vector<16xf32>
        %add3A_2893 = arith.addf %add3A_2850, %add3A_2892 : vector<16xf32>
        %gt3A_2894 = arith.constant 6.000000e-01 : f32
        %gt3A_2895 = vector.broadcast %gt3A_2894 : f32 to vector<16xf32>
        %gt3A_2896 = arith.cmpf ogt, %get3A_2786, %gt3A_2895 : vector<16xf32>
        %lt3A_2897 = arith.constant 4.000000e-01 : f32
        %lt3A_2898 = vector.broadcast %lt3A_2897 : f32 to vector<16xf32>
        %lt3A_2899 = arith.cmpf olt, %get3A_2786, %lt3A_2898 : vector<16xf32>
        %or3A_2900 = arith.ori %gt3A_2896, %lt3A_2899 : vector<16xi1>
        %mul3A_2901 = arith.mulf %get3A_2786, %get3A_2791 : vector<16xf32>
        %jit3A_2902 = arith.constant 0.000000e+00 : f32
        %broadcast_in_dim3A_2903 = vector.broadcast %jit3A_2902 : f32 to vector<16xf32>
        %select_n3A_2904 = arith.select %or3A_2900, %mul3A_2901, %broadcast_in_dim3A_2903 : vector<16xi1>, vector<16xf32>
        %add3A_2905 = arith.addf %add3A_2893, %get3A_2786 : vector<16xf32>
        %add3A_2906 = arith.addf %add3A_2905, %get3A_2791 : vector<16xf32>
        %sub3A_2907 = arith.subf %add3A_2906, %select_n3A_2904 : vector<16xf32>
        %jit3A_2908 = arith.constant 0.000000e+00 : f32
        %broadcast_in_dim3A_2909 = vector.broadcast %jit3A_2908 : f32 to vector<16xf32>
        %select_n3A_2910 = arith.select %and3A_2808, %sub3A_2907, %broadcast_in_dim3A_2909 : vector<16xi1>, vector<16xf32>
        %add3A_2911 = arith.addf %add3A_2771, %select_n3A_2910 : vector<16xf32>
        %jit3A_2912 = arith.constant 0.000000e+00 : f32
        %broadcast_in_dim3A_2913 = vector.broadcast %jit3A_2912 : f32 to vector<16xf32>
        %select_n3A_2914 = arith.select %and3A_2808, %get3A_2786, %broadcast_in_dim3A_2913 : vector<16xi1>, vector<16xf32>
        %add3A_2915 = arith.addf %add3A_2775, %select_n3A_2914 : vector<16xf32>
        %jit3A_2916 = arith.constant 1.000000e+00 : f32
        %jit3A_2917 = arith.constant 0.000000e+00 : f32
        %broadcast_in_dim3A_2918 = vector.broadcast %jit3A_2916 : f32 to vector<16xf32>
        %broadcast_in_dim3A_2919 = vector.broadcast %jit3A_2917 : f32 to vector<16xf32>
        %select_n3A_2920 = arith.select %and3A_2808, %broadcast_in_dim3A_2918, %broadcast_in_dim3A_2919 : vector<16xi1>, vector<16xf32>
        %add3A_2921 = arith.addf %add3A_2781, %select_n3A_2920 : vector<16xf32>
        %get3A_2922 = arith.constant 20 : i32
        %get3A_2923 = arith.index_cast %get3A_2922 : i32 to index
        %get3A_2924 = arith.index_cast %mul3A_128 : i32 to index
        %get3A_2925 = tpu.vector_load %arg7[%get3A_2923, %get3A_2924] {strides = array<i32>} : memref<32x512xf32, #tpu.memory_space<vmem>>, vector<1x16xf32>,
        %get3A_2926 = vector.shape_cast %get3A_2925 : vector<1x16xf32> to vector<16xf32>
        %get3A_2927 = arith.constant 20 : i32
        %get3A_2928 = arith.index_cast %get3A_2927 : i32 to index
        %get3A_2929 = arith.index_cast %mul3A_128 : i32 to index
        %get3A_2930 = tpu.vector_load %arg8[%get3A_2928, %get3A_2929] {strides = array<i32>} : memref<32x512xf32, #tpu.memory_space<vmem>>, vector<1x16xf32>,
        %get3A_2931 = vector.shape_cast %get3A_2930 : vector<1x16xf32> to vector<16xf32>
        %get3A_2932 = arith.constant 20 : i32
        %get3A_2933 = arith.index_cast %get3A_2932 : i32 to index
        %get3A_2934 = arith.index_cast %mul3A_128 : i32 to index
        %get3A_2935 = tpu.vector_load %arg9[%get3A_2933, %get3A_2934] {strides = array<i32>} : memref<32x512xf32, #tpu.memory_space<vmem>>, vector<1x16xf32>,
        %get3A_2936 = vector.shape_cast %get3A_2935 : vector<1x16xf32> to vector<16xf32>
        %gt3A_2937 = arith.constant 5.000000e-01 : f32
        %gt3A_2938 = vector.broadcast %gt3A_2937 : f32 to vector<16xf32>
        %gt3A_2939 = arith.cmpf ogt, %get3A_2936, %gt3A_2938 : vector<16xf32>
        %get3A_2940 = arith.constant 20 : i32
        %get3A_2941 = arith.index_cast %get3A_2940 : i32 to index
        %get3A_2942 = arith.index_cast %mul3A_128 : i32 to index
        %get3A_2943 = tpu.vector_load %arg10[%get3A_2941, %get3A_2942] {strides = array<i32>} : memref<32x512xf32, #tpu.memory_space<vmem>>, vector<1x16xf32>,
        %get3A_2944 = vector.shape_cast %get3A_2943 : vector<1x16xf32> to vector<16xf32>
        %gt3A_2945 = arith.constant 5.000000e-01 : f32
        %gt3A_2946 = vector.broadcast %gt3A_2945 : f32 to vector<16xf32>
        %gt3A_2947 = arith.cmpf ogt, %get3A_2944, %gt3A_2946 : vector<16xf32>
        %and3A_2948 = arith.andi %gt3A_2939, %gt3A_2947 : vector<16xi1>
        %abs3A_2949 = math.absf %get3A_2926 : vector<16xf32>
        %neg3A_2950 = arith.constant 0.000000e+00 : f32
        %neg3A_2951 = vector.broadcast %neg3A_2950 : f32 to vector<16xf32>
        %neg3A_2952 = arith.subf %neg3A_2951, %abs3A_2949 : vector<16xf32>
        %exp3A_2953 = math.exp %neg3A_2952 : vector<16xf32>
        %broadcast_in_dim3A_2954 = arith.constant 0.0101189017 : f32
        %broadcast_in_dim3A_2955 = vector.broadcast %broadcast_in_dim3A_2954 : f32 to vector<16xf32>
        %mul3A_2956 = arith.mulf %broadcast_in_dim3A_2955, %exp3A_2953 : vector<16xf32>
        %add3A_2957 = arith.constant -0.0526239537 : f32
        %add3A_2958 = vector.broadcast %add3A_2957 : f32 to vector<16xf32>
        %add3A_2959 = arith.addf %mul3A_2956, %add3A_2958 : vector<16xf32>
        %mul3A_2960 = arith.mulf %add3A_2959, %exp3A_2953 : vector<16xf32>
        %add3A_2961 = arith.constant 0.130763352 : f32
        %add3A_2962 = vector.broadcast %add3A_2961 : f32 to vector<16xf32>
        %add3A_2963 = arith.addf %mul3A_2960, %add3A_2962 : vector<16xf32>
        %mul3A_2964 = arith.mulf %add3A_2963, %exp3A_2953 : vector<16xf32>
        %add3A_2965 = arith.constant -0.222834721 : f32
        %add3A_2966 = vector.broadcast %add3A_2965 : f32 to vector<16xf32>
        %add3A_2967 = arith.addf %mul3A_2964, %add3A_2966 : vector<16xf32>
        %mul3A_2968 = arith.mulf %add3A_2967, %exp3A_2953 : vector<16xf32>
        %add3A_2969 = arith.constant 0.326972365 : f32
        %add3A_2970 = vector.broadcast %add3A_2969 : f32 to vector<16xf32>
        %add3A_2971 = arith.addf %mul3A_2968, %add3A_2970 : vector<16xf32>
        %mul3A_2972 = arith.mulf %add3A_2971, %exp3A_2953 : vector<16xf32>
        %add3A_2973 = arith.constant -0.499206394 : f32
        %add3A_2974 = vector.broadcast %add3A_2973 : f32 to vector<16xf32>
        %add3A_2975 = arith.addf %mul3A_2972, %add3A_2974 : vector<16xf32>
        %mul3A_2976 = arith.mulf %add3A_2975, %exp3A_2953 : vector<16xf32>
        %add3A_2977 = arith.constant 0.999957442 : f32
        %add3A_2978 = vector.broadcast %add3A_2977 : f32 to vector<16xf32>
        %add3A_2979 = arith.addf %mul3A_2976, %add3A_2978 : vector<16xf32>
        %mul3A_2980 = arith.mulf %add3A_2979, %exp3A_2953 : vector<16xf32>
        %add3A_2981 = arith.constant 5.62932996E-7 : f32
        %add3A_2982 = vector.broadcast %add3A_2981 : f32 to vector<16xf32>
        %add3A_2983 = arith.addf %mul3A_2980, %add3A_2982 : vector<16xf32>
        %neg3A_2984 = arith.constant 0.000000e+00 : f32
        %neg3A_2985 = vector.broadcast %neg3A_2984 : f32 to vector<16xf32>
        %neg3A_2986 = arith.subf %neg3A_2985, %get3A_2926 : vector<16xf32>
        %max3A_2987 = arith.constant 0.000000e+00 : f32
        %max3A_2988 = vector.broadcast %max3A_2987 : f32 to vector<16xf32>
        %max3A_2989 = arith.maximumf %neg3A_2986, %max3A_2988 : vector<16xf32>
        %add3A_2990 = arith.addf %max3A_2989, %add3A_2983 : vector<16xf32>
        %abs3A_2991 = math.absf %get3A_2931 : vector<16xf32>
        %neg3A_2992 = arith.constant 0.000000e+00 : f32
        %neg3A_2993 = vector.broadcast %neg3A_2992 : f32 to vector<16xf32>
        %neg3A_2994 = arith.subf %neg3A_2993, %abs3A_2991 : vector<16xf32>
        %exp3A_2995 = math.exp %neg3A_2994 : vector<16xf32>
        %broadcast_in_dim3A_2996 = arith.constant 0.0101189017 : f32
        %broadcast_in_dim3A_2997 = vector.broadcast %broadcast_in_dim3A_2996 : f32 to vector<16xf32>
        %mul3A_2998 = arith.mulf %broadcast_in_dim3A_2997, %exp3A_2995 : vector<16xf32>
        %add3A_2999 = arith.constant -0.0526239537 : f32
        %add3A_3000 = vector.broadcast %add3A_2999 : f32 to vector<16xf32>
        %add3A_3001 = arith.addf %mul3A_2998, %add3A_3000 : vector<16xf32>
        %mul3A_3002 = arith.mulf %add3A_3001, %exp3A_2995 : vector<16xf32>
        %add3A_3003 = arith.constant 0.130763352 : f32
        %add3A_3004 = vector.broadcast %add3A_3003 : f32 to vector<16xf32>
        %add3A_3005 = arith.addf %mul3A_3002, %add3A_3004 : vector<16xf32>
        %mul3A_3006 = arith.mulf %add3A_3005, %exp3A_2995 : vector<16xf32>
        %add3A_3007 = arith.constant -0.222834721 : f32
        %add3A_3008 = vector.broadcast %add3A_3007 : f32 to vector<16xf32>
        %add3A_3009 = arith.addf %mul3A_3006, %add3A_3008 : vector<16xf32>
        %mul3A_3010 = arith.mulf %add3A_3009, %exp3A_2995 : vector<16xf32>
        %add3A_3011 = arith.constant 0.326972365 : f32
        %add3A_3012 = vector.broadcast %add3A_3011 : f32 to vector<16xf32>
        %add3A_3013 = arith.addf %mul3A_3010, %add3A_3012 : vector<16xf32>
        %mul3A_3014 = arith.mulf %add3A_3013, %exp3A_2995 : vector<16xf32>
        %add3A_3015 = arith.constant -0.499206394 : f32
        %add3A_3016 = vector.broadcast %add3A_3015 : f32 to vector<16xf32>
        %add3A_3017 = arith.addf %mul3A_3014, %add3A_3016 : vector<16xf32>
        %mul3A_3018 = arith.mulf %add3A_3017, %exp3A_2995 : vector<16xf32>
        %add3A_3019 = arith.constant 0.999957442 : f32
        %add3A_3020 = vector.broadcast %add3A_3019 : f32 to vector<16xf32>
        %add3A_3021 = arith.addf %mul3A_3018, %add3A_3020 : vector<16xf32>
        %mul3A_3022 = arith.mulf %add3A_3021, %exp3A_2995 : vector<16xf32>
        %add3A_3023 = arith.constant 5.62932996E-7 : f32
        %add3A_3024 = vector.broadcast %add3A_3023 : f32 to vector<16xf32>
        %add3A_3025 = arith.addf %mul3A_3022, %add3A_3024 : vector<16xf32>
        %neg3A_3026 = arith.constant 0.000000e+00 : f32
        %neg3A_3027 = vector.broadcast %neg3A_3026 : f32 to vector<16xf32>
        %neg3A_3028 = arith.subf %neg3A_3027, %get3A_2931 : vector<16xf32>
        %max3A_3029 = arith.constant 0.000000e+00 : f32
        %max3A_3030 = vector.broadcast %max3A_3029 : f32 to vector<16xf32>
        %max3A_3031 = arith.maximumf %neg3A_3028, %max3A_3030 : vector<16xf32>
        %add3A_3032 = arith.addf %max3A_3031, %add3A_3025 : vector<16xf32>
        %add3A_3033 = arith.addf %add3A_2990, %add3A_3032 : vector<16xf32>
        %gt3A_3034 = arith.constant 6.000000e-01 : f32
        %gt3A_3035 = vector.broadcast %gt3A_3034 : f32 to vector<16xf32>
        %gt3A_3036 = arith.cmpf ogt, %get3A_2926, %gt3A_3035 : vector<16xf32>
        %lt3A_3037 = arith.constant 4.000000e-01 : f32
        %lt3A_3038 = vector.broadcast %lt3A_3037 : f32 to vector<16xf32>
        %lt3A_3039 = arith.cmpf olt, %get3A_2926, %lt3A_3038 : vector<16xf32>
        %or3A_3040 = arith.ori %gt3A_3036, %lt3A_3039 : vector<16xi1>
        %mul3A_3041 = arith.mulf %get3A_2926, %get3A_2931 : vector<16xf32>
        %jit3A_3042 = arith.constant 0.000000e+00 : f32
        %broadcast_in_dim3A_3043 = vector.broadcast %jit3A_3042 : f32 to vector<16xf32>
        %select_n3A_3044 = arith.select %or3A_3040, %mul3A_3041, %broadcast_in_dim3A_3043 : vector<16xi1>, vector<16xf32>
        %add3A_3045 = arith.addf %add3A_3033, %get3A_2926 : vector<16xf32>
        %add3A_3046 = arith.addf %add3A_3045, %get3A_2931 : vector<16xf32>
        %sub3A_3047 = arith.subf %add3A_3046, %select_n3A_3044 : vector<16xf32>
        %jit3A_3048 = arith.constant 0.000000e+00 : f32
        %broadcast_in_dim3A_3049 = vector.broadcast %jit3A_3048 : f32 to vector<16xf32>
        %select_n3A_3050 = arith.select %and3A_2948, %sub3A_3047, %broadcast_in_dim3A_3049 : vector<16xi1>, vector<16xf32>
        %add3A_3051 = arith.addf %add3A_2911, %select_n3A_3050 : vector<16xf32>
        %jit3A_3052 = arith.constant 0.000000e+00 : f32
        %broadcast_in_dim3A_3053 = vector.broadcast %jit3A_3052 : f32 to vector<16xf32>
        %select_n3A_3054 = arith.select %and3A_2948, %get3A_2926, %broadcast_in_dim3A_3053 : vector<16xi1>, vector<16xf32>
        %add3A_3055 = arith.addf %add3A_2915, %select_n3A_3054 : vector<16xf32>
        %jit3A_3056 = arith.constant 1.000000e+00 : f32
        %jit3A_3057 = arith.constant 0.000000e+00 : f32
        %broadcast_in_dim3A_3058 = vector.broadcast %jit3A_3056 : f32 to vector<16xf32>
        %broadcast_in_dim3A_3059 = vector.broadcast %jit3A_3057 : f32 to vector<16xf32>
        %select_n3A_3060 = arith.select %and3A_2948, %broadcast_in_dim3A_3058, %broadcast_in_dim3A_3059 : vector<16xi1>, vector<16xf32>
        %add3A_3061 = arith.addf %add3A_2921, %select_n3A_3060 : vector<16xf32>
        %get3A_3062 = arith.constant 21 : i32
        %get3A_3063 = arith.index_cast %get3A_3062 : i32 to index
        %get3A_3064 = arith.index_cast %mul3A_128 : i32 to index
        %get3A_3065 = tpu.vector_load %arg7[%get3A_3063, %get3A_3064] {strides = array<i32>} : memref<32x512xf32, #tpu.memory_space<vmem>>, vector<1x16xf32>,
        %get3A_3066 = vector.shape_cast %get3A_3065 : vector<1x16xf32> to vector<16xf32>
        %get3A_3067 = arith.constant 21 : i32
        %get3A_3068 = arith.index_cast %get3A_3067 : i32 to index
        %get3A_3069 = arith.index_cast %mul3A_128 : i32 to index
        %get3A_3070 = tpu.vector_load %arg8[%get3A_3068, %get3A_3069] {strides = array<i32>} : memref<32x512xf32, #tpu.memory_space<vmem>>, vector<1x16xf32>,
        %get3A_3071 = vector.shape_cast %get3A_3070 : vector<1x16xf32> to vector<16xf32>
        %get3A_3072 = arith.constant 21 : i32
        %get3A_3073 = arith.index_cast %get3A_3072 : i32 to index
        %get3A_3074 = arith.index_cast %mul3A_128 : i32 to index
        %get3A_3075 = tpu.vector_load %arg9[%get3A_3073, %get3A_3074] {strides = array<i32>} : memref<32x512xf32, #tpu.memory_space<vmem>>, vector<1x16xf32>,
        %get3A_3076 = vector.shape_cast %get3A_3075 : vector<1x16xf32> to vector<16xf32>
        %gt3A_3077 = arith.constant 5.000000e-01 : f32
        %gt3A_3078 = vector.broadcast %gt3A_3077 : f32 to vector<16xf32>
        %gt3A_3079 = arith.cmpf ogt, %get3A_3076, %gt3A_3078 : vector<16xf32>
        %get3A_3080 = arith.constant 21 : i32
        %get3A_3081 = arith.index_cast %get3A_3080 : i32 to index
        %get3A_3082 = arith.index_cast %mul3A_128 : i32 to index
        %get3A_3083 = tpu.vector_load %arg10[%get3A_3081, %get3A_3082] {strides = array<i32>} : memref<32x512xf32, #tpu.memory_space<vmem>>, vector<1x16xf32>,
        %get3A_3084 = vector.shape_cast %get3A_3083 : vector<1x16xf32> to vector<16xf32>
        %gt3A_3085 = arith.constant 5.000000e-01 : f32
        %gt3A_3086 = vector.broadcast %gt3A_3085 : f32 to vector<16xf32>
        %gt3A_3087 = arith.cmpf ogt, %get3A_3084, %gt3A_3086 : vector<16xf32>
        %and3A_3088 = arith.andi %gt3A_3079, %gt3A_3087 : vector<16xi1>
        %abs3A_3089 = math.absf %get3A_3066 : vector<16xf32>
        %neg3A_3090 = arith.constant 0.000000e+00 : f32
        %neg3A_3091 = vector.broadcast %neg3A_3090 : f32 to vector<16xf32>
        %neg3A_3092 = arith.subf %neg3A_3091, %abs3A_3089 : vector<16xf32>
        %exp3A_3093 = math.exp %neg3A_3092 : vector<16xf32>
        %broadcast_in_dim3A_3094 = arith.constant 0.0101189017 : f32
        %broadcast_in_dim3A_3095 = vector.broadcast %broadcast_in_dim3A_3094 : f32 to vector<16xf32>
        %mul3A_3096 = arith.mulf %broadcast_in_dim3A_3095, %exp3A_3093 : vector<16xf32>
        %add3A_3097 = arith.constant -0.0526239537 : f32
        %add3A_3098 = vector.broadcast %add3A_3097 : f32 to vector<16xf32>
        %add3A_3099 = arith.addf %mul3A_3096, %add3A_3098 : vector<16xf32>
        %mul3A_3100 = arith.mulf %add3A_3099, %exp3A_3093 : vector<16xf32>
        %add3A_3101 = arith.constant 0.130763352 : f32
        %add3A_3102 = vector.broadcast %add3A_3101 : f32 to vector<16xf32>
        %add3A_3103 = arith.addf %mul3A_3100, %add3A_3102 : vector<16xf32>
        %mul3A_3104 = arith.mulf %add3A_3103, %exp3A_3093 : vector<16xf32>
        %add3A_3105 = arith.constant -0.222834721 : f32
        %add3A_3106 = vector.broadcast %add3A_3105 : f32 to vector<16xf32>
        %add3A_3107 = arith.addf %mul3A_3104, %add3A_3106 : vector<16xf32>
        %mul3A_3108 = arith.mulf %add3A_3107, %exp3A_3093 : vector<16xf32>
        %add3A_3109 = arith.constant 0.326972365 : f32
        %add3A_3110 = vector.broadcast %add3A_3109 : f32 to vector<16xf32>
        %add3A_3111 = arith.addf %mul3A_3108, %add3A_3110 : vector<16xf32>
        %mul3A_3112 = arith.mulf %add3A_3111, %exp3A_3093 : vector<16xf32>
        %add3A_3113 = arith.constant -0.499206394 : f32
        %add3A_3114 = vector.broadcast %add3A_3113 : f32 to vector<16xf32>
        %add3A_3115 = arith.addf %mul3A_3112, %add3A_3114 : vector<16xf32>
        %mul3A_3116 = arith.mulf %add3A_3115, %exp3A_3093 : vector<16xf32>
        %add3A_3117 = arith.constant 0.999957442 : f32
        %add3A_3118 = vector.broadcast %add3A_3117 : f32 to vector<16xf32>
        %add3A_3119 = arith.addf %mul3A_3116, %add3A_3118 : vector<16xf32>
        %mul3A_3120 = arith.mulf %add3A_3119, %exp3A_3093 : vector<16xf32>
        %add3A_3121 = arith.constant 5.62932996E-7 : f32
        %add3A_3122 = vector.broadcast %add3A_3121 : f32 to vector<16xf32>
        %add3A_3123 = arith.addf %mul3A_3120, %add3A_3122 : vector<16xf32>
        %neg3A_3124 = arith.constant 0.000000e+00 : f32
        %neg3A_3125 = vector.broadcast %neg3A_3124 : f32 to vector<16xf32>
        %neg3A_3126 = arith.subf %neg3A_3125, %get3A_3066 : vector<16xf32>
        %max3A_3127 = arith.constant 0.000000e+00 : f32
        %max3A_3128 = vector.broadcast %max3A_3127 : f32 to vector<16xf32>
        %max3A_3129 = arith.maximumf %neg3A_3126, %max3A_3128 : vector<16xf32>
        %add3A_3130 = arith.addf %max3A_3129, %add3A_3123 : vector<16xf32>
        %abs3A_3131 = math.absf %get3A_3071 : vector<16xf32>
        %neg3A_3132 = arith.constant 0.000000e+00 : f32
        %neg3A_3133 = vector.broadcast %neg3A_3132 : f32 to vector<16xf32>
        %neg3A_3134 = arith.subf %neg3A_3133, %abs3A_3131 : vector<16xf32>
        %exp3A_3135 = math.exp %neg3A_3134 : vector<16xf32>
        %broadcast_in_dim3A_3136 = arith.constant 0.0101189017 : f32
        %broadcast_in_dim3A_3137 = vector.broadcast %broadcast_in_dim3A_3136 : f32 to vector<16xf32>
        %mul3A_3138 = arith.mulf %broadcast_in_dim3A_3137, %exp3A_3135 : vector<16xf32>
        %add3A_3139 = arith.constant -0.0526239537 : f32
        %add3A_3140 = vector.broadcast %add3A_3139 : f32 to vector<16xf32>
        %add3A_3141 = arith.addf %mul3A_3138, %add3A_3140 : vector<16xf32>
        %mul3A_3142 = arith.mulf %add3A_3141, %exp3A_3135 : vector<16xf32>
        %add3A_3143 = arith.constant 0.130763352 : f32
        %add3A_3144 = vector.broadcast %add3A_3143 : f32 to vector<16xf32>
        %add3A_3145 = arith.addf %mul3A_3142, %add3A_3144 : vector<16xf32>
        %mul3A_3146 = arith.mulf %add3A_3145, %exp3A_3135 : vector<16xf32>
        %add3A_3147 = arith.constant -0.222834721 : f32
        %add3A_3148 = vector.broadcast %add3A_3147 : f32 to vector<16xf32>
        %add3A_3149 = arith.addf %mul3A_3146, %add3A_3148 : vector<16xf32>
        %mul3A_3150 = arith.mulf %add3A_3149, %exp3A_3135 : vector<16xf32>
        %add3A_3151 = arith.constant 0.326972365 : f32
        %add3A_3152 = vector.broadcast %add3A_3151 : f32 to vector<16xf32>
        %add3A_3153 = arith.addf %mul3A_3150, %add3A_3152 : vector<16xf32>
        %mul3A_3154 = arith.mulf %add3A_3153, %exp3A_3135 : vector<16xf32>
        %add3A_3155 = arith.constant -0.499206394 : f32
        %add3A_3156 = vector.broadcast %add3A_3155 : f32 to vector<16xf32>
        %add3A_3157 = arith.addf %mul3A_3154, %add3A_3156 : vector<16xf32>
        %mul3A_3158 = arith.mulf %add3A_3157, %exp3A_3135 : vector<16xf32>
        %add3A_3159 = arith.constant 0.999957442 : f32
        %add3A_3160 = vector.broadcast %add3A_3159 : f32 to vector<16xf32>
        %add3A_3161 = arith.addf %mul3A_3158, %add3A_3160 : vector<16xf32>
        %mul3A_3162 = arith.mulf %add3A_3161, %exp3A_3135 : vector<16xf32>
        %add3A_3163 = arith.constant 5.62932996E-7 : f32
        %add3A_3164 = vector.broadcast %add3A_3163 : f32 to vector<16xf32>
        %add3A_3165 = arith.addf %mul3A_3162, %add3A_3164 : vector<16xf32>
        %neg3A_3166 = arith.constant 0.000000e+00 : f32
        %neg3A_3167 = vector.broadcast %neg3A_3166 : f32 to vector<16xf32>
        %neg3A_3168 = arith.subf %neg3A_3167, %get3A_3071 : vector<16xf32>
        %max3A_3169 = arith.constant 0.000000e+00 : f32
        %max3A_3170 = vector.broadcast %max3A_3169 : f32 to vector<16xf32>
        %max3A_3171 = arith.maximumf %neg3A_3168, %max3A_3170 : vector<16xf32>
        %add3A_3172 = arith.addf %max3A_3171, %add3A_3165 : vector<16xf32>
        %add3A_3173 = arith.addf %add3A_3130, %add3A_3172 : vector<16xf32>
        %gt3A_3174 = arith.constant 6.000000e-01 : f32
        %gt3A_3175 = vector.broadcast %gt3A_3174 : f32 to vector<16xf32>
        %gt3A_3176 = arith.cmpf ogt, %get3A_3066, %gt3A_3175 : vector<16xf32>
        %lt3A_3177 = arith.constant 4.000000e-01 : f32
        %lt3A_3178 = vector.broadcast %lt3A_3177 : f32 to vector<16xf32>
        %lt3A_3179 = arith.cmpf olt, %get3A_3066, %lt3A_3178 : vector<16xf32>
        %or3A_3180 = arith.ori %gt3A_3176, %lt3A_3179 : vector<16xi1>
        %mul3A_3181 = arith.mulf %get3A_3066, %get3A_3071 : vector<16xf32>
        %jit3A_3182 = arith.constant 0.000000e+00 : f32
        %broadcast_in_dim3A_3183 = vector.broadcast %jit3A_3182 : f32 to vector<16xf32>
        %select_n3A_3184 = arith.select %or3A_3180, %mul3A_3181, %broadcast_in_dim3A_3183 : vector<16xi1>, vector<16xf32>
        %add3A_3185 = arith.addf %add3A_3173, %get3A_3066 : vector<16xf32>
        %add3A_3186 = arith.addf %add3A_3185, %get3A_3071 : vector<16xf32>
        %sub3A_3187 = arith.subf %add3A_3186, %select_n3A_3184 : vector<16xf32>
        %jit3A_3188 = arith.constant 0.000000e+00 : f32
        %broadcast_in_dim3A_3189 = vector.broadcast %jit3A_3188 : f32 to vector<16xf32>
        %select_n3A_3190 = arith.select %and3A_3088, %sub3A_3187, %broadcast_in_dim3A_3189 : vector<16xi1>, vector<16xf32>
        %add3A_3191 = arith.addf %add3A_3051, %select_n3A_3190 : vector<16xf32>
        %jit3A_3192 = arith.constant 0.000000e+00 : f32
        %broadcast_in_dim3A_3193 = vector.broadcast %jit3A_3192 : f32 to vector<16xf32>
        %select_n3A_3194 = arith.select %and3A_3088, %get3A_3066, %broadcast_in_dim3A_3193 : vector<16xi1>, vector<16xf32>
        %add3A_3195 = arith.addf %add3A_3055, %select_n3A_3194 : vector<16xf32>
        %jit3A_3196 = arith.constant 1.000000e+00 : f32
        %jit3A_3197 = arith.constant 0.000000e+00 : f32
        %broadcast_in_dim3A_3198 = vector.broadcast %jit3A_3196 : f32 to vector<16xf32>
        %broadcast_in_dim3A_3199 = vector.broadcast %jit3A_3197 : f32 to vector<16xf32>
        %select_n3A_3200 = arith.select %and3A_3088, %broadcast_in_dim3A_3198, %broadcast_in_dim3A_3199 : vector<16xi1>, vector<16xf32>
        %add3A_3201 = arith.addf %add3A_3061, %select_n3A_3200 : vector<16xf32>
        %get3A_3202 = arith.constant 22 : i32
        %get3A_3203 = arith.index_cast %get3A_3202 : i32 to index
        %get3A_3204 = arith.index_cast %mul3A_128 : i32 to index
        %get3A_3205 = tpu.vector_load %arg7[%get3A_3203, %get3A_3204] {strides = array<i32>} : memref<32x512xf32, #tpu.memory_space<vmem>>, vector<1x16xf32>,
        %get3A_3206 = vector.shape_cast %get3A_3205 : vector<1x16xf32> to vector<16xf32>
        %get3A_3207 = arith.constant 22 : i32
        %get3A_3208 = arith.index_cast %get3A_3207 : i32 to index
        %get3A_3209 = arith.index_cast %mul3A_128 : i32 to index
        %get3A_3210 = tpu.vector_load %arg8[%get3A_3208, %get3A_3209] {strides = array<i32>} : memref<32x512xf32, #tpu.memory_space<vmem>>, vector<1x16xf32>,
        %get3A_3211 = vector.shape_cast %get3A_3210 : vector<1x16xf32> to vector<16xf32>
        %get3A_3212 = arith.constant 22 : i32
        %get3A_3213 = arith.index_cast %get3A_3212 : i32 to index
        %get3A_3214 = arith.index_cast %mul3A_128 : i32 to index
        %get3A_3215 = tpu.vector_load %arg9[%get3A_3213, %get3A_3214] {strides = array<i32>} : memref<32x512xf32, #tpu.memory_space<vmem>>, vector<1x16xf32>,
        %get3A_3216 = vector.shape_cast %get3A_3215 : vector<1x16xf32> to vector<16xf32>
        %gt3A_3217 = arith.constant 5.000000e-01 : f32
        %gt3A_3218 = vector.broadcast %gt3A_3217 : f32 to vector<16xf32>
        %gt3A_3219 = arith.cmpf ogt, %get3A_3216, %gt3A_3218 : vector<16xf32>
        %get3A_3220 = arith.constant 22 : i32
        %get3A_3221 = arith.index_cast %get3A_3220 : i32 to index
        %get3A_3222 = arith.index_cast %mul3A_128 : i32 to index
        %get3A_3223 = tpu.vector_load %arg10[%get3A_3221, %get3A_3222] {strides = array<i32>} : memref<32x512xf32, #tpu.memory_space<vmem>>, vector<1x16xf32>,
        %get3A_3224 = vector.shape_cast %get3A_3223 : vector<1x16xf32> to vector<16xf32>
        %gt3A_3225 = arith.constant 5.000000e-01 : f32
        %gt3A_3226 = vector.broadcast %gt3A_3225 : f32 to vector<16xf32>
        %gt3A_3227 = arith.cmpf ogt, %get3A_3224, %gt3A_3226 : vector<16xf32>
        %and3A_3228 = arith.andi %gt3A_3219, %gt3A_3227 : vector<16xi1>
        %abs3A_3229 = math.absf %get3A_3206 : vector<16xf32>
        %neg3A_3230 = arith.constant 0.000000e+00 : f32
        %neg3A_3231 = vector.broadcast %neg3A_3230 : f32 to vector<16xf32>
        %neg3A_3232 = arith.subf %neg3A_3231, %abs3A_3229 : vector<16xf32>
        %exp3A_3233 = math.exp %neg3A_3232 : vector<16xf32>
        %broadcast_in_dim3A_3234 = arith.constant 0.0101189017 : f32
        %broadcast_in_dim3A_3235 = vector.broadcast %broadcast_in_dim3A_3234 : f32 to vector<16xf32>
        %mul3A_3236 = arith.mulf %broadcast_in_dim3A_3235, %exp3A_3233 : vector<16xf32>
        %add3A_3237 = arith.constant -0.0526239537 : f32
        %add3A_3238 = vector.broadcast %add3A_3237 : f32 to vector<16xf32>
        %add3A_3239 = arith.addf %mul3A_3236, %add3A_3238 : vector<16xf32>
        %mul3A_3240 = arith.mulf %add3A_3239, %exp3A_3233 : vector<16xf32>
        %add3A_3241 = arith.constant 0.130763352 : f32
        %add3A_3242 = vector.broadcast %add3A_3241 : f32 to vector<16xf32>
        %add3A_3243 = arith.addf %mul3A_3240, %add3A_3242 : vector<16xf32>
        %mul3A_3244 = arith.mulf %add3A_3243, %exp3A_3233 : vector<16xf32>
        %add3A_3245 = arith.constant -0.222834721 : f32
        %add3A_3246 = vector.broadcast %add3A_3245 : f32 to vector<16xf32>
        %add3A_3247 = arith.addf %mul3A_3244, %add3A_3246 : vector<16xf32>
        %mul3A_3248 = arith.mulf %add3A_3247, %exp3A_3233 : vector<16xf32>
        %add3A_3249 = arith.constant 0.326972365 : f32
        %add3A_3250 = vector.broadcast %add3A_3249 : f32 to vector<16xf32>
        %add3A_3251 = arith.addf %mul3A_3248, %add3A_3250 : vector<16xf32>
        %mul3A_3252 = arith.mulf %add3A_3251, %exp3A_3233 : vector<16xf32>
        %add3A_3253 = arith.constant -0.499206394 : f32
        %add3A_3254 = vector.broadcast %add3A_3253 : f32 to vector<16xf32>
        %add3A_3255 = arith.addf %mul3A_3252, %add3A_3254 : vector<16xf32>
        %mul3A_3256 = arith.mulf %add3A_3255, %exp3A_3233 : vector<16xf32>
        %add3A_3257 = arith.constant 0.999957442 : f32
        %add3A_3258 = vector.broadcast %add3A_3257 : f32 to vector<16xf32>
        %add3A_3259 = arith.addf %mul3A_3256, %add3A_3258 : vector<16xf32>
        %mul3A_3260 = arith.mulf %add3A_3259, %exp3A_3233 : vector<16xf32>
        %add3A_3261 = arith.constant 5.62932996E-7 : f32
        %add3A_3262 = vector.broadcast %add3A_3261 : f32 to vector<16xf32>
        %add3A_3263 = arith.addf %mul3A_3260, %add3A_3262 : vector<16xf32>
        %neg3A_3264 = arith.constant 0.000000e+00 : f32
        %neg3A_3265 = vector.broadcast %neg3A_3264 : f32 to vector<16xf32>
        %neg3A_3266 = arith.subf %neg3A_3265, %get3A_3206 : vector<16xf32>
        %max3A_3267 = arith.constant 0.000000e+00 : f32
        %max3A_3268 = vector.broadcast %max3A_3267 : f32 to vector<16xf32>
        %max3A_3269 = arith.maximumf %neg3A_3266, %max3A_3268 : vector<16xf32>
        %add3A_3270 = arith.addf %max3A_3269, %add3A_3263 : vector<16xf32>
        %abs3A_3271 = math.absf %get3A_3211 : vector<16xf32>
        %neg3A_3272 = arith.constant 0.000000e+00 : f32
        %neg3A_3273 = vector.broadcast %neg3A_3272 : f32 to vector<16xf32>
        %neg3A_3274 = arith.subf %neg3A_3273, %abs3A_3271 : vector<16xf32>
        %exp3A_3275 = math.exp %neg3A_3274 : vector<16xf32>
        %broadcast_in_dim3A_3276 = arith.constant 0.0101189017 : f32
        %broadcast_in_dim3A_3277 = vector.broadcast %broadcast_in_dim3A_3276 : f32 to vector<16xf32>
        %mul3A_3278 = arith.mulf %broadcast_in_dim3A_3277, %exp3A_3275 : vector<16xf32>
        %add3A_3279 = arith.constant -0.0526239537 : f32
        %add3A_3280 = vector.broadcast %add3A_3279 : f32 to vector<16xf32>
        %add3A_3281 = arith.addf %mul3A_3278, %add3A_3280 : vector<16xf32>
        %mul3A_3282 = arith.mulf %add3A_3281, %exp3A_3275 : vector<16xf32>
        %add3A_3283 = arith.constant 0.130763352 : f32
        %add3A_3284 = vector.broadcast %add3A_3283 : f32 to vector<16xf32>
        %add3A_3285 = arith.addf %mul3A_3282, %add3A_3284 : vector<16xf32>
        %mul3A_3286 = arith.mulf %add3A_3285, %exp3A_3275 : vector<16xf32>
        %add3A_3287 = arith.constant -0.222834721 : f32
        %add3A_3288 = vector.broadcast %add3A_3287 : f32 to vector<16xf32>
        %add3A_3289 = arith.addf %mul3A_3286, %add3A_3288 : vector<16xf32>
        %mul3A_3290 = arith.mulf %add3A_3289, %exp3A_3275 : vector<16xf32>
        %add3A_3291 = arith.constant 0.326972365 : f32
        %add3A_3292 = vector.broadcast %add3A_3291 : f32 to vector<16xf32>
        %add3A_3293 = arith.addf %mul3A_3290, %add3A_3292 : vector<16xf32>
        %mul3A_3294 = arith.mulf %add3A_3293, %exp3A_3275 : vector<16xf32>
        %add3A_3295 = arith.constant -0.499206394 : f32
        %add3A_3296 = vector.broadcast %add3A_3295 : f32 to vector<16xf32>
        %add3A_3297 = arith.addf %mul3A_3294, %add3A_3296 : vector<16xf32>
        %mul3A_3298 = arith.mulf %add3A_3297, %exp3A_3275 : vector<16xf32>
        %add3A_3299 = arith.constant 0.999957442 : f32
        %add3A_3300 = vector.broadcast %add3A_3299 : f32 to vector<16xf32>
        %add3A_3301 = arith.addf %mul3A_3298, %add3A_3300 : vector<16xf32>
        %mul3A_3302 = arith.mulf %add3A_3301, %exp3A_3275 : vector<16xf32>
        %add3A_3303 = arith.constant 5.62932996E-7 : f32
        %add3A_3304 = vector.broadcast %add3A_3303 : f32 to vector<16xf32>
        %add3A_3305 = arith.addf %mul3A_3302, %add3A_3304 : vector<16xf32>
        %neg3A_3306 = arith.constant 0.000000e+00 : f32
        %neg3A_3307 = vector.broadcast %neg3A_3306 : f32 to vector<16xf32>
        %neg3A_3308 = arith.subf %neg3A_3307, %get3A_3211 : vector<16xf32>
        %max3A_3309 = arith.constant 0.000000e+00 : f32
        %max3A_3310 = vector.broadcast %max3A_3309 : f32 to vector<16xf32>
        %max3A_3311 = arith.maximumf %neg3A_3308, %max3A_3310 : vector<16xf32>
        %add3A_3312 = arith.addf %max3A_3311, %add3A_3305 : vector<16xf32>
        %add3A_3313 = arith.addf %add3A_3270, %add3A_3312 : vector<16xf32>
        %gt3A_3314 = arith.constant 6.000000e-01 : f32
        %gt3A_3315 = vector.broadcast %gt3A_3314 : f32 to vector<16xf32>
        %gt3A_3316 = arith.cmpf ogt, %get3A_3206, %gt3A_3315 : vector<16xf32>
        %lt3A_3317 = arith.constant 4.000000e-01 : f32
        %lt3A_3318 = vector.broadcast %lt3A_3317 : f32 to vector<16xf32>
        %lt3A_3319 = arith.cmpf olt, %get3A_3206, %lt3A_3318 : vector<16xf32>
        %or3A_3320 = arith.ori %gt3A_3316, %lt3A_3319 : vector<16xi1>
        %mul3A_3321 = arith.mulf %get3A_3206, %get3A_3211 : vector<16xf32>
        %jit3A_3322 = arith.constant 0.000000e+00 : f32
        %broadcast_in_dim3A_3323 = vector.broadcast %jit3A_3322 : f32 to vector<16xf32>
        %select_n3A_3324 = arith.select %or3A_3320, %mul3A_3321, %broadcast_in_dim3A_3323 : vector<16xi1>, vector<16xf32>
        %add3A_3325 = arith.addf %add3A_3313, %get3A_3206 : vector<16xf32>
        %add3A_3326 = arith.addf %add3A_3325, %get3A_3211 : vector<16xf32>
        %sub3A_3327 = arith.subf %add3A_3326, %select_n3A_3324 : vector<16xf32>
        %jit3A_3328 = arith.constant 0.000000e+00 : f32
        %broadcast_in_dim3A_3329 = vector.broadcast %jit3A_3328 : f32 to vector<16xf32>
        %select_n3A_3330 = arith.select %and3A_3228, %sub3A_3327, %broadcast_in_dim3A_3329 : vector<16xi1>, vector<16xf32>
        %add3A_3331 = arith.addf %add3A_3191, %select_n3A_3330 : vector<16xf32>
        %jit3A_3332 = arith.constant 0.000000e+00 : f32
        %broadcast_in_dim3A_3333 = vector.broadcast %jit3A_3332 : f32 to vector<16xf32>
        %select_n3A_3334 = arith.select %and3A_3228, %get3A_3206, %broadcast_in_dim3A_3333 : vector<16xi1>, vector<16xf32>
        %add3A_3335 = arith.addf %add3A_3195, %select_n3A_3334 : vector<16xf32>
        %jit3A_3336 = arith.constant 1.000000e+00 : f32
        %jit3A_3337 = arith.constant 0.000000e+00 : f32
        %broadcast_in_dim3A_3338 = vector.broadcast %jit3A_3336 : f32 to vector<16xf32>
        %broadcast_in_dim3A_3339 = vector.broadcast %jit3A_3337 : f32 to vector<16xf32>
        %select_n3A_3340 = arith.select %and3A_3228, %broadcast_in_dim3A_3338, %broadcast_in_dim3A_3339 : vector<16xi1>, vector<16xf32>
        %add3A_3341 = arith.addf %add3A_3201, %select_n3A_3340 : vector<16xf32>
        %get3A_3342 = arith.constant 23 : i32
        %get3A_3343 = arith.index_cast %get3A_3342 : i32 to index
        %get3A_3344 = arith.index_cast %mul3A_128 : i32 to index
        %get3A_3345 = tpu.vector_load %arg7[%get3A_3343, %get3A_3344] {strides = array<i32>} : memref<32x512xf32, #tpu.memory_space<vmem>>, vector<1x16xf32>,
        %get3A_3346 = vector.shape_cast %get3A_3345 : vector<1x16xf32> to vector<16xf32>
        %get3A_3347 = arith.constant 23 : i32
        %get3A_3348 = arith.index_cast %get3A_3347 : i32 to index
        %get3A_3349 = arith.index_cast %mul3A_128 : i32 to index
        %get3A_3350 = tpu.vector_load %arg8[%get3A_3348, %get3A_3349] {strides = array<i32>} : memref<32x512xf32, #tpu.memory_space<vmem>>, vector<1x16xf32>,
        %get3A_3351 = vector.shape_cast %get3A_3350 : vector<1x16xf32> to vector<16xf32>
        %get3A_3352 = arith.constant 23 : i32
        %get3A_3353 = arith.index_cast %get3A_3352 : i32 to index
        %get3A_3354 = arith.index_cast %mul3A_128 : i32 to index
        %get3A_3355 = tpu.vector_load %arg9[%get3A_3353, %get3A_3354] {strides = array<i32>} : memref<32x512xf32, #tpu.memory_space<vmem>>, vector<1x16xf32>,
        %get3A_3356 = vector.shape_cast %get3A_3355 : vector<1x16xf32> to vector<16xf32>
        %gt3A_3357 = arith.constant 5.000000e-01 : f32
        %gt3A_3358 = vector.broadcast %gt3A_3357 : f32 to vector<16xf32>
        %gt3A_3359 = arith.cmpf ogt, %get3A_3356, %gt3A_3358 : vector<16xf32>
        %get3A_3360 = arith.constant 23 : i32
        %get3A_3361 = arith.index_cast %get3A_3360 : i32 to index
        %get3A_3362 = arith.index_cast %mul3A_128 : i32 to index
        %get3A_3363 = tpu.vector_load %arg10[%get3A_3361, %get3A_3362] {strides = array<i32>} : memref<32x512xf32, #tpu.memory_space<vmem>>, vector<1x16xf32>,
        %get3A_3364 = vector.shape_cast %get3A_3363 : vector<1x16xf32> to vector<16xf32>
        %gt3A_3365 = arith.constant 5.000000e-01 : f32
        %gt3A_3366 = vector.broadcast %gt3A_3365 : f32 to vector<16xf32>
        %gt3A_3367 = arith.cmpf ogt, %get3A_3364, %gt3A_3366 : vector<16xf32>
        %and3A_3368 = arith.andi %gt3A_3359, %gt3A_3367 : vector<16xi1>
        %abs3A_3369 = math.absf %get3A_3346 : vector<16xf32>
        %neg3A_3370 = arith.constant 0.000000e+00 : f32
        %neg3A_3371 = vector.broadcast %neg3A_3370 : f32 to vector<16xf32>
        %neg3A_3372 = arith.subf %neg3A_3371, %abs3A_3369 : vector<16xf32>
        %exp3A_3373 = math.exp %neg3A_3372 : vector<16xf32>
        %broadcast_in_dim3A_3374 = arith.constant 0.0101189017 : f32
        %broadcast_in_dim3A_3375 = vector.broadcast %broadcast_in_dim3A_3374 : f32 to vector<16xf32>
        %mul3A_3376 = arith.mulf %broadcast_in_dim3A_3375, %exp3A_3373 : vector<16xf32>
        %add3A_3377 = arith.constant -0.0526239537 : f32
        %add3A_3378 = vector.broadcast %add3A_3377 : f32 to vector<16xf32>
        %add3A_3379 = arith.addf %mul3A_3376, %add3A_3378 : vector<16xf32>
        %mul3A_3380 = arith.mulf %add3A_3379, %exp3A_3373 : vector<16xf32>
        %add3A_3381 = arith.constant 0.130763352 : f32
        %add3A_3382 = vector.broadcast %add3A_3381 : f32 to vector<16xf32>
        %add3A_3383 = arith.addf %mul3A_3380, %add3A_3382 : vector<16xf32>
        %mul3A_3384 = arith.mulf %add3A_3383, %exp3A_3373 : vector<16xf32>
        %add3A_3385 = arith.constant -0.222834721 : f32
        %add3A_3386 = vector.broadcast %add3A_3385 : f32 to vector<16xf32>
        %add3A_3387 = arith.addf %mul3A_3384, %add3A_3386 : vector<16xf32>
        %mul3A_3388 = arith.mulf %add3A_3387, %exp3A_3373 : vector<16xf32>
        %add3A_3389 = arith.constant 0.326972365 : f32
        %add3A_3390 = vector.broadcast %add3A_3389 : f32 to vector<16xf32>
        %add3A_3391 = arith.addf %mul3A_3388, %add3A_3390 : vector<16xf32>
        %mul3A_3392 = arith.mulf %add3A_3391, %exp3A_3373 : vector<16xf32>
        %add3A_3393 = arith.constant -0.499206394 : f32
        %add3A_3394 = vector.broadcast %add3A_3393 : f32 to vector<16xf32>
        %add3A_3395 = arith.addf %mul3A_3392, %add3A_3394 : vector<16xf32>
        %mul3A_3396 = arith.mulf %add3A_3395, %exp3A_3373 : vector<16xf32>
        %add3A_3397 = arith.constant 0.999957442 : f32
        %add3A_3398 = vector.broadcast %add3A_3397 : f32 to vector<16xf32>
        %add3A_3399 = arith.addf %mul3A_3396, %add3A_3398 : vector<16xf32>
        %mul3A_3400 = arith.mulf %add3A_3399, %exp3A_3373 : vector<16xf32>
        %add3A_3401 = arith.constant 5.62932996E-7 : f32
        %add3A_3402 = vector.broadcast %add3A_3401 : f32 to vector<16xf32>
        %add3A_3403 = arith.addf %mul3A_3400, %add3A_3402 : vector<16xf32>
        %neg3A_3404 = arith.constant 0.000000e+00 : f32
        %neg3A_3405 = vector.broadcast %neg3A_3404 : f32 to vector<16xf32>
        %neg3A_3406 = arith.subf %neg3A_3405, %get3A_3346 : vector<16xf32>
        %max3A_3407 = arith.constant 0.000000e+00 : f32
        %max3A_3408 = vector.broadcast %max3A_3407 : f32 to vector<16xf32>
        %max3A_3409 = arith.maximumf %neg3A_3406, %max3A_3408 : vector<16xf32>
        %add3A_3410 = arith.addf %max3A_3409, %add3A_3403 : vector<16xf32>
        %abs3A_3411 = math.absf %get3A_3351 : vector<16xf32>
        %neg3A_3412 = arith.constant 0.000000e+00 : f32
        %neg3A_3413 = vector.broadcast %neg3A_3412 : f32 to vector<16xf32>
        %neg3A_3414 = arith.subf %neg3A_3413, %abs3A_3411 : vector<16xf32>
        %exp3A_3415 = math.exp %neg3A_3414 : vector<16xf32>
        %broadcast_in_dim3A_3416 = arith.constant 0.0101189017 : f32
        %broadcast_in_dim3A_3417 = vector.broadcast %broadcast_in_dim3A_3416 : f32 to vector<16xf32>
        %mul3A_3418 = arith.mulf %broadcast_in_dim3A_3417, %exp3A_3415 : vector<16xf32>
        %add3A_3419 = arith.constant -0.0526239537 : f32
        %add3A_3420 = vector.broadcast %add3A_3419 : f32 to vector<16xf32>
        %add3A_3421 = arith.addf %mul3A_3418, %add3A_3420 : vector<16xf32>
        %mul3A_3422 = arith.mulf %add3A_3421, %exp3A_3415 : vector<16xf32>
        %add3A_3423 = arith.constant 0.130763352 : f32
        %add3A_3424 = vector.broadcast %add3A_3423 : f32 to vector<16xf32>
        %add3A_3425 = arith.addf %mul3A_3422, %add3A_3424 : vector<16xf32>
        %mul3A_3426 = arith.mulf %add3A_3425, %exp3A_3415 : vector<16xf32>
        %add3A_3427 = arith.constant -0.222834721 : f32
        %add3A_3428 = vector.broadcast %add3A_3427 : f32 to vector<16xf32>
        %add3A_3429 = arith.addf %mul3A_3426, %add3A_3428 : vector<16xf32>
        %mul3A_3430 = arith.mulf %add3A_3429, %exp3A_3415 : vector<16xf32>
        %add3A_3431 = arith.constant 0.326972365 : f32
        %add3A_3432 = vector.broadcast %add3A_3431 : f32 to vector<16xf32>
        %add3A_3433 = arith.addf %mul3A_3430, %add3A_3432 : vector<16xf32>
        %mul3A_3434 = arith.mulf %add3A_3433, %exp3A_3415 : vector<16xf32>
        %add3A_3435 = arith.constant -0.499206394 : f32
        %add3A_3436 = vector.broadcast %add3A_3435 : f32 to vector<16xf32>
        %add3A_3437 = arith.addf %mul3A_3434, %add3A_3436 : vector<16xf32>
        %mul3A_3438 = arith.mulf %add3A_3437, %exp3A_3415 : vector<16xf32>
        %add3A_3439 = arith.constant 0.999957442 : f32
        %add3A_3440 = vector.broadcast %add3A_3439 : f32 to vector<16xf32>
        %add3A_3441 = arith.addf %mul3A_3438, %add3A_3440 : vector<16xf32>
        %mul3A_3442 = arith.mulf %add3A_3441, %exp3A_3415 : vector<16xf32>
        %add3A_3443 = arith.constant 5.62932996E-7 : f32
        %add3A_3444 = vector.broadcast %add3A_3443 : f32 to vector<16xf32>
        %add3A_3445 = arith.addf %mul3A_3442, %add3A_3444 : vector<16xf32>
        %neg3A_3446 = arith.constant 0.000000e+00 : f32
        %neg3A_3447 = vector.broadcast %neg3A_3446 : f32 to vector<16xf32>
        %neg3A_3448 = arith.subf %neg3A_3447, %get3A_3351 : vector<16xf32>
        %max3A_3449 = arith.constant 0.000000e+00 : f32
        %max3A_3450 = vector.broadcast %max3A_3449 : f32 to vector<16xf32>
        %max3A_3451 = arith.maximumf %neg3A_3448, %max3A_3450 : vector<16xf32>
        %add3A_3452 = arith.addf %max3A_3451, %add3A_3445 : vector<16xf32>
        %add3A_3453 = arith.addf %add3A_3410, %add3A_3452 : vector<16xf32>
        %gt3A_3454 = arith.constant 6.000000e-01 : f32
        %gt3A_3455 = vector.broadcast %gt3A_3454 : f32 to vector<16xf32>
        %gt3A_3456 = arith.cmpf ogt, %get3A_3346, %gt3A_3455 : vector<16xf32>
        %lt3A_3457 = arith.constant 4.000000e-01 : f32
        %lt3A_3458 = vector.broadcast %lt3A_3457 : f32 to vector<16xf32>
        %lt3A_3459 = arith.cmpf olt, %get3A_3346, %lt3A_3458 : vector<16xf32>
        %or3A_3460 = arith.ori %gt3A_3456, %lt3A_3459 : vector<16xi1>
        %mul3A_3461 = arith.mulf %get3A_3346, %get3A_3351 : vector<16xf32>
        %jit3A_3462 = arith.constant 0.000000e+00 : f32
        %broadcast_in_dim3A_3463 = vector.broadcast %jit3A_3462 : f32 to vector<16xf32>
        %select_n3A_3464 = arith.select %or3A_3460, %mul3A_3461, %broadcast_in_dim3A_3463 : vector<16xi1>, vector<16xf32>
        %add3A_3465 = arith.addf %add3A_3453, %get3A_3346 : vector<16xf32>
        %add3A_3466 = arith.addf %add3A_3465, %get3A_3351 : vector<16xf32>
        %sub3A_3467 = arith.subf %add3A_3466, %select_n3A_3464 : vector<16xf32>
        %jit3A_3468 = arith.constant 0.000000e+00 : f32
        %broadcast_in_dim3A_3469 = vector.broadcast %jit3A_3468 : f32 to vector<16xf32>
        %select_n3A_3470 = arith.select %and3A_3368, %sub3A_3467, %broadcast_in_dim3A_3469 : vector<16xi1>, vector<16xf32>
        %add3A_3471 = arith.addf %add3A_3331, %select_n3A_3470 : vector<16xf32>
        %jit3A_3472 = arith.constant 0.000000e+00 : f32
        %broadcast_in_dim3A_3473 = vector.broadcast %jit3A_3472 : f32 to vector<16xf32>
        %select_n3A_3474 = arith.select %and3A_3368, %get3A_3346, %broadcast_in_dim3A_3473 : vector<16xi1>, vector<16xf32>
        %add3A_3475 = arith.addf %add3A_3335, %select_n3A_3474 : vector<16xf32>
        %jit3A_3476 = arith.constant 1.000000e+00 : f32
        %jit3A_3477 = arith.constant 0.000000e+00 : f32
        %broadcast_in_dim3A_3478 = vector.broadcast %jit3A_3476 : f32 to vector<16xf32>
        %broadcast_in_dim3A_3479 = vector.broadcast %jit3A_3477 : f32 to vector<16xf32>
        %select_n3A_3480 = arith.select %and3A_3368, %broadcast_in_dim3A_3478, %broadcast_in_dim3A_3479 : vector<16xi1>, vector<16xf32>
        %add3A_3481 = arith.addf %add3A_3341, %select_n3A_3480 : vector<16xf32>
        %get3A_3482 = arith.constant 24 : i32
        %get3A_3483 = arith.index_cast %get3A_3482 : i32 to index
        %get3A_3484 = arith.index_cast %mul3A_128 : i32 to index
        %get3A_3485 = tpu.vector_load %arg7[%get3A_3483, %get3A_3484] {strides = array<i32>} : memref<32x512xf32, #tpu.memory_space<vmem>>, vector<1x16xf32>,
        %get3A_3486 = vector.shape_cast %get3A_3485 : vector<1x16xf32> to vector<16xf32>
        %get3A_3487 = arith.constant 24 : i32
        %get3A_3488 = arith.index_cast %get3A_3487 : i32 to index
        %get3A_3489 = arith.index_cast %mul3A_128 : i32 to index
        %get3A_3490 = tpu.vector_load %arg8[%get3A_3488, %get3A_3489] {strides = array<i32>} : memref<32x512xf32, #tpu.memory_space<vmem>>, vector<1x16xf32>,
        %get3A_3491 = vector.shape_cast %get3A_3490 : vector<1x16xf32> to vector<16xf32>
        %get3A_3492 = arith.constant 24 : i32
        %get3A_3493 = arith.index_cast %get3A_3492 : i32 to index
        %get3A_3494 = arith.index_cast %mul3A_128 : i32 to index
        %get3A_3495 = tpu.vector_load %arg9[%get3A_3493, %get3A_3494] {strides = array<i32>} : memref<32x512xf32, #tpu.memory_space<vmem>>, vector<1x16xf32>,
        %get3A_3496 = vector.shape_cast %get3A_3495 : vector<1x16xf32> to vector<16xf32>
        %gt3A_3497 = arith.constant 5.000000e-01 : f32
        %gt3A_3498 = vector.broadcast %gt3A_3497 : f32 to vector<16xf32>
        %gt3A_3499 = arith.cmpf ogt, %get3A_3496, %gt3A_3498 : vector<16xf32>
        %get3A_3500 = arith.constant 24 : i32
        %get3A_3501 = arith.index_cast %get3A_3500 : i32 to index
        %get3A_3502 = arith.index_cast %mul3A_128 : i32 to index
        %get3A_3503 = tpu.vector_load %arg10[%get3A_3501, %get3A_3502] {strides = array<i32>} : memref<32x512xf32, #tpu.memory_space<vmem>>, vector<1x16xf32>,
        %get3A_3504 = vector.shape_cast %get3A_3503 : vector<1x16xf32> to vector<16xf32>
        %gt3A_3505 = arith.constant 5.000000e-01 : f32
        %gt3A_3506 = vector.broadcast %gt3A_3505 : f32 to vector<16xf32>
        %gt3A_3507 = arith.cmpf ogt, %get3A_3504, %gt3A_3506 : vector<16xf32>
        %and3A_3508 = arith.andi %gt3A_3499, %gt3A_3507 : vector<16xi1>
        %abs3A_3509 = math.absf %get3A_3486 : vector<16xf32>
        %neg3A_3510 = arith.constant 0.000000e+00 : f32
        %neg3A_3511 = vector.broadcast %neg3A_3510 : f32 to vector<16xf32>
        %neg3A_3512 = arith.subf %neg3A_3511, %abs3A_3509 : vector<16xf32>
        %exp3A_3513 = math.exp %neg3A_3512 : vector<16xf32>
        %broadcast_in_dim3A_3514 = arith.constant 0.0101189017 : f32
        %broadcast_in_dim3A_3515 = vector.broadcast %broadcast_in_dim3A_3514 : f32 to vector<16xf32>
        %mul3A_3516 = arith.mulf %broadcast_in_dim3A_3515, %exp3A_3513 : vector<16xf32>
        %add3A_3517 = arith.constant -0.0526239537 : f32
        %add3A_3518 = vector.broadcast %add3A_3517 : f32 to vector<16xf32>
        %add3A_3519 = arith.addf %mul3A_3516, %add3A_3518 : vector<16xf32>
        %mul3A_3520 = arith.mulf %add3A_3519, %exp3A_3513 : vector<16xf32>
        %add3A_3521 = arith.constant 0.130763352 : f32
        %add3A_3522 = vector.broadcast %add3A_3521 : f32 to vector<16xf32>
        %add3A_3523 = arith.addf %mul3A_3520, %add3A_3522 : vector<16xf32>
        %mul3A_3524 = arith.mulf %add3A_3523, %exp3A_3513 : vector<16xf32>
        %add3A_3525 = arith.constant -0.222834721 : f32
        %add3A_3526 = vector.broadcast %add3A_3525 : f32 to vector<16xf32>
        %add3A_3527 = arith.addf %mul3A_3524, %add3A_3526 : vector<16xf32>
        %mul3A_3528 = arith.mulf %add3A_3527, %exp3A_3513 : vector<16xf32>
        %add3A_3529 = arith.constant 0.326972365 : f32
        %add3A_3530 = vector.broadcast %add3A_3529 : f32 to vector<16xf32>
        %add3A_3531 = arith.addf %mul3A_3528, %add3A_3530 : vector<16xf32>
        %mul3A_3532 = arith.mulf %add3A_3531, %exp3A_3513 : vector<16xf32>
        %add3A_3533 = arith.constant -0.499206394 : f32
        %add3A_3534 = vector.broadcast %add3A_3533 : f32 to vector<16xf32>
        %add3A_3535 = arith.addf %mul3A_3532, %add3A_3534 : vector<16xf32>
        %mul3A_3536 = arith.mulf %add3A_3535, %exp3A_3513 : vector<16xf32>
        %add3A_3537 = arith.constant 0.999957442 : f32
        %add3A_3538 = vector.broadcast %add3A_3537 : f32 to vector<16xf32>
        %add3A_3539 = arith.addf %mul3A_3536, %add3A_3538 : vector<16xf32>
        %mul3A_3540 = arith.mulf %add3A_3539, %exp3A_3513 : vector<16xf32>
        %add3A_3541 = arith.constant 5.62932996E-7 : f32
        %add3A_3542 = vector.broadcast %add3A_3541 : f32 to vector<16xf32>
        %add3A_3543 = arith.addf %mul3A_3540, %add3A_3542 : vector<16xf32>
        %neg3A_3544 = arith.constant 0.000000e+00 : f32
        %neg3A_3545 = vector.broadcast %neg3A_3544 : f32 to vector<16xf32>
        %neg3A_3546 = arith.subf %neg3A_3545, %get3A_3486 : vector<16xf32>
        %max3A_3547 = arith.constant 0.000000e+00 : f32
        %max3A_3548 = vector.broadcast %max3A_3547 : f32 to vector<16xf32>
        %max3A_3549 = arith.maximumf %neg3A_3546, %max3A_3548 : vector<16xf32>
        %add3A_3550 = arith.addf %max3A_3549, %add3A_3543 : vector<16xf32>
        %abs3A_3551 = math.absf %get3A_3491 : vector<16xf32>
        %neg3A_3552 = arith.constant 0.000000e+00 : f32
        %neg3A_3553 = vector.broadcast %neg3A_3552 : f32 to vector<16xf32>
        %neg3A_3554 = arith.subf %neg3A_3553, %abs3A_3551 : vector<16xf32>
        %exp3A_3555 = math.exp %neg3A_3554 : vector<16xf32>
        %broadcast_in_dim3A_3556 = arith.constant 0.0101189017 : f32
        %broadcast_in_dim3A_3557 = vector.broadcast %broadcast_in_dim3A_3556 : f32 to vector<16xf32>
        %mul3A_3558 = arith.mulf %broadcast_in_dim3A_3557, %exp3A_3555 : vector<16xf32>
        %add3A_3559 = arith.constant -0.0526239537 : f32
        %add3A_3560 = vector.broadcast %add3A_3559 : f32 to vector<16xf32>
        %add3A_3561 = arith.addf %mul3A_3558, %add3A_3560 : vector<16xf32>
        %mul3A_3562 = arith.mulf %add3A_3561, %exp3A_3555 : vector<16xf32>
        %add3A_3563 = arith.constant 0.130763352 : f32
        %add3A_3564 = vector.broadcast %add3A_3563 : f32 to vector<16xf32>
        %add3A_3565 = arith.addf %mul3A_3562, %add3A_3564 : vector<16xf32>
        %mul3A_3566 = arith.mulf %add3A_3565, %exp3A_3555 : vector<16xf32>
        %add3A_3567 = arith.constant -0.222834721 : f32
        %add3A_3568 = vector.broadcast %add3A_3567 : f32 to vector<16xf32>
        %add3A_3569 = arith.addf %mul3A_3566, %add3A_3568 : vector<16xf32>
        %mul3A_3570 = arith.mulf %add3A_3569, %exp3A_3555 : vector<16xf32>
        %add3A_3571 = arith.constant 0.326972365 : f32
        %add3A_3572 = vector.broadcast %add3A_3571 : f32 to vector<16xf32>
        %add3A_3573 = arith.addf %mul3A_3570, %add3A_3572 : vector<16xf32>
        %mul3A_3574 = arith.mulf %add3A_3573, %exp3A_3555 : vector<16xf32>
        %add3A_3575 = arith.constant -0.499206394 : f32
        %add3A_3576 = vector.broadcast %add3A_3575 : f32 to vector<16xf32>
        %add3A_3577 = arith.addf %mul3A_3574, %add3A_3576 : vector<16xf32>
        %mul3A_3578 = arith.mulf %add3A_3577, %exp3A_3555 : vector<16xf32>
        %add3A_3579 = arith.constant 0.999957442 : f32
        %add3A_3580 = vector.broadcast %add3A_3579 : f32 to vector<16xf32>
        %add3A_3581 = arith.addf %mul3A_3578, %add3A_3580 : vector<16xf32>
        %mul3A_3582 = arith.mulf %add3A_3581, %exp3A_3555 : vector<16xf32>
        %add3A_3583 = arith.constant 5.62932996E-7 : f32
        %add3A_3584 = vector.broadcast %add3A_3583 : f32 to vector<16xf32>
        %add3A_3585 = arith.addf %mul3A_3582, %add3A_3584 : vector<16xf32>
        %neg3A_3586 = arith.constant 0.000000e+00 : f32
        %neg3A_3587 = vector.broadcast %neg3A_3586 : f32 to vector<16xf32>
        %neg3A_3588 = arith.subf %neg3A_3587, %get3A_3491 : vector<16xf32>
        %max3A_3589 = arith.constant 0.000000e+00 : f32
        %max3A_3590 = vector.broadcast %max3A_3589 : f32 to vector<16xf32>
        %max3A_3591 = arith.maximumf %neg3A_3588, %max3A_3590 : vector<16xf32>
        %add3A_3592 = arith.addf %max3A_3591, %add3A_3585 : vector<16xf32>
        %add3A_3593 = arith.addf %add3A_3550, %add3A_3592 : vector<16xf32>
        %gt3A_3594 = arith.constant 6.000000e-01 : f32
        %gt3A_3595 = vector.broadcast %gt3A_3594 : f32 to vector<16xf32>
        %gt3A_3596 = arith.cmpf ogt, %get3A_3486, %gt3A_3595 : vector<16xf32>
        %lt3A_3597 = arith.constant 4.000000e-01 : f32
        %lt3A_3598 = vector.broadcast %lt3A_3597 : f32 to vector<16xf32>
        %lt3A_3599 = arith.cmpf olt, %get3A_3486, %lt3A_3598 : vector<16xf32>
        %or3A_3600 = arith.ori %gt3A_3596, %lt3A_3599 : vector<16xi1>
        %mul3A_3601 = arith.mulf %get3A_3486, %get3A_3491 : vector<16xf32>
        %jit3A_3602 = arith.constant 0.000000e+00 : f32
        %broadcast_in_dim3A_3603 = vector.broadcast %jit3A_3602 : f32 to vector<16xf32>
        %select_n3A_3604 = arith.select %or3A_3600, %mul3A_3601, %broadcast_in_dim3A_3603 : vector<16xi1>, vector<16xf32>
        %add3A_3605 = arith.addf %add3A_3593, %get3A_3486 : vector<16xf32>
        %add3A_3606 = arith.addf %add3A_3605, %get3A_3491 : vector<16xf32>
        %sub3A_3607 = arith.subf %add3A_3606, %select_n3A_3604 : vector<16xf32>
        %jit3A_3608 = arith.constant 0.000000e+00 : f32
        %broadcast_in_dim3A_3609 = vector.broadcast %jit3A_3608 : f32 to vector<16xf32>
        %select_n3A_3610 = arith.select %and3A_3508, %sub3A_3607, %broadcast_in_dim3A_3609 : vector<16xi1>, vector<16xf32>
        %add3A_3611 = arith.addf %add3A_3471, %select_n3A_3610 : vector<16xf32>
        %jit3A_3612 = arith.constant 0.000000e+00 : f32
        %broadcast_in_dim3A_3613 = vector.broadcast %jit3A_3612 : f32 to vector<16xf32>
        %select_n3A_3614 = arith.select %and3A_3508, %get3A_3486, %broadcast_in_dim3A_3613 : vector<16xi1>, vector<16xf32>
        %add3A_3615 = arith.addf %add3A_3475, %select_n3A_3614 : vector<16xf32>
        %jit3A_3616 = arith.constant 1.000000e+00 : f32
        %jit3A_3617 = arith.constant 0.000000e+00 : f32
        %broadcast_in_dim3A_3618 = vector.broadcast %jit3A_3616 : f32 to vector<16xf32>
        %broadcast_in_dim3A_3619 = vector.broadcast %jit3A_3617 : f32 to vector<16xf32>
        %select_n3A_3620 = arith.select %and3A_3508, %broadcast_in_dim3A_3618, %broadcast_in_dim3A_3619 : vector<16xi1>, vector<16xf32>
        %add3A_3621 = arith.addf %add3A_3481, %select_n3A_3620 : vector<16xf32>
        %get3A_3622 = arith.constant 25 : i32
        %get3A_3623 = arith.index_cast %get3A_3622 : i32 to index
        %get3A_3624 = arith.index_cast %mul3A_128 : i32 to index
        %get3A_3625 = tpu.vector_load %arg7[%get3A_3623, %get3A_3624] {strides = array<i32>} : memref<32x512xf32, #tpu.memory_space<vmem>>, vector<1x16xf32>,
        %get3A_3626 = vector.shape_cast %get3A_3625 : vector<1x16xf32> to vector<16xf32>
        %get3A_3627 = arith.constant 25 : i32
        %get3A_3628 = arith.index_cast %get3A_3627 : i32 to index
        %get3A_3629 = arith.index_cast %mul3A_128 : i32 to index
        %get3A_3630 = tpu.vector_load %arg8[%get3A_3628, %get3A_3629] {strides = array<i32>} : memref<32x512xf32, #tpu.memory_space<vmem>>, vector<1x16xf32>,
        %get3A_3631 = vector.shape_cast %get3A_3630 : vector<1x16xf32> to vector<16xf32>
        %get3A_3632 = arith.constant 25 : i32
        %get3A_3633 = arith.index_cast %get3A_3632 : i32 to index
        %get3A_3634 = arith.index_cast %mul3A_128 : i32 to index
        %get3A_3635 = tpu.vector_load %arg9[%get3A_3633, %get3A_3634] {strides = array<i32>} : memref<32x512xf32, #tpu.memory_space<vmem>>, vector<1x16xf32>,
        %get3A_3636 = vector.shape_cast %get3A_3635 : vector<1x16xf32> to vector<16xf32>
        %gt3A_3637 = arith.constant 5.000000e-01 : f32
        %gt3A_3638 = vector.broadcast %gt3A_3637 : f32 to vector<16xf32>
        %gt3A_3639 = arith.cmpf ogt, %get3A_3636, %gt3A_3638 : vector<16xf32>
        %get3A_3640 = arith.constant 25 : i32
        %get3A_3641 = arith.index_cast %get3A_3640 : i32 to index
        %get3A_3642 = arith.index_cast %mul3A_128 : i32 to index
        %get3A_3643 = tpu.vector_load %arg10[%get3A_3641, %get3A_3642] {strides = array<i32>} : memref<32x512xf32, #tpu.memory_space<vmem>>, vector<1x16xf32>,
        %get3A_3644 = vector.shape_cast %get3A_3643 : vector<1x16xf32> to vector<16xf32>
        %gt3A_3645 = arith.constant 5.000000e-01 : f32
        %gt3A_3646 = vector.broadcast %gt3A_3645 : f32 to vector<16xf32>
        %gt3A_3647 = arith.cmpf ogt, %get3A_3644, %gt3A_3646 : vector<16xf32>
        %and3A_3648 = arith.andi %gt3A_3639, %gt3A_3647 : vector<16xi1>
        %abs3A_3649 = math.absf %get3A_3626 : vector<16xf32>
        %neg3A_3650 = arith.constant 0.000000e+00 : f32
        %neg3A_3651 = vector.broadcast %neg3A_3650 : f32 to vector<16xf32>
        %neg3A_3652 = arith.subf %neg3A_3651, %abs3A_3649 : vector<16xf32>
        %exp3A_3653 = math.exp %neg3A_3652 : vector<16xf32>
        %broadcast_in_dim3A_3654 = arith.constant 0.0101189017 : f32
        %broadcast_in_dim3A_3655 = vector.broadcast %broadcast_in_dim3A_3654 : f32 to vector<16xf32>
        %mul3A_3656 = arith.mulf %broadcast_in_dim3A_3655, %exp3A_3653 : vector<16xf32>
        %add3A_3657 = arith.constant -0.0526239537 : f32
        %add3A_3658 = vector.broadcast %add3A_3657 : f32 to vector<16xf32>
        %add3A_3659 = arith.addf %mul3A_3656, %add3A_3658 : vector<16xf32>
        %mul3A_3660 = arith.mulf %add3A_3659, %exp3A_3653 : vector<16xf32>
        %add3A_3661 = arith.constant 0.130763352 : f32
        %add3A_3662 = vector.broadcast %add3A_3661 : f32 to vector<16xf32>
        %add3A_3663 = arith.addf %mul3A_3660, %add3A_3662 : vector<16xf32>
        %mul3A_3664 = arith.mulf %add3A_3663, %exp3A_3653 : vector<16xf32>
        %add3A_3665 = arith.constant -0.222834721 : f32
        %add3A_3666 = vector.broadcast %add3A_3665 : f32 to vector<16xf32>
        %add3A_3667 = arith.addf %mul3A_3664, %add3A_3666 : vector<16xf32>
        %mul3A_3668 = arith.mulf %add3A_3667, %exp3A_3653 : vector<16xf32>
        %add3A_3669 = arith.constant 0.326972365 : f32
        %add3A_3670 = vector.broadcast %add3A_3669 : f32 to vector<16xf32>
        %add3A_3671 = arith.addf %mul3A_3668, %add3A_3670 : vector<16xf32>
        %mul3A_3672 = arith.mulf %add3A_3671, %exp3A_3653 : vector<16xf32>
        %add3A_3673 = arith.constant -0.499206394 : f32
        %add3A_3674 = vector.broadcast %add3A_3673 : f32 to vector<16xf32>
        %add3A_3675 = arith.addf %mul3A_3672, %add3A_3674 : vector<16xf32>
        %mul3A_3676 = arith.mulf %add3A_3675, %exp3A_3653 : vector<16xf32>
        %add3A_3677 = arith.constant 0.999957442 : f32
        %add3A_3678 = vector.broadcast %add3A_3677 : f32 to vector<16xf32>
        %add3A_3679 = arith.addf %mul3A_3676, %add3A_3678 : vector<16xf32>
        %mul3A_3680 = arith.mulf %add3A_3679, %exp3A_3653 : vector<16xf32>
        %add3A_3681 = arith.constant 5.62932996E-7 : f32
        %add3A_3682 = vector.broadcast %add3A_3681 : f32 to vector<16xf32>
        %add3A_3683 = arith.addf %mul3A_3680, %add3A_3682 : vector<16xf32>
        %neg3A_3684 = arith.constant 0.000000e+00 : f32
        %neg3A_3685 = vector.broadcast %neg3A_3684 : f32 to vector<16xf32>
        %neg3A_3686 = arith.subf %neg3A_3685, %get3A_3626 : vector<16xf32>
        %max3A_3687 = arith.constant 0.000000e+00 : f32
        %max3A_3688 = vector.broadcast %max3A_3687 : f32 to vector<16xf32>
        %max3A_3689 = arith.maximumf %neg3A_3686, %max3A_3688 : vector<16xf32>
        %add3A_3690 = arith.addf %max3A_3689, %add3A_3683 : vector<16xf32>
        %abs3A_3691 = math.absf %get3A_3631 : vector<16xf32>
        %neg3A_3692 = arith.constant 0.000000e+00 : f32
        %neg3A_3693 = vector.broadcast %neg3A_3692 : f32 to vector<16xf32>
        %neg3A_3694 = arith.subf %neg3A_3693, %abs3A_3691 : vector<16xf32>
        %exp3A_3695 = math.exp %neg3A_3694 : vector<16xf32>
        %broadcast_in_dim3A_3696 = arith.constant 0.0101189017 : f32
        %broadcast_in_dim3A_3697 = vector.broadcast %broadcast_in_dim3A_3696 : f32 to vector<16xf32>
        %mul3A_3698 = arith.mulf %broadcast_in_dim3A_3697, %exp3A_3695 : vector<16xf32>
        %add3A_3699 = arith.constant -0.0526239537 : f32
        %add3A_3700 = vector.broadcast %add3A_3699 : f32 to vector<16xf32>
        %add3A_3701 = arith.addf %mul3A_3698, %add3A_3700 : vector<16xf32>
        %mul3A_3702 = arith.mulf %add3A_3701, %exp3A_3695 : vector<16xf32>
        %add3A_3703 = arith.constant 0.130763352 : f32
        %add3A_3704 = vector.broadcast %add3A_3703 : f32 to vector<16xf32>
        %add3A_3705 = arith.addf %mul3A_3702, %add3A_3704 : vector<16xf32>
        %mul3A_3706 = arith.mulf %add3A_3705, %exp3A_3695 : vector<16xf32>
        %add3A_3707 = arith.constant -0.222834721 : f32
        %add3A_3708 = vector.broadcast %add3A_3707 : f32 to vector<16xf32>
        %add3A_3709 = arith.addf %mul3A_3706, %add3A_3708 : vector<16xf32>
        %mul3A_3710 = arith.mulf %add3A_3709, %exp3A_3695 : vector<16xf32>
        %add3A_3711 = arith.constant 0.326972365 : f32
        %add3A_3712 = vector.broadcast %add3A_3711 : f32 to vector<16xf32>
        %add3A_3713 = arith.addf %mul3A_3710, %add3A_3712 : vector<16xf32>
        %mul3A_3714 = arith.mulf %add3A_3713, %exp3A_3695 : vector<16xf32>
        %add3A_3715 = arith.constant -0.499206394 : f32
        %add3A_3716 = vector.broadcast %add3A_3715 : f32 to vector<16xf32>
        %add3A_3717 = arith.addf %mul3A_3714, %add3A_3716 : vector<16xf32>
        %mul3A_3718 = arith.mulf %add3A_3717, %exp3A_3695 : vector<16xf32>
        %add3A_3719 = arith.constant 0.999957442 : f32
        %add3A_3720 = vector.broadcast %add3A_3719 : f32 to vector<16xf32>
        %add3A_3721 = arith.addf %mul3A_3718, %add3A_3720 : vector<16xf32>
        %mul3A_3722 = arith.mulf %add3A_3721, %exp3A_3695 : vector<16xf32>
        %add3A_3723 = arith.constant 5.62932996E-7 : f32
        %add3A_3724 = vector.broadcast %add3A_3723 : f32 to vector<16xf32>
        %add3A_3725 = arith.addf %mul3A_3722, %add3A_3724 : vector<16xf32>
        %neg3A_3726 = arith.constant 0.000000e+00 : f32
        %neg3A_3727 = vector.broadcast %neg3A_3726 : f32 to vector<16xf32>
        %neg3A_3728 = arith.subf %neg3A_3727, %get3A_3631 : vector<16xf32>
        %max3A_3729 = arith.constant 0.000000e+00 : f32
        %max3A_3730 = vector.broadcast %max3A_3729 : f32 to vector<16xf32>
        %max3A_3731 = arith.maximumf %neg3A_3728, %max3A_3730 : vector<16xf32>
        %add3A_3732 = arith.addf %max3A_3731, %add3A_3725 : vector<16xf32>
        %add3A_3733 = arith.addf %add3A_3690, %add3A_3732 : vector<16xf32>
        %gt3A_3734 = arith.constant 6.000000e-01 : f32
        %gt3A_3735 = vector.broadcast %gt3A_3734 : f32 to vector<16xf32>
        %gt3A_3736 = arith.cmpf ogt, %get3A_3626, %gt3A_3735 : vector<16xf32>
        %lt3A_3737 = arith.constant 4.000000e-01 : f32
        %lt3A_3738 = vector.broadcast %lt3A_3737 : f32 to vector<16xf32>
        %lt3A_3739 = arith.cmpf olt, %get3A_3626, %lt3A_3738 : vector<16xf32>
        %or3A_3740 = arith.ori %gt3A_3736, %lt3A_3739 : vector<16xi1>
        %mul3A_3741 = arith.mulf %get3A_3626, %get3A_3631 : vector<16xf32>
        %jit3A_3742 = arith.constant 0.000000e+00 : f32
        %broadcast_in_dim3A_3743 = vector.broadcast %jit3A_3742 : f32 to vector<16xf32>
        %select_n3A_3744 = arith.select %or3A_3740, %mul3A_3741, %broadcast_in_dim3A_3743 : vector<16xi1>, vector<16xf32>
        %add3A_3745 = arith.addf %add3A_3733, %get3A_3626 : vector<16xf32>
        %add3A_3746 = arith.addf %add3A_3745, %get3A_3631 : vector<16xf32>
        %sub3A_3747 = arith.subf %add3A_3746, %select_n3A_3744 : vector<16xf32>
        %jit3A_3748 = arith.constant 0.000000e+00 : f32
        %broadcast_in_dim3A_3749 = vector.broadcast %jit3A_3748 : f32 to vector<16xf32>
        %select_n3A_3750 = arith.select %and3A_3648, %sub3A_3747, %broadcast_in_dim3A_3749 : vector<16xi1>, vector<16xf32>
        %add3A_3751 = arith.addf %add3A_3611, %select_n3A_3750 : vector<16xf32>
        %jit3A_3752 = arith.constant 0.000000e+00 : f32
        %broadcast_in_dim3A_3753 = vector.broadcast %jit3A_3752 : f32 to vector<16xf32>
        %select_n3A_3754 = arith.select %and3A_3648, %get3A_3626, %broadcast_in_dim3A_3753 : vector<16xi1>, vector<16xf32>
        %add3A_3755 = arith.addf %add3A_3615, %select_n3A_3754 : vector<16xf32>
        %jit3A_3756 = arith.constant 1.000000e+00 : f32
        %jit3A_3757 = arith.constant 0.000000e+00 : f32
        %broadcast_in_dim3A_3758 = vector.broadcast %jit3A_3756 : f32 to vector<16xf32>
        %broadcast_in_dim3A_3759 = vector.broadcast %jit3A_3757 : f32 to vector<16xf32>
        %select_n3A_3760 = arith.select %and3A_3648, %broadcast_in_dim3A_3758, %broadcast_in_dim3A_3759 : vector<16xi1>, vector<16xf32>
        %add3A_3761 = arith.addf %add3A_3621, %select_n3A_3760 : vector<16xf32>
        %get3A_3762 = arith.constant 26 : i32
        %get3A_3763 = arith.index_cast %get3A_3762 : i32 to index
        %get3A_3764 = arith.index_cast %mul3A_128 : i32 to index
        %get3A_3765 = tpu.vector_load %arg7[%get3A_3763, %get3A_3764] {strides = array<i32>} : memref<32x512xf32, #tpu.memory_space<vmem>>, vector<1x16xf32>,
        %get3A_3766 = vector.shape_cast %get3A_3765 : vector<1x16xf32> to vector<16xf32>
        %get3A_3767 = arith.constant 26 : i32
        %get3A_3768 = arith.index_cast %get3A_3767 : i32 to index
        %get3A_3769 = arith.index_cast %mul3A_128 : i32 to index
        %get3A_3770 = tpu.vector_load %arg8[%get3A_3768, %get3A_3769] {strides = array<i32>} : memref<32x512xf32, #tpu.memory_space<vmem>>, vector<1x16xf32>,
        %get3A_3771 = vector.shape_cast %get3A_3770 : vector<1x16xf32> to vector<16xf32>
        %get3A_3772 = arith.constant 26 : i32
        %get3A_3773 = arith.index_cast %get3A_3772 : i32 to index
        %get3A_3774 = arith.index_cast %mul3A_128 : i32 to index
        %get3A_3775 = tpu.vector_load %arg9[%get3A_3773, %get3A_3774] {strides = array<i32>} : memref<32x512xf32, #tpu.memory_space<vmem>>, vector<1x16xf32>,
        %get3A_3776 = vector.shape_cast %get3A_3775 : vector<1x16xf32> to vector<16xf32>
        %gt3A_3777 = arith.constant 5.000000e-01 : f32
        %gt3A_3778 = vector.broadcast %gt3A_3777 : f32 to vector<16xf32>
        %gt3A_3779 = arith.cmpf ogt, %get3A_3776, %gt3A_3778 : vector<16xf32>
        %get3A_3780 = arith.constant 26 : i32
        %get3A_3781 = arith.index_cast %get3A_3780 : i32 to index
        %get3A_3782 = arith.index_cast %mul3A_128 : i32 to index
        %get3A_3783 = tpu.vector_load %arg10[%get3A_3781, %get3A_3782] {strides = array<i32>} : memref<32x512xf32, #tpu.memory_space<vmem>>, vector<1x16xf32>,
        %get3A_3784 = vector.shape_cast %get3A_3783 : vector<1x16xf32> to vector<16xf32>
        %gt3A_3785 = arith.constant 5.000000e-01 : f32
        %gt3A_3786 = vector.broadcast %gt3A_3785 : f32 to vector<16xf32>
        %gt3A_3787 = arith.cmpf ogt, %get3A_3784, %gt3A_3786 : vector<16xf32>
        %and3A_3788 = arith.andi %gt3A_3779, %gt3A_3787 : vector<16xi1>
        %abs3A_3789 = math.absf %get3A_3766 : vector<16xf32>
        %neg3A_3790 = arith.constant 0.000000e+00 : f32
        %neg3A_3791 = vector.broadcast %neg3A_3790 : f32 to vector<16xf32>
        %neg3A_3792 = arith.subf %neg3A_3791, %abs3A_3789 : vector<16xf32>
        %exp3A_3793 = math.exp %neg3A_3792 : vector<16xf32>
        %broadcast_in_dim3A_3794 = arith.constant 0.0101189017 : f32
        %broadcast_in_dim3A_3795 = vector.broadcast %broadcast_in_dim3A_3794 : f32 to vector<16xf32>
        %mul3A_3796 = arith.mulf %broadcast_in_dim3A_3795, %exp3A_3793 : vector<16xf32>
        %add3A_3797 = arith.constant -0.0526239537 : f32
        %add3A_3798 = vector.broadcast %add3A_3797 : f32 to vector<16xf32>
        %add3A_3799 = arith.addf %mul3A_3796, %add3A_3798 : vector<16xf32>
        %mul3A_3800 = arith.mulf %add3A_3799, %exp3A_3793 : vector<16xf32>
        %add3A_3801 = arith.constant 0.130763352 : f32
        %add3A_3802 = vector.broadcast %add3A_3801 : f32 to vector<16xf32>
        %add3A_3803 = arith.addf %mul3A_3800, %add3A_3802 : vector<16xf32>
        %mul3A_3804 = arith.mulf %add3A_3803, %exp3A_3793 : vector<16xf32>
        %add3A_3805 = arith.constant -0.222834721 : f32
        %add3A_3806 = vector.broadcast %add3A_3805 : f32 to vector<16xf32>
        %add3A_3807 = arith.addf %mul3A_3804, %add3A_3806 : vector<16xf32>
        %mul3A_3808 = arith.mulf %add3A_3807, %exp3A_3793 : vector<16xf32>
        %add3A_3809 = arith.constant 0.326972365 : f32
        %add3A_3810 = vector.broadcast %add3A_3809 : f32 to vector<16xf32>
        %add3A_3811 = arith.addf %mul3A_3808, %add3A_3810 : vector<16xf32>
        %mul3A_3812 = arith.mulf %add3A_3811, %exp3A_3793 : vector<16xf32>
        %add3A_3813 = arith.constant -0.499206394 : f32
        %add3A_3814 = vector.broadcast %add3A_3813 : f32 to vector<16xf32>
        %add3A_3815 = arith.addf %mul3A_3812, %add3A_3814 : vector<16xf32>
        %mul3A_3816 = arith.mulf %add3A_3815, %exp3A_3793 : vector<16xf32>
        %add3A_3817 = arith.constant 0.999957442 : f32
        %add3A_3818 = vector.broadcast %add3A_3817 : f32 to vector<16xf32>
        %add3A_3819 = arith.addf %mul3A_3816, %add3A_3818 : vector<16xf32>
        %mul3A_3820 = arith.mulf %add3A_3819, %exp3A_3793 : vector<16xf32>
        %add3A_3821 = arith.constant 5.62932996E-7 : f32
        %add3A_3822 = vector.broadcast %add3A_3821 : f32 to vector<16xf32>
        %add3A_3823 = arith.addf %mul3A_3820, %add3A_3822 : vector<16xf32>
        %neg3A_3824 = arith.constant 0.000000e+00 : f32
        %neg3A_3825 = vector.broadcast %neg3A_3824 : f32 to vector<16xf32>
        %neg3A_3826 = arith.subf %neg3A_3825, %get3A_3766 : vector<16xf32>
        %max3A_3827 = arith.constant 0.000000e+00 : f32
        %max3A_3828 = vector.broadcast %max3A_3827 : f32 to vector<16xf32>
        %max3A_3829 = arith.maximumf %neg3A_3826, %max3A_3828 : vector<16xf32>
        %add3A_3830 = arith.addf %max3A_3829, %add3A_3823 : vector<16xf32>
        %abs3A_3831 = math.absf %get3A_3771 : vector<16xf32>
        %neg3A_3832 = arith.constant 0.000000e+00 : f32
        %neg3A_3833 = vector.broadcast %neg3A_3832 : f32 to vector<16xf32>
        %neg3A_3834 = arith.subf %neg3A_3833, %abs3A_3831 : vector<16xf32>
        %exp3A_3835 = math.exp %neg3A_3834 : vector<16xf32>
        %broadcast_in_dim3A_3836 = arith.constant 0.0101189017 : f32
        %broadcast_in_dim3A_3837 = vector.broadcast %broadcast_in_dim3A_3836 : f32 to vector<16xf32>
        %mul3A_3838 = arith.mulf %broadcast_in_dim3A_3837, %exp3A_3835 : vector<16xf32>
        %add3A_3839 = arith.constant -0.0526239537 : f32
        %add3A_3840 = vector.broadcast %add3A_3839 : f32 to vector<16xf32>
        %add3A_3841 = arith.addf %mul3A_3838, %add3A_3840 : vector<16xf32>
        %mul3A_3842 = arith.mulf %add3A_3841, %exp3A_3835 : vector<16xf32>
        %add3A_3843 = arith.constant 0.130763352 : f32
        %add3A_3844 = vector.broadcast %add3A_3843 : f32 to vector<16xf32>
        %add3A_3845 = arith.addf %mul3A_3842, %add3A_3844 : vector<16xf32>
        %mul3A_3846 = arith.mulf %add3A_3845, %exp3A_3835 : vector<16xf32>
        %add3A_3847 = arith.constant -0.222834721 : f32
        %add3A_3848 = vector.broadcast %add3A_3847 : f32 to vector<16xf32>
        %add3A_3849 = arith.addf %mul3A_3846, %add3A_3848 : vector<16xf32>
        %mul3A_3850 = arith.mulf %add3A_3849, %exp3A_3835 : vector<16xf32>
        %add3A_3851 = arith.constant 0.326972365 : f32
        %add3A_3852 = vector.broadcast %add3A_3851 : f32 to vector<16xf32>
        %add3A_3853 = arith.addf %mul3A_3850, %add3A_3852 : vector<16xf32>
        %mul3A_3854 = arith.mulf %add3A_3853, %exp3A_3835 : vector<16xf32>
        %add3A_3855 = arith.constant -0.499206394 : f32
        %add3A_3856 = vector.broadcast %add3A_3855 : f32 to vector<16xf32>
        %add3A_3857 = arith.addf %mul3A_3854, %add3A_3856 : vector<16xf32>
        %mul3A_3858 = arith.mulf %add3A_3857, %exp3A_3835 : vector<16xf32>
        %add3A_3859 = arith.constant 0.999957442 : f32
        %add3A_3860 = vector.broadcast %add3A_3859 : f32 to vector<16xf32>
        %add3A_3861 = arith.addf %mul3A_3858, %add3A_3860 : vector<16xf32>
        %mul3A_3862 = arith.mulf %add3A_3861, %exp3A_3835 : vector<16xf32>
        %add3A_3863 = arith.constant 5.62932996E-7 : f32
        %add3A_3864 = vector.broadcast %add3A_3863 : f32 to vector<16xf32>
        %add3A_3865 = arith.addf %mul3A_3862, %add3A_3864 : vector<16xf32>
        %neg3A_3866 = arith.constant 0.000000e+00 : f32
        %neg3A_3867 = vector.broadcast %neg3A_3866 : f32 to vector<16xf32>
        %neg3A_3868 = arith.subf %neg3A_3867, %get3A_3771 : vector<16xf32>
        %max3A_3869 = arith.constant 0.000000e+00 : f32
        %max3A_3870 = vector.broadcast %max3A_3869 : f32 to vector<16xf32>
        %max3A_3871 = arith.maximumf %neg3A_3868, %max3A_3870 : vector<16xf32>
        %add3A_3872 = arith.addf %max3A_3871, %add3A_3865 : vector<16xf32>
        %add3A_3873 = arith.addf %add3A_3830, %add3A_3872 : vector<16xf32>
        %gt3A_3874 = arith.constant 6.000000e-01 : f32
        %gt3A_3875 = vector.broadcast %gt3A_3874 : f32 to vector<16xf32>
        %gt3A_3876 = arith.cmpf ogt, %get3A_3766, %gt3A_3875 : vector<16xf32>
        %lt3A_3877 = arith.constant 4.000000e-01 : f32
        %lt3A_3878 = vector.broadcast %lt3A_3877 : f32 to vector<16xf32>
        %lt3A_3879 = arith.cmpf olt, %get3A_3766, %lt3A_3878 : vector<16xf32>
        %or3A_3880 = arith.ori %gt3A_3876, %lt3A_3879 : vector<16xi1>
        %mul3A_3881 = arith.mulf %get3A_3766, %get3A_3771 : vector<16xf32>
        %jit3A_3882 = arith.constant 0.000000e+00 : f32
        %broadcast_in_dim3A_3883 = vector.broadcast %jit3A_3882 : f32 to vector<16xf32>
        %select_n3A_3884 = arith.select %or3A_3880, %mul3A_3881, %broadcast_in_dim3A_3883 : vector<16xi1>, vector<16xf32>
        %add3A_3885 = arith.addf %add3A_3873, %get3A_3766 : vector<16xf32>
        %add3A_3886 = arith.addf %add3A_3885, %get3A_3771 : vector<16xf32>
        %sub3A_3887 = arith.subf %add3A_3886, %select_n3A_3884 : vector<16xf32>
        %jit3A_3888 = arith.constant 0.000000e+00 : f32
        %broadcast_in_dim3A_3889 = vector.broadcast %jit3A_3888 : f32 to vector<16xf32>
        %select_n3A_3890 = arith.select %and3A_3788, %sub3A_3887, %broadcast_in_dim3A_3889 : vector<16xi1>, vector<16xf32>
        %add3A_3891 = arith.addf %add3A_3751, %select_n3A_3890 : vector<16xf32>
        %jit3A_3892 = arith.constant 0.000000e+00 : f32
        %broadcast_in_dim3A_3893 = vector.broadcast %jit3A_3892 : f32 to vector<16xf32>
        %select_n3A_3894 = arith.select %and3A_3788, %get3A_3766, %broadcast_in_dim3A_3893 : vector<16xi1>, vector<16xf32>
        %add3A_3895 = arith.addf %add3A_3755, %select_n3A_3894 : vector<16xf32>
        %jit3A_3896 = arith.constant 1.000000e+00 : f32
        %jit3A_3897 = arith.constant 0.000000e+00 : f32
        %broadcast_in_dim3A_3898 = vector.broadcast %jit3A_3896 : f32 to vector<16xf32>
        %broadcast_in_dim3A_3899 = vector.broadcast %jit3A_3897 : f32 to vector<16xf32>
        %select_n3A_3900 = arith.select %and3A_3788, %broadcast_in_dim3A_3898, %broadcast_in_dim3A_3899 : vector<16xi1>, vector<16xf32>
        %add3A_3901 = arith.addf %add3A_3761, %select_n3A_3900 : vector<16xf32>
        %get3A_3902 = arith.constant 27 : i32
        %get3A_3903 = arith.index_cast %get3A_3902 : i32 to index
        %get3A_3904 = arith.index_cast %mul3A_128 : i32 to index
        %get3A_3905 = tpu.vector_load %arg7[%get3A_3903, %get3A_3904] {strides = array<i32>} : memref<32x512xf32, #tpu.memory_space<vmem>>, vector<1x16xf32>,
        %get3A_3906 = vector.shape_cast %get3A_3905 : vector<1x16xf32> to vector<16xf32>
        %get3A_3907 = arith.constant 27 : i32
        %get3A_3908 = arith.index_cast %get3A_3907 : i32 to index
        %get3A_3909 = arith.index_cast %mul3A_128 : i32 to index
        %get3A_3910 = tpu.vector_load %arg8[%get3A_3908, %get3A_3909] {strides = array<i32>} : memref<32x512xf32, #tpu.memory_space<vmem>>, vector<1x16xf32>,
        %get3A_3911 = vector.shape_cast %get3A_3910 : vector<1x16xf32> to vector<16xf32>
        %get3A_3912 = arith.constant 27 : i32
        %get3A_3913 = arith.index_cast %get3A_3912 : i32 to index
        %get3A_3914 = arith.index_cast %mul3A_128 : i32 to index
        %get3A_3915 = tpu.vector_load %arg9[%get3A_3913, %get3A_3914] {strides = array<i32>} : memref<32x512xf32, #tpu.memory_space<vmem>>, vector<1x16xf32>,
        %get3A_3916 = vector.shape_cast %get3A_3915 : vector<1x16xf32> to vector<16xf32>
        %gt3A_3917 = arith.constant 5.000000e-01 : f32
        %gt3A_3918 = vector.broadcast %gt3A_3917 : f32 to vector<16xf32>
        %gt3A_3919 = arith.cmpf ogt, %get3A_3916, %gt3A_3918 : vector<16xf32>
        %get3A_3920 = arith.constant 27 : i32
        %get3A_3921 = arith.index_cast %get3A_3920 : i32 to index
        %get3A_3922 = arith.index_cast %mul3A_128 : i32 to index
        %get3A_3923 = tpu.vector_load %arg10[%get3A_3921, %get3A_3922] {strides = array<i32>} : memref<32x512xf32, #tpu.memory_space<vmem>>, vector<1x16xf32>,
        %get3A_3924 = vector.shape_cast %get3A_3923 : vector<1x16xf32> to vector<16xf32>
        %gt3A_3925 = arith.constant 5.000000e-01 : f32
        %gt3A_3926 = vector.broadcast %gt3A_3925 : f32 to vector<16xf32>
        %gt3A_3927 = arith.cmpf ogt, %get3A_3924, %gt3A_3926 : vector<16xf32>
        %and3A_3928 = arith.andi %gt3A_3919, %gt3A_3927 : vector<16xi1>
        %abs3A_3929 = math.absf %get3A_3906 : vector<16xf32>
        %neg3A_3930 = arith.constant 0.000000e+00 : f32
        %neg3A_3931 = vector.broadcast %neg3A_3930 : f32 to vector<16xf32>
        %neg3A_3932 = arith.subf %neg3A_3931, %abs3A_3929 : vector<16xf32>
        %exp3A_3933 = math.exp %neg3A_3932 : vector<16xf32>
        %broadcast_in_dim3A_3934 = arith.constant 0.0101189017 : f32
        %broadcast_in_dim3A_3935 = vector.broadcast %broadcast_in_dim3A_3934 : f32 to vector<16xf32>
        %mul3A_3936 = arith.mulf %broadcast_in_dim3A_3935, %exp3A_3933 : vector<16xf32>
        %add3A_3937 = arith.constant -0.0526239537 : f32
        %add3A_3938 = vector.broadcast %add3A_3937 : f32 to vector<16xf32>
        %add3A_3939 = arith.addf %mul3A_3936, %add3A_3938 : vector<16xf32>
        %mul3A_3940 = arith.mulf %add3A_3939, %exp3A_3933 : vector<16xf32>
        %add3A_3941 = arith.constant 0.130763352 : f32
        %add3A_3942 = vector.broadcast %add3A_3941 : f32 to vector<16xf32>
        %add3A_3943 = arith.addf %mul3A_3940, %add3A_3942 : vector<16xf32>
        %mul3A_3944 = arith.mulf %add3A_3943, %exp3A_3933 : vector<16xf32>
        %add3A_3945 = arith.constant -0.222834721 : f32
        %add3A_3946 = vector.broadcast %add3A_3945 : f32 to vector<16xf32>
        %add3A_3947 = arith.addf %mul3A_3944, %add3A_3946 : vector<16xf32>
        %mul3A_3948 = arith.mulf %add3A_3947, %exp3A_3933 : vector<16xf32>
        %add3A_3949 = arith.constant 0.326972365 : f32
        %add3A_3950 = vector.broadcast %add3A_3949 : f32 to vector<16xf32>
        %add3A_3951 = arith.addf %mul3A_3948, %add3A_3950 : vector<16xf32>
        %mul3A_3952 = arith.mulf %add3A_3951, %exp3A_3933 : vector<16xf32>
        %add3A_3953 = arith.constant -0.499206394 : f32
        %add3A_3954 = vector.broadcast %add3A_3953 : f32 to vector<16xf32>
        %add3A_3955 = arith.addf %mul3A_3952, %add3A_3954 : vector<16xf32>
        %mul3A_3956 = arith.mulf %add3A_3955, %exp3A_3933 : vector<16xf32>
        %add3A_3957 = arith.constant 0.999957442 : f32
        %add3A_3958 = vector.broadcast %add3A_3957 : f32 to vector<16xf32>
        %add3A_3959 = arith.addf %mul3A_3956, %add3A_3958 : vector<16xf32>
        %mul3A_3960 = arith.mulf %add3A_3959, %exp3A_3933 : vector<16xf32>
        %add3A_3961 = arith.constant 5.62932996E-7 : f32
        %add3A_3962 = vector.broadcast %add3A_3961 : f32 to vector<16xf32>
        %add3A_3963 = arith.addf %mul3A_3960, %add3A_3962 : vector<16xf32>
        %neg3A_3964 = arith.constant 0.000000e+00 : f32
        %neg3A_3965 = vector.broadcast %neg3A_3964 : f32 to vector<16xf32>
        %neg3A_3966 = arith.subf %neg3A_3965, %get3A_3906 : vector<16xf32>
        %max3A_3967 = arith.constant 0.000000e+00 : f32
        %max3A_3968 = vector.broadcast %max3A_3967 : f32 to vector<16xf32>
        %max3A_3969 = arith.maximumf %neg3A_3966, %max3A_3968 : vector<16xf32>
        %add3A_3970 = arith.addf %max3A_3969, %add3A_3963 : vector<16xf32>
        %abs3A_3971 = math.absf %get3A_3911 : vector<16xf32>
        %neg3A_3972 = arith.constant 0.000000e+00 : f32
        %neg3A_3973 = vector.broadcast %neg3A_3972 : f32 to vector<16xf32>
        %neg3A_3974 = arith.subf %neg3A_3973, %abs3A_3971 : vector<16xf32>
        %exp3A_3975 = math.exp %neg3A_3974 : vector<16xf32>
        %broadcast_in_dim3A_3976 = arith.constant 0.0101189017 : f32
        %broadcast_in_dim3A_3977 = vector.broadcast %broadcast_in_dim3A_3976 : f32 to vector<16xf32>
        %mul3A_3978 = arith.mulf %broadcast_in_dim3A_3977, %exp3A_3975 : vector<16xf32>
        %add3A_3979 = arith.constant -0.0526239537 : f32
        %add3A_3980 = vector.broadcast %add3A_3979 : f32 to vector<16xf32>
        %add3A_3981 = arith.addf %mul3A_3978, %add3A_3980 : vector<16xf32>
        %mul3A_3982 = arith.mulf %add3A_3981, %exp3A_3975 : vector<16xf32>
        %add3A_3983 = arith.constant 0.130763352 : f32
        %add3A_3984 = vector.broadcast %add3A_3983 : f32 to vector<16xf32>
        %add3A_3985 = arith.addf %mul3A_3982, %add3A_3984 : vector<16xf32>
        %mul3A_3986 = arith.mulf %add3A_3985, %exp3A_3975 : vector<16xf32>
        %add3A_3987 = arith.constant -0.222834721 : f32
        %add3A_3988 = vector.broadcast %add3A_3987 : f32 to vector<16xf32>
        %add3A_3989 = arith.addf %mul3A_3986, %add3A_3988 : vector<16xf32>
        %mul3A_3990 = arith.mulf %add3A_3989, %exp3A_3975 : vector<16xf32>
        %add3A_3991 = arith.constant 0.326972365 : f32
        %add3A_3992 = vector.broadcast %add3A_3991 : f32 to vector<16xf32>
        %add3A_3993 = arith.addf %mul3A_3990, %add3A_3992 : vector<16xf32>
        %mul3A_3994 = arith.mulf %add3A_3993, %exp3A_3975 : vector<16xf32>
        %add3A_3995 = arith.constant -0.499206394 : f32
        %add3A_3996 = vector.broadcast %add3A_3995 : f32 to vector<16xf32>
        %add3A_3997 = arith.addf %mul3A_3994, %add3A_3996 : vector<16xf32>
        %mul3A_3998 = arith.mulf %add3A_3997, %exp3A_3975 : vector<16xf32>
        %add3A_3999 = arith.constant 0.999957442 : f32
        %add3A_4000 = vector.broadcast %add3A_3999 : f32 to vector<16xf32>
        %add3A_4001 = arith.addf %mul3A_3998, %add3A_4000 : vector<16xf32>
        %mul3A_4002 = arith.mulf %add3A_4001, %exp3A_3975 : vector<16xf32>
        %add3A_4003 = arith.constant 5.62932996E-7 : f32
        %add3A_4004 = vector.broadcast %add3A_4003 : f32 to vector<16xf32>
        %add3A_4005 = arith.addf %mul3A_4002, %add3A_4004 : vector<16xf32>
        %neg3A_4006 = arith.constant 0.000000e+00 : f32
        %neg3A_4007 = vector.broadcast %neg3A_4006 : f32 to vector<16xf32>
        %neg3A_4008 = arith.subf %neg3A_4007, %get3A_3911 : vector<16xf32>
        %max3A_4009 = arith.constant 0.000000e+00 : f32
        %max3A_4010 = vector.broadcast %max3A_4009 : f32 to vector<16xf32>
        %max3A_4011 = arith.maximumf %neg3A_4008, %max3A_4010 : vector<16xf32>
        %add3A_4012 = arith.addf %max3A_4011, %add3A_4005 : vector<16xf32>
        %add3A_4013 = arith.addf %add3A_3970, %add3A_4012 : vector<16xf32>
        %gt3A_4014 = arith.constant 6.000000e-01 : f32
        %gt3A_4015 = vector.broadcast %gt3A_4014 : f32 to vector<16xf32>
        %gt3A_4016 = arith.cmpf ogt, %get3A_3906, %gt3A_4015 : vector<16xf32>
        %lt3A_4017 = arith.constant 4.000000e-01 : f32
        %lt3A_4018 = vector.broadcast %lt3A_4017 : f32 to vector<16xf32>
        %lt3A_4019 = arith.cmpf olt, %get3A_3906, %lt3A_4018 : vector<16xf32>
        %or3A_4020 = arith.ori %gt3A_4016, %lt3A_4019 : vector<16xi1>
        %mul3A_4021 = arith.mulf %get3A_3906, %get3A_3911 : vector<16xf32>
        %jit3A_4022 = arith.constant 0.000000e+00 : f32
        %broadcast_in_dim3A_4023 = vector.broadcast %jit3A_4022 : f32 to vector<16xf32>
        %select_n3A_4024 = arith.select %or3A_4020, %mul3A_4021, %broadcast_in_dim3A_4023 : vector<16xi1>, vector<16xf32>
        %add3A_4025 = arith.addf %add3A_4013, %get3A_3906 : vector<16xf32>
        %add3A_4026 = arith.addf %add3A_4025, %get3A_3911 : vector<16xf32>
        %sub3A_4027 = arith.subf %add3A_4026, %select_n3A_4024 : vector<16xf32>
        %jit3A_4028 = arith.constant 0.000000e+00 : f32
        %broadcast_in_dim3A_4029 = vector.broadcast %jit3A_4028 : f32 to vector<16xf32>
        %select_n3A_4030 = arith.select %and3A_3928, %sub3A_4027, %broadcast_in_dim3A_4029 : vector<16xi1>, vector<16xf32>
        %add3A_4031 = arith.addf %add3A_3891, %select_n3A_4030 : vector<16xf32>
        %jit3A_4032 = arith.constant 0.000000e+00 : f32
        %broadcast_in_dim3A_4033 = vector.broadcast %jit3A_4032 : f32 to vector<16xf32>
        %select_n3A_4034 = arith.select %and3A_3928, %get3A_3906, %broadcast_in_dim3A_4033 : vector<16xi1>, vector<16xf32>
        %add3A_4035 = arith.addf %add3A_3895, %select_n3A_4034 : vector<16xf32>
        %jit3A_4036 = arith.constant 1.000000e+00 : f32
        %jit3A_4037 = arith.constant 0.000000e+00 : f32
        %broadcast_in_dim3A_4038 = vector.broadcast %jit3A_4036 : f32 to vector<16xf32>
        %broadcast_in_dim3A_4039 = vector.broadcast %jit3A_4037 : f32 to vector<16xf32>
        %select_n3A_4040 = arith.select %and3A_3928, %broadcast_in_dim3A_4038, %broadcast_in_dim3A_4039 : vector<16xi1>, vector<16xf32>
        %add3A_4041 = arith.addf %add3A_3901, %select_n3A_4040 : vector<16xf32>
        %get3A_4042 = arith.constant 28 : i32
        %get3A_4043 = arith.index_cast %get3A_4042 : i32 to index
        %get3A_4044 = arith.index_cast %mul3A_128 : i32 to index
        %get3A_4045 = tpu.vector_load %arg7[%get3A_4043, %get3A_4044] {strides = array<i32>} : memref<32x512xf32, #tpu.memory_space<vmem>>, vector<1x16xf32>,
        %get3A_4046 = vector.shape_cast %get3A_4045 : vector<1x16xf32> to vector<16xf32>
        %get3A_4047 = arith.constant 28 : i32
        %get3A_4048 = arith.index_cast %get3A_4047 : i32 to index
        %get3A_4049 = arith.index_cast %mul3A_128 : i32 to index
        %get3A_4050 = tpu.vector_load %arg8[%get3A_4048, %get3A_4049] {strides = array<i32>} : memref<32x512xf32, #tpu.memory_space<vmem>>, vector<1x16xf32>,
        %get3A_4051 = vector.shape_cast %get3A_4050 : vector<1x16xf32> to vector<16xf32>
        %get3A_4052 = arith.constant 28 : i32
        %get3A_4053 = arith.index_cast %get3A_4052 : i32 to index
        %get3A_4054 = arith.index_cast %mul3A_128 : i32 to index
        %get3A_4055 = tpu.vector_load %arg9[%get3A_4053, %get3A_4054] {strides = array<i32>} : memref<32x512xf32, #tpu.memory_space<vmem>>, vector<1x16xf32>,
        %get3A_4056 = vector.shape_cast %get3A_4055 : vector<1x16xf32> to vector<16xf32>
        %gt3A_4057 = arith.constant 5.000000e-01 : f32
        %gt3A_4058 = vector.broadcast %gt3A_4057 : f32 to vector<16xf32>
        %gt3A_4059 = arith.cmpf ogt, %get3A_4056, %gt3A_4058 : vector<16xf32>
        %get3A_4060 = arith.constant 28 : i32
        %get3A_4061 = arith.index_cast %get3A_4060 : i32 to index
        %get3A_4062 = arith.index_cast %mul3A_128 : i32 to index
        %get3A_4063 = tpu.vector_load %arg10[%get3A_4061, %get3A_4062] {strides = array<i32>} : memref<32x512xf32, #tpu.memory_space<vmem>>, vector<1x16xf32>,
        %get3A_4064 = vector.shape_cast %get3A_4063 : vector<1x16xf32> to vector<16xf32>
        %gt3A_4065 = arith.constant 5.000000e-01 : f32
        %gt3A_4066 = vector.broadcast %gt3A_4065 : f32 to vector<16xf32>
        %gt3A_4067 = arith.cmpf ogt, %get3A_4064, %gt3A_4066 : vector<16xf32>
        %and3A_4068 = arith.andi %gt3A_4059, %gt3A_4067 : vector<16xi1>
        %abs3A_4069 = math.absf %get3A_4046 : vector<16xf32>
        %neg3A_4070 = arith.constant 0.000000e+00 : f32
        %neg3A_4071 = vector.broadcast %neg3A_4070 : f32 to vector<16xf32>
        %neg3A_4072 = arith.subf %neg3A_4071, %abs3A_4069 : vector<16xf32>
        %exp3A_4073 = math.exp %neg3A_4072 : vector<16xf32>
        %broadcast_in_dim3A_4074 = arith.constant 0.0101189017 : f32
        %broadcast_in_dim3A_4075 = vector.broadcast %broadcast_in_dim3A_4074 : f32 to vector<16xf32>
        %mul3A_4076 = arith.mulf %broadcast_in_dim3A_4075, %exp3A_4073 : vector<16xf32>
        %add3A_4077 = arith.constant -0.0526239537 : f32
        %add3A_4078 = vector.broadcast %add3A_4077 : f32 to vector<16xf32>
        %add3A_4079 = arith.addf %mul3A_4076, %add3A_4078 : vector<16xf32>
        %mul3A_4080 = arith.mulf %add3A_4079, %exp3A_4073 : vector<16xf32>
        %add3A_4081 = arith.constant 0.130763352 : f32
        %add3A_4082 = vector.broadcast %add3A_4081 : f32 to vector<16xf32>
        %add3A_4083 = arith.addf %mul3A_4080, %add3A_4082 : vector<16xf32>
        %mul3A_4084 = arith.mulf %add3A_4083, %exp3A_4073 : vector<16xf32>
        %add3A_4085 = arith.constant -0.222834721 : f32
        %add3A_4086 = vector.broadcast %add3A_4085 : f32 to vector<16xf32>
        %add3A_4087 = arith.addf %mul3A_4084, %add3A_4086 : vector<16xf32>
        %mul3A_4088 = arith.mulf %add3A_4087, %exp3A_4073 : vector<16xf32>
        %add3A_4089 = arith.constant 0.326972365 : f32
        %add3A_4090 = vector.broadcast %add3A_4089 : f32 to vector<16xf32>
        %add3A_4091 = arith.addf %mul3A_4088, %add3A_4090 : vector<16xf32>
        %mul3A_4092 = arith.mulf %add3A_4091, %exp3A_4073 : vector<16xf32>
        %add3A_4093 = arith.constant -0.499206394 : f32
        %add3A_4094 = vector.broadcast %add3A_4093 : f32 to vector<16xf32>
        %add3A_4095 = arith.addf %mul3A_4092, %add3A_4094 : vector<16xf32>
        %mul3A_4096 = arith.mulf %add3A_4095, %exp3A_4073 : vector<16xf32>
        %add3A_4097 = arith.constant 0.999957442 : f32
        %add3A_4098 = vector.broadcast %add3A_4097 : f32 to vector<16xf32>
        %add3A_4099 = arith.addf %mul3A_4096, %add3A_4098 : vector<16xf32>
        %mul3A_4100 = arith.mulf %add3A_4099, %exp3A_4073 : vector<16xf32>
        %add3A_4101 = arith.constant 5.62932996E-7 : f32
        %add3A_4102 = vector.broadcast %add3A_4101 : f32 to vector<16xf32>
        %add3A_4103 = arith.addf %mul3A_4100, %add3A_4102 : vector<16xf32>
        %neg3A_4104 = arith.constant 0.000000e+00 : f32
        %neg3A_4105 = vector.broadcast %neg3A_4104 : f32 to vector<16xf32>
        %neg3A_4106 = arith.subf %neg3A_4105, %get3A_4046 : vector<16xf32>
        %max3A_4107 = arith.constant 0.000000e+00 : f32
        %max3A_4108 = vector.broadcast %max3A_4107 : f32 to vector<16xf32>
        %max3A_4109 = arith.maximumf %neg3A_4106, %max3A_4108 : vector<16xf32>
        %add3A_4110 = arith.addf %max3A_4109, %add3A_4103 : vector<16xf32>
        %abs3A_4111 = math.absf %get3A_4051 : vector<16xf32>
        %neg3A_4112 = arith.constant 0.000000e+00 : f32
        %neg3A_4113 = vector.broadcast %neg3A_4112 : f32 to vector<16xf32>
        %neg3A_4114 = arith.subf %neg3A_4113, %abs3A_4111 : vector<16xf32>
        %exp3A_4115 = math.exp %neg3A_4114 : vector<16xf32>
        %broadcast_in_dim3A_4116 = arith.constant 0.0101189017 : f32
        %broadcast_in_dim3A_4117 = vector.broadcast %broadcast_in_dim3A_4116 : f32 to vector<16xf32>
        %mul3A_4118 = arith.mulf %broadcast_in_dim3A_4117, %exp3A_4115 : vector<16xf32>
        %add3A_4119 = arith.constant -0.0526239537 : f32
        %add3A_4120 = vector.broadcast %add3A_4119 : f32 to vector<16xf32>
        %add3A_4121 = arith.addf %mul3A_4118, %add3A_4120 : vector<16xf32>
        %mul3A_4122 = arith.mulf %add3A_4121, %exp3A_4115 : vector<16xf32>
        %add3A_4123 = arith.constant 0.130763352 : f32
        %add3A_4124 = vector.broadcast %add3A_4123 : f32 to vector<16xf32>
        %add3A_4125 = arith.addf %mul3A_4122, %add3A_4124 : vector<16xf32>
        %mul3A_4126 = arith.mulf %add3A_4125, %exp3A_4115 : vector<16xf32>
        %add3A_4127 = arith.constant -0.222834721 : f32
        %add3A_4128 = vector.broadcast %add3A_4127 : f32 to vector<16xf32>
        %add3A_4129 = arith.addf %mul3A_4126, %add3A_4128 : vector<16xf32>
        %mul3A_4130 = arith.mulf %add3A_4129, %exp3A_4115 : vector<16xf32>
        %add3A_4131 = arith.constant 0.326972365 : f32
        %add3A_4132 = vector.broadcast %add3A_4131 : f32 to vector<16xf32>
        %add3A_4133 = arith.addf %mul3A_4130, %add3A_4132 : vector<16xf32>
        %mul3A_4134 = arith.mulf %add3A_4133, %exp3A_4115 : vector<16xf32>
        %add3A_4135 = arith.constant -0.499206394 : f32
        %add3A_4136 = vector.broadcast %add3A_4135 : f32 to vector<16xf32>
        %add3A_4137 = arith.addf %mul3A_4134, %add3A_4136 : vector<16xf32>
        %mul3A_4138 = arith.mulf %add3A_4137, %exp3A_4115 : vector<16xf32>
        %add3A_4139 = arith.constant 0.999957442 : f32
        %add3A_4140 = vector.broadcast %add3A_4139 : f32 to vector<16xf32>
        %add3A_4141 = arith.addf %mul3A_4138, %add3A_4140 : vector<16xf32>
        %mul3A_4142 = arith.mulf %add3A_4141, %exp3A_4115 : vector<16xf32>
        %add3A_4143 = arith.constant 5.62932996E-7 : f32
        %add3A_4144 = vector.broadcast %add3A_4143 : f32 to vector<16xf32>
        %add3A_4145 = arith.addf %mul3A_4142, %add3A_4144 : vector<16xf32>
        %neg3A_4146 = arith.constant 0.000000e+00 : f32
        %neg3A_4147 = vector.broadcast %neg3A_4146 : f32 to vector<16xf32>
        %neg3A_4148 = arith.subf %neg3A_4147, %get3A_4051 : vector<16xf32>
        %max3A_4149 = arith.constant 0.000000e+00 : f32
        %max3A_4150 = vector.broadcast %max3A_4149 : f32 to vector<16xf32>
        %max3A_4151 = arith.maximumf %neg3A_4148, %max3A_4150 : vector<16xf32>
        %add3A_4152 = arith.addf %max3A_4151, %add3A_4145 : vector<16xf32>
        %add3A_4153 = arith.addf %add3A_4110, %add3A_4152 : vector<16xf32>
        %gt3A_4154 = arith.constant 6.000000e-01 : f32
        %gt3A_4155 = vector.broadcast %gt3A_4154 : f32 to vector<16xf32>
        %gt3A_4156 = arith.cmpf ogt, %get3A_4046, %gt3A_4155 : vector<16xf32>
        %lt3A_4157 = arith.constant 4.000000e-01 : f32
        %lt3A_4158 = vector.broadcast %lt3A_4157 : f32 to vector<16xf32>
        %lt3A_4159 = arith.cmpf olt, %get3A_4046, %lt3A_4158 : vector<16xf32>
        %or3A_4160 = arith.ori %gt3A_4156, %lt3A_4159 : vector<16xi1>
        %mul3A_4161 = arith.mulf %get3A_4046, %get3A_4051 : vector<16xf32>
        %jit3A_4162 = arith.constant 0.000000e+00 : f32
        %broadcast_in_dim3A_4163 = vector.broadcast %jit3A_4162 : f32 to vector<16xf32>
        %select_n3A_4164 = arith.select %or3A_4160, %mul3A_4161, %broadcast_in_dim3A_4163 : vector<16xi1>, vector<16xf32>
        %add3A_4165 = arith.addf %add3A_4153, %get3A_4046 : vector<16xf32>
        %add3A_4166 = arith.addf %add3A_4165, %get3A_4051 : vector<16xf32>
        %sub3A_4167 = arith.subf %add3A_4166, %select_n3A_4164 : vector<16xf32>
        %jit3A_4168 = arith.constant 0.000000e+00 : f32
        %broadcast_in_dim3A_4169 = vector.broadcast %jit3A_4168 : f32 to vector<16xf32>
        %select_n3A_4170 = arith.select %and3A_4068, %sub3A_4167, %broadcast_in_dim3A_4169 : vector<16xi1>, vector<16xf32>
        %add3A_4171 = arith.addf %add3A_4031, %select_n3A_4170 : vector<16xf32>
        %jit3A_4172 = arith.constant 0.000000e+00 : f32
        %broadcast_in_dim3A_4173 = vector.broadcast %jit3A_4172 : f32 to vector<16xf32>
        %select_n3A_4174 = arith.select %and3A_4068, %get3A_4046, %broadcast_in_dim3A_4173 : vector<16xi1>, vector<16xf32>
        %add3A_4175 = arith.addf %add3A_4035, %select_n3A_4174 : vector<16xf32>
        %jit3A_4176 = arith.constant 1.000000e+00 : f32
        %jit3A_4177 = arith.constant 0.000000e+00 : f32
        %broadcast_in_dim3A_4178 = vector.broadcast %jit3A_4176 : f32 to vector<16xf32>
        %broadcast_in_dim3A_4179 = vector.broadcast %jit3A_4177 : f32 to vector<16xf32>
        %select_n3A_4180 = arith.select %and3A_4068, %broadcast_in_dim3A_4178, %broadcast_in_dim3A_4179 : vector<16xi1>, vector<16xf32>
        %add3A_4181 = arith.addf %add3A_4041, %select_n3A_4180 : vector<16xf32>
        %get3A_4182 = arith.constant 29 : i32
        %get3A_4183 = arith.index_cast %get3A_4182 : i32 to index
        %get3A_4184 = arith.index_cast %mul3A_128 : i32 to index
        %get3A_4185 = tpu.vector_load %arg7[%get3A_4183, %get3A_4184] {strides = array<i32>} : memref<32x512xf32, #tpu.memory_space<vmem>>, vector<1x16xf32>,
        %get3A_4186 = vector.shape_cast %get3A_4185 : vector<1x16xf32> to vector<16xf32>
        %get3A_4187 = arith.constant 29 : i32
        %get3A_4188 = arith.index_cast %get3A_4187 : i32 to index
        %get3A_4189 = arith.index_cast %mul3A_128 : i32 to index
        %get3A_4190 = tpu.vector_load %arg8[%get3A_4188, %get3A_4189] {strides = array<i32>} : memref<32x512xf32, #tpu.memory_space<vmem>>, vector<1x16xf32>,
        %get3A_4191 = vector.shape_cast %get3A_4190 : vector<1x16xf32> to vector<16xf32>
        %get3A_4192 = arith.constant 29 : i32
        %get3A_4193 = arith.index_cast %get3A_4192 : i32 to index
        %get3A_4194 = arith.index_cast %mul3A_128 : i32 to index
        %get3A_4195 = tpu.vector_load %arg9[%get3A_4193, %get3A_4194] {strides = array<i32>} : memref<32x512xf32, #tpu.memory_space<vmem>>, vector<1x16xf32>,
        %get3A_4196 = vector.shape_cast %get3A_4195 : vector<1x16xf32> to vector<16xf32>
        %gt3A_4197 = arith.constant 5.000000e-01 : f32
        %gt3A_4198 = vector.broadcast %gt3A_4197 : f32 to vector<16xf32>
        %gt3A_4199 = arith.cmpf ogt, %get3A_4196, %gt3A_4198 : vector<16xf32>
        %get3A_4200 = arith.constant 29 : i32
        %get3A_4201 = arith.index_cast %get3A_4200 : i32 to index
        %get3A_4202 = arith.index_cast %mul3A_128 : i32 to index
        %get3A_4203 = tpu.vector_load %arg10[%get3A_4201, %get3A_4202] {strides = array<i32>} : memref<32x512xf32, #tpu.memory_space<vmem>>, vector<1x16xf32>,
        %get3A_4204 = vector.shape_cast %get3A_4203 : vector<1x16xf32> to vector<16xf32>
        %gt3A_4205 = arith.constant 5.000000e-01 : f32
        %gt3A_4206 = vector.broadcast %gt3A_4205 : f32 to vector<16xf32>
        %gt3A_4207 = arith.cmpf ogt, %get3A_4204, %gt3A_4206 : vector<16xf32>
        %and3A_4208 = arith.andi %gt3A_4199, %gt3A_4207 : vector<16xi1>
        %abs3A_4209 = math.absf %get3A_4186 : vector<16xf32>
        %neg3A_4210 = arith.constant 0.000000e+00 : f32
        %neg3A_4211 = vector.broadcast %neg3A_4210 : f32 to vector<16xf32>
        %neg3A_4212 = arith.subf %neg3A_4211, %abs3A_4209 : vector<16xf32>
        %exp3A_4213 = math.exp %neg3A_4212 : vector<16xf32>
        %broadcast_in_dim3A_4214 = arith.constant 0.0101189017 : f32
        %broadcast_in_dim3A_4215 = vector.broadcast %broadcast_in_dim3A_4214 : f32 to vector<16xf32>
        %mul3A_4216 = arith.mulf %broadcast_in_dim3A_4215, %exp3A_4213 : vector<16xf32>
        %add3A_4217 = arith.constant -0.0526239537 : f32
        %add3A_4218 = vector.broadcast %add3A_4217 : f32 to vector<16xf32>
        %add3A_4219 = arith.addf %mul3A_4216, %add3A_4218 : vector<16xf32>
        %mul3A_4220 = arith.mulf %add3A_4219, %exp3A_4213 : vector<16xf32>
        %add3A_4221 = arith.constant 0.130763352 : f32
        %add3A_4222 = vector.broadcast %add3A_4221 : f32 to vector<16xf32>
        %add3A_4223 = arith.addf %mul3A_4220, %add3A_4222 : vector<16xf32>
        %mul3A_4224 = arith.mulf %add3A_4223, %exp3A_4213 : vector<16xf32>
        %add3A_4225 = arith.constant -0.222834721 : f32
        %add3A_4226 = vector.broadcast %add3A_4225 : f32 to vector<16xf32>
        %add3A_4227 = arith.addf %mul3A_4224, %add3A_4226 : vector<16xf32>
        %mul3A_4228 = arith.mulf %add3A_4227, %exp3A_4213 : vector<16xf32>
        %add3A_4229 = arith.constant 0.326972365 : f32
        %add3A_4230 = vector.broadcast %add3A_4229 : f32 to vector<16xf32>
        %add3A_4231 = arith.addf %mul3A_4228, %add3A_4230 : vector<16xf32>
        %mul3A_4232 = arith.mulf %add3A_4231, %exp3A_4213 : vector<16xf32>
        %add3A_4233 = arith.constant -0.499206394 : f32
        %add3A_4234 = vector.broadcast %add3A_4233 : f32 to vector<16xf32>
        %add3A_4235 = arith.addf %mul3A_4232, %add3A_4234 : vector<16xf32>
        %mul3A_4236 = arith.mulf %add3A_4235, %exp3A_4213 : vector<16xf32>
        %add3A_4237 = arith.constant 0.999957442 : f32
        %add3A_4238 = vector.broadcast %add3A_4237 : f32 to vector<16xf32>
        %add3A_4239 = arith.addf %mul3A_4236, %add3A_4238 : vector<16xf32>
        %mul3A_4240 = arith.mulf %add3A_4239, %exp3A_4213 : vector<16xf32>
        %add3A_4241 = arith.constant 5.62932996E-7 : f32
        %add3A_4242 = vector.broadcast %add3A_4241 : f32 to vector<16xf32>
        %add3A_4243 = arith.addf %mul3A_4240, %add3A_4242 : vector<16xf32>
        %neg3A_4244 = arith.constant 0.000000e+00 : f32
        %neg3A_4245 = vector.broadcast %neg3A_4244 : f32 to vector<16xf32>
        %neg3A_4246 = arith.subf %neg3A_4245, %get3A_4186 : vector<16xf32>
        %max3A_4247 = arith.constant 0.000000e+00 : f32
        %max3A_4248 = vector.broadcast %max3A_4247 : f32 to vector<16xf32>
        %max3A_4249 = arith.maximumf %neg3A_4246, %max3A_4248 : vector<16xf32>
        %add3A_4250 = arith.addf %max3A_4249, %add3A_4243 : vector<16xf32>
        %abs3A_4251 = math.absf %get3A_4191 : vector<16xf32>
        %neg3A_4252 = arith.constant 0.000000e+00 : f32
        %neg3A_4253 = vector.broadcast %neg3A_4252 : f32 to vector<16xf32>
        %neg3A_4254 = arith.subf %neg3A_4253, %abs3A_4251 : vector<16xf32>
        %exp3A_4255 = math.exp %neg3A_4254 : vector<16xf32>
        %broadcast_in_dim3A_4256 = arith.constant 0.0101189017 : f32
        %broadcast_in_dim3A_4257 = vector.broadcast %broadcast_in_dim3A_4256 : f32 to vector<16xf32>
        %mul3A_4258 = arith.mulf %broadcast_in_dim3A_4257, %exp3A_4255 : vector<16xf32>
        %add3A_4259 = arith.constant -0.0526239537 : f32
        %add3A_4260 = vector.broadcast %add3A_4259 : f32 to vector<16xf32>
        %add3A_4261 = arith.addf %mul3A_4258, %add3A_4260 : vector<16xf32>
        %mul3A_4262 = arith.mulf %add3A_4261, %exp3A_4255 : vector<16xf32>
        %add3A_4263 = arith.constant 0.130763352 : f32
        %add3A_4264 = vector.broadcast %add3A_4263 : f32 to vector<16xf32>
        %add3A_4265 = arith.addf %mul3A_4262, %add3A_4264 : vector<16xf32>
        %mul3A_4266 = arith.mulf %add3A_4265, %exp3A_4255 : vector<16xf32>
        %add3A_4267 = arith.constant -0.222834721 : f32
        %add3A_4268 = vector.broadcast %add3A_4267 : f32 to vector<16xf32>
        %add3A_4269 = arith.addf %mul3A_4266, %add3A_4268 : vector<16xf32>
        %mul3A_4270 = arith.mulf %add3A_4269, %exp3A_4255 : vector<16xf32>
        %add3A_4271 = arith.constant 0.326972365 : f32
        %add3A_4272 = vector.broadcast %add3A_4271 : f32 to vector<16xf32>
        %add3A_4273 = arith.addf %mul3A_4270, %add3A_4272 : vector<16xf32>
        %mul3A_4274 = arith.mulf %add3A_4273, %exp3A_4255 : vector<16xf32>
        %add3A_4275 = arith.constant -0.499206394 : f32
        %add3A_4276 = vector.broadcast %add3A_4275 : f32 to vector<16xf32>
        %add3A_4277 = arith.addf %mul3A_4274, %add3A_4276 : vector<16xf32>
        %mul3A_4278 = arith.mulf %add3A_4277, %exp3A_4255 : vector<16xf32>
        %add3A_4279 = arith.constant 0.999957442 : f32
        %add3A_4280 = vector.broadcast %add3A_4279 : f32 to vector<16xf32>
        %add3A_4281 = arith.addf %mul3A_4278, %add3A_4280 : vector<16xf32>
        %mul3A_4282 = arith.mulf %add3A_4281, %exp3A_4255 : vector<16xf32>
        %add3A_4283 = arith.constant 5.62932996E-7 : f32
        %add3A_4284 = vector.broadcast %add3A_4283 : f32 to vector<16xf32>
        %add3A_4285 = arith.addf %mul3A_4282, %add3A_4284 : vector<16xf32>
        %neg3A_4286 = arith.constant 0.000000e+00 : f32
        %neg3A_4287 = vector.broadcast %neg3A_4286 : f32 to vector<16xf32>
        %neg3A_4288 = arith.subf %neg3A_4287, %get3A_4191 : vector<16xf32>
        %max3A_4289 = arith.constant 0.000000e+00 : f32
        %max3A_4290 = vector.broadcast %max3A_4289 : f32 to vector<16xf32>
        %max3A_4291 = arith.maximumf %neg3A_4288, %max3A_4290 : vector<16xf32>
        %add3A_4292 = arith.addf %max3A_4291, %add3A_4285 : vector<16xf32>
        %add3A_4293 = arith.addf %add3A_4250, %add3A_4292 : vector<16xf32>
        %gt3A_4294 = arith.constant 6.000000e-01 : f32
        %gt3A_4295 = vector.broadcast %gt3A_4294 : f32 to vector<16xf32>
        %gt3A_4296 = arith.cmpf ogt, %get3A_4186, %gt3A_4295 : vector<16xf32>
        %lt3A_4297 = arith.constant 4.000000e-01 : f32
        %lt3A_4298 = vector.broadcast %lt3A_4297 : f32 to vector<16xf32>
        %lt3A_4299 = arith.cmpf olt, %get3A_4186, %lt3A_4298 : vector<16xf32>
        %or3A_4300 = arith.ori %gt3A_4296, %lt3A_4299 : vector<16xi1>
        %mul3A_4301 = arith.mulf %get3A_4186, %get3A_4191 : vector<16xf32>
        %jit3A_4302 = arith.constant 0.000000e+00 : f32
        %broadcast_in_dim3A_4303 = vector.broadcast %jit3A_4302 : f32 to vector<16xf32>
        %select_n3A_4304 = arith.select %or3A_4300, %mul3A_4301, %broadcast_in_dim3A_4303 : vector<16xi1>, vector<16xf32>
        %add3A_4305 = arith.addf %add3A_4293, %get3A_4186 : vector<16xf32>
        %add3A_4306 = arith.addf %add3A_4305, %get3A_4191 : vector<16xf32>
        %sub3A_4307 = arith.subf %add3A_4306, %select_n3A_4304 : vector<16xf32>
        %jit3A_4308 = arith.constant 0.000000e+00 : f32
        %broadcast_in_dim3A_4309 = vector.broadcast %jit3A_4308 : f32 to vector<16xf32>
        %select_n3A_4310 = arith.select %and3A_4208, %sub3A_4307, %broadcast_in_dim3A_4309 : vector<16xi1>, vector<16xf32>
        %add3A_4311 = arith.addf %add3A_4171, %select_n3A_4310 : vector<16xf32>
        %jit3A_4312 = arith.constant 0.000000e+00 : f32
        %broadcast_in_dim3A_4313 = vector.broadcast %jit3A_4312 : f32 to vector<16xf32>
        %select_n3A_4314 = arith.select %and3A_4208, %get3A_4186, %broadcast_in_dim3A_4313 : vector<16xi1>, vector<16xf32>
        %add3A_4315 = arith.addf %add3A_4175, %select_n3A_4314 : vector<16xf32>
        %jit3A_4316 = arith.constant 1.000000e+00 : f32
        %jit3A_4317 = arith.constant 0.000000e+00 : f32
        %broadcast_in_dim3A_4318 = vector.broadcast %jit3A_4316 : f32 to vector<16xf32>
        %broadcast_in_dim3A_4319 = vector.broadcast %jit3A_4317 : f32 to vector<16xf32>
        %select_n3A_4320 = arith.select %and3A_4208, %broadcast_in_dim3A_4318, %broadcast_in_dim3A_4319 : vector<16xi1>, vector<16xf32>
        %add3A_4321 = arith.addf %add3A_4181, %select_n3A_4320 : vector<16xf32>
        %get3A_4322 = arith.constant 30 : i32
        %get3A_4323 = arith.index_cast %get3A_4322 : i32 to index
        %get3A_4324 = arith.index_cast %mul3A_128 : i32 to index
        %get3A_4325 = tpu.vector_load %arg7[%get3A_4323, %get3A_4324] {strides = array<i32>} : memref<32x512xf32, #tpu.memory_space<vmem>>, vector<1x16xf32>,
        %get3A_4326 = vector.shape_cast %get3A_4325 : vector<1x16xf32> to vector<16xf32>
        %get3A_4327 = arith.constant 30 : i32
        %get3A_4328 = arith.index_cast %get3A_4327 : i32 to index
        %get3A_4329 = arith.index_cast %mul3A_128 : i32 to index
        %get3A_4330 = tpu.vector_load %arg8[%get3A_4328, %get3A_4329] {strides = array<i32>} : memref<32x512xf32, #tpu.memory_space<vmem>>, vector<1x16xf32>,
        %get3A_4331 = vector.shape_cast %get3A_4330 : vector<1x16xf32> to vector<16xf32>
        %get3A_4332 = arith.constant 30 : i32
        %get3A_4333 = arith.index_cast %get3A_4332 : i32 to index
        %get3A_4334 = arith.index_cast %mul3A_128 : i32 to index
        %get3A_4335 = tpu.vector_load %arg9[%get3A_4333, %get3A_4334] {strides = array<i32>} : memref<32x512xf32, #tpu.memory_space<vmem>>, vector<1x16xf32>,
        %get3A_4336 = vector.shape_cast %get3A_4335 : vector<1x16xf32> to vector<16xf32>
        %gt3A_4337 = arith.constant 5.000000e-01 : f32
        %gt3A_4338 = vector.broadcast %gt3A_4337 : f32 to vector<16xf32>
        %gt3A_4339 = arith.cmpf ogt, %get3A_4336, %gt3A_4338 : vector<16xf32>
        %get3A_4340 = arith.constant 30 : i32
        %get3A_4341 = arith.index_cast %get3A_4340 : i32 to index
        %get3A_4342 = arith.index_cast %mul3A_128 : i32 to index
        %get3A_4343 = tpu.vector_load %arg10[%get3A_4341, %get3A_4342] {strides = array<i32>} : memref<32x512xf32, #tpu.memory_space<vmem>>, vector<1x16xf32>,
        %get3A_4344 = vector.shape_cast %get3A_4343 : vector<1x16xf32> to vector<16xf32>
        %gt3A_4345 = arith.constant 5.000000e-01 : f32
        %gt3A_4346 = vector.broadcast %gt3A_4345 : f32 to vector<16xf32>
        %gt3A_4347 = arith.cmpf ogt, %get3A_4344, %gt3A_4346 : vector<16xf32>
        %and3A_4348 = arith.andi %gt3A_4339, %gt3A_4347 : vector<16xi1>
        %abs3A_4349 = math.absf %get3A_4326 : vector<16xf32>
        %neg3A_4350 = arith.constant 0.000000e+00 : f32
        %neg3A_4351 = vector.broadcast %neg3A_4350 : f32 to vector<16xf32>
        %neg3A_4352 = arith.subf %neg3A_4351, %abs3A_4349 : vector<16xf32>
        %exp3A_4353 = math.exp %neg3A_4352 : vector<16xf32>
        %broadcast_in_dim3A_4354 = arith.constant 0.0101189017 : f32
        %broadcast_in_dim3A_4355 = vector.broadcast %broadcast_in_dim3A_4354 : f32 to vector<16xf32>
        %mul3A_4356 = arith.mulf %broadcast_in_dim3A_4355, %exp3A_4353 : vector<16xf32>
        %add3A_4357 = arith.constant -0.0526239537 : f32
        %add3A_4358 = vector.broadcast %add3A_4357 : f32 to vector<16xf32>
        %add3A_4359 = arith.addf %mul3A_4356, %add3A_4358 : vector<16xf32>
        %mul3A_4360 = arith.mulf %add3A_4359, %exp3A_4353 : vector<16xf32>
        %add3A_4361 = arith.constant 0.130763352 : f32
        %add3A_4362 = vector.broadcast %add3A_4361 : f32 to vector<16xf32>
        %add3A_4363 = arith.addf %mul3A_4360, %add3A_4362 : vector<16xf32>
        %mul3A_4364 = arith.mulf %add3A_4363, %exp3A_4353 : vector<16xf32>
        %add3A_4365 = arith.constant -0.222834721 : f32
        %add3A_4366 = vector.broadcast %add3A_4365 : f32 to vector<16xf32>
        %add3A_4367 = arith.addf %mul3A_4364, %add3A_4366 : vector<16xf32>
        %mul3A_4368 = arith.mulf %add3A_4367, %exp3A_4353 : vector<16xf32>
        %add3A_4369 = arith.constant 0.326972365 : f32
        %add3A_4370 = vector.broadcast %add3A_4369 : f32 to vector<16xf32>
        %add3A_4371 = arith.addf %mul3A_4368, %add3A_4370 : vector<16xf32>
        %mul3A_4372 = arith.mulf %add3A_4371, %exp3A_4353 : vector<16xf32>
        %add3A_4373 = arith.constant -0.499206394 : f32
        %add3A_4374 = vector.broadcast %add3A_4373 : f32 to vector<16xf32>
        %add3A_4375 = arith.addf %mul3A_4372, %add3A_4374 : vector<16xf32>
        %mul3A_4376 = arith.mulf %add3A_4375, %exp3A_4353 : vector<16xf32>
        %add3A_4377 = arith.constant 0.999957442 : f32
        %add3A_4378 = vector.broadcast %add3A_4377 : f32 to vector<16xf32>
        %add3A_4379 = arith.addf %mul3A_4376, %add3A_4378 : vector<16xf32>
        %mul3A_4380 = arith.mulf %add3A_4379, %exp3A_4353 : vector<16xf32>
        %add3A_4381 = arith.constant 5.62932996E-7 : f32
        %add3A_4382 = vector.broadcast %add3A_4381 : f32 to vector<16xf32>
        %add3A_4383 = arith.addf %mul3A_4380, %add3A_4382 : vector<16xf32>
        %neg3A_4384 = arith.constant 0.000000e+00 : f32
        %neg3A_4385 = vector.broadcast %neg3A_4384 : f32 to vector<16xf32>
        %neg3A_4386 = arith.subf %neg3A_4385, %get3A_4326 : vector<16xf32>
        %max3A_4387 = arith.constant 0.000000e+00 : f32
        %max3A_4388 = vector.broadcast %max3A_4387 : f32 to vector<16xf32>
        %max3A_4389 = arith.maximumf %neg3A_4386, %max3A_4388 : vector<16xf32>
        %add3A_4390 = arith.addf %max3A_4389, %add3A_4383 : vector<16xf32>
        %abs3A_4391 = math.absf %get3A_4331 : vector<16xf32>
        %neg3A_4392 = arith.constant 0.000000e+00 : f32
        %neg3A_4393 = vector.broadcast %neg3A_4392 : f32 to vector<16xf32>
        %neg3A_4394 = arith.subf %neg3A_4393, %abs3A_4391 : vector<16xf32>
        %exp3A_4395 = math.exp %neg3A_4394 : vector<16xf32>
        %broadcast_in_dim3A_4396 = arith.constant 0.0101189017 : f32
        %broadcast_in_dim3A_4397 = vector.broadcast %broadcast_in_dim3A_4396 : f32 to vector<16xf32>
        %mul3A_4398 = arith.mulf %broadcast_in_dim3A_4397, %exp3A_4395 : vector<16xf32>
        %add3A_4399 = arith.constant -0.0526239537 : f32
        %add3A_4400 = vector.broadcast %add3A_4399 : f32 to vector<16xf32>
        %add3A_4401 = arith.addf %mul3A_4398, %add3A_4400 : vector<16xf32>
        %mul3A_4402 = arith.mulf %add3A_4401, %exp3A_4395 : vector<16xf32>
        %add3A_4403 = arith.constant 0.130763352 : f32
        %add3A_4404 = vector.broadcast %add3A_4403 : f32 to vector<16xf32>
        %add3A_4405 = arith.addf %mul3A_4402, %add3A_4404 : vector<16xf32>
        %mul3A_4406 = arith.mulf %add3A_4405, %exp3A_4395 : vector<16xf32>
        %add3A_4407 = arith.constant -0.222834721 : f32
        %add3A_4408 = vector.broadcast %add3A_4407 : f32 to vector<16xf32>
        %add3A_4409 = arith.addf %mul3A_4406, %add3A_4408 : vector<16xf32>
        %mul3A_4410 = arith.mulf %add3A_4409, %exp3A_4395 : vector<16xf32>
        %add3A_4411 = arith.constant 0.326972365 : f32
        %add3A_4412 = vector.broadcast %add3A_4411 : f32 to vector<16xf32>
        %add3A_4413 = arith.addf %mul3A_4410, %add3A_4412 : vector<16xf32>
        %mul3A_4414 = arith.mulf %add3A_4413, %exp3A_4395 : vector<16xf32>
        %add3A_4415 = arith.constant -0.499206394 : f32
        %add3A_4416 = vector.broadcast %add3A_4415 : f32 to vector<16xf32>
        %add3A_4417 = arith.addf %mul3A_4414, %add3A_4416 : vector<16xf32>
        %mul3A_4418 = arith.mulf %add3A_4417, %exp3A_4395 : vector<16xf32>
        %add3A_4419 = arith.constant 0.999957442 : f32
        %add3A_4420 = vector.broadcast %add3A_4419 : f32 to vector<16xf32>
        %add3A_4421 = arith.addf %mul3A_4418, %add3A_4420 : vector<16xf32>
        %mul3A_4422 = arith.mulf %add3A_4421, %exp3A_4395 : vector<16xf32>
        %add3A_4423 = arith.constant 5.62932996E-7 : f32
        %add3A_4424 = vector.broadcast %add3A_4423 : f32 to vector<16xf32>
        %add3A_4425 = arith.addf %mul3A_4422, %add3A_4424 : vector<16xf32>
        %neg3A_4426 = arith.constant 0.000000e+00 : f32
        %neg3A_4427 = vector.broadcast %neg3A_4426 : f32 to vector<16xf32>
        %neg3A_4428 = arith.subf %neg3A_4427, %get3A_4331 : vector<16xf32>
        %max3A_4429 = arith.constant 0.000000e+00 : f32
        %max3A_4430 = vector.broadcast %max3A_4429 : f32 to vector<16xf32>
        %max3A_4431 = arith.maximumf %neg3A_4428, %max3A_4430 : vector<16xf32>
        %add3A_4432 = arith.addf %max3A_4431, %add3A_4425 : vector<16xf32>
        %add3A_4433 = arith.addf %add3A_4390, %add3A_4432 : vector<16xf32>
        %gt3A_4434 = arith.constant 6.000000e-01 : f32
        %gt3A_4435 = vector.broadcast %gt3A_4434 : f32 to vector<16xf32>
        %gt3A_4436 = arith.cmpf ogt, %get3A_4326, %gt3A_4435 : vector<16xf32>
        %lt3A_4437 = arith.constant 4.000000e-01 : f32
        %lt3A_4438 = vector.broadcast %lt3A_4437 : f32 to vector<16xf32>
        %lt3A_4439 = arith.cmpf olt, %get3A_4326, %lt3A_4438 : vector<16xf32>
        %or3A_4440 = arith.ori %gt3A_4436, %lt3A_4439 : vector<16xi1>
        %mul3A_4441 = arith.mulf %get3A_4326, %get3A_4331 : vector<16xf32>
        %jit3A_4442 = arith.constant 0.000000e+00 : f32
        %broadcast_in_dim3A_4443 = vector.broadcast %jit3A_4442 : f32 to vector<16xf32>
        %select_n3A_4444 = arith.select %or3A_4440, %mul3A_4441, %broadcast_in_dim3A_4443 : vector<16xi1>, vector<16xf32>
        %add3A_4445 = arith.addf %add3A_4433, %get3A_4326 : vector<16xf32>
        %add3A_4446 = arith.addf %add3A_4445, %get3A_4331 : vector<16xf32>
        %sub3A_4447 = arith.subf %add3A_4446, %select_n3A_4444 : vector<16xf32>
        %jit3A_4448 = arith.constant 0.000000e+00 : f32
        %broadcast_in_dim3A_4449 = vector.broadcast %jit3A_4448 : f32 to vector<16xf32>
        %select_n3A_4450 = arith.select %and3A_4348, %sub3A_4447, %broadcast_in_dim3A_4449 : vector<16xi1>, vector<16xf32>
        %add3A_4451 = arith.addf %add3A_4311, %select_n3A_4450 : vector<16xf32>
        %jit3A_4452 = arith.constant 0.000000e+00 : f32
        %broadcast_in_dim3A_4453 = vector.broadcast %jit3A_4452 : f32 to vector<16xf32>
        %select_n3A_4454 = arith.select %and3A_4348, %get3A_4326, %broadcast_in_dim3A_4453 : vector<16xi1>, vector<16xf32>
        %add3A_4455 = arith.addf %add3A_4315, %select_n3A_4454 : vector<16xf32>
        %jit3A_4456 = arith.constant 1.000000e+00 : f32
        %jit3A_4457 = arith.constant 0.000000e+00 : f32
        %broadcast_in_dim3A_4458 = vector.broadcast %jit3A_4456 : f32 to vector<16xf32>
        %broadcast_in_dim3A_4459 = vector.broadcast %jit3A_4457 : f32 to vector<16xf32>
        %select_n3A_4460 = arith.select %and3A_4348, %broadcast_in_dim3A_4458, %broadcast_in_dim3A_4459 : vector<16xi1>, vector<16xf32>
        %add3A_4461 = arith.addf %add3A_4321, %select_n3A_4460 : vector<16xf32>
        %get3A_4462 = arith.constant 31 : i32
        %get3A_4463 = arith.index_cast %get3A_4462 : i32 to index
        %get3A_4464 = arith.index_cast %mul3A_128 : i32 to index
        %get3A_4465 = tpu.vector_load %arg7[%get3A_4463, %get3A_4464] {strides = array<i32>} : memref<32x512xf32, #tpu.memory_space<vmem>>, vector<1x16xf32>,
        %get3A_4466 = vector.shape_cast %get3A_4465 : vector<1x16xf32> to vector<16xf32>
        %get3A_4467 = arith.constant 31 : i32
        %get3A_4468 = arith.index_cast %get3A_4467 : i32 to index
        %get3A_4469 = arith.index_cast %mul3A_128 : i32 to index
        %get3A_4470 = tpu.vector_load %arg8[%get3A_4468, %get3A_4469] {strides = array<i32>} : memref<32x512xf32, #tpu.memory_space<vmem>>, vector<1x16xf32>,
        %get3A_4471 = vector.shape_cast %get3A_4470 : vector<1x16xf32> to vector<16xf32>
        %get3A_4472 = arith.constant 31 : i32
        %get3A_4473 = arith.index_cast %get3A_4472 : i32 to index
        %get3A_4474 = arith.index_cast %mul3A_128 : i32 to index
        %get3A_4475 = tpu.vector_load %arg9[%get3A_4473, %get3A_4474] {strides = array<i32>} : memref<32x512xf32, #tpu.memory_space<vmem>>, vector<1x16xf32>,
        %get3A_4476 = vector.shape_cast %get3A_4475 : vector<1x16xf32> to vector<16xf32>
        %gt3A_4477 = arith.constant 5.000000e-01 : f32
        %gt3A_4478 = vector.broadcast %gt3A_4477 : f32 to vector<16xf32>
        %gt3A_4479 = arith.cmpf ogt, %get3A_4476, %gt3A_4478 : vector<16xf32>
        %get3A_4480 = arith.constant 31 : i32
        %get3A_4481 = arith.index_cast %get3A_4480 : i32 to index
        %get3A_4482 = arith.index_cast %mul3A_128 : i32 to index
        %get3A_4483 = tpu.vector_load %arg10[%get3A_4481, %get3A_4482] {strides = array<i32>} : memref<32x512xf32, #tpu.memory_space<vmem>>, vector<1x16xf32>,
        %get3A_4484 = vector.shape_cast %get3A_4483 : vector<1x16xf32> to vector<16xf32>
        %gt3A_4485 = arith.constant 5.000000e-01 : f32
        %gt3A_4486 = vector.broadcast %gt3A_4485 : f32 to vector<16xf32>
        %gt3A_4487 = arith.cmpf ogt, %get3A_4484, %gt3A_4486 : vector<16xf32>
        %and3A_4488 = arith.andi %gt3A_4479, %gt3A_4487 : vector<16xi1>
        %abs3A_4489 = math.absf %get3A_4466 : vector<16xf32>
        %neg3A_4490 = arith.constant 0.000000e+00 : f32
        %neg3A_4491 = vector.broadcast %neg3A_4490 : f32 to vector<16xf32>
        %neg3A_4492 = arith.subf %neg3A_4491, %abs3A_4489 : vector<16xf32>
        %exp3A_4493 = math.exp %neg3A_4492 : vector<16xf32>
        %broadcast_in_dim3A_4494 = arith.constant 0.0101189017 : f32
        %broadcast_in_dim3A_4495 = vector.broadcast %broadcast_in_dim3A_4494 : f32 to vector<16xf32>
        %mul3A_4496 = arith.mulf %broadcast_in_dim3A_4495, %exp3A_4493 : vector<16xf32>
        %add3A_4497 = arith.constant -0.0526239537 : f32
        %add3A_4498 = vector.broadcast %add3A_4497 : f32 to vector<16xf32>
        %add3A_4499 = arith.addf %mul3A_4496, %add3A_4498 : vector<16xf32>
        %mul3A_4500 = arith.mulf %add3A_4499, %exp3A_4493 : vector<16xf32>
        %add3A_4501 = arith.constant 0.130763352 : f32
        %add3A_4502 = vector.broadcast %add3A_4501 : f32 to vector<16xf32>
        %add3A_4503 = arith.addf %mul3A_4500, %add3A_4502 : vector<16xf32>
        %mul3A_4504 = arith.mulf %add3A_4503, %exp3A_4493 : vector<16xf32>
        %add3A_4505 = arith.constant -0.222834721 : f32
        %add3A_4506 = vector.broadcast %add3A_4505 : f32 to vector<16xf32>
        %add3A_4507 = arith.addf %mul3A_4504, %add3A_4506 : vector<16xf32>
        %mul3A_4508 = arith.mulf %add3A_4507, %exp3A_4493 : vector<16xf32>
        %add3A_4509 = arith.constant 0.326972365 : f32
        %add3A_4510 = vector.broadcast %add3A_4509 : f32 to vector<16xf32>
        %add3A_4511 = arith.addf %mul3A_4508, %add3A_4510 : vector<16xf32>
        %mul3A_4512 = arith.mulf %add3A_4511, %exp3A_4493 : vector<16xf32>
        %add3A_4513 = arith.constant -0.499206394 : f32
        %add3A_4514 = vector.broadcast %add3A_4513 : f32 to vector<16xf32>
        %add3A_4515 = arith.addf %mul3A_4512, %add3A_4514 : vector<16xf32>
        %mul3A_4516 = arith.mulf %add3A_4515, %exp3A_4493 : vector<16xf32>
        %add3A_4517 = arith.constant 0.999957442 : f32
        %add3A_4518 = vector.broadcast %add3A_4517 : f32 to vector<16xf32>
        %add3A_4519 = arith.addf %mul3A_4516, %add3A_4518 : vector<16xf32>
        %mul3A_4520 = arith.mulf %add3A_4519, %exp3A_4493 : vector<16xf32>
        %add3A_4521 = arith.constant 5.62932996E-7 : f32
        %add3A_4522 = vector.broadcast %add3A_4521 : f32 to vector<16xf32>
        %add3A_4523 = arith.addf %mul3A_4520, %add3A_4522 : vector<16xf32>
        %neg3A_4524 = arith.constant 0.000000e+00 : f32
        %neg3A_4525 = vector.broadcast %neg3A_4524 : f32 to vector<16xf32>
        %neg3A_4526 = arith.subf %neg3A_4525, %get3A_4466 : vector<16xf32>
        %max3A_4527 = arith.constant 0.000000e+00 : f32
        %max3A_4528 = vector.broadcast %max3A_4527 : f32 to vector<16xf32>
        %max3A_4529 = arith.maximumf %neg3A_4526, %max3A_4528 : vector<16xf32>
        %add3A_4530 = arith.addf %max3A_4529, %add3A_4523 : vector<16xf32>
        %abs3A_4531 = math.absf %get3A_4471 : vector<16xf32>
        %neg3A_4532 = arith.constant 0.000000e+00 : f32
        %neg3A_4533 = vector.broadcast %neg3A_4532 : f32 to vector<16xf32>
        %neg3A_4534 = arith.subf %neg3A_4533, %abs3A_4531 : vector<16xf32>
        %exp3A_4535 = math.exp %neg3A_4534 : vector<16xf32>
        %broadcast_in_dim3A_4536 = arith.constant 0.0101189017 : f32
        %broadcast_in_dim3A_4537 = vector.broadcast %broadcast_in_dim3A_4536 : f32 to vector<16xf32>
        %mul3A_4538 = arith.mulf %broadcast_in_dim3A_4537, %exp3A_4535 : vector<16xf32>
        %add3A_4539 = arith.constant -0.0526239537 : f32
        %add3A_4540 = vector.broadcast %add3A_4539 : f32 to vector<16xf32>
        %add3A_4541 = arith.addf %mul3A_4538, %add3A_4540 : vector<16xf32>
        %mul3A_4542 = arith.mulf %add3A_4541, %exp3A_4535 : vector<16xf32>
        %add3A_4543 = arith.constant 0.130763352 : f32
        %add3A_4544 = vector.broadcast %add3A_4543 : f32 to vector<16xf32>
        %add3A_4545 = arith.addf %mul3A_4542, %add3A_4544 : vector<16xf32>
        %mul3A_4546 = arith.mulf %add3A_4545, %exp3A_4535 : vector<16xf32>
        %add3A_4547 = arith.constant -0.222834721 : f32
        %add3A_4548 = vector.broadcast %add3A_4547 : f32 to vector<16xf32>
        %add3A_4549 = arith.addf %mul3A_4546, %add3A_4548 : vector<16xf32>
        %mul3A_4550 = arith.mulf %add3A_4549, %exp3A_4535 : vector<16xf32>
        %add3A_4551 = arith.constant 0.326972365 : f32
        %add3A_4552 = vector.broadcast %add3A_4551 : f32 to vector<16xf32>
        %add3A_4553 = arith.addf %mul3A_4550, %add3A_4552 : vector<16xf32>
        %mul3A_4554 = arith.mulf %add3A_4553, %exp3A_4535 : vector<16xf32>
        %add3A_4555 = arith.constant -0.499206394 : f32
        %add3A_4556 = vector.broadcast %add3A_4555 : f32 to vector<16xf32>
        %add3A_4557 = arith.addf %mul3A_4554, %add3A_4556 : vector<16xf32>
        %mul3A_4558 = arith.mulf %add3A_4557, %exp3A_4535 : vector<16xf32>
        %add3A_4559 = arith.constant 0.999957442 : f32
        %add3A_4560 = vector.broadcast %add3A_4559 : f32 to vector<16xf32>
        %add3A_4561 = arith.addf %mul3A_4558, %add3A_4560 : vector<16xf32>
        %mul3A_4562 = arith.mulf %add3A_4561, %exp3A_4535 : vector<16xf32>
        %add3A_4563 = arith.constant 5.62932996E-7 : f32
        %add3A_4564 = vector.broadcast %add3A_4563 : f32 to vector<16xf32>
        %add3A_4565 = arith.addf %mul3A_4562, %add3A_4564 : vector<16xf32>
        %neg3A_4566 = arith.constant 0.000000e+00 : f32
        %neg3A_4567 = vector.broadcast %neg3A_4566 : f32 to vector<16xf32>
        %neg3A_4568 = arith.subf %neg3A_4567, %get3A_4471 : vector<16xf32>
        %max3A_4569 = arith.constant 0.000000e+00 : f32
        %max3A_4570 = vector.broadcast %max3A_4569 : f32 to vector<16xf32>
        %max3A_4571 = arith.maximumf %neg3A_4568, %max3A_4570 : vector<16xf32>
        %add3A_4572 = arith.addf %max3A_4571, %add3A_4565 : vector<16xf32>
        %add3A_4573 = arith.addf %add3A_4530, %add3A_4572 : vector<16xf32>
        %gt3A_4574 = arith.constant 6.000000e-01 : f32
        %gt3A_4575 = vector.broadcast %gt3A_4574 : f32 to vector<16xf32>
        %gt3A_4576 = arith.cmpf ogt, %get3A_4466, %gt3A_4575 : vector<16xf32>
        %lt3A_4577 = arith.constant 4.000000e-01 : f32
        %lt3A_4578 = vector.broadcast %lt3A_4577 : f32 to vector<16xf32>
        %lt3A_4579 = arith.cmpf olt, %get3A_4466, %lt3A_4578 : vector<16xf32>
        %or3A_4580 = arith.ori %gt3A_4576, %lt3A_4579 : vector<16xi1>
        %mul3A_4581 = arith.mulf %get3A_4466, %get3A_4471 : vector<16xf32>
        %jit3A_4582 = arith.constant 0.000000e+00 : f32
        %broadcast_in_dim3A_4583 = vector.broadcast %jit3A_4582 : f32 to vector<16xf32>
        %select_n3A_4584 = arith.select %or3A_4580, %mul3A_4581, %broadcast_in_dim3A_4583 : vector<16xi1>, vector<16xf32>
        %add3A_4585 = arith.addf %add3A_4573, %get3A_4466 : vector<16xf32>
        %add3A_4586 = arith.addf %add3A_4585, %get3A_4471 : vector<16xf32>
        %sub3A_4587 = arith.subf %add3A_4586, %select_n3A_4584 : vector<16xf32>
        %jit3A_4588 = arith.constant 0.000000e+00 : f32
        %broadcast_in_dim3A_4589 = vector.broadcast %jit3A_4588 : f32 to vector<16xf32>
        %select_n3A_4590 = arith.select %and3A_4488, %sub3A_4587, %broadcast_in_dim3A_4589 : vector<16xi1>, vector<16xf32>
        %add3A_4591 = arith.addf %add3A_4451, %select_n3A_4590 : vector<16xf32>
        %jit3A_4592 = arith.constant 0.000000e+00 : f32
        %broadcast_in_dim3A_4593 = vector.broadcast %jit3A_4592 : f32 to vector<16xf32>
        %select_n3A_4594 = arith.select %and3A_4488, %get3A_4466, %broadcast_in_dim3A_4593 : vector<16xi1>, vector<16xf32>
        %add3A_4595 = arith.addf %add3A_4455, %select_n3A_4594 : vector<16xf32>
        %jit3A_4596 = arith.constant 1.000000e+00 : f32
        %jit3A_4597 = arith.constant 0.000000e+00 : f32
        %broadcast_in_dim3A_4598 = vector.broadcast %jit3A_4596 : f32 to vector<16xf32>
        %broadcast_in_dim3A_4599 = vector.broadcast %jit3A_4597 : f32 to vector<16xf32>
        %select_n3A_4600 = arith.select %and3A_4488, %broadcast_in_dim3A_4598, %broadcast_in_dim3A_4599 : vector<16xi1>, vector<16xf32>
        %add3A_4601 = arith.addf %add3A_4461, %select_n3A_4600 : vector<16xf32>
        scf.yield %add3A_4591, %add3A_4595, %add3A_4601 : vector<16xf32>, vector<16xf32>, vector<16xf32>
      }
      %scan3A_122 = arith.constant 32 : i32
      scf.yield %scan3A_121#0, %scan3A_121#1, %scan3A_121#2 : vector<16xf32>, vector<16xf32>, vector<16xf32>
    }
    %scan3A_38 = arith.constant 4 : i32
    %swap3A = arith.constant 0 : i32
    %swap3A_39 = arith.index_cast %swap3A : i32 to index
    %swap3A_40 = arith.constant 0 : index
    %swap3A_41 = tpu.vector_load %arg11[%swap3A_39, %swap3A_40] {strides = array<i32>} : memref<3x16xf32, #tpu.memory_space<vmem>>, vector<1x16xf32>,
    %swap3A_42 = vector.shape_cast %swap3A_41 : vector<1x16xf32> to vector<16xf32>
    %swap3A_43 = vector.shape_cast %scan3A_37#0 : vector<16xf32> to vector<1x16xf32>
    tpu.vector_store %arg11[%swap3A_39, %swap3A_40], %swap3A_43 {strides = array<i32>} : memref<3x16xf32, #tpu.memory_space<vmem>>, vector<1x16xf32>,
    %swap3A_44 = arith.constant 1 : i32
    %swap3A_45 = arith.index_cast %swap3A_44 : i32 to index
    %swap3A_46 = arith.constant 0 : index
    %swap3A_47 = tpu.vector_load %arg11[%swap3A_45, %swap3A_46] {strides = array<i32>} : memref<3x16xf32, #tpu.memory_space<vmem>>, vector<1x16xf32>,
    %swap3A_48 = vector.shape_cast %swap3A_47 : vector<1x16xf32> to vector<16xf32>
    %swap3A_49 = vector.shape_cast %scan3A_37#1 : vector<16xf32> to vector<1x16xf32>
    tpu.vector_store %arg11[%swap3A_45, %swap3A_46], %swap3A_49 {strides = array<i32>} : memref<3x16xf32, #tpu.memory_space<vmem>>, vector<1x16xf32>,
    %swap3A_50 = arith.constant 2 : i32
    %swap3A_51 = arith.index_cast %swap3A_50 : i32 to index
    %swap3A_52 = arith.constant 0 : index
    %swap3A_53 = tpu.vector_load %arg11[%swap3A_51, %swap3A_52] {strides = array<i32>} : memref<3x16xf32, #tpu.memory_space<vmem>>, vector<1x16xf32>,
    %swap3A_54 = vector.shape_cast %swap3A_53 : vector<1x16xf32> to vector<16xf32>
    %swap3A_55 = vector.shape_cast %scan3A_37#2 : vector<16xf32> to vector<1x16xf32>
    tpu.vector_store %arg11[%swap3A_51, %swap3A_52], %swap3A_55 {strides = array<i32>} : memref<3x16xf32, #tpu.memory_space<vmem>>, vector<1x16xf32>,
    "tpu.region"() ({
      %run_scoped3A = tpu.sem_alloc : memref<!tpu.dma_semaphore, #tpu.memory_space<semaphore_mem>>
      %dma_start3A = arith.constant 0 : i32
      %dma_start3A_56 = arith.constant 0 : i32
      %dma_start3A_57 = tpu.memref_slice %arg6[%add3A, %dma_start3A, %dma_start3A_56] : memref<32x3x16xf32, #tpu.memory_space<hbm>> -> memref<1x3x16xf32, #tpu.memory_space<hbm>>
      %dma_start3A_58 = tpu.memref_squeeze %dma_start3A_57 : memref<1x3x16xf32, #tpu.memory_space<hbm>> -> memref<3x16xf32, #tpu.memory_space<hbm>>
      %dma_start3A_59 = arith.constant 0 : i32
      %dma_start3A_60 = arith.constant 0 : i32
      %dma_start3A_61 = tpu.memref_slice %arg6[%add3A, %dma_start3A_59, %dma_start3A_60] : memref<32x3x16xf32, #tpu.memory_space<hbm>> -> memref<1x3x16xf32, #tpu.memory_space<hbm>>
      %dma_start3A_62 = tpu.memref_squeeze %dma_start3A_61 : memref<1x3x16xf32, #tpu.memory_space<hbm>> -> memref<3x16xf32, #tpu.memory_space<hbm>>
      tpu.enqueue_dma source(%arg11 : memref<3x16xf32, #tpu.memory_space<vmem>>) target(%dma_start3A_62 : memref<3x16xf32, #tpu.memory_space<hbm>>) target_semaphore(%run_scoped3A : memref<!tpu.dma_semaphore, #tpu.memory_space<semaphore_mem>>)
      %dma_wait3A = arith.constant 0 : i32
      %dma_wait3A_63 = arith.constant 0 : i32
      %dma_wait3A_64 = tpu.memref_slice %arg6[%add3A, %dma_wait3A, %dma_wait3A_63] : memref<32x3x16xf32, #tpu.memory_space<hbm>> -> memref<1x3x16xf32, #tpu.memory_space<hbm>>
      %dma_wait3A_65 = tpu.memref_squeeze %dma_wait3A_64 : memref<1x3x16xf32, #tpu.memory_space<hbm>> -> memref<3x16xf32, #tpu.memory_space<hbm>>
      %dma_wait3A_66 = arith.constant 0 : i32
      %dma_wait3A_67 = arith.constant 0 : i32
      %dma_wait3A_68 = tpu.memref_slice %arg6[%add3A, %dma_wait3A_66, %dma_wait3A_67] : memref<32x3x16xf32, #tpu.memory_space<hbm>> -> memref<1x3x16xf32, #tpu.memory_space<hbm>>
      %dma_wait3A_69 = tpu.memref_squeeze %dma_wait3A_68 : memref<1x3x16xf32, #tpu.memory_space<hbm>> -> memref<3x16xf32, #tpu.memory_space<hbm>>
      tpu.wait_dma2 semaphore(%run_scoped3A : memref<!tpu.dma_semaphore, #tpu.memory_space<semaphore_mem>>) src(%arg11 : memref<3x16xf32, #tpu.memory_space<vmem>>) dst(%dma_wait3A_69 : memref<3x16xf32, #tpu.memory_space<hbm>>)
      tpu.yield
    }) : () -> ()
    return
  }
}

module attributes {stable_mosaic.version = 14 : i64} {
  func.func @_tc_kernel_body(%arg0: i32, %arg1: memref<1x512x512xf32, #tpu.memory_space<vmem>>, %arg2: memref<1x512x512xf32, #tpu.memory_space<vmem>>, %arg3: memref<1x512x512xf32, #tpu.memory_space<vmem>>, %arg4: memref<1x512x512xf32, #tpu.memory_space<vmem>>, %arg5: memref<1x1xf32, #tpu.memory_space<vmem>>, %arg6: memref<1x1xf32, #tpu.memory_space<vmem>>, %arg7: memref<1x1x1xf32, #tpu.memory_space<vmem>>) attributes {dimension_semantics = [#tpu.dimension_semantics<arbitrary>], iteration_bounds = array<i64: 24>, scalar_prefetch = 0 : i64, scratch_operands = 0 : i64, tpu.core_type = #tpu.core_type<tc>, window_params = [{transform_indices = @transform_0, window_bounds = array<i64: 1, 512, 512>}, {transform_indices = @transform_1, window_bounds = array<i64: 1, 512, 512>}, {transform_indices = @transform_2, window_bounds = array<i64: 1, 512, 512>}, {transform_indices = @transform_3, window_bounds = array<i64: 1, 512, 512>}, {pipeline_mode = #tpu.pipeline_mode<synchronous>, transform_indices = @transform_4, window_bounds = array<i64: 1, 1>}, {pipeline_mode = #tpu.pipeline_mode<synchronous>, transform_indices = @transform_5, window_bounds = array<i64: 1, 1>}, {transform_indices = @transform_6, window_bounds = array<i64: 1, 1, 1>}]} {
    %eq3A = arith.constant 0 : i32
    %eq3A_0 = arith.cmpi eq, %arg0, %eq3A : i32
    %convert_element_type3A = arith.extui %eq3A_0 : i1 to i32
    %cond3A = arith.constant 0 : i32
    %cond3A_1 = arith.cmpi ne, %convert_element_type3A, %cond3A : i32
    scf.if %cond3A_1 {
      %broadcast_in_dim3A_98 = arith.constant 0.000000e+00 : f32
      %broadcast_in_dim3A_99 = vector.broadcast %broadcast_in_dim3A_98 : f32 to vector<1x1xf32>
      %swap3A_100 = arith.constant 0 : index
      %swap3A_101 = arith.constant 0 : index
      %swap3A_102 = vector.load %arg5[%swap3A_100, %swap3A_101] : memref<1x1xf32, #tpu.memory_space<vmem>>, vector<1x1xf32>
      tpu.vector_store %arg5[%swap3A_100, %swap3A_101], %broadcast_in_dim3A_99 {strides = array<i32>} : memref<1x1xf32, #tpu.memory_space<vmem>>, vector<1x1xf32>,
      %broadcast_in_dim3A_103 = arith.constant 0.000000e+00 : f32
      %broadcast_in_dim3A_104 = vector.broadcast %broadcast_in_dim3A_103 : f32 to vector<1x1xf32>
      %swap3A_105 = arith.constant 0 : index
      %swap3A_106 = arith.constant 0 : index
      %swap3A_107 = vector.load %arg6[%swap3A_105, %swap3A_106] : memref<1x1xf32, #tpu.memory_space<vmem>>, vector<1x1xf32>
      tpu.vector_store %arg6[%swap3A_105, %swap3A_106], %broadcast_in_dim3A_104 {strides = array<i32>} : memref<1x1xf32, #tpu.memory_space<vmem>>, vector<1x1xf32>,
    } else {
    }
    %get3A = arith.constant 0 : index
    %get3A_2 = arith.constant 0 : index
    %get3A_3 = arith.constant 0 : index
    %get3A_4 = vector.load %arg1[%get3A, %get3A_2, %get3A_3] : memref<1x512x512xf32, #tpu.memory_space<vmem>>, vector<1x512x512xf32>
    %get3A_5 = vector.shape_cast %get3A_4 : vector<1x512x512xf32> to vector<512x512xf32>
    %get3A_6 = arith.constant 0 : index
    %get3A_7 = arith.constant 0 : index
    %get3A_8 = arith.constant 0 : index
    %get3A_9 = vector.load %arg2[%get3A_6, %get3A_7, %get3A_8] : memref<1x512x512xf32, #tpu.memory_space<vmem>>, vector<1x512x512xf32>
    %get3A_10 = vector.shape_cast %get3A_9 : vector<1x512x512xf32> to vector<512x512xf32>
    %get3A_11 = arith.constant 0 : index
    %get3A_12 = arith.constant 0 : index
    %get3A_13 = arith.constant 0 : index
    %get3A_14 = vector.load %arg3[%get3A_11, %get3A_12, %get3A_13] : memref<1x512x512xf32, #tpu.memory_space<vmem>>, vector<1x512x512xf32>
    %get3A_15 = vector.shape_cast %get3A_14 : vector<1x512x512xf32> to vector<512x512xf32>
    %gt3A = arith.constant 5.000000e-01 : f32
    %gt3A_16 = vector.broadcast %gt3A : f32 to vector<512x512xf32>
    %gt3A_17 = arith.cmpf ogt, %get3A_15, %gt3A_16 : vector<512x512xf32>
    %get3A_18 = arith.constant 0 : index
    %get3A_19 = arith.constant 0 : index
    %get3A_20 = arith.constant 0 : index
    %get3A_21 = vector.load %arg4[%get3A_18, %get3A_19, %get3A_20] : memref<1x512x512xf32, #tpu.memory_space<vmem>>, vector<1x512x512xf32>
    %get3A_22 = vector.shape_cast %get3A_21 : vector<1x512x512xf32> to vector<512x512xf32>
    %gt3A_23 = arith.constant 5.000000e-01 : f32
    %gt3A_24 = vector.broadcast %gt3A_23 : f32 to vector<512x512xf32>
    %gt3A_25 = arith.cmpf ogt, %get3A_22, %gt3A_24 : vector<512x512xf32>
    %and3A = arith.andi %gt3A_17, %gt3A_25 : vector<512x512xi1>
    %neg3A = arith.constant 0.000000e+00 : f32
    %neg3A_26 = vector.broadcast %neg3A : f32 to vector<512x512xf32>
    %neg3A_27 = arith.subf %neg3A_26, %get3A_5 : vector<512x512xf32>
    %max3A = arith.constant 0.000000e+00 : f32
    %max3A_28 = vector.broadcast %max3A : f32 to vector<512x512xf32>
    %max3A_29 = arith.maximumf %neg3A_27, %max3A_28 : vector<512x512xf32>
    %abs3A = math.absf %get3A_5 : vector<512x512xf32>
    %neg3A_30 = arith.constant 0.000000e+00 : f32
    %neg3A_31 = vector.broadcast %neg3A_30 : f32 to vector<512x512xf32>
    %neg3A_32 = arith.subf %neg3A_31, %abs3A : vector<512x512xf32>
    %exp3A = math.exp %neg3A_32 : vector<512x512xf32>
    %log1p3A = math.log1p %exp3A : vector<512x512xf32>
    %add3A = arith.addf %max3A_29, %log1p3A : vector<512x512xf32>
    %neg3A_33 = arith.constant 0.000000e+00 : f32
    %neg3A_34 = vector.broadcast %neg3A_33 : f32 to vector<512x512xf32>
    %neg3A_35 = arith.subf %neg3A_34, %get3A_10 : vector<512x512xf32>
    %max3A_36 = arith.constant 0.000000e+00 : f32
    %max3A_37 = vector.broadcast %max3A_36 : f32 to vector<512x512xf32>
    %max3A_38 = arith.maximumf %neg3A_35, %max3A_37 : vector<512x512xf32>
    %abs3A_39 = math.absf %get3A_10 : vector<512x512xf32>
    %neg3A_40 = arith.constant 0.000000e+00 : f32
    %neg3A_41 = vector.broadcast %neg3A_40 : f32 to vector<512x512xf32>
    %neg3A_42 = arith.subf %neg3A_41, %abs3A_39 : vector<512x512xf32>
    %exp3A_43 = math.exp %neg3A_42 : vector<512x512xf32>
    %log1p3A_44 = math.log1p %exp3A_43 : vector<512x512xf32>
    %add3A_45 = arith.addf %max3A_38, %log1p3A_44 : vector<512x512xf32>
    %gt3A_46 = arith.constant 6.000000e-01 : f32
    %gt3A_47 = vector.broadcast %gt3A_46 : f32 to vector<512x512xf32>
    %gt3A_48 = arith.cmpf ogt, %get3A_5, %gt3A_47 : vector<512x512xf32>
    %lt3A = arith.constant 4.000000e-01 : f32
    %lt3A_49 = vector.broadcast %lt3A : f32 to vector<512x512xf32>
    %lt3A_50 = arith.cmpf olt, %get3A_5, %lt3A_49 : vector<512x512xf32>
    %or3A = arith.ori %gt3A_48, %lt3A_50 : vector<512x512xi1>
    %jit3A = arith.constant 0.000000e+00 : f32
    %broadcast_in_dim3A = vector.broadcast %jit3A : f32 to vector<512x512xf32>
    %select_n3A = arith.select %or3A, %get3A_5, %broadcast_in_dim3A : vector<512x512xi1>, vector<512x512xf32>
    %add3A_51 = arith.addf %add3A, %add3A_45 : vector<512x512xf32>
    %add3A_52 = arith.addf %get3A_5, %get3A_10 : vector<512x512xf32>
    %add3A_53 = arith.addf %add3A_51, %add3A_52 : vector<512x512xf32>
    %mul3A = arith.mulf %select_n3A, %get3A_10 : vector<512x512xf32>
    %sub3A = arith.subf %add3A_53, %mul3A : vector<512x512xf32>
    %get3A_54 = arith.constant 0 : index
    %get3A_55 = arith.constant 0 : index
    %get3A_56 = vector.load %arg5[%get3A_54, %get3A_55] : memref<1x1xf32, #tpu.memory_space<vmem>>, vector<1x1xf32>
    %jit3A_57 = arith.constant 0.000000e+00 : f32
    %broadcast_in_dim3A_58 = vector.broadcast %jit3A_57 : f32 to vector<512x512xf32>
    %select_n3A_59 = arith.select %and3A, %sub3A, %broadcast_in_dim3A_58 : vector<512x512xi1>, vector<512x512xf32>
    %reduce_sum3A = vector.shape_cast %select_n3A_59 : vector<512x512xf32> to vector<1x512x512xf32>
    %reduce_sum3A_60 = arith.constant dense<0.000000e+00> : vector<1xf32>
    %reduce_sum3A_61 = vector.multi_reduction <add>, %reduce_sum3A, %reduce_sum3A_60 [1, 2] : vector<1x512x512xf32> to vector<1xf32>
    %reduce_sum3A_62 = vector.shape_cast %reduce_sum3A_61 : vector<1xf32> to vector<1x1x1xf32>
    %reduce_sum3A_63 = vector.extract %reduce_sum3A_62[0, 0, 0] : f32 from vector<1x1x1xf32>
    %reshape3A = vector.broadcast %reduce_sum3A_63 : f32 to vector<1x1xf32>
    %add3A_64 = arith.addf %get3A_56, %reshape3A : vector<1x1xf32>
    %swap3A = arith.constant 0 : index
    %swap3A_65 = arith.constant 0 : index
    %swap3A_66 = vector.load %arg5[%swap3A, %swap3A_65] : memref<1x1xf32, #tpu.memory_space<vmem>>, vector<1x1xf32>
    tpu.vector_store %arg5[%swap3A, %swap3A_65], %add3A_64 {strides = array<i32>} : memref<1x1xf32, #tpu.memory_space<vmem>>, vector<1x1xf32>,
    %get3A_67 = arith.constant 0 : index
    %get3A_68 = arith.constant 0 : index
    %get3A_69 = vector.load %arg6[%get3A_67, %get3A_68] : memref<1x1xf32, #tpu.memory_space<vmem>>, vector<1x1xf32>
    %jit3A_70 = arith.constant 1.000000e+00 : f32
    %jit3A_71 = arith.constant 0.000000e+00 : f32
    %broadcast_in_dim3A_72 = vector.broadcast %jit3A_70 : f32 to vector<512x512xf32>
    %broadcast_in_dim3A_73 = vector.broadcast %jit3A_71 : f32 to vector<512x512xf32>
    %select_n3A_74 = arith.select %and3A, %broadcast_in_dim3A_72, %broadcast_in_dim3A_73 : vector<512x512xi1>, vector<512x512xf32>
    %reduce_sum3A_75 = vector.shape_cast %select_n3A_74 : vector<512x512xf32> to vector<1x512x512xf32>
    %reduce_sum3A_76 = arith.constant dense<0.000000e+00> : vector<1xf32>
    %reduce_sum3A_77 = vector.multi_reduction <add>, %reduce_sum3A_75, %reduce_sum3A_76 [1, 2] : vector<1x512x512xf32> to vector<1xf32>
    %reduce_sum3A_78 = vector.shape_cast %reduce_sum3A_77 : vector<1xf32> to vector<1x1x1xf32>
    %reduce_sum3A_79 = vector.extract %reduce_sum3A_78[0, 0, 0] : f32 from vector<1x1x1xf32>
    %reshape3A_80 = vector.broadcast %reduce_sum3A_79 : f32 to vector<1x1xf32>
    %add3A_81 = arith.addf %get3A_69, %reshape3A_80 : vector<1x1xf32>
    %swap3A_82 = arith.constant 0 : index
    %swap3A_83 = arith.constant 0 : index
    %swap3A_84 = vector.load %arg6[%swap3A_82, %swap3A_83] : memref<1x1xf32, #tpu.memory_space<vmem>>, vector<1x1xf32>
    tpu.vector_store %arg6[%swap3A_82, %swap3A_83], %add3A_81 {strides = array<i32>} : memref<1x1xf32, #tpu.memory_space<vmem>>, vector<1x1xf32>,
    %jit3A_85 = arith.constant 0.000000e+00 : f32
    %broadcast_in_dim3A_86 = vector.broadcast %jit3A_85 : f32 to vector<512x512xf32>
    %select_n3A_87 = arith.select %and3A, %get3A_5, %broadcast_in_dim3A_86 : vector<512x512xi1>, vector<512x512xf32>
    %reduce_sum3A_88 = vector.shape_cast %select_n3A_87 : vector<512x512xf32> to vector<1x512x512xf32>
    %reduce_sum3A_89 = arith.constant dense<0.000000e+00> : vector<1xf32>
    %reduce_sum3A_90 = vector.multi_reduction <add>, %reduce_sum3A_88, %reduce_sum3A_89 [1, 2] : vector<1x512x512xf32> to vector<1xf32>
    %reduce_sum3A_91 = vector.shape_cast %reduce_sum3A_90 : vector<1xf32> to vector<1x1x1xf32>
    %reduce_sum3A_92 = vector.extract %reduce_sum3A_91[0, 0, 0] : f32 from vector<1x1x1xf32>
    %reshape3A_93 = vector.broadcast %reduce_sum3A_92 : f32 to vector<1x1x1xf32>
    %swap3A_94 = arith.constant 0 : index
    %swap3A_95 = arith.constant 0 : index
    %swap3A_96 = arith.constant 0 : index
    %swap3A_97 = vector.load %arg7[%swap3A_94, %swap3A_95, %swap3A_96] : memref<1x1x1xf32, #tpu.memory_space<vmem>>, vector<1x1x1xf32>
    tpu.vector_store %arg7[%swap3A_94, %swap3A_95, %swap3A_96], %reshape3A_93 {strides = array<i32>} : memref<1x1x1xf32, #tpu.memory_space<vmem>>, vector<1x1x1xf32>,
    return
  }
  func.func @transform_0(%arg0: i32) -> (i32, i32, i32) {
    %add3A = arith.constant 8 : i32
    %add3A_0 = arith.addi %arg0, %add3A : i32
    %c0_i32 = arith.constant 0 : i32
    %c0_i32_1 = arith.constant 0 : i32
    %c0_i32_2 = arith.constant 0 : i32
    return %add3A_0, %c0_i32, %c0_i32_1 : i32, i32, i32
  }
  func.func @transform_1(%arg0: i32) -> (i32, i32, i32) {
    %add3A = arith.constant 8 : i32
    %add3A_0 = arith.addi %arg0, %add3A : i32
    %c0_i32 = arith.constant 0 : i32
    %c0_i32_1 = arith.constant 0 : i32
    %c0_i32_2 = arith.constant 0 : i32
    return %add3A_0, %c0_i32, %c0_i32_1 : i32, i32, i32
  }
  func.func @transform_2(%arg0: i32) -> (i32, i32, i32) {
    %add3A = arith.constant 8 : i32
    %add3A_0 = arith.addi %arg0, %add3A : i32
    %c0_i32 = arith.constant 0 : i32
    %c0_i32_1 = arith.constant 0 : i32
    %c0_i32_2 = arith.constant 0 : i32
    return %add3A_0, %c0_i32, %c0_i32_1 : i32, i32, i32
  }
  func.func @transform_3(%arg0: i32) -> (i32, i32, i32) {
    %add3A = arith.constant 8 : i32
    %add3A_0 = arith.addi %arg0, %add3A : i32
    %c0_i32 = arith.constant 0 : i32
    %c0_i32_1 = arith.constant 0 : i32
    %c0_i32_2 = arith.constant 0 : i32
    return %add3A_0, %c0_i32, %c0_i32_1 : i32, i32, i32
  }
  func.func @transform_4(%arg0: i32) -> (i32, i32) {
    %c0_i32 = arith.constant 0 : i32
    %c0_i32_0 = arith.constant 0 : i32
    %c0_i32_1 = arith.constant 0 : i32
    return %c0_i32, %c0_i32_0 : i32, i32
  }
  func.func @transform_5(%arg0: i32) -> (i32, i32) {
    %c0_i32 = arith.constant 0 : i32
    %c0_i32_0 = arith.constant 0 : i32
    %c0_i32_1 = arith.constant 0 : i32
    return %c0_i32, %c0_i32_0 : i32, i32
  }
  func.func @transform_6(%arg0: i32) -> (i32, i32, i32) {
    %c0_i32 = arith.constant 0 : i32
    %c0_i32_0 = arith.constant 0 : i32
    %c0_i32_1 = arith.constant 0 : i32
    return %arg0, %c0_i32, %c0_i32_0 : i32, i32, i32
  }
}

</mosaic_0001>

<sc_bundles>
// kernel: kernel.4.cloned.1.call-start
scs
__scs_entry_jumppad:
0x0: {  	(pc) =	sbr.rel $0x88, $3  }
0x1: {  	(tag) =	ssettag $0x0;
	lr =	simm.s32 $0x1  }
0x2: {  	[smem:$0x3F9C] =	sst lr;
	_ =	strace $0xD0000000  }
0x3: {  	_ = 	snop  }
0x4: {  	_ = 	snop  }
0x5: {  	_ = 	snop  }
0x6: {  	_ = 	snop  }
0x7: {  	_ = 	snop  }
__scs_overlays_trampoline_lowered:
0x8: {  	[smem:$0x3FAB] =	sst s0  }
0x9: {  	[smem:$0x3FAC] =	sst s1  }
0xa: {  	[smem:$0x3FAD] =	sst s2  }
0xb: {  	[smem:$0x3FAE] =	sst s3  }
0xc: {  	[smem:$0x3FAF] =	sst s4  }
0xd: {  	[smem:$0x3FB0] =	sst s5  }
0xe: {  	[smem:$0x3FB1] =	sst s6  }
0xf: {  	[smem:$0x3FB2] =	sst s7  }
0x10: {  	[smem:$0x3FB3] =	sst s8  }
0x11: {  	[smem:$0x3FB4] =	sst s9;
	s0 =	simm.s32 @!p0 $0x0  }
0x12: {  	s1 =	sld [smem:$0x3F9A];
	s0 =	simm.s32 @p0 $0x1  }
0x13: {  	[smem:$0x3FB5] =	sst s0;
	s0 =	simm.s32 @!p1 $0x0  }
0x14: {  	s2 =	sld [smem:$0x3F99];
	s0 =	simm.s32 @p1 $0x1  }
0x15: {  	[smem:$0x3FB6] =	sst s0;
	s0 =	simm.s32 @!p2 $0x0  }
0x16: {  	s3 =	sld [smem:$0x3FDB];
	s0 =	simm.s32 @p2 $0x1  }
0x17: {  	s4 =	simm.s32 $0x1BF5;
	[smem:$0x3FB8] =	sst s0  }
0x18: {  	s0 =	sld [smem:$0x3F9B];
	_ =	swait.ge [sflag:s4], $0x0  }
0x19: {  	s7 =	sld [smem:$0x3F9C]  }
0x1a: {  	s8 =	sadd.s32 $0xFFFFE003, lr  }
0x1b: {  	s9 =	sadd.s32 $0xFFFFFEF7, lr;
	s5 =	simm.s32 $0xFFFFFFFF;
	p2 =	slt.u32 s8, $0xFFFFF086  }
0x1c: {  	p1 =	slt.u32 s9, $0xF7A;
	s5 =	simm.s32 @!p2 $0x0  }
0x1d: {  	s5 =	simm.s32 @p1 $0x1;
	p0 =	seq.s32 s7, s2  }
0x1e: {  	s7 =	smul.u32 @!p0 $0xF7A, s2;
	p2 =	seq.s32 @!p0 s5, $0x0  }
0x1f: {  	s9 =	smul.u32 $0xF7A, s1;
	s8 =	simm.s32 @!p0 $0x1BF5;
	p2 =	por !p2, p0  }
0x20: {  	[sflag:s8] =	ssyncset.s32 @!p0 $0xFFFFF086;
	s6 =	sadd.s32 @!p0 s3, s7;
	s7 =	simm.s32 @!p0 $0x108  }
0x21: {  	s3 =	sadd.s32 s3, s9;
	s6 =	sadd.s32 @!p0 $0x88, s6;
	s7 =	simm.s32 @p2 $0x1082  }
0x22: {  	[simem:s7], [sflag:s8] =	dma.local @!p0 [hbm:s6], $0xF7A  }
0x23: {  	s9 =	sor.u32 $0xD0000000, s2;
	s6 =	simm.s32 $0x108;
	_ =	swait.ge @!p0 [sflag:s8], $0x0  }
0x24: {  	s3 =	sadd.s32 $0x88, s3;
	s6 =	simm.s32 @!p1 $0x1082;
	[sflag:s4] =	ssyncset.s32 $0xFFFFF086  }
0x25: {  	[simem:s6], [sflag:s4] =	dma.local [hbm:s3], $0xF7A  }
0x26: {  	[smem:$0x3F9C] =	sst s1;
	(tag) =	ssettag s2;
	_ =	strace s9  }
0x27: {  	s1 =	sld [smem:$0x3FAC]  }
0x28: {  	s2 =	sld [smem:$0x3FAD]  }
0x29: {  	s4 =	sld [smem:$0x3FAF]  }
0x2a: {  	p0 =	seq.s32 s5, $0x0;
	s5 =	sld [smem:$0x3FB0]  }
0x2b: {  	s6 =	sld [smem:$0x3FB1]  }
0x2c: {  	s7 =	sld [smem:$0x3FB2]  }
0x2d: {  	s3 =	simm.s32 $0x108;
	s8 =	sld [smem:$0x3FB3]  }
0x2e: {  	s3 =	simm.s32 @!p0 $0x1082;
	s9 =	sld [smem:$0x3FB4]  }
0x2f: {  	lr =	sadd.s32 s0, s3;
	s0 =	sld [smem:$0x3FAB]  }
0x30: {  	s3 =	sld [smem:$0x3FAE]  }
0x31: {  	[smem:$0x3FB7] =	sst s10  }
0x32: {  	s10 =	sld [smem:$0x3FB5];
	_ =	sdelay $0x3  }
0x33: {  	p0 =	seq.s32 s10, $0x1;
	s10 =	sld [smem:$0x3FB7];
	_ =	sdelay $0x3  }
0x34: {  	[smem:$0x3FB7] =	sst s10  }
0x35: {  	s10 =	sld [smem:$0x3FB6];
	_ =	sdelay $0x3  }
0x36: {  	p1 =	seq.s32 s10, $0x1;
	s10 =	sld [smem:$0x3FB7];
	_ =	sdelay $0x3  }
0x37: {  	[smem:$0x3FB7] =	sst s10  }
0x38: {  	s10 =	sld [smem:$0x3FB8]  }
0x39: {  	_ = 	snop;
	(pc) =	sbr.ind lr, $3  }
0x3a: {  	_ = 	snop  }
0x3b: {  	_ = 	snop  }
0x3c: {  	p2 =	seq.s32 s10, $0x1;
	s10 =	sld [smem:$0x3FB7]  }
0x3d: {  	_ =	shalt  }
0x3e: {  	_ =	shalt  }
0x3f: {  	_ =	shalt  }
0x40: {  	_ =	shalt  }
0x41: {  	_ =	shalt  }
0x42: {  	_ =	shalt  }
0x43: {  	_ =	shalt  }
0x44: {  	_ =	shalt  }
0x45: {  	_ =	shalt  }
0x46: {  	_ =	shalt  }
0x47: {  	_ =	shalt  }
0x48: {  	_ =	shalt  }
0x49: {  	_ =	shalt  }
0x4a: {  	_ =	shalt  }
0x4b: {  	_ =	shalt  }
0x4c: {  	_ =	shalt  }
0x4d: {  	_ =	shalt  }
0x4e: {  	_ =	shalt  }
0x4f: {  	_ =	shalt  }
0x50: {  	_ =	shalt  }
0x51: {  	_ =	shalt  }
0x52: {  	_ =	shalt  }
0x53: {  	_ =	shalt  }
0x54: {  	_ =	shalt  }
0x55: {  	_ =	shalt  }
0x56: {  	_ =	shalt  }
0x57: {  	_ =	shalt  }
0x58: {  	_ =	shalt  }
0x59: {  	_ =	shalt  }
0x5a: {  	_ =	shalt  }
0x5b: {  	_ =	shalt  }
0x5c: {  	_ =	shalt  }
0x5d: {  	_ =	shalt  }
0x5e: {  	_ =	shalt  }
0x5f: {  	_ =	shalt  }
0x60: {  	_ =	shalt  }
0x61: {  	_ =	shalt  }
0x62: {  	_ =	shalt  }
0x63: {  	_ =	shalt  }
0x64: {  	_ =	shalt  }
0x65: {  	_ =	shalt  }
0x66: {  	_ =	shalt  }
0x67: {  	_ =	shalt  }
0x68: {  	_ =	shalt  }
0x69: {  	_ =	shalt  }
0x6a: {  	_ =	shalt  }
0x6b: {  	_ =	shalt  }
0x6c: {  	_ =	shalt  }
0x6d: {  	_ =	shalt  }
0x6e: {  	_ =	shalt  }
0x6f: {  	_ =	shalt  }
0x70: {  	_ =	shalt  }
0x71: {  	_ =	shalt  }
0x72: {  	_ =	shalt  }
0x73: {  	_ =	shalt  }
0x74: {  	_ =	shalt  }
0x75: {  	_ =	shalt  }
0x76: {  	_ =	shalt  }
0x77: {  	_ =	shalt  }
0x78: {  	_ =	shalt  }
0x79: {  	_ =	shalt  }
0x7a: {  	_ =	shalt  }
0x7b: {  	_ =	shalt  }
0x7c: {  	_ =	shalt  }
0x7d: {  	_ =	shalt  }
0x7e: {  	_ =	shalt  }
0x7f: {  	_ =	shalt  }
0x80: {  	_ =	shalt  }
0x81: {  	_ =	shalt  }
0x82: {  	_ =	shalt  }
0x83: {  	_ =	shalt  }
0x84: {  	_ =	shalt  }
0x85: {  	_ =	shalt  }
0x86: {  	_ =	shalt  }
0x87: {  	_ =	shalt  }
.Lfunc_end0:
.L_simem_size_0:
called_computation_lowered:
.L_overlay_start_0:
0x88: {  	s2 =	sld [smem:$0x3FD9]  }
0x89: {  	s3 =	sld [smem:$0x3FFE];
	_ =	sdelay $0x1  }
0x8a: {  	s1 =	srdreg.scid  }
0x8b: {  	s0 =	sand.u32 $0x1, s1  }
0x8c: {  	s17 =	sshll.u32 s0, $0xA;
	s2 =	sadd.s32 s3, s2  }
0x8d: {  	s2 =	sadd.s32 s2, s17  }
0x8e: {  	[smem:$0x3FC3] =	sst s2  }
0x8f: {  	_ = 	snop  }
0x90: {  	s2 =	sld [smem:$0x3FC9]  }
0x91: {  	s18 =	sld [smem:$0x3FC8]  }
0x92: {  	s4 =	sld [smem:$0x3FC7]  }
0x93: {  	s5 =	sld [smem:$0x3FC6];
	(tm) =	ssettm $0x1  }
0x94: {  	s6 =	sld [smem:$0x3FFB];
	_ =	sdelay $0x3  }
0x95: {  	_ =	strace s6  }
0x96: {  	s6 =	sld [smem:$0x3FFC];
	_ =	sdelay $0x3  }
0x97: {  	_ =	strace s6  }
0x98: {  	s6 =	sld [smem:$0x3FFD];
	_ =	sdelay $0x3  }
0x99: {  	_ =	strace s6  }
0x9a: {  	_ =	strace $0x8FFFFFFF  }
0x9b: {  	s19 =	sld [smem:$0x3FDB];
	_ =	sdelay $0x1  }
0x9c: {  	s7 =	simm.s32 $_scs_section_size  }
0x9d: {  	s8 =	simm.s32 $_size__tile_overlayer_lowered;
	s9 =	simm.s32 $_tile_overlayer_lowered  }
0x9e: {  	s22 =	simm.s32 $0x1BFF;
	s21 =	sshll.u32 s9, $0x1;
	s6 =	sadd.s32 s7, s19  }
0x9f: {  	s10 =	simm.s32 $0x0;
	s20 =	sshll.u32 s8, $0x1;
	s8 =	sadd.s32 s21, s6  }
0xa0: {  	[timem:s10], [sflag:s22] =	dma.local [hbm:s8], s20  }
0xa1: {  	_ =	swait.ge [sflag:s22], s20  }
0xa2: {  	s7 =	ssub.s32 $0x0, s20;
	[sflag:s22] =	ssyncset.done $0x0  }
0xa3: {  	[sflag:s22] =	ssyncadd.s32 s7;
	_ =	sdelay $0x1  }
0xa4: {  	s23 =	simm.s32 $0x1B8B  }
0xa5: {  	_ =	swait.ge [sflag:s23], $0x1  }
0xa6: {  	[sflag:s23] =	ssyncset.done $0x0  }
0xa7: {  	s25 =	simm.s32 $0x1B8E;
	s24 =	sld [smem:$0x3FFE];
	[sflag:s23] =	ssyncadd.s32 $0xFFFFFFFF  }
0xa8: {  	s26 =	simm.s32 $execute0_lowered;
	[smem:$0x3FD2] =	sst s25  }
0xa9: {  	s8 =	sshll.u32 s26, $0x1;
	_ =	strace $0x80000046;
	[dreg:$0x1] =	wrdreg $0xFFFFFFFF  }
0xaa: {  	s28 =	simm.s32 $_size_execute0_lowered;
	s6 =	sadd.s32 s6, s8;
	[dreg:$0x0] =	wrdreg $0x0  }
0xab: {  	s8 =	sshll.u32 s28, $0x1;
	[dreg:$0x2] =	wrdreg s6  }
0xac: {  	[dreg:$0x3] =	wrdreg s8  }
0xad: {  	[dreg:$0x4] =	wrdreg $0xC0  }
0xae: {  	_ =	task [dreg:s10], $0x5FFFF  }
0xaf: {  	[dreg:$0x1] =	wrdreg $0xFFFFFFFF  }
0xb0: {  	[dreg:$0x0] =	wrdreg $0x60  }
0xb1: {  	[dreg:$0x2] =	wrdreg s2  }
0xb2: {  	[dreg:$0x3] =	wrdreg s18  }
0xb3: {  	[dreg:$0x4] =	wrdreg s4  }
0xb4: {  	[dreg:$0x5] =	wrdreg s5  }
0xb5: {  	[dreg:$0x6] =	wrdreg s24  }
0xb6: {  	[dreg:$0x7] =	wrdreg $0x9  }
0xb7: {  	_ =	task.clear_ibuf [dreg:s10], $0x8FFFF;
	_ =	strace $0x90000046  }
0xb8: {  	s29 =	simm.s32 $0x9;
	_ =	strace $0x80000048  }
0xb9: {  	_ =	swait.ge [sflag:s29], $0x1  }
0xba: {  	[sflag:s29] =	ssyncadd.s32 $0xFFFFFFFF  }
0xbb: {  	_ =	strace $0x90000048  }
0xbc: {  	_ =	sfence  }
0xbd: {  	s30 =	sld [smem:$0x0];
	_ =	sdelay $0x2  }
0xbe: {  	s31 =	sshll.u32 s1, $0xD;
	s1 =	sshrl.u32 s1, $0x2  }
0xbf: {  	s3 =	sand.u32 $0x4000, s31;
	s1 =	sadd.s32 s1, s30  }
0xc0: {  	s0 =	sor.u32 s3, s0;
	s1 =	sshll.u32 s1, $0x11  }
0xc1: {  	s0 =	sor.u32 s1, s0  }
0xc2: {  	s0 =	sadd.s32 $0x8F2B, s0  }
0xc3: {  	[sflag:s0] =	ssyncadd.remote.s32 $0x1  }
0xc4: {  	_ =	sfence.sel $0xFFFF  }
0xc5: {  	[dreg:$0x0] =	wrdreg $0xFFFFFFFF;
	(pc) =	sbr.abs _section_cstart, $3  }
0xc6: {  	[dreg:$0x1] =	wrdreg $0xFFFFFFFF  }
0xc7: {  	_ =	task.clear_ibuf [dreg:s10], $0x2FFFF;
	_ =	strace $0x9FFFFFFF  }
0xc8: {  	(tm) =	ssettm $0x7FFFFFFF  }
0xc9: {  	_ =	shalt  }
tec
execute0_lowered:
.L_overlay_start_1:
0x0: {  	(tag) =	ssettag $0x1  }
0x1: {  	s0 =	rddreg [dreg:$0x0]  }
0x2: {  	s2 =	rddreg [dreg:$0x1]  }
0x3: {  	s3 =	rddreg [dreg:$0x2]  }
0x4: {  	s4 =	rddreg [dreg:$0x3]  }
0x5: {  	s1 =	srdreg.scid;
	s9 =	rddreg [dreg:$0x4]  }
0x6: {  	s5 =	stileid.u32;
	s6 =	simm.s32 $0x0;
	s7 =	sand.u32 $0x1, s1  }
0x7: {  	s11 =	simm.s32 $0x1;
	s14 =	simm.s32 $0x10000;
	s8 =	sshll.u32 s7, $0x4  }
0x8: {  	s15 =	simm.s32 $0x2;
	s10 =	sand.u32 $0x3, s5;
	s8 =	sor.u32 s5, s8  }
0x9: {  	s1 =	rddreg [dreg:$0x5];
	p1 =	sne.s32 s10, $0x0;
	p0 =	seq.s32 s8, $0x0  }
0xa: {  	s16 =	simm.s32 $0x0;
	[smem:$0x7FF] =	sst s6;
	p0 =	por !p1, !p0  }
0xb: {  	_ =	strace $0x80000047;
	s7 =	ssub.s32 $0x2, s7;
	p0 =	por !p0, !p0  }
0xc: {  	s12 =	sshrl.u32 s7, $0x1;
	s13 =	sshrl.u32 s8, $0x2;
	s11 =	simm.s32 @!p0 $0x0  }
0xd: {  	s10 =	sshll.u32 s10, $0x10;
	s12 =	ssub.s32 s7, s12;
	s11 =	ssub.s32 s13, s11  }
0xe: {  	s7 =	simm.s32 $0x1;
	s31 =	sshll.u32 s8, $0x6;
	s11 =	sshll.u32 s11, $0x12  }
0xf: {  	s9 =	sadd.s32 s9, s31;
	s13 =	simm.s32 $0xC000;
	s8 =	sor.u32 s11, s10  }
0x10: {  	v0 =	vimm.f32 $0.0e+00;
	s10 =	smax.u32 s12, $0x1;
	s11 =	simm.s32 $0x4000;
	s12 =	simm.s32 $0x8000  }
.LBB2_1:
0x11: {  	v3 =	vimm.f32 $0.0e+00;
	v4 =	vimm.f32 $0.0e+00;
	v8 =	vimm.f32 $0.0e+00;
	s17 =	simm.s32 $0x0  }
.LBB2_2:
0x12: {  	s18 =	sshll.u32 s17, $0xE  }
0x13: {  	s18 =	sadd.s32 s8, s18  }
0x14: {  	s19 =	sshrl.u32 s18, $0x3  }
0x15: {  	s18 =	simm.s32 $0x0;
	s20 =	sadd.s32 s0, s19  }
0x16: {  	[tilespmem:s18], [sflag:$0x1] =	stream.linear.gather [hbm4b:s20+s18], $0x4000, $0x38;
	[tilespmem:$0x10200] =	vst v63  }
0x17: {  	s30 =	sadd.s32 s2, s19  }
0x18: {  	[tilespmem:s11], [sflag:$0x1] =	stream.linear.gather [hbm4b:s30+s18], $0x4000, $0x38;
	[tilespmem:$0x10200] =	vst v63  }
0x19: {  	s31 =	sadd.s32 s3, s19  }
0x1a: {  	[tilespmem:s12], [sflag:$0x1] =	stream.linear.gather [hbm4b:s31+s18], $0x4000, $0x38;
	[tilespmem:$0x10200] =	vst v63  }
0x1b: {  	s19 =	sadd.s32 s4, s19  }
0x1c: {  	[tilespmem:s13], [sflag:$0x1] =	stream.linear.gather [hbm4b:s19+s18], $0x4000, $0x38;
	[tilespmem:$0x10200] =	vst v63  }
0x1d: {  	_ =	swait.ge [sflag:s7], $0x4000  }
0x1e: {  	[sflag:s7] =	ssyncset.done $0x0  }
0x1f: {  	[sflag:s7] =	ssyncadd.s32 $0xFFFFC000  }
0x20: {  	_ =	swait.ge [sflag:s7], $0x4000  }
0x21: {  	[sflag:s7] =	ssyncset.done $0x0  }
0x22: {  	[sflag:s7] =	ssyncadd.s32 $0xFFFFC000  }
0x23: {  	_ =	swait.ge [sflag:s7], $0x4000  }
0x24: {  	[sflag:s7] =	ssyncset.done $0x0  }
0x25: {  	[sflag:s7] =	ssyncadd.s32 $0xFFFFC000  }
0x26: {  	_ =	swait.ge [sflag:s7], $0x4000  }
0x27: {  	[sflag:s7] =	ssyncset.done $0x0  }
0x28: {  	s19 =	simm.s32 $0x0;
	[sflag:s7] =	ssyncadd.s32 $0xFFFFC000  }
.LBB2_3:
0x29: {  	s20 =	sand.u32 $0x70, s19;
	s21 =	sand.u32 $0xC00, s18  }
0x2a: {  	s20 =	sor.u32 s20, s21  }
0x2b: {  	v10 =	vld [tilespmem:s20+$0x0];
	_ =	sdelay $0x4  }
0x2c: {  	v2 =	vld [tilespmem:s20+$0x4000];
	v1 =	vand.u32 $0x7FFFFFFF, v10  }
0x2d: {  	v1 =	vsub.f32 $0.0e+00, v1;
	_ =	sdelay $0x1  }
0x2e: {  	v1 =	vmul.f32 $1.442695020e+00, v1;
	_ =	sdelay $0x1  }
0x2f: {  	(erf) = vpow2.f32 v1;
	v1 =	vand.u32 $0x7FFFFFFF, v2  }
0x30: {  	v1 =	vsub.f32 $0.0e+00, v1;
	_ =	sdelay $0x1  }
0x31: {  	v1 =	vmul.f32 $1.442695020e+00, v1;
	_ =	sdelay $0x1  }
0x32: {  	(erf) = vpow2.f32 v1;
	_ =	sdelay $0x3  }
0x33: {  	v5 =	vpop (erf)  }
0x34: {  	v1 =	vmul.f32 $1.011890170e-02, v5;
	_ =	sdelay $0x1  }
0x35: {  	v6 =	vld [tilespmem:s20+$0x80];
	v1 =	vadd.f32 $-5.262395370e-02, v1;
	_ =	sdelay $0x1  }
0x36: {  	v1 =	vmul.f32 v1, v5;
	v7 =	vpop (erf)  }
0x37: {  	v9 =	vmul.f32 $1.011890170e-02, v7  }
0x38: {  	v1 =	vadd.f32 $1.307633520e-01, v1  }
0x39: {  	v12 =	vand.u32 $0x7FFFFFFF, v6;
	v11 =	vadd.f32 $-5.262395370e-02, v9;
	v9 =	vld [tilespmem:s20+$0x4080]  }
0x3a: {  	v12 =	vsub.f32 $0.0e+00, v12;
	v1 =	vmul.f32 v1, v5  }
0x3b: {  	v11 =	vmul.f32 v11, v7  }
0x3c: {  	v12 =	vmul.f32 $1.442695020e+00, v12;
	v1 =	vadd.f32 $-2.228347210e-01, v1  }
0x3d: {  	v11 =	vadd.f32 $1.307633520e-01, v11  }
0x3e: {  	(erf) = vpow2.f32 v12;
	v1 =	vmul.f32 v1, v5;
	v53 =	vand.u32 $0x7FFFFFFF, v9  }
0x3f: {  	v11 =	vmul.f32 v11, v7;
	v12 =	vsub.f32 $0.0e+00, v53  }
0x40: {  	v1 =	vadd.f32 $3.269723650e-01, v1  }
0x41: {  	v11 =	vadd.f32 $-2.228347210e-01, v11;
	v12 =	vmul.f32 $1.442695020e+00, v12  }
0x42: {  	v1 =	vmul.f32 v1, v5  }
0x43: {  	v11 =	vmul.f32 v11, v7;
	(erf) = vpow2.f32 v12;
	_ =	sdelay $0x1  }
0x44: {  	v1 =	vadd.f32 $-4.992063940e-01, v1;
	v11 =	vadd.f32 $3.269723650e-01, v11;
	_ =	sdelay $0x1  }
0x45: {  	v54 =	vpop (erf);
	v1 =	vmul.f32 v1, v5;
	v11 =	vmul.f32 v11, v7  }
0x46: {  	v13 =	vmul.f32 $1.011890170e-02, v54  }
0x47: {  	v14 =	vadd.f32 $9.999574420e-01, v1;
	v1 =	vld [tilespmem:s20+$0x100];
	v11 =	vadd.f32 $-4.992063940e-01, v11  }
0x48: {  	v13 =	vadd.f32 $-5.262395370e-02, v13  }
0x49: {  	v11 =	vmul.f32 v11, v7  }
0x4a: {  	v16 =	vsub.f32 $0.0e+00, v10;
	v13 =	vmul.f32 v13, v54;
	v55 =	vpop (erf)  }
0x4b: {  	v18 =	vsub.f32 $0.0e+00, v2;
	v11 =	vadd.f32 $9.999574420e-01, v11;
	v15 =	vmul.f32 $1.011890170e-02, v55  }
0x4c: {  	v13 =	vadd.f32 $1.307633520e-01, v13;
	v5 =	vmul.f32 v14, v5;
	v17 =	vand.u32 $0x7FFFFFFF, v1  }
0x4d: {  	v17 =	vsub.f32 $0.0e+00, v17;
	v11 =	vmul.f32 v11, v7;
	v15 =	vadd.f32 $-5.262395370e-02, v15;
	v7 =	vld [tilespmem:s20+$0x4100]  }
0x4e: {  	v16 =	vmax.f32 v16, $0.0e+00;
	v13 =	vmul.f32 v13, v54;
	v5 =	vadd.f32 $5.629329960e-07, v5  }
0x4f: {  	v17 =	vmul.f32 $1.442695020e+00, v17;
	v11 =	vadd.f32 $5.629329960e-07, v11;
	v15 =	vmul.f32 v15, v55  }
0x50: {  	v56 =	vmax.f32 v18, $0.0e+00;
	v13 =	vadd.f32 $-2.228347210e-01, v13;
	v5 =	vadd.f32 v5, v16  }
0x51: {  	(erf) = vpow2.f32 v17;
	v11 =	vadd.f32 v11, v56;
	v15 =	vadd.f32 $1.307633520e-01, v15  }
0x52: {  	v13 =	vmul.f32 v13, v54;
	v58 =	vand.u32 $0x7FFFFFFF, v7  }
0x53: {  	v57 =	vld [tilespmem:s20+$0x8000];
	v5 =	vadd.f32 v11, v5;
	v11 =	vmul.f32 v15, v55;
	v60 =	vsub.f32 $0.0e+00, v58  }
0x54: {  	s24 =	sand.u32 $0xFFFFFC00, s18;
	v59 =	vld [tilespmem:s20+$0xC000];
	v13 =	vadd.f32 $3.269723650e-01, v13  }
0x55: {  	vm0 =	vgt.f32 v10, $6.000000240e-01;
	v11 =	vadd.f32 $-2.228347210e-01, v11;
	v15 =	vmul.f32 $1.442695020e+00, v60  }
0x56: {  	s21 =	sadd.s32 s24, s19;
	v61 =	vmul.f32 v2, v10;
	v13 =	vmul.f32 v13, v54;
	v5 =	vadd.f32 v5, v10  }
0x57: {  	s22 =	sor.u32 $0x180, s21;
	vm1 =	vlt.f32 v10, $4.000000060e-01;
	v11 =	vmul.f32 v11, v55;
	(erf) = vpow2.f32 v15  }
0x58: {  	vm0 =	vmor vm0, vm1;
	v13 =	vadd.f32 $-4.992063940e-01, v13;
	v5 =	vadd.f32 v5, v2;
	v2 =	vld [tilespmem:s22+$0x0]  }
0x59: {  	v31 =	vld [tilespmem:s20+$0x8080];
	vm8 =	vgt.f32 v57, $5.000000000e-01;
	v62 =	vnsel vm0, $0x0, v61;
	v11 =	vadd.f32 $3.269723650e-01, v11  }
0x5a: {  	vm9 =	vgt.f32 v59, $5.000000000e-01;
	v13 =	vmul.f32 v13, v54;
	v15 =	vsub.f32 v5, v62;
	v63 =	vpop (erf);
	v5 =	vld [tilespmem:s22+$0x4000]  }
0x5b: {  	vm0 =	vmand vm8, vm9;
	v24 =	vmul.f32 $1.011890170e-02, v63;
	v11 =	vmul.f32 v11, v55  }
0x5c: {  	v20 =	vsub.f32 $0.0e+00, v6;
	v13 =	vadd.f32 $9.999574420e-01, v13;
	v15 =	vnsel vm0, $0x0, v15  }
0x5d: {  	v25 =	vadd.f32 $-5.262395370e-02, v24;
	v26 =	vand.u32 $0x7FFFFFFF, v2;
	v11 =	vadd.f32 $-4.992063940e-01, v11  }
0x5e: {  	vm10 =	vgt.f32 v31, $5.000000000e-01;
	v8 =	vadd.f32 v15, v8;
	v27 =	vsub.f32 $0.0e+00, v26  }
0x5f: {  	v15 =	vmul.f32 v25, v63;
	v28 =	vand.u32 $0x7FFFFFFF, v5;
	v11 =	vmul.f32 v11, v55  }
0x60: {  	v12 =	vmul.f32 v13, v54;
	v13 =	vmul.f32 $1.442695020e+00, v27;
	v17 =	vsub.f32 $0.0e+00, v28;
	v29 =	vpop (erf)  }
0x61: {  	v15 =	vadd.f32 $1.307633520e-01, v15;
	v11 =	vadd.f32 $9.999574420e-01, v11;
	v19 =	vmul.f32 $1.011890170e-02, v29  }
0x62: {  	v34 =	vmax.f32 v20, $0.0e+00;
	(erf) = vpow2.f32 v13;
	v30 =	vmul.f32 $1.442695020e+00, v17  }
0x63: {  	v32 =	vmul.f32 v15, v63;
	v11 =	vmul.f32 v11, v55;
	v33 =	vadd.f32 $-5.262395370e-02, v19  }
0x64: {  	v36 =	vld [tilespmem:s20+$0xC080];
	v35 =	vsub.f32 $0.0e+00, v9;
	v12 =	vadd.f32 $5.629329960e-07, v12;
	(erf) = vpow2.f32 v30  }
0x65: {  	v52 =	vld [tilespmem:s20+$0x8100];
	v14 =	vadd.f32 $-2.228347210e-01, v32;
	v11 =	vadd.f32 $5.629329960e-07, v11;
	v15 =	vmul.f32 v33, v29  }
0x66: {  	v37 =	vmax.f32 v35, $0.0e+00;
	v10 =	vnsel vm0, $0x0, v10;
	v12 =	vadd.f32 v12, v34  }
0x67: {  	v14 =	vmul.f32 v14, v63;
	v11 =	vadd.f32 v11, v37;
	v15 =	vadd.f32 $1.307633520e-01, v15  }
0x68: {  	vm2 =	vgt.f32 v6, $6.000000240e-01;
	vm3 =	vlt.f32 v6, $4.000000060e-01;
	v10 =	vadd.f32 v10, v4  }
0x69: {  	v4 =	vadd.f32 v11, v12;
	v11 =	vadd.f32 $3.269723650e-01, v14;
	v38 =	vmul.f32 v15, v29  }
0x6a: {  	vm11 =	vgt.f32 v36, $5.000000000e-01;
	vm12 =	vgt.f32 v52, $5.000000000e-01;
	vm2 =	vmor vm2, vm3  }
0x6b: {  	v39 =	vpop (erf);
	v4 =	vadd.f32 v4, v6;
	v11 =	vmul.f32 v11, v63;
	v12 =	vadd.f32 $-2.228347210e-01, v38  }
0x6c: {  	v21 =	vsel vm0, $0x3F800000, v0;
	v40 =	vmul.f32 v9, v6;
	v41 =	vmul.f32 $1.011890170e-02, v39  }
0x6d: {  	v42 =	vpop (erf);
	v4 =	vadd.f32 v4, v9;
	v9 =	vadd.f32 $-4.992063940e-01, v11;
	v11 =	vmul.f32 v12, v29  }
0x6e: {  	v3 =	vadd.f32 v21, v3;
	v48 =	vsub.f32 $0.0e+00, v1;
	v43 =	vmul.f32 $1.011890170e-02, v42  }
0x6f: {  	v14 =	vnsel vm2, $0x0, v40;
	v15 =	vadd.f32 $-5.262395370e-02, v41;
	v11 =	vadd.f32 $3.269723650e-01, v11  }
0x70: {  	vm0 =	vmand vm10, vm11;
	v4 =	vsub.f32 v4, v14;
	v45 =	vadd.f32 $-5.262395370e-02, v43  }
0x71: {  	v47 =	vnsel vm0, $0x0, v6;
	v6 =	vld [tilespmem:s20+$0x4200];
	v44 =	vmul.f32 v15, v39;
	v11 =	vmul.f32 v11, v29  }
0x72: {  	v53 =	vsub.f32 $0.0e+00, v7;
	v46 =	vnsel vm0, $0x0, v4;
	v4 =	vld [tilespmem:s20+$0x200];
	v15 =	vmul.f32 v45, v42  }
0x73: {  	v16 =	vmax.f32 v48, $0.0e+00;
	v14 =	vadd.f32 $1.307633520e-01, v44;
	v11 =	vadd.f32 $-4.992063940e-01, v11  }
0x74: {  	v56 =	vmax.f32 v53, $0.0e+00;
	v9 =	vmul.f32 v9, v63;
	v15 =	vadd.f32 $1.307633520e-01, v15  }
0x75: {  	v57 =	vsel vm0, $0x3F800000, v0;
	v14 =	vmul.f32 v14, v39;
	v11 =	vmul.f32 v11, v29  }
0x76: {  	v50 =	vand.u32 $0x7FFFFFFF, v6;
	v9 =	vadd.f32 $9.999574420e-01, v9;
	v15 =	vmul.f32 v15, v42  }
0x77: {  	v14 =	vadd.f32 $-2.228347210e-01, v14;
	v49 =	vand.u32 $0x7FFFFFFF, v4;
	v11 =	vadd.f32 $9.999574420e-01, v11  }
0x78: {  	v9 =	vmul.f32 v9, v63;
	v17 =	vsub.f32 $0.0e+00, v49;
	v15 =	vadd.f32 $-2.228347210e-01, v15  }
0x79: {  	v51 =	vsub.f32 $0.0e+00, v50;
	v14 =	vmul.f32 v14, v39;
	v11 =	vmul.f32 v11, v29  }
0x7a: {  	v9 =	vadd.f32 $5.629329960e-07, v9;
	v17 =	vmul.f32 $1.442695020e+00, v17;
	v15 =	vmul.f32 v15, v42  }
0x7b: {  	v55 =	vmul.f32 $1.442695020e+00, v51;
	v14 =	vadd.f32 $3.269723650e-01, v14;
	v11 =	vadd.f32 $5.629329960e-07, v11  }
0x7c: {  	v54 =	vld [tilespmem:s20+$0xC100];
	v9 =	vadd.f32 v9, v16;
	(erf) = vpow2.f32 v17;
	v15 =	vadd.f32 $3.269723650e-01, v15  }
0x7d: {  	v14 =	vmul.f32 v14, v39;
	(erf) = vpow2.f32 v55;
	v11 =	vadd.f32 v11, v56  }
0x7e: {  	vm14 =	vgt.f32 v1, $6.000000240e-01;
	v16 =	vadd.f32 v57, v3;
	v15 =	vmul.f32 v15, v42  }
0x7f: {  	vm15 =	vlt.f32 v1, $4.000000060e-01;
	v14 =	vadd.f32 $-4.992063940e-01, v14;
	v3 =	vadd.f32 v11, v9  }
0x80: {  	vm4 =	vmor vm14, vm15;
	v58 =	vmul.f32 v7, v1;
	v11 =	vadd.f32 $-4.992063940e-01, v15  }
0x81: {  	vm13 =	vgt.f32 v54, $5.000000000e-01;
	v9 =	vmul.f32 v14, v39;
	v3 =	vadd.f32 v3, v1  }
0x82: {  	vm5 =	vgt.f32 v2, $6.000000240e-01;
	v10 =	vadd.f32 v47, v10;
	v11 =	vmul.f32 v11, v42  }
0x83: {  	vm6 =	vlt.f32 v2, $4.000000060e-01;
	v9 =	vadd.f32 $9.999574420e-01, v9;
	v7 =	vadd.f32 v3, v7  }
0x84: {  	vm1 =	vmor vm5, vm6;
	v14 =	vnsel vm4, $0x0, v58;
	v11 =	vadd.f32 $9.999574420e-01, v11;
	v3 =	vld [tilespmem:s20+$0x280]  }
0x85: {  	v61 =	vsub.f32 $0.0e+00, v5;
	v9 =	vmul.f32 v9, v39;
	v59 =	vpop (erf);
	v14 =	vsub.f32 v7, v14  }
0x86: {  	v7 =	vsub.f32 $0.0e+00, v2;
	v60 =	vmul.f32 $1.011890170e-02, v59;
	v11 =	vmul.f32 v11, v42;
	v17 =	vpop (erf)  }
0x87: {  	v12 =	vmax.f32 v61, $0.0e+00;
	v9 =	vadd.f32 $5.629329960e-07, v9;
	v62 =	vmul.f32 $1.011890170e-02, v17  }
0x88: {  	v7 =	vmax.f32 v7, $0.0e+00;
	v15 =	vadd.f32 $-5.262395370e-02, v60;
	v11 =	vadd.f32 $5.629329960e-07, v11  }
0x89: {  	v9 =	vadd.f32 v9, v7;
	v18 =	vadd.f32 $-5.262395370e-02, v62;
	v7 =	vld [tilespmem:s20+$0x4280];
	v63 =	vand.u32 $0x7FFFFFFF, v3  }
0x8a: {  	v15 =	vmul.f32 v15, v59;
	v11 =	vadd.f32 v11, v12;
	v19 =	vsub.f32 $0.0e+00, v63  }
0x8b: {  	v24 =	vld [tilespmem:s22+$0x8000];
	v26 =	vmul.f32 v5, v2;
	vm0 =	vmand vm12, vm13;
	v21 =	vmul.f32 v18, v17  }
0x8c: {  	v25 =	vld [tilespmem:s22+$0xC000];
	v20 =	vadd.f32 $1.307633520e-01, v15;
	v9 =	vadd.f32 v11, v9;
	v11 =	vmul.f32 $1.442695020e+00, v19  }
0x8d: {  	v8 =	vadd.f32 v46, v8;
	v14 =	vnsel vm0, $0x0, v14;
	v23 =	vadd.f32 $1.307633520e-01, v21  }
0x8e: {  	v22 =	vmul.f32 v20, v59;
	(erf) = vpow2.f32 v11;
	v11 =	vand.u32 $0x7FFFFFFF, v7  }
0x8f: {  	v8 =	vadd.f32 v14, v8;
	v14 =	vmul.f32 v23, v17;
	v11 =	vsub.f32 $0.0e+00, v11  }
0x90: {  	vm7 =	vgt.f32 v24, $5.000000000e-01;
	v9 =	vadd.f32 v9, v2;
	v12 =	vadd.f32 $-2.228347210e-01, v22  }
0x91: {  	v54 =	vld [tilespmem:s20+$0xC280];
	vm8 =	vgt.f32 v25, $5.000000000e-01;
	v14 =	vadd.f32 $-2.228347210e-01, v14;
	v11 =	vmul.f32 $1.442695020e+00, v11  }
0x92: {  	v37 =	vld [tilespmem:s20+$0x8200];
	v27 =	vsel vm0, $0x3F800000, v0;
	v5 =	vadd.f32 v9, v5;
	v12 =	vmul.f32 v12, v59  }
0x93: {  	v19 =	vnsel vm1, $0x0, v26;
	v28 =	vmul.f32 v14, v17;
	(erf) = vpow2.f32 v11  }
0x94: {  	v1 =	vnsel vm0, $0x0, v1;
	v11 =	vsub.f32 v5, v19;
	v5 =	vld [tilespmem:s20+$0x300];
	v9 =	vadd.f32 $3.269723650e-01, v12  }
0x95: {  	v1 =	vadd.f32 v1, v10;
	vm0 =	vmand vm7, vm8;
	v12 =	vadd.f32 $3.269723650e-01, v28  }
0x96: {  	vm14 =	vgt.f32 v54, $5.000000000e-01;
	v38 =	vld [tilespmem:s20+$0xC200];
	v2 =	vnsel vm0, $0x0, v2;
	v9 =	vmul.f32 v9, v59  }
0x97: {  	vm9 =	vgt.f32 v37, $5.000000000e-01;
	v1 =	vadd.f32 v2, v1;
	v12 =	vmul.f32 v12, v17;
	v30 =	vpop (erf)  }
0x98: {  	v11 =	vnsel vm0, $0x0, v11;
	v29 =	vadd.f32 $-4.992063940e-01, v9;
	v9 =	vld [tilespmem:s20+$0x4300];
	v2 =	vmul.f32 $1.011890170e-02, v30  }
0x99: {  	v8 =	vadd.f32 v11, v8;
	v31 =	vand.u32 $0x7FFFFFFF, v5;
	v12 =	vadd.f32 $-4.992063940e-01, v12  }
0x9a: {  	v14 =	vsub.f32 $0.0e+00, v31;
	v11 =	vmul.f32 v29, v59;
	v2 =	vadd.f32 $-5.262395370e-02, v2  }
0x9b: {  	v40 =	vsub.f32 $0.0e+00, v6;
	vm10 =	vgt.f32 v38, $5.000000000e-01;
	v12 =	vmul.f32 v12, v17  }
0x9c: {  	v14 =	vmul.f32 $1.442695020e+00, v14;
	v11 =	vadd.f32 $9.999574420e-01, v11;
	v2 =	vmul.f32 v2, v30;
	v33 =	vpop (erf)  }
0x9d: {  	v34 =	vand.u32 $0x7FFFFFFF, v9;
	v35 =	vmul.f32 $1.011890170e-02, v33;
	v12 =	vadd.f32 $9.999574420e-01, v12  }
0x9e: {  	(erf) = vpow2.f32 v14;
	v19 =	vsub.f32 $0.0e+00, v34;
	v2 =	vadd.f32 $1.307633520e-01, v2  }
0x9f: {  	v11 =	vmul.f32 v11, v59;
	v13 =	vadd.f32 $-5.262395370e-02, v35;
	v12 =	vmul.f32 v12, v17  }
0xa0: {  	vm11 =	vgt.f32 v4, $6.000000240e-01;
	v36 =	vmul.f32 $1.442695020e+00, v19;
	v2 =	vmul.f32 v2, v30  }
0xa1: {  	v39 =	vsub.f32 $0.0e+00, v4;
	v11 =	vadd.f32 $5.629329960e-07, v11;
	v13 =	vmul.f32 v13, v33  }
0xa2: {  	v12 =	vadd.f32 $5.629329960e-07, v12;
	(erf) = vpow2.f32 v36;
	v2 =	vadd.f32 $-2.228347210e-01, v2  }
0xa3: {  	v14 =	vmax.f32 v40, $0.0e+00;
	v19 =	vmax.f32 v39, $0.0e+00;
	v13 =	vadd.f32 $1.307633520e-01, v13  }
0xa4: {  	v11 =	vadd.f32 v11, v19;
	v12 =	vadd.f32 v12, v14;
	v2 =	vmul.f32 v2, v30  }
0xa5: {  	vm12 =	vlt.f32 v4, $4.000000060e-01;
	v44 =	vmul.f32 v6, v4;
	v13 =	vmul.f32 v13, v33  }
0xa6: {  	vm2 =	vmor vm11, vm12;
	v11 =	vadd.f32 v12, v11;
	v2 =	vadd.f32 $3.269723650e-01, v2  }
0xa7: {  	v10 =	vadd.f32 v27, v16;
	v32 =	vsel vm0, $0x3F800000, v0;
	v41 =	vadd.f32 $-2.228347210e-01, v13  }
0xa8: {  	v48 =	vsub.f32 $0.0e+00, v3;
	v42 =	vpop (erf);
	v11 =	vadd.f32 v11, v4;
	v2 =	vmul.f32 v2, v30  }
0xa9: {  	v10 =	vadd.f32 v32, v10;
	v43 =	vmul.f32 $1.011890170e-02, v42;
	v12 =	vmul.f32 v41, v33  }
0xaa: {  	v16 =	vnsel vm2, $0x0, v44;
	v6 =	vadd.f32 v11, v6;
	v2 =	vadd.f32 $-4.992063940e-01, v2  }
0xab: {  	vm15 =	vgt.f32 v3, $6.000000240e-01;
	v14 =	vadd.f32 $-5.262395370e-02, v43;
	v45 =	vpop (erf);
	v11 =	vadd.f32 $3.269723650e-01, v12  }
0xac: {  	v6 =	vsub.f32 v6, v16;
	v46 =	vmul.f32 $1.011890170e-02, v45;
	v2 =	vmul.f32 v2, v30  }
0xad: {  	vm0 =	vmand vm9, vm10;
	v14 =	vmul.f32 v14, v42;
	v11 =	vmul.f32 v11, v33  }
0xae: {  	s25 =	sor.u32 s19, s18;
	v52 =	vld [tilespmem:s20+$0x8280];
	v6 =	vnsel vm0, $0x0, v6;
	v12 =	vadd.f32 $-5.262395370e-02, v46;
	v2 =	vadd.f32 $9.999574420e-01, v2  }
0xaf: {  	s23 =	sor.u32 $0x380, s25;
	vm6 =	vlt.f32 v3, $4.000000060e-01;
	v14 =	vadd.f32 $1.307633520e-01, v14;
	v47 =	vadd.f32 v6, v8  }
0xb0: {  	v11 =	vadd.f32 $-4.992063940e-01, v11;
	v12 =	vmul.f32 v12, v45;
	v6 =	vmul.f32 v2, v30;
	v2 =	vld [tilespmem:s23+$0x0]  }
0xb1: {  	v53 =	vsub.f32 $0.0e+00, v7;
	v4 =	vnsel vm0, $0x0, v4;
	v8 =	vmul.f32 v14, v42  }
0xb2: {  	v4 =	vadd.f32 v4, v1;
	v11 =	vmul.f32 v11, v33;
	v12 =	vadd.f32 $1.307633520e-01, v12  }
0xb3: {  	vm13 =	vgt.f32 v52, $5.000000000e-01;
	v49 =	vadd.f32 $-2.228347210e-01, v8;
	v8 =	vld [tilespmem:s23+$0x4000];
	v6 =	vadd.f32 $5.629329960e-07, v6  }
0xb4: {  	v14 =	vmax.f32 v48, $0.0e+00;
	v11 =	vadd.f32 $9.999574420e-01, v11;
	v12 =	vmul.f32 v12, v45  }
0xb5: {  	v1 =	vadd.f32 v6, v14;
	v6 =	vmul.f32 v49, v42;
	v50 =	vand.u32 $0x7FFFFFFF, v2  }
0xb6: {  	vm2 =	vmor vm15, vm6;
	v12 =	vadd.f32 $-2.228347210e-01, v12;
	v14 =	vsub.f32 $0.0e+00, v50  }
0xb7: {  	v58 =	vmul.f32 v7, v3;
	v11 =	vmul.f32 v11, v33;
	v6 =	vadd.f32 $3.269723650e-01, v6  }
0xb8: {  	v55 =	vand.u32 $0x7FFFFFFF, v8;
	v12 =	vmul.f32 v12, v45;
	v14 =	vmul.f32 $1.442695020e+00, v14  }
0xb9: {  	v11 =	vadd.f32 $5.629329960e-07, v11;
	v21 =	vsub.f32 $0.0e+00, v55;
	v6 =	vmul.f32 v6, v42  }
0xba: {  	v19 =	vmax.f32 v53, $0.0e+00;
	v12 =	vadd.f32 $3.269723650e-01, v12;
	(erf) = vpow2.f32 v14  }
0xbb: {  	v11 =	vadd.f32 v11, v19;
	v56 =	vmul.f32 $1.442695020e+00, v21;
	v6 =	vadd.f32 $-4.992063940e-01, v6  }
0xbc: {  	v60 =	vnsel vm2, $0x0, v58;
	v51 =	vsel vm0, $0x3F800000, v0;
	v12 =	vmul.f32 v12, v45  }
0xbd: {  	v1 =	vadd.f32 v11, v1;
	(erf) = vpow2.f32 v56;
	v6 =	vmul.f32 v6, v42  }
0xbe: {  	v61 =	vsub.f32 $0.0e+00, v5;
	vm7 =	vgt.f32 v5, $6.000000240e-01;
	v31 =	vld [tilespmem:s20+$0x8300];
	v11 =	vadd.f32 $-4.992063940e-01, v12  }
0xbf: {  	vm8 =	vlt.f32 v5, $4.000000060e-01;
	v57 =	vadd.f32 v1, v3;
	v1 =	vld [tilespmem:s20+$0x1000];
	v6 =	vadd.f32 $9.999574420e-01, v6  }
0xc0: {  	v10 =	vadd.f32 v51, v10;
	vm1 =	vmor vm7, vm8;
	v11 =	vmul.f32 v11, v45  }
0xc1: {  	v62 =	vmax.f32 v61, $0.0e+00;
	vm0 =	vmand vm13, vm14;
	v59 =	vmul.f32 v6, v42;
	v6 =	vld [tilespmem:s20+$0x5000]  }
0xc2: {  	v25 =	vsub.f32 $0.0e+00, v9;
	v3 =	vnsel vm0, $0x0, v3;
	v11 =	vadd.f32 $9.999574420e-01, v11  }
0xc3: {  	v34 =	vmul.f32 v9, v5;
	vm9 =	vgt.f32 v31, $5.000000000e-01;
	v4 =	vadd.f32 v3, v4;
	v63 =	vpop (erf)  }
0xc4: {  	v23 =	vand.u32 $0x7FFFFFFF, v1;
	v11 =	vmul.f32 v11, v45;
	v24 =	vmul.f32 $1.011890170e-02, v63  }
0xc5: {  	v17 =	vmax.f32 v25, $0.0e+00;
	v12 =	vadd.f32 $5.629329960e-07, v59;
	v15 =	vsub.f32 $0.0e+00, v23  }
0xc6: {  	v26 =	vpop (erf);
	v27 =	vand.u32 $0x7FFFFFFF, v6;
	v11 =	vadd.f32 $5.629329960e-07, v11;
	v13 =	vadd.f32 $-5.262395370e-02, v24  }
0xc7: {  	v12 =	vadd.f32 v12, v62;
	v28 =	vmul.f32 $1.011890170e-02, v26;
	v19 =	vsub.f32 $0.0e+00, v27  }
0xc8: {  	v3 =	vld [tilespmem:s20+$0xC300];
	v15 =	vmul.f32 $1.442695020e+00, v15;
	v11 =	vadd.f32 v11, v17;
	v13 =	vmul.f32 v13, v63  }
0xc9: {  	v36 =	vsel vm0, $0x3F800000, v0;
	v29 =	vadd.f32 $-5.262395370e-02, v28;
	v30 =	vmul.f32 $1.442695020e+00, v19  }
0xca: {  	(erf) = vpow2.f32 v15;
	v11 =	vadd.f32 v11, v12;
	v32 =	vadd.f32 $1.307633520e-01, v13  }
0xcb: {  	v7 =	vadd.f32 v57, v7;
	v33 =	vmul.f32 v29, v26;
	(erf) = vpow2.f32 v30  }
0xcc: {  	v10 =	vadd.f32 v36, v10;
	v11 =	vadd.f32 v11, v5;
	v12 =	vmul.f32 v32, v63  }
0xcd: {  	v7 =	vsub.f32 v7, v60;
	vm10 =	vgt.f32 v3, $5.000000000e-01;
	v3 =	vld [tilespmem:s20+$0x1080];
	v13 =	vadd.f32 $1.307633520e-01, v33  }
0xce: {  	v35 =	vnsel vm1, $0x0, v34;
	v9 =	vadd.f32 v11, v9;
	v11 =	vadd.f32 $-2.228347210e-01, v12  }
0xcf: {  	v48 =	vsub.f32 $0.0e+00, v2;
	vm14 =	vgt.f32 v2, $6.000000240e-01;
	v13 =	vmul.f32 v13, v26  }
0xd0: {  	v7 =	vnsel vm0, $0x0, v7;
	v9 =	vsub.f32 v9, v35;
	v11 =	vmul.f32 v11, v63  }
0xd1: {  	v7 =	vadd.f32 v7, v47;
	vm11 =	vmand vm9, vm10;
	v13 =	vadd.f32 $-2.228347210e-01, v13  }
0xd2: {  	v42 =	vand.u32 $0x7FFFFFFF, v3;
	v9 =	vnsel vm11, $0x0, v9;
	v11 =	vadd.f32 $3.269723650e-01, v11  }
0xd3: {  	v17 =	vsub.f32 $0.0e+00, v42;
	v37 =	vpop (erf);
	v39 =	vadd.f32 v9, v7;
	v7 =	vmul.f32 v13, v26  }
0xd4: {  	vm15 =	vlt.f32 v2, $4.000000060e-01;
	v38 =	vmul.f32 $1.011890170e-02, v37;
	v40 =	vpop (erf);
	v9 =	vmul.f32 v11, v63  }
0xd5: {  	v17 =	vmul.f32 $1.442695020e+00, v17;
	v41 =	vmul.f32 $1.011890170e-02, v40;
	v7 =	vadd.f32 $3.269723650e-01, v7  }
0xd6: {  	v5 =	vnsel vm11, $0x0, v5;
	v11 =	vadd.f32 $-5.262395370e-02, v38;
	v43 =	vadd.f32 $-4.992063940e-01, v9;
	v9 =	vld [tilespmem:s20+$0x5080]  }
0xd7: {  	v5 =	vadd.f32 v5, v4;
	v4 =	vmul.f32 v7, v26;
	v7 =	vadd.f32 $-5.262395370e-02, v41  }
0xd8: {  	v51 =	vsub.f32 $0.0e+00, v8;
	v11 =	vmul.f32 v11, v37;
	v44 =	vmul.f32 v43, v63  }
0xd9: {  	(erf) = vpow2.f32 v17;
	v4 =	vadd.f32 $-4.992063940e-01, v4;
	v7 =	vmul.f32 v7, v40  }
0xda: {  	v49 =	vld [tilespmem:s23+$0xC000];
	vm2 =	vmor vm14, vm15;
	v11 =	vadd.f32 $1.307633520e-01, v11;
	v16 =	vadd.f32 $9.999574420e-01, v44  }
0xdb: {  	v4 =	vmul.f32 v4, v26;
	v7 =	vadd.f32 $1.307633520e-01, v7;
	v46 =	vand.u32 $0x7FFFFFFF, v9  }
0xdc: {  	v11 =	vmul.f32 v11, v37;
	v14 =	vmul.f32 v16, v63;
	v16 =	vsub.f32 $0.0e+00, v46  }
0xdd: {  	v50 =	vmax.f32 v48, $0.0e+00;
	v4 =	vadd.f32 $9.999574420e-01, v4;
	v7 =	vmul.f32 v7, v40  }
0xde: {  	v52 =	vmax.f32 v51, $0.0e+00;
	v11 =	vadd.f32 $-2.228347210e-01, v11;
	v16 =	vmul.f32 $1.442695020e+00, v16  }
0xdf: {  	vm13 =	vgt.f32 v49, $5.000000000e-01;
	v4 =	vmul.f32 v4, v26;
	v7 =	vadd.f32 $-2.228347210e-01, v7  }
0xe0: {  	v14 =	vadd.f32 $5.629329960e-07, v14;
	v11 =	vmul.f32 v11, v37;
	(erf) = vpow2.f32 v16  }
0xe1: {  	v60 =	vsub.f32 $0.0e+00, v1;
	v4 =	vadd.f32 $5.629329960e-07, v4;
	v7 =	vmul.f32 v7, v40  }
0xe2: {  	v56 =	vmul.f32 v8, v2;
	v53 =	vpop (erf);
	v11 =	vadd.f32 $3.269723650e-01, v11;
	v14 =	vadd.f32 v14, v50  }
0xe3: {  	v54 =	vmul.f32 $1.011890170e-02, v53;
	v4 =	vadd.f32 v4, v52;
	v7 =	vadd.f32 $3.269723650e-01, v7  }
0xe4: {  	vm5 =	vgt.f32 v1, $6.000000240e-01;
	vm6 =	vlt.f32 v1, $4.000000060e-01;
	v11 =	vmul.f32 v11, v37  }
0xe5: {  	v55 =	vadd.f32 $-5.262395370e-02, v54;
	v4 =	vadd.f32 v4, v14;
	v7 =	vmul.f32 v7, v40  }
0xe6: {  	vm1 =	vmor vm5, vm6;
	v47 =	vld [tilespmem:s23+$0x8000];
	v45 =	vsel vm11, $0x3F800000, v0;
	v11 =	vadd.f32 $-4.992063940e-01, v11  }
0xe7: {  	v14 =	vmul.f32 v55, v53;
	v7 =	vadd.f32 $-4.992063940e-01, v7;
	v57 =	vadd.f32 v4, v2;
	v4 =	vld [tilespmem:s20+$0x1100]  }
0xe8: {  	v62 =	vmax.f32 v60, $0.0e+00;
	v10 =	vadd.f32 v45, v10;
	v11 =	vmul.f32 v11, v37  }
0xe9: {  	vm10 =	vgt.f32 v3, $6.000000240e-01;
	v14 =	vadd.f32 $1.307633520e-01, v14;
	v58 =	vmul.f32 v7, v40;
	v59 =	vpop (erf)  }
0xea: {  	v24 =	vsub.f32 $0.0e+00, v6;
	v11 =	vadd.f32 $9.999574420e-01, v11;
	v7 =	vld [tilespmem:s20+$0x5100];
	v61 =	vmul.f32 $1.011890170e-02, v59  }
0xeb: {  	vm12 =	vgt.f32 v47, $5.000000000e-01;
	v14 =	vmul.f32 v14, v53;
	v19 =	vadd.f32 $9.999574420e-01, v58  }
0xec: {  	v11 =	vmul.f32 v11, v37;
	v63 =	vadd.f32 $-5.262395370e-02, v61;
	v25 =	vand.u32 $0x7FFFFFFF, v4  }
0xed: {  	vm0 =	vmand vm12, vm13;
	v13 =	vmul.f32 v19, v40;
	v20 =	vsub.f32 $0.0e+00, v25  }
0xee: {  	v14 =	vadd.f32 $-2.228347210e-01, v14;
	v11 =	vadd.f32 $5.629329960e-07, v11;
	v18 =	vmul.f32 v63, v59  }
0xef: {  	v26 =	vand.u32 $0x7FFFFFFF, v7;
	v13 =	vadd.f32 $5.629329960e-07, v13;
	v20 =	vmul.f32 $1.442695020e+00, v20  }
0xf0: {  	v19 =	vmax.f32 v24, $0.0e+00;
	v21 =	vsub.f32 $0.0e+00, v26;
	v18 =	vadd.f32 $1.307633520e-01, v18  }
0xf1: {  	v14 =	vmul.f32 v14, v53;
	v11 =	vadd.f32 v11, v62;
	(erf) = vpow2.f32 v20  }
0xf2: {  	v28 =	vld [tilespmem:s20+$0x9000];
	v13 =	vadd.f32 v13, v19;
	v27 =	vmul.f32 $1.442695020e+00, v21;
	v18 =	vmul.f32 v18, v59  }
0xf3: {  	v29 =	vld [tilespmem:s20+$0xD000];
	v32 =	vmul.f32 v6, v1;
	v17 =	vnsel vm2, $0x0, v56;
	v14 =	vadd.f32 $3.269723650e-01, v14  }
0xf4: {  	v11 =	vadd.f32 v13, v11;
	(erf) = vpow2.f32 v27;
	v31 =	vadd.f32 $-2.228347210e-01, v18  }
0xf5: {  	v2 =	vnsel vm0, $0x0, v2;
	v8 =	vadd.f32 v57, v8;
	v30 =	vmul.f32 v14, v53  }
0xf6: {  	v2 =	vadd.f32 v2, v5;
	v11 =	vadd.f32 v11, v1;
	v14 =	vmul.f32 v31, v59  }
0xf7: {  	s26 =	sor.u32 $0x1180, s21;
	vm7 =	vgt.f32 v28, $5.000000000e-01;
	v8 =	vsub.f32 v8, v17;
	v13 =	vadd.f32 $-4.992063940e-01, v30  }
0xf8: {  	vm8 =	vgt.f32 v29, $5.000000000e-01;
	v5 =	vld [tilespmem:s26+$0x0];
	v6 =	vadd.f32 v11, v6;
	v14 =	vadd.f32 $3.269723650e-01, v14  }
0xf9: {  	v44 =	vsub.f32 $0.0e+00, v9;
	v8 =	vnsel vm0, $0x0, v8;
	v11 =	vnsel vm1, $0x0, v32  }
0xfa: {  	v13 =	vmul.f32 v13, v53;
	v6 =	vsub.f32 v6, v11;
	v33 =	vmul.f32 v14, v59;
	v35 =	vpop (erf)  }
0xfb: {  	v8 =	vadd.f32 v8, v39;
	vm1 =	vmand vm7, vm8;
	v36 =	vmul.f32 $1.011890170e-02, v35  }
0xfc: {  	v11 =	vadd.f32 $9.999574420e-01, v13;
	v6 =	vnsel vm1, $0x0, v6;
	v12 =	vadd.f32 $-4.992063940e-01, v33  }
0xfd: {  	v40 =	vand.u32 $0x7FFFFFFF, v5;
	v37 =	vpop (erf);
	v6 =	vadd.f32 v6, v8;
	v8 =	vld [tilespmem:s26+$0x4000];
	v16 =	vadd.f32 $-5.262395370e-02, v36  }
0xfe: {  	v19 =	vsub.f32 $0.0e+00, v40;
	v38 =	vmul.f32 $1.011890170e-02, v37;
	v12 =	vmul.f32 v12, v59  }
0xff: {  	v39 =	vsub.f32 $0.0e+00, v3;
	v11 =	vmul.f32 v11, v53;
	v16 =	vmul.f32 v16, v35  }
0x100: {  	v42 =	vmul.f32 $1.442695020e+00, v19;
	v13 =	vadd.f32 $-5.262395370e-02, v38;
	v12 =	vadd.f32 $9.999574420e-01, v12  }
0x101: {  	v18 =	vmax.f32 v39, $0.0e+00;
	v11 =	vadd.f32 $5.629329960e-07, v11;
	v41 =	vadd.f32 $1.307633520e-01, v16  }
0x102: {  	v13 =	vmul.f32 v13, v37;
	v43 =	vand.u32 $0x7FFFFFFF, v8;
	v12 =	vmul.f32 v12, v59  }
0x103: {  	v11 =	vadd.f32 v11, v18;
	v18 =	vsub.f32 $0.0e+00, v43;
	v15 =	vmul.f32 v41, v35  }
0x104: {  	v45 =	vld [tilespmem:s20+$0x9080];
	(erf) = vpow2.f32 v42;
	v13 =	vadd.f32 $1.307633520e-01, v13;
	v12 =	vadd.f32 $5.629329960e-07, v12  }
0x105: {  	v46 =	vmax.f32 v44, $0.0e+00;
	v1 =	vnsel vm1, $0x0, v1;
	v15 =	vadd.f32 $-2.228347210e-01, v15  }
0x106: {  	v18 =	vmul.f32 $1.442695020e+00, v18;
	v13 =	vmul.f32 v13, v37;
	v12 =	vadd.f32 v12, v46  }
0x107: {  	v34 =	vsel vm0, $0x3F800000, v0;
	v2 =	vadd.f32 v1, v2;
	v15 =	vmul.f32 v15, v35  }
0x108: {  	v1 =	vld [tilespmem:s20+$0xD080];
	(erf) = vpow2.f32 v18;
	v13 =	vadd.f32 $-2.228347210e-01, v13;
	v11 =	vadd.f32 v12, v11  }
0x109: {  	vm9 =	vgt.f32 v45, $5.000000000e-01;
	v10 =	vadd.f32 v34, v10;
	v15 =	vadd.f32 $3.269723650e-01, v15  }
0x10a: {  	vm11 =	vlt.f32 v3, $4.000000060e-01;
	v47 =	vmul.f32 v13, v37;
	v11 =	vadd.f32 v11, v3  }
0x10b: {  	v49 =	vmul.f32 v9, v3;
	v48 =	vsel vm1, $0x3F800000, v0;
	v15 =	vmul.f32 v15, v35  }
0x10c: {  	v60 =	vld [tilespmem:s20+$0x9100];
	vm1 =	vmor vm10, vm11;
	v12 =	vadd.f32 $3.269723650e-01, v47;
	v9 =	vadd.f32 v11, v9  }
0x10d: {  	vm12 =	vgt.f32 v1, $5.000000000e-01;
	v1 =	vnsel vm1, $0x0, v49;
	v51 =	vpop (erf);
	v50 =	vadd.f32 $-4.992063940e-01, v15  }
0x10e: {  	v52 =	vmul.f32 $1.011890170e-02, v51;
	v11 =	vmul.f32 v12, v37;
	v9 =	vsub.f32 v9, v1  }
0x10f: {  	vm0 =	vmand vm9, vm12;
	v59 =	vsub.f32 $0.0e+00, v7;
	v1 =	vld [tilespmem:s20+$0x1200];
	v12 =	vmul.f32 v50, v35  }
0x110: {  	v53 =	vadd.f32 $-5.262395370e-02, v52;
	v11 =	vadd.f32 $-4.992063940e-01, v11;
	v9 =	vnsel vm0, $0x0, v9  }
0x111: {  	vm13 =	vgt.f32 v60, $5.000000000e-01;
	v54 =	vpop (erf);
	v9 =	vadd.f32 v9, v6;
	v6 =	vadd.f32 $9.999574420e-01, v12  }
0x112: {  	v58 =	vsub.f32 $0.0e+00, v4;
	v55 =	vmul.f32 $1.011890170e-02, v54;
	v11 =	vmul.f32 v11, v37  }
0x113: {  	v19 =	vmax.f32 v59, $0.0e+00;
	v13 =	vmul.f32 v53, v51;
	v14 =	vmul.f32 v6, v35;
	v6 =	vld [tilespmem:s20+$0x5200]  }
0x114: {  	v12 =	vadd.f32 $-5.262395370e-02, v55;
	v11 =	vadd.f32 $9.999574420e-01, v11;
	v56 =	vand.u32 $0x7FFFFFFF, v1  }
0x115: {  	v18 =	vmax.f32 v58, $0.0e+00;
	v13 =	vadd.f32 $1.307633520e-01, v13;
	v57 =	vsub.f32 $0.0e+00, v56  }
0x116: {  	v3 =	vnsel vm0, $0x0, v3;
	v12 =	vmul.f32 v12, v54;
	v11 =	vmul.f32 v11, v37  }
0x117: {  	v13 =	vmul.f32 v13, v51;
	v14 =	vadd.f32 $5.629329960e-07, v14;
	v17 =	vmul.f32 $1.442695020e+00, v57  }
0x118: {  	v12 =	vadd.f32 $1.307633520e-01, v12;
	v11 =	vadd.f32 $5.629329960e-07, v11;
	v61 =	vand.u32 $0x7FFFFFFF, v6  }
0x119: {  	v13 =	vadd.f32 $-2.228347210e-01, v13;
	(erf) = vpow2.f32 v17;
	v17 =	vsub.f32 $0.0e+00, v61  }
0x11a: {  	v21 =	vld [tilespmem:s20+$0xD100];
	v14 =	vadd.f32 v14, v18;
	v12 =	vmul.f32 v12, v54;
	v11 =	vadd.f32 v11, v19  }
0x11b: {  	vm14 =	vgt.f32 v4, $6.000000240e-01;
	v3 =	vadd.f32 v3, v2;
	v62 =	vmul.f32 $1.442695020e+00, v17  }
0x11c: {  	v13 =	vmul.f32 v13, v51;
	v2 =	vadd.f32 $-2.228347210e-01, v12;
	v11 =	vadd.f32 v11, v14  }
0x11d: {  	vm15 =	vlt.f32 v4, $4.000000060e-01;
	vm6 =	vgt.f32 v5, $6.000000240e-01;
	(erf) = vpow2.f32 v62  }
0x11e: {  	v13 =	vadd.f32 $3.269723650e-01, v13;
	v2 =	vmul.f32 v2, v54;
	v11 =	vadd.f32 v11, v4  }
0x11f: {  	v23 =	vmul.f32 v7, v4;
	vm4 =	vgt.f32 v21, $5.000000000e-01;
	vm1 =	vmor vm14, vm15  }
0x120: {  	v22 =	vmul.f32 v13, v51;
	v24 =	vadd.f32 $3.269723650e-01, v2;
	v7 =	vadd.f32 v11, v7  }
0x121: {  	v32 =	vsub.f32 $0.0e+00, v5;
	vm7 =	vlt.f32 v5, $4.000000060e-01;
	v25 =	vnsel vm1, $0x0, v23;
	v2 =	vld [tilespmem:s20+$0x1280]  }
0x122: {  	v11 =	vadd.f32 $-4.992063940e-01, v22;
	v26 =	vmul.f32 v24, v54;
	v7 =	vsub.f32 v7, v25  }
0x123: {  	v10 =	vadd.f32 v48, v10;
	v63 =	vsel vm0, $0x3F800000, v0;
	vm0 =	vmand vm13, vm4  }
0x124: {  	v27 =	vpop (erf);
	v11 =	vmul.f32 v11, v51;
	v13 =	vadd.f32 $-4.992063940e-01, v26;
	v7 =	vnsel vm0, $0x0, v7  }
0x125: {  	v35 =	vsub.f32 $0.0e+00, v8;
	v28 =	vmul.f32 $1.011890170e-02, v27;
	v9 =	vadd.f32 v7, v9;
	v7 =	vld [tilespmem:s20+$0x5280]  }
0x126: {  	v11 =	vadd.f32 $9.999574420e-01, v11;
	v29 =	vand.u32 $0x7FFFFFFF, v2;
	v13 =	vmul.f32 v13, v54;
	v30 =	vpop (erf)  }
0x127: {  	v12 =	vadd.f32 $-5.262395370e-02, v28;
	v17 =	vsub.f32 $0.0e+00, v29;
	v31 =	vmul.f32 $1.011890170e-02, v30  }
0x128: {  	v18 =	vmax.f32 v35, $0.0e+00;
	v11 =	vmul.f32 v11, v51;
	v13 =	vadd.f32 $9.999574420e-01, v13  }
0x129: {  	v12 =	vmul.f32 v12, v27;
	v17 =	vmul.f32 $1.442695020e+00, v17;
	v33 =	vadd.f32 $-5.262395370e-02, v31  }
0x12a: {  	v11 =	vadd.f32 $5.629329960e-07, v11;
	v13 =	vmul.f32 v13, v54;
	v34 =	vand.u32 $0x7FFFFFFF, v7  }
0x12b: {  	(erf) = vpow2.f32 v17;
	v17 =	vsub.f32 $0.0e+00, v34;
	v16 =	vmul.f32 v33, v30  }
0x12c: {  	v36 =	vld [tilespmem:s26+$0x8000];
	v19 =	vmax.f32 v32, $0.0e+00;
	v12 =	vadd.f32 $1.307633520e-01, v12;
	v13 =	vadd.f32 $5.629329960e-07, v13  }
0x12d: {  	v38 =	vld [tilespmem:s26+$0xC000];
	v4 =	vnsel vm0, $0x0, v4;
	v17 =	vmul.f32 $1.442695020e+00, v17;
	v16 =	vadd.f32 $1.307633520e-01, v16  }
0x12e: {  	v53 =	vld [tilespmem:s20+$0xD200];
	v11 =	vadd.f32 v11, v19;
	v12 =	vmul.f32 v12, v27;
	v13 =	vadd.f32 v13, v18  }
0x12f: {  	v4 =	vadd.f32 v4, v3;
	(erf) = vpow2.f32 v17;
	v3 =	vmul.f32 v16, v30  }
0x130: {  	vm1 =	vmor vm6, vm7;
	v12 =	vadd.f32 $-2.228347210e-01, v12;
	v11 =	vadd.f32 v13, v11  }
0x131: {  	v10 =	vadd.f32 v63, v10;
	v39 =	vmul.f32 v8, v5;
	v3 =	vadd.f32 $-2.228347210e-01, v3  }
0x132: {  	vm5 =	vgt.f32 v36, $5.000000000e-01;
	v12 =	vmul.f32 v12, v27;
	v11 =	vadd.f32 v11, v5  }
0x133: {  	vm8 =	vgt.f32 v38, $5.000000000e-01;
	vm10 =	vgt.f32 v53, $5.000000000e-01;
	v3 =	vmul.f32 v3, v30  }
0x134: {  	v37 =	vsel vm0, $0x3F800000, v0;
	v12 =	vadd.f32 $3.269723650e-01, v12;
	v8 =	vadd.f32 v11, v8  }
0x135: {  	vm0 =	vmand vm5, vm8;
	v13 =	vnsel vm1, $0x0, v39;
	v40 =	vpop (erf);
	v3 =	vadd.f32 $3.269723650e-01, v3  }
0x136: {  	v12 =	vmul.f32 v12, v27;
	v41 =	vmul.f32 $1.011890170e-02, v40;
	v8 =	vsub.f32 v8, v13  }
0x137: {  	v48 =	vsub.f32 $0.0e+00, v1;
	v5 =	vnsel vm0, $0x0, v5;
	v42 =	vmul.f32 v3, v30  }
0x138: {  	v11 =	vadd.f32 $-4.992063940e-01, v12;
	v12 =	vadd.f32 $-5.262395370e-02, v41;
	v8 =	vnsel vm0, $0x0, v8;
	v43 =	vpop (erf)  }
0x139: {  	v3 =	vld [tilespmem:s20+$0x1300];
	v9 =	vadd.f32 v8, v9;
	v44 =	vmul.f32 $1.011890170e-02, v43;
	v8 =	vadd.f32 $-4.992063940e-01, v42  }
0x13a: {  	v49 =	vsub.f32 $0.0e+00, v6;
	v45 =	vadd.f32 v5, v4;
	v12 =	vmul.f32 v12, v40  }
0x13b: {  	v11 =	vmul.f32 v11, v27;
	v5 =	vadd.f32 $-5.262395370e-02, v44;
	v4 =	vmul.f32 v8, v30;
	v8 =	vld [tilespmem:s20+$0x5300]  }
0x13c: {  	vm11 =	vgt.f32 v1, $6.000000240e-01;
	v15 =	vmax.f32 v49, $0.0e+00;
	v12 =	vadd.f32 $1.307633520e-01, v12  }
0x13d: {  	v19 =	vmax.f32 v48, $0.0e+00;
	v11 =	vadd.f32 $9.999574420e-01, v11;
	v5 =	vmul.f32 v5, v43  }
0x13e: {  	v12 =	vmul.f32 v12, v40;
	v46 =	vand.u32 $0x7FFFFFFF, v3;
	v4 =	vadd.f32 $9.999574420e-01, v4  }
0x13f: {  	v11 =	vmul.f32 v11, v27;
	v13 =	vsub.f32 $0.0e+00, v46;
	v5 =	vadd.f32 $1.307633520e-01, v5  }
0x140: {  	v12 =	vadd.f32 $-2.228347210e-01, v12;
	v4 =	vmul.f32 v4, v30;
	v50 =	vand.u32 $0x7FFFFFFF, v8  }
0x141: {  	v13 =	vmul.f32 $1.442695020e+00, v13;
	v5 =	vmul.f32 v5, v43;
	v52 =	vsub.f32 $0.0e+00, v50  }
0x142: {  	v11 =	vadd.f32 $5.629329960e-07, v11;
	v12 =	vmul.f32 v12, v40;
	v4 =	vadd.f32 $5.629329960e-07, v4  }
0x143: {  	(erf) = vpow2.f32 v13;
	v5 =	vadd.f32 $-2.228347210e-01, v5;
	v13 =	vmul.f32 $1.442695020e+00, v52  }
0x144: {  	vm12 =	vlt.f32 v1, $4.000000060e-01;
	v51 =	vld [tilespmem:s20+$0x9200];
	v11 =	vadd.f32 v11, v19;
	v4 =	vadd.f32 v4, v15  }
0x145: {  	v12 =	vadd.f32 $3.269723650e-01, v12;
	v5 =	vmul.f32 v5, v43;
	(erf) = vpow2.f32 v13  }
0x146: {  	vm2 =	vmor vm11, vm12;
	v55 =	vmul.f32 v6, v1;
	v4 =	vadd.f32 v4, v11  }
0x147: {  	s28 =	sor.u32 $0x1380, s25;
	v10 =	vadd.f32 v37, v10;
	v12 =	vmul.f32 v12, v40;
	v5 =	vadd.f32 $3.269723650e-01, v5  }
0x148: {  	v56 =	vnsel vm2, $0x0, v55;
	v59 =	vsub.f32 $0.0e+00, v2;
	v54 =	vadd.f32 v4, v1;
	v4 =	vld [tilespmem:s28+$0x0]  }
0x149: {  	vm9 =	vgt.f32 v51, $5.000000000e-01;
	v11 =	vadd.f32 $-4.992063940e-01, v12;
	v5 =	vmul.f32 v5, v43  }
0x14a: {  	vm13 =	vgt.f32 v2, $6.000000240e-01;
	v47 =	vsel vm0, $0x3F800000, v0;
	vm0 =	vmand vm9, vm10  }
0x14b: {  	v11 =	vmul.f32 v11, v40;
	v1 =	vnsel vm0, $0x0, v1;
	v5 =	vadd.f32 $-4.992063940e-01, v5  }
0x14c: {  	v24 =	vsub.f32 $0.0e+00, v7;
	v15 =	vmax.f32 v59, $0.0e+00;
	v14 =	vadd.f32 v1, v45  }
0x14d: {  	v11 =	vadd.f32 $9.999574420e-01, v11;
	v57 =	vpop (erf);
	v60 =	vmul.f32 v5, v43;
	v5 =	vld [tilespmem:s28+$0x4000];
	v61 =	vand.u32 $0x7FFFFFFF, v4  }
0x14e: {  	v6 =	vadd.f32 v54, v6;
	v58 =	vmul.f32 $1.011890170e-02, v57;
	v18 =	vsub.f32 $0.0e+00, v61;
	v62 =	vpop (erf)  }
0x14f: {  	v11 =	vmul.f32 v11, v40;
	v17 =	vadd.f32 $9.999574420e-01, v60;
	v63 =	vmul.f32 $1.011890170e-02, v62  }
0x150: {  	v6 =	vsub.f32 v6, v56;
	v12 =	vadd.f32 $-5.262395370e-02, v58;
	v18 =	vmul.f32 $1.442695020e+00, v18  }
0x151: {  	v11 =	vadd.f32 $5.629329960e-07, v11;
	v16 =	vmul.f32 v17, v43;
	v20 =	vadd.f32 $-5.262395370e-02, v63  }
0x152: {  	v12 =	vmul.f32 v12, v57;
	(erf) = vpow2.f32 v18;
	v25 =	vand.u32 $0x7FFFFFFF, v5  }
0x153: {  	v16 =	vadd.f32 $5.629329960e-07, v16;
	v18 =	vsub.f32 $0.0e+00, v25;
	v20 =	vmul.f32 v20, v62  }
0x154: {  	v31 =	vld [tilespmem:s20+$0xD280];
	v26 =	vmax.f32 v24, $0.0e+00;
	v11 =	vadd.f32 v11, v15;
	v12 =	vadd.f32 $1.307633520e-01, v12  }
0x155: {  	v1 =	vld [tilespmem:s20+$0x9280];
	v15 =	vadd.f32 v16, v26;
	v28 =	vmul.f32 $1.442695020e+00, v18;
	v27 =	vadd.f32 $1.307633520e-01, v20  }
0x156: {  	v10 =	vadd.f32 v47, v10;
	v6 =	vnsel vm0, $0x0, v6;
	v12 =	vmul.f32 v12, v57  }
0x157: {  	v11 =	vadd.f32 v15, v11;
	(erf) = vpow2.f32 v28;
	v29 =	vmul.f32 v27, v62  }
0x158: {  	vm14 =	vlt.f32 v2, $4.000000060e-01;
	v6 =	vadd.f32 v6, v9;
	v9 =	vadd.f32 $-2.228347210e-01, v12  }
0x159: {  	v32 =	vmul.f32 v7, v2;
	v11 =	vadd.f32 v11, v2;
	v12 =	vadd.f32 $-2.228347210e-01, v29  }
0x15a: {  	vm4 =	vgt.f32 v31, $5.000000000e-01;
	vm15 =	vgt.f32 v1, $5.000000000e-01;
	v1 =	vld [tilespmem:s20+$0x2000];
	v9 =	vmul.f32 v9, v57  }
0x15b: {  	v30 =	vsel vm0, $0x3F800000, v0;
	v7 =	vadd.f32 v11, v7;
	v33 =	vpop (erf);
	v11 =	vmul.f32 v12, v62  }
0x15c: {  	vm0 =	vmor vm13, vm14;
	v9 =	vadd.f32 $3.269723650e-01, v9;
	v34 =	vmul.f32 $1.011890170e-02, v33  }
0x15d: {  	v42 =	vsub.f32 $0.0e+00, v3;
	v17 =	vnsel vm0, $0x0, v32;
	v11 =	vadd.f32 $3.269723650e-01, v11  }
0x15e: {  	v9 =	vmul.f32 v9, v57;
	v7 =	vsub.f32 v7, v17;
	v35 =	vadd.f32 $-5.262395370e-02, v34  }
0x15f: {  	vm0 =	vmand vm15, vm4;
	v40 =	vand.u32 $0x7FFFFFFF, v1;
	v11 =	vmul.f32 v11, v62  }
0x160: {  	v9 =	vadd.f32 $-4.992063940e-01, v9;
	v7 =	vnsel vm0, $0x0, v7;
	v36 =	vmul.f32 v35, v33;
	v37 =	vpop (erf)  }
0x161: {  	v38 =	vadd.f32 v7, v6;
	v7 =	vmul.f32 $1.011890170e-02, v37;
	v6 =	vadd.f32 $-4.992063940e-01, v11  }
0x162: {  	v41 =	vsub.f32 $0.0e+00, v40;
	v11 =	vadd.f32 $1.307633520e-01, v36  }
0x163: {  	v9 =	vmul.f32 v9, v57;
	v7 =	vadd.f32 $-5.262395370e-02, v7;
	v39 =	vmul.f32 v6, v62;
	v6 =	vld [tilespmem:s20+$0x6000]  }
0x164: {  	vm6 =	vgt.f32 v3, $6.000000240e-01;
	v44 =	vsub.f32 $0.0e+00, v8;
	v11 =	vmul.f32 v11, v33  }
0x165: {  	v13 =	vmul.f32 $1.442695020e+00, v41;
	v9 =	vadd.f32 $9.999574420e-01, v9;
	v7 =	vmul.f32 v7, v37  }
0x166: {  	v19 =	vmax.f32 v44, $0.0e+00;
	v15 =	vadd.f32 $9.999574420e-01, v39;
	v11 =	vadd.f32 $-2.228347210e-01, v11  }
0x167: {  	(erf) = vpow2.f32 v13;
	v9 =	vmul.f32 v9, v57;
	v7 =	vadd.f32 $1.307633520e-01, v7  }
0x168: {  	v15 =	vmul.f32 v15, v62;
	v11 =	vmul.f32 v11, v33;
	v43 =	vand.u32 $0x7FFFFFFF, v6  }
0x169: {  	v9 =	vadd.f32 $5.629329960e-07, v9;
	v7 =	vmul.f32 v7, v37;
	v13 =	vsub.f32 $0.0e+00, v43  }
0x16a: {  	v18 =	vmax.f32 v42, $0.0e+00;
	v15 =	vadd.f32 $5.629329960e-07, v15;
	v11 =	vadd.f32 $3.269723650e-01, v11  }
0x16b: {  	v2 =	vnsel vm0, $0x0, v2;
	v7 =	vadd.f32 $-2.228347210e-01, v7;
	v13 =	vmul.f32 $1.442695020e+00, v13  }
0x16c: {  	v46 =	vld [tilespmem:s20+$0xD300];
	v9 =	vadd.f32 v9, v18;
	v15 =	vadd.f32 v15, v19;
	v11 =	vmul.f32 v11, v33  }
0x16d: {  	v14 =	vadd.f32 v2, v14;
	v2 =	vmul.f32 v7, v37;
	(erf) = vpow2.f32 v13  }
0x16e: {  	vm7 =	vlt.f32 v3, $4.000000060e-01;
	v9 =	vadd.f32 v15, v9;
	v11 =	vadd.f32 $-4.992063940e-01, v11  }
0x16f: {  	vm1 =	vmor vm6, vm7;
	v47 =	vmul.f32 v8, v3;
	v2 =	vadd.f32 $3.269723650e-01, v2  }
0x170: {  	v10 =	vadd.f32 v30, v10;
	v9 =	vadd.f32 v9, v3;
	v11 =	vmul.f32 v11, v33  }
0x171: {  	vm8 =	vgt.f32 v46, $5.000000000e-01;
	v49 =	vnsel vm1, $0x0, v47;
	v45 =	vld [tilespmem:s20+$0x9300];
	v48 =	vpop (erf);
	v2 =	vmul.f32 v2, v37  }
0x172: {  	v8 =	vadd.f32 v9, v8;
	v9 =	vadd.f32 $9.999574420e-01, v11;
	v11 =	vmul.f32 $1.011890170e-02, v48  }
0x173: {  	v52 =	vsub.f32 $0.0e+00, v4;
	vm9 =	vgt.f32 v4, $6.000000240e-01;
	v50 =	vadd.f32 $-4.992063940e-01, v2;
	v2 =	vld [tilespmem:s20+$0x2080]  }
0x174: {  	vm10 =	vlt.f32 v4, $4.000000060e-01;
	v7 =	vsel vm0, $0x3F800000, v0;
	v11 =	vadd.f32 $-5.262395370e-02, v11  }
0x175: {  	v55 =	vsub.f32 $0.0e+00, v5;
	v10 =	vadd.f32 v7, v10;
	v7 =	vmul.f32 v50, v37  }
0x176: {  	vm5 =	vgt.f32 v45, $5.000000000e-01;
	v9 =	vmul.f32 v9, v33;
	v11 =	vmul.f32 v11, v48;
	v51 =	vpop (erf)  }
0x177: {  	v16 =	vmax.f32 v55, $0.0e+00;
	v15 =	vadd.f32 $9.999574420e-01, v7;
	v7 =	vld [tilespmem:s20+$0x6080];
	v53 =	vmul.f32 $1.011890170e-02, v51  }
0x178: {  	v9 =	vadd.f32 $5.629329960e-07, v9;
	v11 =	vadd.f32 $1.307633520e-01, v11;
	v54 =	vand.u32 $0x7FFFFFFF, v2  }
0x179: {  	vm0 =	vmand vm5, vm8;
	v20 =	vsub.f32 $0.0e+00, v54;
	v19 =	vadd.f32 $-5.262395370e-02, v53  }
0x17a: {  	v13 =	vmax.f32 v52, $0.0e+00;
	v15 =	vmul.f32 v15, v37;
	v11 =	vmul.f32 v11, v48  }
0x17b: {  	v9 =	vadd.f32 v9, v13;
	v57 =	vmul.f32 $1.442695020e+00, v20;
	v56 =	vmul.f32 v19, v51  }
0x17c: {  	v15 =	vadd.f32 $5.629329960e-07, v15;
	v11 =	vadd.f32 $-2.228347210e-01, v11;
	v58 =	vand.u32 $0x7FFFFFFF, v7  }
0x17d: {  	v3 =	vnsel vm0, $0x0, v3;
	v59 =	vsub.f32 $0.0e+00, v58;
	v13 =	vadd.f32 $1.307633520e-01, v56  }
0x17e: {  	(erf) = vpow2.f32 v57;
	v15 =	vadd.f32 v15, v16;
	v11 =	vmul.f32 v11, v48  }
0x17f: {  	v14 =	vadd.f32 v3, v14;
	v61 =	vmul.f32 $1.442695020e+00, v59;
	v3 =	vmul.f32 v13, v51  }
0x180: {  	v60 =	vld [tilespmem:s28+$0x8000];
	v62 =	vsel vm0, $0x3F800000, v0;
	v9 =	vadd.f32 v15, v9;
	v11 =	vadd.f32 $3.269723650e-01, v11  }
0x181: {  	v63 =	vld [tilespmem:s28+$0xC000];
	v8 =	vsub.f32 v8, v49;
	(erf) = vpow2.f32 v61;
	v3 =	vadd.f32 $-2.228347210e-01, v3  }
0x182: {  	v20 =	vmul.f32 v5, v4;
	v9 =	vadd.f32 v9, v4;
	v11 =	vmul.f32 v11, v48  }
0x183: {  	v8 =	vnsel vm0, $0x0, v8;
	vm0 =	vmor vm9, vm10;
	v3 =	vmul.f32 v3, v51  }
0x184: {  	v5 =	vadd.f32 v9, v5;
	v9 =	vadd.f32 $-4.992063940e-01, v11;
	v11 =	vnsel vm0, $0x0, v20  }
0x185: {  	v32 =	vsub.f32 $0.0e+00, v1;
	vm11 =	vgt.f32 v60, $5.000000000e-01;
	v21 =	vadd.f32 $3.269723650e-01, v3  }
0x186: {  	vm12 =	vgt.f32 v63, $5.000000000e-01;
	v5 =	vsub.f32 v5, v11;
	v9 =	vmul.f32 v9, v48;
	v3 =	vld [tilespmem:s20+$0x2100]  }
0x187: {  	vm14 =	vgt.f32 v1, $6.000000240e-01;
	vm0 =	vmand vm11, vm12;
	v11 =	vpop (erf);
	v13 =	vmul.f32 v21, v51  }
0x188: {  	v23 =	vnsel vm0, $0x0, v5;
	v5 =	vld [tilespmem:s20+$0x6100];
	v22 =	vmul.f32 $1.011890170e-02, v11;
	v9 =	vadd.f32 $9.999574420e-01, v9  }
0x189: {  	vm15 =	vlt.f32 v1, $4.000000060e-01;
	v4 =	vnsel vm0, $0x0, v4;
	v13 =	vadd.f32 $-4.992063940e-01, v13  }
0x18a: {  	v14 =	vadd.f32 v4, v14;
	v15 =	vadd.f32 $-5.262395370e-02, v22;
	v4 =	vmul.f32 v9, v48;
	v25 =	vpop (erf)  }
0x18b: {  	v26 =	vand.u32 $0x7FFFFFFF, v3;
	v27 =	vmul.f32 $1.011890170e-02, v25;
	v9 =	vmul.f32 v13, v51  }
0x18c: {  	v33 =	vsub.f32 $0.0e+00, v6;
	v24 =	vmul.f32 v15, v11;
	v16 =	vsub.f32 $0.0e+00, v26  }
0x18d: {  	v29 =	vand.u32 $0x7FFFFFFF, v5;
	v17 =	vadd.f32 $-5.262395370e-02, v27;
	v9 =	vadd.f32 $9.999574420e-01, v9  }
0x18e: {  	v31 =	vsub.f32 $0.0e+00, v29;
	v13 =	vadd.f32 $1.307633520e-01, v24;
	v16 =	vmul.f32 $1.442695020e+00, v16  }
0x18f: {  	v19 =	vmax.f32 v32, $0.0e+00;
	v17 =	vmul.f32 v17, v25;
	v9 =	vmul.f32 v9, v51  }
0x190: {  	v34 =	vld [tilespmem:s20+$0xA000];
	v4 =	vadd.f32 $5.629329960e-07, v4;
	v30 =	vmul.f32 v13, v11;
	v13 =	vmul.f32 $1.442695020e+00, v31  }
0x191: {  	v36 =	vld [tilespmem:s20+$0xE000];
	(erf) = vpow2.f32 v16;
	v17 =	vadd.f32 $1.307633520e-01, v17;
	v9 =	vadd.f32 $5.629329960e-07, v9  }
0x192: {  	v16 =	vmax.f32 v33, $0.0e+00;
	v12 =	vadd.f32 $-2.228347210e-01, v30;
	(erf) = vpow2.f32 v13  }
0x193: {  	v4 =	vadd.f32 v4, v19;
	v35 =	vmul.f32 v17, v25;
	v9 =	vadd.f32 v9, v16  }
0x194: {  	vm1 =	vmor vm14, vm15;
	v12 =	vmul.f32 v12, v11  }
0x195: {  	vm13 =	vgt.f32 v34, $5.000000000e-01;
	v4 =	vadd.f32 v9, v4;
	v9 =	vadd.f32 $-2.228347210e-01, v35  }
0x196: {  	vm4 =	vgt.f32 v36, $5.000000000e-01;
	v10 =	vadd.f32 v62, v10;
	v12 =	vadd.f32 $3.269723650e-01, v12  }
0x197: {  	v8 =	vadd.f32 v8, v38;
	v4 =	vadd.f32 v4, v1;
	v9 =	vmul.f32 v9, v25  }
0x198: {  	v47 =	vsub.f32 $0.0e+00, v2;
	v37 =	vmul.f32 v6, v1;
	v12 =	vmul.f32 v12, v11  }
0x199: {  	vm6 =	vgt.f32 v2, $6.000000240e-01;
	v6 =	vadd.f32 v4, v6;
	v9 =	vadd.f32 $3.269723650e-01, v9  }
0x19a: {  	s29 =	sor.u32 $0x2180, s21;
	v28 =	vsel vm0, $0x3F800000, v0;
	v13 =	vnsel vm1, $0x0, v37;
	v38 =	vpop (erf);
	v12 =	vadd.f32 $-4.992063940e-01, v12  }
0x19b: {  	v39 =	vmul.f32 $1.011890170e-02, v38;
	v4 =	vld [tilespmem:s29+$0x0];
	v41 =	vpop (erf);
	v6 =	vsub.f32 v6, v13;
	v9 =	vmul.f32 v9, v25  }
0x19c: {  	vm0 =	vmand vm13, vm4;
	v12 =	vmul.f32 v12, v11;
	v42 =	vmul.f32 $1.011890170e-02, v41  }
0x19d: {  	v40 =	vadd.f32 $-5.262395370e-02, v39;
	v43 =	vnsel vm0, $0x0, v6;
	v6 =	vadd.f32 $-4.992063940e-01, v9  }
0x19e: {  	vm7 =	vlt.f32 v2, $4.000000060e-01;
	v12 =	vadd.f32 $9.999574420e-01, v12;
	v44 =	vadd.f32 $-5.262395370e-02, v42  }
0x19f: {  	v48 =	vsub.f32 $0.0e+00, v7;
	v9 =	vmul.f32 v40, v38;
	v45 =	vmul.f32 v6, v25;
	v6 =	vld [tilespmem:s29+$0x4000]  }
0x1a0: {  	v46 =	vand.u32 $0x7FFFFFFF, v4;
	v11 =	vmul.f32 v12, v11;
	v12 =	vmul.f32 v44, v41  }
0x1a1: {  	v20 =	vmax.f32 v47, $0.0e+00;
	v9 =	vadd.f32 $1.307633520e-01, v9;
	v18 =	vsub.f32 $0.0e+00, v46  }
0x1a2: {  	v15 =	vmax.f32 v48, $0.0e+00;
	v13 =	vadd.f32 $9.999574420e-01, v45;
	v12 =	vadd.f32 $1.307633520e-01, v12  }
0x1a3: {  	v11 =	vadd.f32 $5.629329960e-07, v11;
	v9 =	vmul.f32 v9, v38;
	v18 =	vmul.f32 $1.442695020e+00, v18  }
0x1a4: {  	v50 =	vld [tilespmem:s20+$0xA080];
	v13 =	vmul.f32 v13, v25;
	v12 =	vmul.f32 v12, v41;
	v49 =	vand.u32 $0x7FFFFFFF, v6  }
0x1a5: {  	v53 =	vld [tilespmem:s20+$0xE080];
	v9 =	vadd.f32 $-2.228347210e-01, v9;
	(erf) = vpow2.f32 v18;
	v18 =	vsub.f32 $0.0e+00, v49  }
0x1a6: {  	v32 =	vld [tilespmem:s20+$0xE100];
	v1 =	vnsel vm0, $0x0, v1;
	v13 =	vadd.f32 $5.629329960e-07, v13;
	v12 =	vadd.f32 $-2.228347210e-01, v12  }
0x1a7: {  	v14 =	vadd.f32 v1, v14;
	v9 =	vmul.f32 v9, v38;
	v51 =	vmul.f32 $1.442695020e+00, v18  }
0x1a8: {  	v11 =	vadd.f32 v11, v20;
	v13 =	vadd.f32 v13, v15;
	v1 =	vmul.f32 v12, v41  }
0x1a9: {  	vm5 =	vgt.f32 v50, $5.000000000e-01;
	v9 =	vadd.f32 $3.269723650e-01, v9;
	(erf) = vpow2.f32 v51  }
0x1aa: {  	v54 =	vmul.f32 v7, v2;
	v11 =	vadd.f32 v13, v11;
	v1 =	vadd.f32 $3.269723650e-01, v1  }
0x1ab: {  	vm8 =	vgt.f32 v53, $5.000000000e-01;
	vm12 =	vgt.f32 v32, $5.000000000e-01;
	v9 =	vmul.f32 v9, v38  }
0x1ac: {  	v10 =	vadd.f32 v28, v10;
	v11 =	vadd.f32 v11, v2;
	v55 =	vmul.f32 v1, v41;
	v1 =	vld [tilespmem:s20+$0x2200]  }
0x1ad: {  	v8 =	vadd.f32 v23, v8;
	v52 =	vsel vm0, $0x3F800000, v0;
	v9 =	vadd.f32 $-4.992063940e-01, v9  }
0x1ae: {  	v63 =	vsub.f32 $0.0e+00, v3;
	vm1 =	vmor vm6, vm7;
	v7 =	vadd.f32 v11, v7  }
0x1af: {  	vm10 =	vgt.f32 v3, $6.000000240e-01;
	v15 =	vnsel vm1, $0x0, v54;
	v9 =	vmul.f32 v9, v38  }
0x1b0: {  	vm0 =	vmand vm5, vm8;
	v18 =	vadd.f32 $-4.992063940e-01, v55;
	v11 =	vpop (erf);
	v7 =	vsub.f32 v7, v15  }
0x1b1: {  	v9 =	vadd.f32 $9.999574420e-01, v9;
	v56 =	vmul.f32 $1.011890170e-02, v11;
	v61 =	vand.u32 $0x7FFFFFFF, v1  }
0x1b2: {  	v57 =	vmul.f32 v18, v41;
	v59 =	vnsel vm0, $0x0, v7;
	v7 =	vld [tilespmem:s20+$0x6200];
	v18 =	vsub.f32 $0.0e+00, v61;
	v60 =	vpop (erf)  }
0x1b3: {  	v24 =	vsub.f32 $0.0e+00, v5;
	v58 =	vadd.f32 $-5.262395370e-02, v56;
	v62 =	vmul.f32 $1.011890170e-02, v60  }
0x1b4: {  	v9 =	vmul.f32 v9, v38;
	v13 =	vadd.f32 $9.999574420e-01, v57;
	v18 =	vmul.f32 $1.442695020e+00, v18  }
0x1b5: {  	v27 =	vmax.f32 v24, $0.0e+00;
	v15 =	vmul.f32 v58, v11;
	v19 =	vadd.f32 $-5.262395370e-02, v62  }
0x1b6: {  	v9 =	vadd.f32 $5.629329960e-07, v9;
	v13 =	vmul.f32 v13, v41;
	(erf) = vpow2.f32 v18  }
0x1b7: {  	v15 =	vadd.f32 $1.307633520e-01, v15;
	v25 =	vand.u32 $0x7FFFFFFF, v7;
	v19 =	vmul.f32 v19, v60  }
0x1b8: {  	v16 =	vmax.f32 v63, $0.0e+00;
	v13 =	vadd.f32 $5.629329960e-07, v13;
	v18 =	vsub.f32 $0.0e+00, v25  }
0x1b9: {  	v26 =	vld [tilespmem:s20+$0xA100];
	v2 =	vnsel vm0, $0x0, v2;
	v15 =	vmul.f32 v15, v11;
	v19 =	vadd.f32 $1.307633520e-01, v19  }
0x1ba: {  	v9 =	vadd.f32 v9, v16;
	v13 =	vadd.f32 v13, v27;
	v28 =	vmul.f32 $1.442695020e+00, v18  }
0x1bb: {  	v29 =	vadd.f32 v2, v14;
	v15 =	vadd.f32 $-2.228347210e-01, v15;
	v2 =	vmul.f32 v19, v60  }
0x1bc: {  	vm11 =	vlt.f32 v3, $4.000000060e-01;
	v9 =	vadd.f32 v13, v9;
	(erf) = vpow2.f32 v28  }
0x1bd: {  	v33 =	vmul.f32 v5, v3;
	v15 =	vmul.f32 v15, v11;
	v2 =	vadd.f32 $-2.228347210e-01, v2  }
0x1be: {  	vm9 =	vgt.f32 v26, $5.000000000e-01;
	v8 =	vadd.f32 v43, v8;
	v9 =	vadd.f32 v9, v3  }
0x1bf: {  	v31 =	vsel vm0, $0x3F800000, v0;
	v30 =	vadd.f32 $3.269723650e-01, v15;
	v34 =	vpop (erf);
	v2 =	vmul.f32 v2, v60  }
0x1c0: {  	vm1 =	vmor vm10, vm11;
	v5 =	vadd.f32 v9, v5;
	v36 =	vmul.f32 $1.011890170e-02, v34  }
0x1c1: {  	v16 =	vnsel vm1, $0x0, v33;
	v13 =	vmul.f32 v30, v11;
	v35 =	vadd.f32 $3.269723650e-01, v2  }
0x1c2: {  	vm0 =	vmand vm9, vm12;
	v5 =	vsub.f32 v5, v16;
	v2 =	vld [tilespmem:s20+$0x2280];
	v38 =	vadd.f32 $-5.262395370e-02, v36  }
0x1c3: {  	v8 =	vadd.f32 v59, v8;
	v9 =	vadd.f32 $-4.992063940e-01, v13;
	v37 =	vmul.f32 v35, v60  }
0x1c4: {  	v5 =	vnsel vm0, $0x0, v5;
	v39 =	vmul.f32 v38, v34  }
0x1c5: {  	v5 =	vadd.f32 v5, v8;
	v9 =	vmul.f32 v9, v11;
	v40 =	vpop (erf);
	v8 =	vadd.f32 $-4.992063940e-01, v37  }
0x1c6: {  	v44 =	vsub.f32 $0.0e+00, v6;
	v41 =	vmul.f32 $1.011890170e-02, v40;
	v14 =	vadd.f32 $1.307633520e-01, v39  }
0x1c7: {  	v9 =	vadd.f32 $9.999574420e-01, v9;
	v43 =	vand.u32 $0x7FFFFFFF, v2;
	v42 =	vmul.f32 v8, v60;
	v8 =	vld [tilespmem:s20+$0x6280]  }
0x1c8: {  	v16 =	vadd.f32 $-5.262395370e-02, v41;
	v19 =	vsub.f32 $0.0e+00, v43;
	v14 =	vmul.f32 v14, v34  }
0x1c9: {  	v9 =	vmul.f32 v9, v11;
	v11 =	vsub.f32 $0.0e+00, v4;
	v18 =	vadd.f32 $9.999574420e-01, v42  }
0x1ca: {  	v16 =	vmul.f32 v16, v40;
	v19 =	vmul.f32 $1.442695020e+00, v19;
	v14 =	vadd.f32 $-2.228347210e-01, v14  }
0x1cb: {  	v50 =	vld [tilespmem:s29+$0xC000];
	v9 =	vadd.f32 $5.629329960e-07, v9;
	v11 =	vmax.f32 v11, $0.0e+00;
	v17 =	vmul.f32 v18, v60  }
0x1cc: {  	v16 =	vadd.f32 $1.307633520e-01, v16;
	(erf) = vpow2.f32 v19;
	v45 =	vand.u32 $0x7FFFFFFF, v8  }
0x1cd: {  	v14 =	vmul.f32 v14, v34;
	v17 =	vadd.f32 $5.629329960e-07, v17;
	v19 =	vsub.f32 $0.0e+00, v45  }
0x1ce: {  	v9 =	vadd.f32 v9, v11;
	v11 =	vmax.f32 v44, $0.0e+00;
	v16 =	vmul.f32 v16, v40  }
0x1cf: {  	v46 =	vld [tilespmem:s29+$0x8000];
	v14 =	vadd.f32 $3.269723650e-01, v14;
	v11 =	vadd.f32 v17, v11;
	v47 =	vmul.f32 $1.442695020e+00, v19  }
0x1d0: {  	vm4 =	vgt.f32 v50, $5.000000000e-01;
	v10 =	vadd.f32 v52, v10;
	v48 =	vadd.f32 $-2.228347210e-01, v16  }
0x1d1: {  	v9 =	vadd.f32 v11, v9;
	v11 =	vmul.f32 v14, v34;
	(erf) = vpow2.f32 v47  }
0x1d2: {  	vm14 =	vgt.f32 v4, $6.000000240e-01;
	v10 =	vadd.f32 v31, v10;
	v12 =	vmul.f32 v48, v40  }
0x1d3: {  	vm15 =	vlt.f32 v4, $4.000000060e-01;
	v9 =	vadd.f32 v9, v4;
	v11 =	vadd.f32 $-4.992063940e-01, v11  }
0x1d4: {  	vm13 =	vgt.f32 v46, $5.000000000e-01;
	v51 =	vmul.f32 v6, v4;
	v12 =	vadd.f32 $3.269723650e-01, v12  }
0x1d5: {  	vm1 =	vmor vm14, vm15;
	v6 =	vadd.f32 v9, v6;
	v9 =	vmul.f32 v11, v34  }
0x1d6: {  	v49 =	vsel vm0, $0x3F800000, v0;
	v17 =	vnsel vm1, $0x0, v51;
	v12 =	vmul.f32 v12, v40  }
0x1d7: {  	v3 =	vnsel vm0, $0x0, v3;
	v11 =	vpop (erf);
	v53 =	vsub.f32 v6, v17;
	v9 =	vadd.f32 $9.999574420e-01, v9;
	v6 =	vld [tilespmem:s20+$0x2300]  }
0x1d8: {  	vm0 =	vmand vm13, vm4;
	v12 =	vadd.f32 $-4.992063940e-01, v12;
	v52 =	vmul.f32 $1.011890170e-02, v11  }
0x1d9: {  	v58 =	vsub.f32 $0.0e+00, v1;
	v55 =	vnsel vm0, $0x0, v53;
	v13 =	vmul.f32 v9, v34  }
0x1da: {  	v9 =	vld [tilespmem:s20+$0x6300];
	v54 =	vadd.f32 $-5.262395370e-02, v52;
	v14 =	vadd.f32 v55, v5;
	v5 =	vmul.f32 v12, v40;
	v57 =	vpop (erf)  }
0x1db: {  	v61 =	vsub.f32 $0.0e+00, v7;
	v3 =	vadd.f32 v3, v29;
	v59 =	vmul.f32 $1.011890170e-02, v57  }
0x1dc: {  	v56 =	vmul.f32 v54, v11;
	v5 =	vadd.f32 $9.999574420e-01, v5;
	v60 =	vand.u32 $0x7FFFFFFF, v6  }
0x1dd: {  	v18 =	vadd.f32 $-5.262395370e-02, v59;
	v19 =	vsub.f32 $0.0e+00, v60  }
0x1de: {  	v15 =	vmax.f32 v61, $0.0e+00;
	v12 =	vadd.f32 $1.307633520e-01, v56;
	v5 =	vmul.f32 v5, v40  }
0x1df: {  	v62 =	vand.u32 $0x7FFFFFFF, v9;
	v18 =	vmul.f32 v18, v57;
	v19 =	vmul.f32 $1.442695020e+00, v19  }
0x1e0: {  	v13 =	vadd.f32 $5.629329960e-07, v13;
	v20 =	vsub.f32 $0.0e+00, v62;
	v12 =	vmul.f32 v12, v11  }
0x1e1: {  	v63 =	vld [tilespmem:s20+$0xA200];
	v5 =	vadd.f32 $5.629329960e-07, v5;
	v18 =	vadd.f32 $1.307633520e-01, v18;
	(erf) = vpow2.f32 v19  }
0x1e2: {  	v17 =	vmax.f32 v58, $0.0e+00;
	v23 =	vmul.f32 $1.442695020e+00, v20;
	v12 =	vadd.f32 $-2.228347210e-01, v12  }
0x1e3: {  	v13 =	vadd.f32 v13, v17;
	v5 =	vadd.f32 v5, v15;
	v24 =	vmul.f32 v18, v57  }
0x1e4: {  	v25 =	vld [tilespmem:s20+$0xE200];
	v4 =	vnsel vm0, $0x0, v4;
	(erf) = vpow2.f32 v23;
	v12 =	vmul.f32 v12, v11  }
0x1e5: {  	v3 =	vadd.f32 v4, v3;
	v5 =	vadd.f32 v5, v13  }
0x1e6: {  	vm5 =	vgt.f32 v63, $5.000000000e-01;
	v26 =	vadd.f32 $-2.228347210e-01, v24;
	v4 =	vadd.f32 $3.269723650e-01, v12  }
0x1e7: {  	vm6 =	vgt.f32 v1, $6.000000240e-01;
	v28 =	vmul.f32 v7, v1;
	v5 =	vadd.f32 v5, v1  }
0x1e8: {  	vm7 =	vlt.f32 v1, $4.000000060e-01;
	v13 =	vmul.f32 v26, v57;
	v4 =	vmul.f32 v4, v11  }
0x1e9: {  	vm8 =	vgt.f32 v25, $5.000000000e-01;
	v42 =	vsub.f32 $0.0e+00, v8;
	v5 =	vadd.f32 v5, v7  }
0x1ea: {  	v27 =	vsel vm0, $0x3F800000, v0;
	v7 =	vadd.f32 $3.269723650e-01, v13;
	v4 =	vadd.f32 $-4.992063940e-01, v4;
	v30 =	vpop (erf)  }
0x1eb: {  	vm1 =	vmor vm6, vm7;
	v16 =	vmax.f32 v42, $0.0e+00;
	v31 =	vmul.f32 $1.011890170e-02, v30  }
0x1ec: {  	s30 =	sor.u32 $0x2380, s25;
	v29 =	vnsel vm1, $0x0, v28;
	v7 =	vmul.f32 v7, v57;
	v4 =	vmul.f32 v4, v11  }
0x1ed: {  	vm0 =	vmand vm5, vm8;
	v12 =	vsub.f32 v5, v29;
	v5 =	vld [tilespmem:s30+$0x0];
	v33 =	vpop (erf);
	v32 =	vadd.f32 $-5.262395370e-02, v31  }
0x1ee: {  	v7 =	vadd.f32 $-4.992063940e-01, v7;
	v35 =	vmul.f32 $1.011890170e-02, v33;
	v4 =	vadd.f32 $9.999574420e-01, v4  }
0x1ef: {  	v34 =	vsub.f32 $0.0e+00, v2;
	v12 =	vnsel vm0, $0x0, v12;
	v36 =	vmul.f32 v32, v30  }
0x1f0: {  	v7 =	vmul.f32 v7, v57;
	v38 =	vadd.f32 $-5.262395370e-02, v35;
	v11 =	vmul.f32 v4, v11;
	v4 =	vld [tilespmem:s30+$0x4000]  }
0x1f1: {  	v37 =	vmax.f32 v34, $0.0e+00;
	v12 =	vadd.f32 v12, v14;
	v14 =	vadd.f32 $1.307633520e-01, v36  }
0x1f2: {  	v39 =	vand.u32 $0x7FFFFFFF, v5;
	v7 =	vadd.f32 $9.999574420e-01, v7;
	v40 =	vmul.f32 v38, v33  }
0x1f3: {  	v1 =	vnsel vm0, $0x0, v1;
	v41 =	vsub.f32 $0.0e+00, v39;
	v14 =	vmul.f32 v14, v30  }
0x1f4: {  	v11 =	vadd.f32 $5.629329960e-07, v11;
	v7 =	vmul.f32 v7, v57;
	v15 =	vadd.f32 $1.307633520e-01, v40  }
0x1f5: {  	v18 =	vmul.f32 $1.442695020e+00, v41;
	v43 =	vand.u32 $0x7FFFFFFF, v4;
	v14 =	vadd.f32 $-2.228347210e-01, v14  }
0x1f6: {  	v7 =	vadd.f32 $5.629329960e-07, v7;
	v15 =	vmul.f32 v15, v33;
	v19 =	vsub.f32 $0.0e+00, v43  }
0x1f7: {  	v11 =	vadd.f32 v11, v37;
	(erf) = vpow2.f32 v18;
	v14 =	vmul.f32 v14, v30  }
0x1f8: {  	v7 =	vadd.f32 v7, v16;
	v15 =	vadd.f32 $-2.228347210e-01, v15;
	v45 =	vmul.f32 $1.442695020e+00, v19  }
0x1f9: {  	v44 =	vld [tilespmem:s20+$0xA280];
	v1 =	vadd.f32 v1, v3;
	v14 =	vadd.f32 $3.269723650e-01, v14  }
0x1fa: {  	v3 =	vld [tilespmem:s20+$0xE280];
	v7 =	vadd.f32 v7, v11;
	v11 =	vmul.f32 v15, v33;
	(erf) = vpow2.f32 v45  }
0x1fb: {  	vm10 =	vgt.f32 v2, $6.000000240e-01;
	vm11 =	vlt.f32 v2, $4.000000060e-01  }
0x1fc: {  	v14 =	vmul.f32 v14, v30;
	v7 =	vadd.f32 v7, v2;
	v11 =	vadd.f32 $3.269723650e-01, v11  }
0x1fd: {  	v10 =	vadd.f32 v49, v10;
	vm1 =	vmor vm10, vm11;
	v47 =	vmul.f32 v8, v2  }
0x1fe: {  	v14 =	vadd.f32 $-4.992063940e-01, v14;
	v7 =	vadd.f32 v7, v8;
	v8 =	vmul.f32 v11, v33  }
0x1ff: {  	vm9 =	vgt.f32 v44, $5.000000000e-01;
	vm12 =	vgt.f32 v3, $5.000000000e-01;
	v3 =	vnsel vm1, $0x0, v47  }
0x200: {  	v48 =	vpop (erf);
	v11 =	vmul.f32 v14, v30;
	v3 =	vsub.f32 v7, v3;
	v7 =	vadd.f32 $-4.992063940e-01, v8  }
0x201: {  	v46 =	vsel vm0, $0x3F800000, v0;
	vm0 =	vmand vm9, vm12;
	v8 =	vmul.f32 $1.011890170e-02, v48  }
0x202: {  	v11 =	vadd.f32 $9.999574420e-01, v11;
	v3 =	vnsel vm0, $0x0, v3;
	v7 =	vmul.f32 v7, v33  }
0x203: {  	v8 =	vadd.f32 $-5.262395370e-02, v8;
	v12 =	vadd.f32 v3, v12;
	v3 =	vld [tilespmem:s20+$0x3000];
	v49 =	vpop (erf)  }
0x204: {  	v7 =	vadd.f32 $9.999574420e-01, v7;
	v50 =	vmul.f32 $1.011890170e-02, v49  }
0x205: {  	v51 =	vsub.f32 $0.0e+00, v6;
	v11 =	vmul.f32 v11, v30;
	v8 =	vmul.f32 v8, v48  }
0x206: {  	v53 =	vsub.f32 $0.0e+00, v9;
	v7 =	vmul.f32 v7, v33;
	v13 =	vadd.f32 $-5.262395370e-02, v50  }
0x207: {  	v16 =	vmax.f32 v51, $0.0e+00;
	v11 =	vadd.f32 $5.629329960e-07, v11;
	v8 =	vadd.f32 $1.307633520e-01, v8  }
0x208: {  	v54 =	vadd.f32 $5.629329960e-07, v7;
	v7 =	vld [tilespmem:s20+$0x7000];
	v55 =	vand.u32 $0x7FFFFFFF, v3;
	v13 =	vmul.f32 v13, v49  }
0x209: {  	v2 =	vnsel vm0, $0x0, v2;
	v11 =	vadd.f32 v11, v16;
	v19 =	vsub.f32 $0.0e+00, v55  }
0x20a: {  	v8 =	vmul.f32 v8, v48;
	v16 =	vmax.f32 v53, $0.0e+00;
	v13 =	vadd.f32 $1.307633520e-01, v13  }
0x20b: {  	v56 =	vadd.f32 v2, v1;
	v16 =	vadd.f32 v54, v16;
	v2 =	vmul.f32 $1.442695020e+00, v19  }
0x20c: {  	v10 =	vadd.f32 v27, v10;
	v8 =	vadd.f32 $-2.228347210e-01, v8;
	v1 =	vmul.f32 v13, v49  }
0x20d: {  	v11 =	vadd.f32 v16, v11;
	(erf) = vpow2.f32 v2;
	v2 =	vand.u32 $0x7FFFFFFF, v7  }
0x20e: {  	v2 =	vsub.f32 $0.0e+00, v2;
	v1 =	vadd.f32 $-2.228347210e-01, v1  }
0x20f: {  	v52 =	vld [tilespmem:s20+$0xA300];
	vm14 =	vgt.f32 v6, $6.000000240e-01;
	vm15 =	vlt.f32 v6, $4.000000060e-01;
	v8 =	vmul.f32 v8, v48  }
0x210: {  	v57 =	vld [tilespmem:s20+$0xE300];
	v11 =	vadd.f32 v11, v6;
	v2 =	vmul.f32 $1.442695020e+00, v2;
	v1 =	vmul.f32 v1, v49  }
0x211: {  	vm2 =	vmor vm14, vm15;
	v58 =	vmul.f32 v9, v6;
	v8 =	vadd.f32 $3.269723650e-01, v8  }
0x212: {  	v9 =	vadd.f32 v11, v9;
	(erf) = vpow2.f32 v2;
	v11 =	vadd.f32 $3.269723650e-01, v1  }
0x213: {  	v16 =	vnsel vm2, $0x0, v58;
	v8 =	vmul.f32 v8, v48;
	v1 =	vld [tilespmem:s20+$0x3080]  }
0x214: {  	v10 =	vadd.f32 v46, v10;
	v2 =	vsub.f32 v9, v16;
	v9 =	vmul.f32 v11, v49  }
0x215: {  	vm13 =	vgt.f32 v52, $5.000000000e-01;
	vm6 =	vgt.f32 v57, $5.000000000e-01;
	v8 =	vadd.f32 $-4.992063940e-01, v8  }
0x216: {  	vm7 =	vmand vm13, vm6;
	v11 =	vsel vm0, $0x3F800000, v0;
	v9 =	vadd.f32 $-4.992063940e-01, v9  }
0x217: {  	v8 =	vmul.f32 v8, v48;
	v10 =	vadd.f32 v11, v10;
	v11 =	vnsel vm7, $0x0, v2;
	v2 =	vld [tilespmem:s20+$0x7080]  }
0x218: {  	v26 =	vsub.f32 $0.0e+00, v5;
	v59 =	vpop (erf);
	v61 =	vand.u32 $0x7FFFFFFF, v1;
	v9 =	vmul.f32 v9, v49  }
0x219: {  	v8 =	vadd.f32 $9.999574420e-01, v8;
	v60 =	vmul.f32 $1.011890170e-02, v59;
	v62 =	vsub.f32 $0.0e+00, v61  }
0x21a: {  	v18 =	vmax.f32 v26, $0.0e+00;
	v28 =	vsub.f32 $0.0e+00, v4;
	v9 =	vadd.f32 $9.999574420e-01, v9  }
0x21b: {  	v8 =	vmul.f32 v8, v48;
	v13 =	vadd.f32 $-5.262395370e-02, v60;
	v14 =	vmul.f32 $1.442695020e+00, v62;
	v25 =	vpop (erf)  }
0x21c: {  	v46 =	vld [tilespmem:s20+$0xB000];
	v24 =	vand.u32 $0x7FFFFFFF, v2;
	v27 =	vmul.f32 $1.011890170e-02, v25;
	v9 =	vmul.f32 v9, v49  }
0x21d: {  	v29 =	vld [tilespmem:s30+$0x8000];
	v8 =	vadd.f32 $5.629329960e-07, v8;
	v13 =	vmul.f32 v13, v59;
	v17 =	vsub.f32 $0.0e+00, v24  }
0x21e: {  	(erf) = vpow2.f32 v14;
	v19 =	vadd.f32 $-5.262395370e-02, v27;
	v9 =	vadd.f32 $5.629329960e-07, v9  }
0x21f: {  	v31 =	vld [tilespmem:s30+$0xC000];
	v13 =	vadd.f32 $1.307633520e-01, v13;
	v14 =	vmax.f32 v28, $0.0e+00;
	v17 =	vmul.f32 $1.442695020e+00, v17  }
0x220: {  	v8 =	vadd.f32 v8, v18;
	v30 =	vmul.f32 v19, v25;
	v9 =	vadd.f32 v9, v14  }
0x221: {  	v47 =	vld [tilespmem:s20+$0xF000];
	vm12 =	vgt.f32 v46, $5.000000000e-01;
	v13 =	vmul.f32 v13, v59;
	(erf) = vpow2.f32 v17  }
0x222: {  	vm8 =	vgt.f32 v29, $5.000000000e-01;
	v8 =	vadd.f32 v9, v8;
	v9 =	vadd.f32 $1.307633520e-01, v30  }
0x223: {  	vm9 =	vgt.f32 v5, $6.000000240e-01;
	vm10 =	vlt.f32 v5, $4.000000060e-01;
	v13 =	vadd.f32 $-2.228347210e-01, v13  }
0x224: {  	vm1 =	vmor vm9, vm10;
	vm11 =	vgt.f32 v31, $5.000000000e-01;
	v9 =	vmul.f32 v9, v25  }
0x225: {  	v32 =	vmul.f32 v4, v5;
	v13 =	vmul.f32 v13, v59;
	v8 =	vadd.f32 v8, v5  }
0x226: {  	vm13 =	vgt.f32 v47, $5.000000000e-01;
	vm14 =	vgt.f32 v3, $6.000000240e-01;
	v9 =	vadd.f32 $-2.228347210e-01, v9  }
0x227: {  	v6 =	vnsel vm7, $0x0, v6;
	v13 =	vadd.f32 $3.269723650e-01, v13;
	v33 =	vpop (erf);
	v8 =	vadd.f32 v8, v4  }
0x228: {  	v14 =	vnsel vm1, $0x0, v32;
	v34 =	vmul.f32 $1.011890170e-02, v33;
	v4 =	vld [tilespmem:s20+$0x3100];
	v9 =	vmul.f32 v9, v25  }
0x229: {  	v6 =	vadd.f32 v6, v56;
	v13 =	vmul.f32 v13, v59;
	v8 =	vsub.f32 v8, v14  }
0x22a: {  	vm0 =	vmand vm8, vm11;
	v35 =	vadd.f32 $-5.262395370e-02, v34;
	v36 =	vpop (erf);
	v9 =	vadd.f32 $3.269723650e-01, v9  }
0x22b: {  	v11 =	vadd.f32 v11, v12;
	v13 =	vadd.f32 $-4.992063940e-01, v13;
	v37 =	vmul.f32 $1.011890170e-02, v36  }
0x22c: {  	v8 =	vnsel vm0, $0x0, v8;
	v14 =	vmul.f32 v35, v33;
	v9 =	vmul.f32 v9, v25  }
0x22d: {  	v11 =	vadd.f32 v8, v11;
	v38 =	vadd.f32 $-5.262395370e-02, v37;
	v39 =	vand.u32 $0x7FFFFFFF, v4  }
0x22e: {  	v63 =	vsel vm7, $0x3F800000, v0;
	v14 =	vadd.f32 $1.307633520e-01, v14;
	v40 =	vadd.f32 $-4.992063940e-01, v9;
	v9 =	vld [tilespmem:s20+$0x7100]  }
0x22f: {  	v8 =	vmul.f32 v13, v59;
	v18 =	vsub.f32 $0.0e+00, v39;
	v13 =	vmul.f32 v38, v36  }
0x230: {  	v48 =	vsub.f32 $0.0e+00, v3;
	v5 =	vnsel vm0, $0x0, v5;
	v14 =	vmul.f32 v14, v33  }
0x231: {  	v6 =	vadd.f32 v5, v6;
	v41 =	vmul.f32 $1.442695020e+00, v18;
	v5 =	vadd.f32 $1.307633520e-01, v13  }
0x232: {  	v8 =	vadd.f32 $9.999574420e-01, v8;
	v42 =	vmul.f32 v40, v25;
	v14 =	vadd.f32 $-2.228347210e-01, v14  }
0x233: {  	(erf) = vpow2.f32 v41;
	v5 =	vmul.f32 v5, v36;
	v45 =	vand.u32 $0x7FFFFFFF, v9  }
0x234: {  	v44 =	vmul.f32 v14, v33;
	v12 =	vadd.f32 $9.999574420e-01, v42;
	v14 =	vsub.f32 $0.0e+00, v45  }
0x235: {  	v20 =	vmax.f32 v48, $0.0e+00;
	v8 =	vmul.f32 v8, v59;
	v5 =	vadd.f32 $-2.228347210e-01, v5  }
0x236: {  	v13 =	vadd.f32 $3.269723650e-01, v44;
	v12 =	vmul.f32 v12, v25;
	v14 =	vmul.f32 $1.442695020e+00, v14  }
0x237: {  	v49 =	vsub.f32 $0.0e+00, v7;
	v8 =	vadd.f32 $5.629329960e-07, v8;
	v5 =	vmul.f32 v5, v36  }
0x238: {  	v13 =	vmul.f32 v13, v33;
	v12 =	vadd.f32 $5.629329960e-07, v12;
	(erf) = vpow2.f32 v14  }
0x239: {  	v15 =	vmax.f32 v49, $0.0e+00;
	v8 =	vadd.f32 v8, v20;
	v5 =	vadd.f32 $3.269723650e-01, v5  }
0x23a: {  	vm15 =	vlt.f32 v3, $4.000000060e-01;
	v13 =	vadd.f32 $-4.992063940e-01, v13;
	v12 =	vadd.f32 v12, v15  }
0x23b: {  	vm2 =	vmor vm14, vm15;
	v53 =	vmul.f32 v7, v3;
	v5 =	vmul.f32 v5, v36  }
0x23c: {  	v10 =	vadd.f32 v63, v10;
	v50 =	vpop (erf);
	v13 =	vmul.f32 v13, v33;
	v8 =	vadd.f32 v12, v8  }
0x23d: {  	v54 =	vsub.f32 $0.0e+00, v1;
	v51 =	vmul.f32 $1.011890170e-02, v50;
	v5 =	vadd.f32 $-4.992063940e-01, v5  }
0x23e: {  	s21 =	sor.u32 $0x3180, s21;
	v43 =	vsel vm0, $0x3F800000, v0;
	v13 =	vadd.f32 $9.999574420e-01, v13;
	v8 =	vadd.f32 v8, v3  }
0x23f: {  	v10 =	vadd.f32 v43, v10;
	v12 =	vadd.f32 $-5.262395370e-02, v51;
	v52 =	vmul.f32 v5, v36;
	v5 =	vld [tilespmem:s21+$0x0]  }
0x240: {  	v58 =	vsub.f32 $0.0e+00, v2;
	v13 =	vmul.f32 v13, v33;
	v7 =	vadd.f32 v8, v7;
	v8 =	vld [tilespmem:s21+$0x4000]  }
0x241: {  	v17 =	vmax.f32 v54, $0.0e+00;
	v18 =	vnsel vm2, $0x0, v53;
	v12 =	vmul.f32 v12, v50;
	v55 =	vpop (erf)  }
0x242: {  	v15 =	vadd.f32 $9.999574420e-01, v52;
	v13 =	vadd.f32 $5.629329960e-07, v13;
	v56 =	vmul.f32 $1.011890170e-02, v55  }
0x243: {  	v19 =	vmax.f32 v58, $0.0e+00;
	v12 =	vadd.f32 $1.307633520e-01, v12;
	v7 =	vsub.f32 v7, v18  }
0x244: {  	v13 =	vadd.f32 v13, v17;
	v57 =	vand.u32 $0x7FFFFFFF, v5;
	v17 =	vadd.f32 $-5.262395370e-02, v56  }
0x245: {  	v15 =	vmul.f32 v15, v36;
	v18 =	vsub.f32 $0.0e+00, v57;
	v59 =	vand.u32 $0x7FFFFFFF, v8  }
0x246: {  	vm0 =	vmand vm12, vm13;
	v20 =	vsub.f32 $0.0e+00, v59;
	v17 =	vmul.f32 v17, v55  }
0x247: {  	v12 =	vmul.f32 v12, v50;
	v15 =	vadd.f32 $5.629329960e-07, v15;
	v18 =	vmul.f32 $1.442695020e+00, v18  }
0x248: {  	v3 =	vnsel vm0, $0x0, v3;
	v60 =	vmul.f32 $1.442695020e+00, v20;
	v17 =	vadd.f32 $1.307633520e-01, v17  }
0x249: {  	v61 =	vld [tilespmem:s20+$0xB080];
	v12 =	vadd.f32 $-2.228347210e-01, v12;
	v15 =	vadd.f32 v15, v19;
	(erf) = vpow2.f32 v18  }
0x24a: {  	v3 =	vadd.f32 v3, v6;
	(erf) = vpow2.f32 v60;
	v62 =	vmul.f32 v17, v55  }
0x24b: {  	v7 =	vnsel vm0, $0x0, v7;
	v12 =	vmul.f32 v12, v50;
	v13 =	vadd.f32 v15, v13  }
0x24c: {  	vm6 =	vgt.f32 v1, $6.000000240e-01;
	v6 =	vld [tilespmem:s20+$0xF080];
	v7 =	vadd.f32 v7, v11;
	v19 =	vadd.f32 $-2.228347210e-01, v62  }
0x24d: {  	vm7 =	vlt.f32 v1, $4.000000060e-01;
	v11 =	vadd.f32 $3.269723650e-01, v12;
	v63 =	vadd.f32 v13, v1  }
0x24e: {  	vm8 =	vgt.f32 v61, $5.000000000e-01;
	v20 =	vmul.f32 v2, v1;
	v21 =	vmul.f32 v19, v55  }
0x24f: {  	vm1 =	vmor vm6, vm7;
	v11 =	vmul.f32 v11, v50;
	v2 =	vadd.f32 v63, v2  }
0x250: {  	v28 =	vsub.f32 $0.0e+00, v4;
	v22 =	vnsel vm1, $0x0, v20;
	v12 =	vadd.f32 $3.269723650e-01, v21  }
0x251: {  	vm9 =	vgt.f32 v6, $5.000000000e-01;
	v11 =	vadd.f32 $-4.992063940e-01, v11;
	v6 =	vsub.f32 v2, v22;
	v2 =	vld [tilespmem:s20+$0x3200]  }
0x252: {  	v32 =	vsub.f32 $0.0e+00, v9;
	vm10 =	vmand vm8, vm9;
	v24 =	vpop (erf);
	v12 =	vmul.f32 v12, v55  }
0x253: {  	v11 =	vmul.f32 v11, v50;
	v6 =	vnsel vm10, $0x0, v6;
	v25 =	vmul.f32 $1.011890170e-02, v24;
	v27 =	vpop (erf)  }
0x254: {  	v7 =	vadd.f32 v6, v7;
	v6 =	vld [tilespmem:s20+$0x7200];
	v29 =	vmul.f32 $1.011890170e-02, v27;
	v12 =	vadd.f32 $-4.992063940e-01, v12  }
0x255: {  	v11 =	vadd.f32 $9.999574420e-01, v11;
	v26 =	vadd.f32 $-5.262395370e-02, v25  }
0x256: {  	v30 =	vand.u32 $0x7FFFFFFF, v2;
	v18 =	vadd.f32 $-5.262395370e-02, v29;
	v12 =	vmul.f32 v12, v55  }
0x257: {  	v17 =	vmax.f32 v28, $0.0e+00;
	v19 =	vsub.f32 $0.0e+00, v30;
	v13 =	vmul.f32 v26, v24  }
0x258: {  	v11 =	vmul.f32 v11, v50;
	v18 =	vmul.f32 v18, v27;
	v12 =	vadd.f32 $9.999574420e-01, v12  }
0x259: {  	v19 =	vmul.f32 $1.442695020e+00, v19;
	v31 =	vand.u32 $0x7FFFFFFF, v6;
	v13 =	vadd.f32 $1.307633520e-01, v13  }
0x25a: {  	v20 =	vsub.f32 $0.0e+00, v31;
	v18 =	vadd.f32 $1.307633520e-01, v18;
	v12 =	vmul.f32 v12, v55  }
0x25b: {  	v11 =	vadd.f32 $5.629329960e-07, v11;
	(erf) = vpow2.f32 v19;
	v13 =	vmul.f32 v13, v24  }
0x25c: {  	v34 =	vmul.f32 $1.442695020e+00, v20;
	v18 =	vmul.f32 v18, v27;
	v12 =	vadd.f32 $5.629329960e-07, v12  }
0x25d: {  	v16 =	vmax.f32 v32, $0.0e+00;
	v11 =	vadd.f32 v11, v17;
	v13 =	vadd.f32 $-2.228347210e-01, v13  }
0x25e: {  	v35 =	vld [tilespmem:s20+$0xF100];
	(erf) = vpow2.f32 v34;
	v36 =	vadd.f32 $-2.228347210e-01, v18;
	v12 =	vadd.f32 v12, v16  }
0x25f: {  	v23 =	vsel vm0, $0x3F800000, v0;
	v1 =	vnsel vm10, $0x0, v1;
	v13 =	vmul.f32 v13, v24  }
0x260: {  	v33 =	vld [tilespmem:s20+$0xB100];
	v3 =	vadd.f32 v1, v3;
	v37 =	vmul.f32 v36, v27;
	v1 =	vadd.f32 v12, v11  }
0x261: {  	vm12 =	vgt.f32 v4, $6.000000240e-01;
	v10 =	vadd.f32 v23, v10;
	v11 =	vadd.f32 $3.269723650e-01, v13  }
0x262: {  	vm13 =	vlt.f32 v4, $4.000000060e-01;
	v12 =	vadd.f32 $3.269723650e-01, v37;
	v1 =	vadd.f32 v1, v4  }
0x263: {  	vm2 =	vmor vm12, vm13;
	vm14 =	vgt.f32 v35, $5.000000000e-01;
	v11 =	vmul.f32 v11, v24  }
0x264: {  	v38 =	vmul.f32 v9, v4;
	v12 =	vmul.f32 v12, v27;
	v1 =	vadd.f32 v1, v9;
	v9 =	vpop (erf)  }
0x265: {  	v53 =	vld [tilespmem:s21+$0xC000];
	vm11 =	vgt.f32 v33, $5.000000000e-01;
	v11 =	vadd.f32 $-4.992063940e-01, v11;
	v39 =	vmul.f32 $1.011890170e-02, v9  }
0x266: {  	v46 =	vsub.f32 $0.0e+00, v8;
	v13 =	vnsel vm2, $0x0, v38;
	v12 =	vadd.f32 $-4.992063940e-01, v12  }
0x267: {  	v42 =	vpop (erf);
	v1 =	vsub.f32 v1, v13;
	v11 =	vmul.f32 v11, v24;
	v41 =	vadd.f32 $-5.262395370e-02, v39  }
0x268: {  	vm15 =	vmand vm11, vm14;
	v43 =	vmul.f32 $1.011890170e-02, v42;
	v12 =	vmul.f32 v12, v27  }
0x269: {  	v1 =	vnsel vm15, $0x0, v1;
	v11 =	vadd.f32 $9.999574420e-01, v11;
	v13 =	vmul.f32 v41, v9  }
0x26a: {  	vm7 =	vgt.f32 v53, $5.000000000e-01;
	v44 =	vadd.f32 v1, v7;
	v7 =	vadd.f32 $-5.262395370e-02, v43;
	v1 =	vld [tilespmem:s20+$0x3280]  }
0x26b: {  	v4 =	vnsel vm15, $0x0, v4;
	v12 =	vadd.f32 $9.999574420e-01, v12;
	v13 =	vadd.f32 $1.307633520e-01, v13  }
0x26c: {  	v4 =	vadd.f32 v4, v3;
	v11 =	vmul.f32 v11, v24;
	v45 =	vmul.f32 v7, v42  }
0x26d: {  	v3 =	vsub.f32 $0.0e+00, v5;
	v12 =	vmul.f32 v12, v27;
	v13 =	vmul.f32 v13, v9  }
0x26e: {  	v14 =	vmax.f32 v46, $0.0e+00;
	v7 =	vld [tilespmem:s20+$0x7280];
	v11 =	vadd.f32 $5.629329960e-07, v11;
	v15 =	vadd.f32 $1.307633520e-01, v45  }
0x26f: {  	v12 =	vadd.f32 $5.629329960e-07, v12;
	v47 =	vand.u32 $0x7FFFFFFF, v1;
	v13 =	vadd.f32 $-2.228347210e-01, v13  }
0x270: {  	v3 =	vmax.f32 v3, $0.0e+00;
	v15 =	vmul.f32 v15, v42;
	v17 =	vsub.f32 $0.0e+00, v47  }
0x271: {  	v3 =	vadd.f32 v11, v3;
	v11 =	vadd.f32 v12, v14;
	v48 =	vmul.f32 v13, v9  }
0x272: {  	vm4 =	vgt.f32 v5, $6.000000240e-01;
	v49 =	vadd.f32 $-2.228347210e-01, v15;
	v50 =	vmul.f32 $1.442695020e+00, v17  }
0x273: {  	v51 =	vand.u32 $0x7FFFFFFF, v7;
	v3 =	vadd.f32 v11, v3;
	v12 =	vadd.f32 $3.269723650e-01, v48  }
0x274: {  	v15 =	vsub.f32 $0.0e+00, v51;
	v11 =	vmul.f32 v49, v42;
	(erf) = vpow2.f32 v50  }
0x275: {  	v52 =	vld [tilespmem:s21+$0x8000];
	vm5 =	vlt.f32 v5, $4.000000060e-01;
	v40 =	vsel vm10, $0x3F800000, v0;
	v12 =	vmul.f32 v12, v9  }
0x276: {  	v3 =	vadd.f32 v3, v5;
	v54 =	vmul.f32 $1.442695020e+00, v15;
	v11 =	vadd.f32 $3.269723650e-01, v11  }
0x277: {  	vm1 =	vmor vm4, vm5;
	v55 =	vmul.f32 v8, v5;
	v12 =	vadd.f32 $-4.992063940e-01, v12  }
0x278: {  	v3 =	vadd.f32 v3, v8;
	(erf) = vpow2.f32 v54;
	v8 =	vmul.f32 v11, v42  }
0x279: {  	v10 =	vadd.f32 v40, v10;
	v11 =	vnsel vm1, $0x0, v55;
	v12 =	vmul.f32 v12, v9  }
0x27a: {  	vm6 =	vgt.f32 v52, $5.000000000e-01;
	v3 =	vsub.f32 v3, v11;
	v8 =	vadd.f32 $-4.992063940e-01, v8  }
0x27b: {  	vm8 =	vmand vm6, vm7;
	v57 =	vsub.f32 $0.0e+00, v2;
	v12 =	vadd.f32 $9.999574420e-01, v12  }
0x27c: {  	v11 =	vsel vm15, $0x3F800000, v0;
	v3 =	vnsel vm8, $0x0, v3;
	v8 =	vmul.f32 v8, v42  }
0x27d: {  	v10 =	vadd.f32 v11, v10;
	v11 =	vadd.f32 v3, v44;
	v3 =	vld [tilespmem:s20+$0x3300];
	v56 =	vpop (erf);
	v9 =	vmul.f32 v12, v9  }
0x27e: {  	v5 =	vnsel vm8, $0x0, v5;
	v8 =	vadd.f32 $9.999574420e-01, v8;
	v58 =	vmul.f32 $1.011890170e-02, v56  }
0x27f: {  	v59 =	vadd.f32 v5, v4;
	v5 =	vld [tilespmem:s20+$0x7300];
	v4 =	vadd.f32 $5.629329960e-07, v9  }
0x280: {  	v9 =	vmax.f32 v57, $0.0e+00;
	v8 =	vmul.f32 v8, v42;
	v61 =	vadd.f32 $-5.262395370e-02, v58  }
0x281: {  	v53 =	vld [tilespmem:s20+$0xF280];
	v62 =	vpop (erf);
	v9 =	vadd.f32 v4, v9;
	v4 =	vsub.f32 $0.0e+00, v6  }
0x282: {  	v24 =	vmul.f32 $1.011890170e-02, v62;
	v25 =	vand.u32 $0x7FFFFFFF, v3;
	v8 =	vadd.f32 $5.629329960e-07, v8  }
0x283: {  	v13 =	vmul.f32 v61, v56;
	v19 =	vsub.f32 $0.0e+00, v25;
	v4 =	vmax.f32 v4, $0.0e+00  }
0x284: {  	s31 =	sor.u32 $0x3380, s25;
	v63 =	vld [tilespmem:s20+$0xB200];
	v18 =	vadd.f32 $-5.262395370e-02, v24;
	v8 =	vadd.f32 v8, v4;
	v4 =	vand.u32 $0x7FFFFFFF, v5  }
0x285: {  	v13 =	vadd.f32 $1.307633520e-01, v13;
	v19 =	vmul.f32 $1.442695020e+00, v19;
	v26 =	vsub.f32 $0.0e+00, v4;
	v4 =	vld [tilespmem:s31+$0x0]  }
0x286: {  	v18 =	vmul.f32 v18, v62;
	v9 =	vadd.f32 v8, v9;
	v8 =	vld [tilespmem:s31+$0x4000]  }
0x287: {  	vm6 =	vgt.f32 v53, $5.000000000e-01;
	v13 =	vmul.f32 v13, v56;
	(erf) = vpow2.f32 v19  }
0x288: {  	v60 =	vsel vm8, $0x3F800000, v0;
	v18 =	vadd.f32 $1.307633520e-01, v18;
	v28 =	vmul.f32 $1.442695020e+00, v26  }
0x289: {  	vm9 =	vgt.f32 v63, $5.000000000e-01;
	vm10 =	vgt.f32 v2, $6.000000240e-01;
	v13 =	vadd.f32 $-2.228347210e-01, v13  }
0x28a: {  	v18 =	vmul.f32 v18, v62;
	(erf) = vpow2.f32 v28;
	v29 =	vand.u32 $0x7FFFFFFF, v4  }
0x28b: {  	v13 =	vmul.f32 v13, v56;
	v19 =	vsub.f32 $0.0e+00, v29;
	v30 =	vand.u32 $0x7FFFFFFF, v8  }
0x28c: {  	v31 =	vmul.f32 v6, v2;
	v18 =	vadd.f32 $-2.228347210e-01, v18;
	v20 =	vsub.f32 $0.0e+00, v30  }
0x28d: {  	v27 =	vld [tilespmem:s20+$0xF200];
	v9 =	vadd.f32 v9, v2;
	v13 =	vadd.f32 $3.269723650e-01, v13;
	v33 =	vmul.f32 $1.442695020e+00, v19  }
0x28e: {  	vm11 =	vlt.f32 v2, $4.000000060e-01;
	v32 =	vmul.f32 v18, v62;
	v34 =	vmul.f32 $1.442695020e+00, v20  }
0x28f: {  	v6 =	vadd.f32 v9, v6;
	v9 =	vmul.f32 v13, v56;
	(erf) = vpow2.f32 v33  }
0x290: {  	v43 =	vsub.f32 $0.0e+00, v1;
	vm1 =	vmor vm10, vm11;
	v36 =	vpop (erf);
	(erf) = vpow2.f32 v34  }
0x291: {  	v50 =	vld [tilespmem:s20+$0xB280];
	v35 =	vnsel vm1, $0x0, v31;
	v16 =	vadd.f32 $3.269723650e-01, v32;
	v9 =	vadd.f32 $-4.992063940e-01, v9  }
0x292: {  	vm14 =	vgt.f32 v1, $6.000000240e-01;
	vm12 =	vgt.f32 v27, $5.000000000e-01;
	v6 =	vsub.f32 v6, v35  }
0x293: {  	vm0 =	vmand vm9, vm12;
	v37 =	vmul.f32 v16, v62;
	v9 =	vmul.f32 v9, v56  }
0x294: {  	v49 =	vsub.f32 $0.0e+00, v7;
	v6 =	vnsel vm0, $0x0, v6;
	v38 =	vmul.f32 $1.011890170e-02, v36;
	v39 =	vpop (erf)  }
0x295: {  	v13 =	vadd.f32 $-4.992063940e-01, v37;
	v40 =	vmul.f32 $1.011890170e-02, v39;
	v9 =	vadd.f32 $9.999574420e-01, v9  }
0x296: {  	vm13 =	vgt.f32 v50, $5.000000000e-01;
	v6 =	vadd.f32 v6, v11;
	v16 =	vadd.f32 $-5.262395370e-02, v38  }
0x297: {  	v11 =	vmul.f32 v13, v62;
	v42 =	vadd.f32 $-5.262395370e-02, v40;
	v9 =	vmul.f32 v9, v56  }
0x298: {  	vm15 =	vlt.f32 v1, $4.000000060e-01;
	v12 =	vmax.f32 v43, $0.0e+00;
	v41 =	vmul.f32 v16, v36;
	v44 =	vpop (erf)  }
0x299: {  	v11 =	vadd.f32 $9.999574420e-01, v11;
	v16 =	vmul.f32 v42, v39;
	v9 =	vadd.f32 $5.629329960e-07, v9;
	v46 =	vpop (erf)  }
0x29a: {  	v13 =	vadd.f32 $1.307633520e-01, v41;
	v47 =	vmul.f32 $1.011890170e-02, v44;
	v48 =	vmul.f32 $1.011890170e-02, v46  }
0x29b: {  	vm2 =	vmor vm14, vm15;
	v45 =	vadd.f32 $1.307633520e-01, v16;
	v9 =	vadd.f32 v9, v12  }
0x29c: {  	v13 =	vmul.f32 v13, v36;
	v12 =	vadd.f32 $-5.262395370e-02, v47;
	v16 =	vadd.f32 $-5.262395370e-02, v48  }
0x29d: {  	v10 =	vadd.f32 v60, v10;
	v11 =	vmul.f32 v11, v62;
	v14 =	vmul.f32 v45, v39  }
0x29e: {  	v13 =	vadd.f32 $-2.228347210e-01, v13;
	v12 =	vmul.f32 v12, v44;
	v16 =	vmul.f32 v16, v46  }
0x29f: {  	v20 =	vmax.f32 v49, $0.0e+00;
	v11 =	vadd.f32 $5.629329960e-07, v11;
	v14 =	vadd.f32 $-2.228347210e-01, v14  }
0x2a0: {  	v13 =	vmul.f32 v13, v36;
	v12 =	vadd.f32 $1.307633520e-01, v12;
	v16 =	vadd.f32 $1.307633520e-01, v16  }
0x2a1: {  	v55 =	vsub.f32 $0.0e+00, v3;
	v11 =	vadd.f32 v11, v20;
	v14 =	vmul.f32 v14, v39  }
0x2a2: {  	v13 =	vadd.f32 $3.269723650e-01, v13;
	v12 =	vmul.f32 v12, v44;
	v52 =	vmul.f32 v16, v46  }
0x2a3: {  	v58 =	vsel vm0, $0x3F800000, v0;
	v9 =	vadd.f32 v11, v9;
	v51 =	vadd.f32 $3.269723650e-01, v14  }
0x2a4: {  	v11 =	vmul.f32 v13, v36;
	v12 =	vadd.f32 $-2.228347210e-01, v12;
	v14 =	vadd.f32 $-2.228347210e-01, v52  }
0x2a5: {  	v10 =	vadd.f32 v58, v10;
	v9 =	vadd.f32 v9, v1;
	v13 =	vmul.f32 v51, v39  }
0x2a6: {  	v63 =	vld [tilespmem:s31+$0x8000];
	v11 =	vadd.f32 $-4.992063940e-01, v11;
	v12 =	vmul.f32 v12, v44;
	v14 =	vmul.f32 v14, v46  }
0x2a7: {  	v9 =	vadd.f32 v9, v7;
	v7 =	vmul.f32 v7, v1;
	v13 =	vadd.f32 $-4.992063940e-01, v13  }
0x2a8: {  	vm7 =	vmand vm13, vm6;
	v12 =	vadd.f32 $3.269723650e-01, v12;
	v14 =	vadd.f32 $3.269723650e-01, v14  }
0x2a9: {  	v11 =	vmul.f32 v11, v36;
	v7 =	vnsel vm2, $0x0, v7;
	v13 =	vmul.f32 v13, v39  }
0x2aa: {  	v7 =	vsub.f32 v9, v7;
	v9 =	vmul.f32 v12, v44;
	v54 =	vmul.f32 v14, v46  }
0x2ab: {  	vm14 =	vgt.f32 v63, $5.000000000e-01;
	v11 =	vadd.f32 $9.999574420e-01, v11;
	v13 =	vadd.f32 $9.999574420e-01, v13  }
0x2ac: {  	v2 =	vnsel vm0, $0x0, v2;
	v9 =	vadd.f32 $-4.992063940e-01, v9;
	v12 =	vadd.f32 $-4.992063940e-01, v54  }
0x2ad: {  	v56 =	vsub.f32 $0.0e+00, v5;
	v11 =	vmul.f32 v11, v36;
	v13 =	vmul.f32 v13, v39  }
0x2ae: {  	v2 =	vadd.f32 v2, v59;
	v9 =	vmul.f32 v9, v44;
	v12 =	vmul.f32 v12, v46  }
0x2af: {  	v57 =	vld [tilespmem:s20+$0xB300];
	v18 =	vmax.f32 v56, $0.0e+00;
	v11 =	vadd.f32 $5.629329960e-07, v11;
	v13 =	vadd.f32 $5.629329960e-07, v13  }
0x2b0: {  	v14 =	vmax.f32 v55, $0.0e+00;
	v9 =	vadd.f32 $9.999574420e-01, v9;
	v12 =	vadd.f32 $9.999574420e-01, v12  }
0x2b1: {  	vm9 =	vgt.f32 v3, $6.000000240e-01;
	v11 =	vadd.f32 v11, v14;
	v13 =	vadd.f32 v13, v18  }
0x2b2: {  	v60 =	vsub.f32 $0.0e+00, v4;
	v9 =	vmul.f32 v9, v44;
	v12 =	vmul.f32 v12, v46  }
0x2b3: {  	vm10 =	vlt.f32 v3, $4.000000060e-01;
	v59 =	vld [tilespmem:s20+$0xF300];
	v61 =	vsub.f32 $0.0e+00, v8;
	v11 =	vadd.f32 v13, v11  }
0x2b4: {  	vm8 =	vgt.f32 v57, $5.000000000e-01;
	v9 =	vadd.f32 $5.629329960e-07, v9;
	v12 =	vadd.f32 $5.629329960e-07, v12  }
0x2b5: {  	v15 =	vmax.f32 v61, $0.0e+00;
	v13 =	vmax.f32 v60, $0.0e+00;
	v11 =	vadd.f32 v11, v3  }
0x2b6: {  	v62 =	vmul.f32 v5, v3;
	v9 =	vadd.f32 v9, v13;
	v12 =	vadd.f32 v12, v15  }
0x2b7: {  	vm12 =	vgt.f32 v4, $6.000000240e-01;
	vm2 =	vmor vm9, vm10;
	v5 =	vadd.f32 v11, v5  }
0x2b8: {  	vm11 =	vgt.f32 v59, $5.000000000e-01;
	v11 =	vnsel vm2, $0x0, v62;
	v9 =	vadd.f32 v12, v9  }
0x2b9: {  	vm13 =	vlt.f32 v4, $4.000000060e-01;
	vm1 =	vmand vm8, vm11;
	v5 =	vsub.f32 v5, v11;
	v11 =	vld [tilespmem:s31+$0xC000]  }
0x2ba: {  	v1 =	vnsel vm7, $0x0, v1;
	v7 =	vnsel vm7, $0x0, v7;
	v9 =	vadd.f32 v9, v4  }
0x2bb: {  	v1 =	vadd.f32 v1, v2;
	v2 =	vmul.f32 v8, v4;
	v6 =	vadd.f32 v7, v6  }
0x2bc: {  	v3 =	vnsel vm1, $0x0, v3;
	vm2 =	vmor vm12, vm13;
	v7 =	vadd.f32 v9, v8  }
0x2bd: {  	p0 =	sne.s32 s19, $0x1F0;
	v2 =	vnsel vm2, $0x0, v2;
	v5 =	vnsel vm1, $0x0, v5;
	v8 =	vsel vm7, $0x3F800000, v0  }
.Ltmp0:
0x2be: {  	vm15 =	vgt.f32 v11, $5.000000000e-01;
	v8 =	vadd.f32 v8, v10;
	v2 =	vsub.f32 v7, v2;
	(pc) =	sbr.rel @p0 .LBB2_3-.Ltmp0, $4  }
0x2bf: {  	v5 =	vadd.f32 v5, v6;
	v6 =	vsel vm1, $0x3F800000, v0;
	vm0 =	vmand vm14, vm15  }
0x2c0: {  	v1 =	vadd.f32 v3, v1;
	v3 =	vadd.f32 v6, v8;
	v2 =	vnsel vm0, $0x0, v2  }
0x2c1: {  	v8 =	vadd.f32 v2, v5;
	v2 =	vnsel vm0, $0x0, v4;
	v5 =	vsel vm0, $0x3F800000, v0  }
0x2c2: {  	s18 =	sadd.s32 $0x80, s18;
	s19 =	sadd.s32 $0x10, s19;
	v4 =	vadd.f32 v2, v1;
	v3 =	vadd.f32 v5, v3  }
0x2c3: {  	s17 =	sadd.s32 $0x1, s17  }
0x2c4: {  	p0 =	sne.s32 s17, $0x4  }
.Ltmp1:
0x2c5: {  	_ = 	snop;
	(pc) =	sbr.rel @p0 .LBB2_2-.Ltmp1, $1  }
0x2c6: {  	_ =	sdelay $0x3  }
0x2c7: {  	[tilespmem:$0x10000] =	vst v8;
	s16 =	sadd.s32 $0x1, s16  }
0x2c8: {  	[tilespmem:$0x10080] =	vst v4;
	p0 =	sne.s32 s16, s10  }
.Ltmp2:
0x2c9: {  	[tilespmem:$0x10100] =	vst v3;
	(pc) =	sbr.rel @p0 .LBB2_1-.Ltmp2, $4  }
0x2ca: {  	[hbm4b:s9+s6] =	stream.linear.scatter [tilespmem:s14], [sflag:$0x2], $0x180, $0x38;
	[tilespmem:$0x10200] =	vst v63  }
0x2cb: {  	_ =	swait.ge [sflag:s15], $0x180  }
0x2cc: {  	[sflag:s15] =	ssyncset.done $0x0  }
0x2cd: {  	[sflag:s15] =	ssyncadd.s32 $0xFFFFFE80  }
0x2ce: {  	_ =	sfence.sel $0x180000  }
0x2cf: {  	[bflag:$0x0] =	sbarrier.arrive $0xFFFF  }
0x2d0: {  	p0 =	sne.s32 s5, $0x0;
	_ =	strace $0x90000047  }
0x2d1: {  	s0 =	sadd.s32 @!p0 $0x100000, s1;
	[bflag:$0x2] =	sbarrier.arrive $0xFFFF  }
0x2d2: {  	[sflag:s0] =	ssyncadd.tile.s32 @!p0 $0x1;
	_ =	shalt  }
.Lfunc_end2:
_tile_overlayer_lowered:
.L_overlay_start_2:
0x2d3: {  	(tag) =	ssettag $0x2  }
0x2d4: {  	s0 =	rddreg [dreg:$0x0];
	s2 =	stileid.u32  }
0x2d5: {  	s1 =	rddreg [dreg:$0x1];
	p0 =	sne.s32 s2, $0x0  }
0x2d6: {  	s3 =	rddreg [dreg:$0x2];
	[bflag:$0x3] =	sbarrier.arrive $0xFFFF;
	s2 =	simm.s32 @!p0 $0x1C02  }
0x2d7: {  	[timem:s3], [sflag:s2] =	dma.local @!p0 [hbm:s0], s1  }
0x2d8: {  	s0 =	simm.s32 @!p0 $0x2  }
0x2d9: {  	_ =	swait.ge @!p0 [sflag:s0], s1  }
0x2da: {  	s1 =	ssub.s32 @!p0 $0x0, s1;
	[sflag:s0] =	ssyncset.done @!p0 $0x0  }
0x2db: {  	[sflag:s0] =	ssyncadd.s32 @!p0 s1  }
0x2dc: {  	[bflag:$0x3] =	sbarrier.arrive $0xFFFF  }
0x2dd: {  	_ =	shalt  }

</sc_bundles>
